<compile_context>
chip_gen: v7x
topology: tpu7x:2x2x1
jax: 0.10.2.dev20260603
libtpu: 0.0.44.dev20260713+nightly
codegen_flags: <defaults>
</compile_context>

<pallas_src>
import jax
import jax.numpy as jnp
from jax import lax
from jax.experimental import pallas as pl
from jax.experimental.pallas import tpu as pltpu
from jax.experimental.pallas import tpu_sc as plsc

K = 512
L = 16
NCORES = 2
NSUB = 16
NCH = 12
CPC = NCH // NCORES
SLICE = 48
NBP = NSUB * SLICE
NV = SLICE // L
W = 512
TROWS = 32
CROWS = 16
CH = CROWS * W
UNROLL = 8
K_F = float(K)
INVK = 1.0 / K



def _prep_body(ref_b, sm_b, tgt_b, tm_b, src_b, key_b, kf_b, s_b, mv_b):
    m = sm_b[0, 0]
    r = jnp.minimum(jnp.maximum(ref_b[0, 0] * 0.5 + 0.5, 0.0), 1.0) * m
    kf = r * K_F
    kf_b[0] = kf
    mt = tm_b[0, 0]
    t = jnp.minimum(jnp.maximum(tgt_b[0, 0] * 0.5 + 0.5, 0.0), 1.0) * mt
    ir16 = (jnp.ceil(kf) * 16.0).astype(jnp.int32)
    it16 = (jnp.ceil(t * K_F) * 16.0).astype(jnp.int32)
    key_b[0] = ir16 | (it16 << 16)
    s_b[0] = jnp.minimum(jnp.maximum(src_b[0, 0] * 0.5 + 0.5, 0.0), 1.0) * m
    mv_b[0] = m


def _prep(ref4, sm4, tgt4, tm4, src4):
    b, c, h, w = ref4.shape
    rblk = 512
    iblk = (1, 1, rblk, w)
    oblk = (1, rblk, w)
    img_spec = pl.BlockSpec(iblk, lambda i, j: (i // 3, i % 3, j, 0))
    msk_spec = pl.BlockSpec(iblk, lambda i, j: (i // 3, 0, j, 0))
    out_spec = pl.BlockSpec(oblk, lambda i, j: (i, j, 0))
    otype = jax.ShapeDtypeStruct((b * c, h, w), jnp.float32)
    ktype = jax.ShapeDtypeStruct((b * c, h, w), jnp.int32)
    return pl.pallas_call(
        _prep_body,
        grid=(b * c, h // rblk),
        in_specs=[img_spec, msk_spec, img_spec, msk_spec, img_spec],
        out_specs=[out_spec] * 4,
        out_shape=[ktype, otype, otype, otype],
    )(ref4, sm4, tgt4, tm4, src4)




def _body(key2, kf2, s2, mv2, out,
          hist_r, hist_t, adbuf, ctfull, tbuf, sbuf, cbuf,
          bk, b0, b1, b2,
          sh_tot, sh_st, sh_ct, sh_ad,
          sem0, sem1):
    rows_per_ch = key2.shape[0] // NCH
    npix = rows_per_ch * W
    nf = jnp.float32(npix)
    core = lax.axis_index("c")
    sub = lax.axis_index("s")
    lane = lax.iota(jnp.int32, L)
    onesv = jnp.ones((L,), jnp.float32)
    zidx = jnp.zeros((L,), jnp.int32)
    sems = (sem0, sem1)

    def start_a(rb, slot):
        pltpu.make_async_copy(key2.at[pl.ds(rb, CROWS)], bk.at[slot], sems[slot]).start()

    def wait_a(slot):
        pltpu.make_async_copy(key2.at[pl.ds(0, CROWS)], bk.at[slot], sems[slot]).wait()

    def compute_a(slot):
        @plsc.parallel_loop(0, CH // L, unroll=UNROLL)
        def _(v):
            r = v >> 5
            cofs = (v & 31) * L
            w = bk[slot, r, pl.ds(cofs, L)]
            idxr = (w & 0xFFFF) + lane
            idxt = lax.shift_right_logical(w, 16) + lane
            plsc.addupdate_scatter(hist_r, [idxr], onesv)
            plsc.addupdate_scatter(hist_t, [idxt], onesv)

    def start_c(rb, slot):
        pltpu.make_async_copy(kf2.at[pl.ds(rb, CROWS)], b0.at[slot], sems[slot]).start()
        pltpu.make_async_copy(s2.at[pl.ds(rb, CROWS)], b1.at[slot], sems[slot]).start()
        pltpu.make_async_copy(mv2.at[pl.ds(rb, CROWS)], b2.at[slot], sems[slot]).start()

    def wait_c(slot):
        pltpu.make_async_copy(kf2.at[pl.ds(0, CROWS)], b0.at[slot], sems[slot]).wait()
        pltpu.make_async_copy(s2.at[pl.ds(0, CROWS)], b1.at[slot], sems[slot]).wait()
        pltpu.make_async_copy(mv2.at[pl.ds(0, CROWS)], b2.at[slot], sems[slot]).wait()

    def compute_c(slot, acc):
        @plsc.parallel_loop(0, CH // L, unroll=UNROLL, carry=acc)
        def inner(v, acc2):
            r = v >> 5
            cofs = (v & 31) * L
            kf = b0[slot, r, pl.ds(cofs, L)]
            sv = b1[slot, r, pl.ds(cofs, L)]
            mv = b2[slot, r, pl.ds(cofs, L)]
            ki = kf.astype(jnp.int32)
            kif = ki.astype(jnp.float32)
            up = kf > kif
            ki = jnp.where(up, ki + 1, ki)
            frac = (kf - kif) + jnp.where(up, 0.0, 1.0)
            a = plsc.load_gather(adbuf, [zidx, ki])
            dv = plsc.load_gather(adbuf, [zidx + 1, ki])
            matched = a + dv * frac
            diff = sv - mv * matched
            return acc2 + diff * diff
        return inner

    def q_of(p):
        p = jnp.minimum(p, nf - 0.5)
        lo = jnp.zeros((L,), jnp.int32)
        hi = jnp.full((L,), K, jnp.int32)
        for _ in range(10):
            mid = (lo + hi) >> 1
            cm = plsc.load_gather(ctfull, [mid])
            cond = cm > p
            hi = jnp.where(cond, mid, hi)
            lo = jnp.where(cond, lo, mid + 1)
        l = lo
        lm = jnp.maximum(l - 1, 0)
        ctm1 = plsc.load_gather(ctfull, [lm])
        ctm1 = jnp.where(l == 0, 0.0, ctm1)
        cl = plsc.load_gather(ctfull, [l])
        hl = jnp.maximum(cl - ctm1, 1.0)
        v = (l.astype(jnp.float32) - 1.0) * INVK + INVK * (p - ctm1) / hl
        return jnp.where(l == 0, 0.0, v)

    def zero_body(i, carry):
        z = jnp.zeros((L,), jnp.float32)
        hist_r[pl.ds(i * L, L)] = z
        hist_t[pl.ds(i * L, L)] = z
        return carry
    lax.fori_loop(0, NBP, zero_body, 0)

    def chan(ci, acc):
        chrow = (core * CPC + ci) * rows_per_ch
        myrow = chrow + sub * TROWS

        start_a(myrow, 0)
        start_a(myrow + CROWS, 1)
        wait_a(0)
        compute_a(0)
        wait_a(1)
        compute_a(1)

        def a2(j, carry):
            base = (j * L + lane) * L

            def gsum(hist, b):
                acc2 = jnp.zeros((L,), jnp.float32)
                for l in range(L):
                    acc2 = acc2 + plsc.load_gather(hist, [b + l])
                return acc2
            accr = gsum(hist_r, base)
            acct = gsum(hist_t, base)
            s_id = j // NV
            pos = (j % NV) * L
            tbuf[s_id, pl.ds(pos, L)] = accr
            tbuf[s_id, pl.ds(64 + pos, L)] = acct
            z = jnp.zeros((L,), jnp.float32)
            for l2 in range(L):
                hist_r[pl.ds((j * L + l2) * L, L)] = z
                hist_t[pl.ds((j * L + l2) * L, L)] = z
            return carry
        lax.fori_loop(0, NBP // L, a2, 0)
        pltpu.sync_copy(tbuf, sh_tot.at[sub])
        plsc.subcore_barrier()

        pltpu.sync_copy(sh_tot.at[:, sub], sbuf)
        cnt_r, cnt_t = [], []
        for v in range(NV):
            ar = jnp.zeros((L,), jnp.float32)
            at_ = jnp.zeros((L,), jnp.float32)
            for t in range(NSUB):
                ar = ar + sbuf[t, pl.ds(v * L, L)]
                at_ = at_ + sbuf[t, pl.ds(64 + v * L, L)]
            cnt_r.append(ar)
            cnt_t.append(at_)
        inc_r, inc_t = [], []
        car = jnp.zeros((), jnp.float32)
        for v in range(NV):
            inc = plsc.cumsum(cnt_r[v]) + car
            inc_r.append(inc)
            car = jnp.max(inc)
        tot_r = car
        car = jnp.zeros((), jnp.float32)
        for v in range(NV):
            inc = plsc.cumsum(cnt_t[v]) + car
            inc_t.append(inc)
            car = jnp.max(inc)
        tot_t = car
        stv = jnp.where(lane == 0, tot_r, jnp.where(lane == 1, tot_t, 0.0))
        cbuf[pl.ds(0, L)] = stv
        pltpu.sync_copy(cbuf, sh_st.at[sub])
        plsc.subcore_barrier()

        pltpu.sync_copy(sh_st, sbuf)
        totr_all = plsc.load_gather(sbuf, [lane, zidx])
        tott_all = plsc.load_gather(sbuf, [lane, zidx + 1])
        before = lane < sub
        pref_r = jnp.sum(jnp.where(before, totr_all, 0.0))
        pref_t = jnp.sum(jnp.where(before, tott_all, 0.0))
        cr_g = [inc_r[v] + pref_r for v in range(NV)]
        cx_g = [cr_g[v] - cnt_r[v] for v in range(NV)]
        for v in range(NV):
            cbuf[pl.ds(v * L, L)] = inc_t[v] + pref_t
        pltpu.sync_copy(cbuf, sh_ct.at[sub])
        plsc.subcore_barrier()
        pltpu.sync_copy(sh_ct, sbuf)
        for j in range(NBP // L):
            ctfull[pl.ds(j * L, L)] = sbuf[j // NV, pl.ds((j % NV) * L, L)]

        for v in range(NV):
            a = q_of(cx_g[v])
            vtop = q_of(cr_g[v])
            gbin = sub * SLICE + v * L + lane
            d = jnp.where(gbin == 0, 0.0, vtop - a)
            cbuf[pl.ds(v * L, L)] = a
            cbuf[pl.ds(64 + v * L, L)] = d
        pltpu.sync_copy(cbuf, sh_ad.at[sub])
        plsc.subcore_barrier()
        pltpu.sync_copy(sh_ad, sbuf)
        for j in range(NBP // L):
            adbuf[0, pl.ds(j * L, L)] = sbuf[j // NV, pl.ds((j % NV) * L, L)]
            adbuf[1, pl.ds(j * L, L)] = sbuf[j // NV, pl.ds(64 + (j % NV) * L, L)]

        start_c(myrow, 0)
        start_c(myrow + CROWS, 1)
        wait_c(0)
        acc = compute_c(0, acc)
        wait_c(1)
        acc = compute_c(1, acc)
        return acc

    acc = lax.fori_loop(0, CPC, chan, jnp.zeros((L,), jnp.float32))
    wid = core * NSUB + sub
    b2[0, 0, pl.ds(0, L)] = acc
    pltpu.sync_copy(b2.at[0, 0, pl.ds(0, L)], out.at[pl.ds(wid * L, L)])


def _pallas_loss(key2, kf2, s2, mv2):
    mesh = plsc.VectorSubcoreMesh(core_axis_name="c", subcore_axis_name="s",
                                  num_cores=NCORES, num_subcores=NSUB)
    return pl.kernel(
        _body,
        out_type=jax.ShapeDtypeStruct((NCORES * NSUB * L,), jnp.float32),
        mesh=mesh,
        compiler_params=pltpu.CompilerParams(needs_layout_passes=False),
        scratch_types=[
            pltpu.VMEM((NBP * L,), jnp.float32),
            pltpu.VMEM((NBP * L,), jnp.float32),
            pltpu.VMEM((2, NBP), jnp.float32),
            pltpu.VMEM((NBP,), jnp.float32),
            pltpu.VMEM((NSUB, 128), jnp.float32),
            pltpu.VMEM((NSUB, 128), jnp.float32),
            pltpu.VMEM((128,), jnp.float32),
            pltpu.VMEM((2, CROWS, W), jnp.int32),
            pltpu.VMEM((2, CROWS, W), jnp.float32),
            pltpu.VMEM((2, CROWS, W), jnp.float32),
            pltpu.VMEM((2, CROWS, W), jnp.float32),
            pltpu.VMEM_SHARED((NSUB, NSUB, 128), jnp.float32),
            pltpu.VMEM_SHARED((NSUB, 128), jnp.float32),
            pltpu.VMEM_SHARED((NSUB, 128), jnp.float32),
            pltpu.VMEM_SHARED((NSUB, 128), jnp.float32),
            pltpu.SemaphoreType.DMA,
            pltpu.SemaphoreType.DMA,
        ],
    )(key2, kf2, s2, mv2)


def kernel(src_img, target_img, src_mask, target_mask, ref_img):
    B, C, h, w = src_img.shape
    n = h * w
    key3, kf3, s3, mv3 = _prep(ref_img, src_mask, target_img,
                               target_mask, src_img)
    out = _pallas_loss(key3.reshape(B * C * h, w), kf3.reshape(B * C * h, w),
                       s3.reshape(B * C * h, w), mv3.reshape(B * C * h, w))
    return jnp.sum(out) / (B * C * n)

# --- scband reference (transcript-rebuilt; emitter-appended) ---
"""Pipeline reference for scband-histogram-loss-876173328933 (READ-ONLY COPY).

The authoritative reference and input builder live on the scoring server;
editing this copy changes nothing except your own understanding.
"""

import jax, jax.numpy as jnp
import numpy as np


def tensor2image(x):
    # denormalize from [-1, 1] to [0, 1]
    return jnp.clip(x * 0.5 + 0.5, 0.0, 1.0)


def _match_channel(src, tmpl):
    # Equivalent of skimage _match_cumulative_cdf for continuous-valued channels:
    # map each source pixel to the template value at the same quantile.
    n = src.size
    src_flat = src.ravel()
    tmpl_sorted = jnp.sort(tmpl.ravel())
    order = jnp.argsort(src_flat)
    ranks = jnp.argsort(order)
    src_q = (ranks.astype(jnp.float32) + 1.0) / n
    tmpl_q = jnp.arange(1, n + 1, dtype=jnp.float32) / n
    matched = jnp.interp(src_q, tmpl_q, tmpl_sorted)
    return matched.reshape(src.shape)


def _match_image(src, tmpl):
    # src, tmpl: [3, H, W]; multichannel=True matches each channel independently
    return jnp.stack([_match_channel(src[c], tmpl[c]) for c in range(src.shape[0])], axis=0)


def setup_inputs(seed: int = 0):
    key = jax.random.key(seed)
    k1, k2, k3, k4, k5 = jax.random.split(key, 5)
    B, C, H, W = 4, 3, 512, 512
    src_img = jax.random.normal(k1, (B, C, H, W), dtype=jnp.float32)
    target_img = jax.random.normal(k2, (B, C, H, W), dtype=jnp.float32)
    ref_img = jax.random.normal(k3, (B, C, H, W), dtype=jnp.float32)
    src_mask = jax.random.uniform(k4, (B, 1, H, W), dtype=jnp.float32)
    target_mask = jax.random.uniform(k5, (B, 1, H, W), dtype=jnp.float32)
    return {"src_img": src_img, "target_img": target_img, "src_mask": src_mask,
            "target_mask": target_mask, "ref_img": ref_img}


def reference(src_img, target_img, src_mask, target_mask, ref_img):
    src_i = tensor2image(src_img)
    target_i = tensor2image(target_img)
    ref_i = tensor2image(ref_img)
    B, _, H, W = src_mask.shape
    src_m = jnp.broadcast_to(src_mask, (B, 3, H, W))
    target_m = jnp.broadcast_to(target_mask, (B, 3, H, W))
    src_masked = src_i * src_m
    target_masked = target_i * target_m
    ref_masked = ref_i * src_m
    matched = []
    for b in range(B):
        # histogram_matching is under torch.no_grad -> stop_gradient
        m = jax.lax.stop_gradient(_match_image(ref_masked[b], target_masked[b]))
        matched.append(m * src_m[b])
    matched = jnp.stack(matched, axis=0)
    return jnp.mean((src_masked - matched) ** 2)

if __name__ == "__main__":
    import jax
    _d = setup_inputs()
    print(jax.jit(kernel)(*tuple(_d.values())))

</pallas_src>

<mosaic_0001>
#map = affine_map<(d0, d1) -> (0, 0)>
#map1 = affine_map<(d0, d1) -> (0)>
module attributes {stable_mosaic.version = 14 : i64} {
  func.func @_body(%arg0: i32, %arg1: i32, %arg2: memref<6144x512xi32, #tpu.memory_space<hbm>>, %arg3: memref<6144x512xf32, #tpu.memory_space<hbm>>, %arg4: memref<6144x512xf32, #tpu.memory_space<hbm>>, %arg5: memref<6144x512xf32, #tpu.memory_space<hbm>>, %arg6: memref<512xf32, #tpu.memory_space<hbm>>, %arg7: memref<12288xf32, #tpu.memory_space<vmem>>, %arg8: memref<12288xf32, #tpu.memory_space<vmem>>, %arg9: memref<2x768xf32, #tpu.memory_space<vmem>>, %arg10: memref<768xf32, #tpu.memory_space<vmem>>, %arg11: memref<16x128xf32, #tpu.memory_space<vmem>>, %arg12: memref<16x128xf32, #tpu.memory_space<vmem>>, %arg13: memref<128xf32, #tpu.memory_space<vmem>>, %arg14: memref<2x16x512xi32, #tpu.memory_space<vmem>>, %arg15: memref<2x16x512xf32, #tpu.memory_space<vmem>>, %arg16: memref<2x16x512xf32, #tpu.memory_space<vmem>>, %arg17: memref<2x16x512xf32, #tpu.memory_space<vmem>>, %arg18: memref<16x16x128xf32, #tpu.memory_space<vmem_shared>>, %arg19: memref<16x128xf32, #tpu.memory_space<vmem_shared>>, %arg20: memref<16x128xf32, #tpu.memory_space<vmem_shared>>, %arg21: memref<16x128xf32, #tpu.memory_space<vmem_shared>>, %arg22: memref<!tpu.dma_semaphore, #tpu.memory_space<semaphore_mem>>, %arg23: memref<!tpu.dma_semaphore, #tpu.memory_space<semaphore_mem>>) attributes {dimension_semantics = [#tpu.dimension_semantics<core_parallel>, #tpu.dimension_semantics<subcore_parallel>], iteration_bounds = array<i64: 2, 16>, scalar_prefetch = 0 : i64, scratch_operands = 17 : i64, tpu.core_type = #tpu.core_type<sc_vector_subcore>, window_params = [{transform_indices = #map}, {transform_indices = #map}, {transform_indices = #map}, {transform_indices = #map}, {transform_indices = #map1}]} {
    %iota3A = tpu.iota {dimensions = array<i32: 0>} : vector<16xi32>
    %broadcast_in_dim3A = arith.constant 1.000000e+00 : f32
    %broadcast_in_dim3A_0 = vector.broadcast %broadcast_in_dim3A : f32 to vector<16xf32>
    %broadcast_in_dim3A_1 = arith.constant 0 : i32
    %broadcast_in_dim3A_2 = vector.broadcast %broadcast_in_dim3A_1 : i32 to vector<16xi32>
    %scan3A = arith.constant 0 : i32
    %scan3A_3 = arith.constant 0 : i32
    %scan3A_4 = arith.constant 768 : i32
    %scan3A_5 = arith.addi %scan3A_3, %scan3A_4 : i32
    %scan3A_6 = arith.constant 1 : i32
    scf.for %scan3A_26 = %scan3A_3 to %scan3A_5 step %scan3A_6  : i32 {
      %broadcast_in_dim3A_27 = arith.constant 0.000000e+00 : f32
      %broadcast_in_dim3A_28 = vector.broadcast %broadcast_in_dim3A_27 : f32 to vector<16xf32>
      %mul3A_29 = arith.constant 16 : i32
      %mul3A_30 = arith.muli %scan3A_26, %mul3A_29 : i32
      %swap3A_31 = arith.index_cast %mul3A_30 : i32 to index
      %swap3A_32 = tpu.vector_load %arg7[%swap3A_31] {strides = array<i32>} : memref<12288xf32, #tpu.memory_space<vmem>>, vector<16xf32>,
      tpu.vector_store %arg7[%swap3A_31], %broadcast_in_dim3A_28 {strides = array<i32>} : memref<12288xf32, #tpu.memory_space<vmem>>, vector<16xf32>,
      %mul3A_33 = arith.constant 16 : i32
      %mul3A_34 = arith.muli %scan3A_26, %mul3A_33 : i32
      %swap3A_35 = arith.index_cast %mul3A_34 : i32 to index
      %swap3A_36 = tpu.vector_load %arg8[%swap3A_35] {strides = array<i32>} : memref<12288xf32, #tpu.memory_space<vmem>>, vector<16xf32>,
      tpu.vector_store %arg8[%swap3A_35], %broadcast_in_dim3A_28 {strides = array<i32>} : memref<12288xf32, #tpu.memory_space<vmem>>, vector<16xf32>,
    }
    %scan3A_7 = arith.constant 768 : i32
    %broadcast_in_dim3A_8 = arith.constant 0.000000e+00 : f32
    %broadcast_in_dim3A_9 = vector.broadcast %broadcast_in_dim3A_8 : f32 to vector<16xf32>
    %scan3A_10 = arith.constant 2.621440e+05 : f32
    %scan3A_11 = arith.constant 0 : i32
    %scan3A_12 = arith.constant 6 : i32
    %scan3A_13 = arith.addi %scan3A_11, %scan3A_12 : i32
    %scan3A_14 = arith.constant 1 : i32
    %scan3A_15 = scf.for %scan3A_26 = %scan3A_11 to %scan3A_13 step %scan3A_14 iter_args(%scan3A_27 = %broadcast_in_dim3A_9) -> (vector<16xf32>)  : i32 {
      %mul3A_28 = arith.constant 6 : i32
      %mul3A_29 = arith.muli %arg0, %mul3A_28 : i32
      %add3A_30 = arith.addi %mul3A_29, %scan3A_26 : i32
      %mul3A_31 = arith.constant 512 : i32
      %mul3A_32 = arith.muli %add3A_30, %mul3A_31 : i32
      %mul3A_33 = arith.constant 32 : i32
      %mul3A_34 = arith.muli %arg1, %mul3A_33 : i32
      %add3A_35 = arith.addi %mul3A_32, %mul3A_34 : i32
      %dma_start3A = arith.constant 0 : i32
      %dma_start3A_36 = arith.constant 0 : i32
      %dma_start3A_37 = arith.constant 0 : i32
      %dma_start3A_38 = tpu.memref_slice %arg14[%dma_start3A, %dma_start3A_36, %dma_start3A_37] : memref<2x16x512xi32, #tpu.memory_space<vmem>> -> memref<1x16x512xi32, #tpu.memory_space<vmem>>
      %dma_start3A_39 = tpu.memref_squeeze %dma_start3A_38 : memref<1x16x512xi32, #tpu.memory_space<vmem>> -> memref<16x512xi32, #tpu.memory_space<vmem>>
      %dma_start3A_40 = arith.constant 0 : i32
      %dma_start3A_41 = tpu.memref_slice %arg2[%add3A_35, %dma_start3A_40] : memref<6144x512xi32, #tpu.memory_space<hbm>> -> memref<16x512xi32, #tpu.memory_space<hbm>>
      %dma_start3A_42 = arith.constant 0 : i32
      %dma_start3A_43 = arith.constant 0 : i32
      %dma_start3A_44 = tpu.memref_slice %arg14[%dma_start3A, %dma_start3A_42, %dma_start3A_43] : memref<2x16x512xi32, #tpu.memory_space<vmem>> -> memref<1x16x512xi32, #tpu.memory_space<vmem>>
      %dma_start3A_45 = tpu.memref_squeeze %dma_start3A_44 : memref<1x16x512xi32, #tpu.memory_space<vmem>> -> memref<16x512xi32, #tpu.memory_space<vmem>>
      %dma_start3A_46 = arith.constant 0 : i32
      %dma_start3A_47 = tpu.memref_slice %arg2[%add3A_35, %dma_start3A_46] : memref<6144x512xi32, #tpu.memory_space<hbm>> -> memref<16x512xi32, #tpu.memory_space<hbm>>
      tpu.enqueue_dma source(%dma_start3A_47 : memref<16x512xi32, #tpu.memory_space<hbm>>) target(%dma_start3A_45 : memref<16x512xi32, #tpu.memory_space<vmem>>) target_semaphore(%arg22 : memref<!tpu.dma_semaphore, #tpu.memory_space<semaphore_mem>>)
      %add3A_48 = arith.constant 16 : i32
      %add3A_49 = arith.addi %add3A_35, %add3A_48 : i32
      %dma_start3A_50 = arith.constant 1 : i32
      %dma_start3A_51 = arith.constant 0 : i32
      %dma_start3A_52 = arith.constant 0 : i32
      %dma_start3A_53 = tpu.memref_slice %arg14[%dma_start3A_50, %dma_start3A_51, %dma_start3A_52] : memref<2x16x512xi32, #tpu.memory_space<vmem>> -> memref<1x16x512xi32, #tpu.memory_space<vmem>>
      %dma_start3A_54 = tpu.memref_squeeze %dma_start3A_53 : memref<1x16x512xi32, #tpu.memory_space<vmem>> -> memref<16x512xi32, #tpu.memory_space<vmem>>
      %dma_start3A_55 = arith.constant 0 : i32
      %dma_start3A_56 = tpu.memref_slice %arg2[%add3A_49, %dma_start3A_55] : memref<6144x512xi32, #tpu.memory_space<hbm>> -> memref<16x512xi32, #tpu.memory_space<hbm>>
      %dma_start3A_57 = arith.constant 0 : i32
      %dma_start3A_58 = arith.constant 0 : i32
      %dma_start3A_59 = tpu.memref_slice %arg14[%dma_start3A_50, %dma_start3A_57, %dma_start3A_58] : memref<2x16x512xi32, #tpu.memory_space<vmem>> -> memref<1x16x512xi32, #tpu.memory_space<vmem>>
      %dma_start3A_60 = tpu.memref_squeeze %dma_start3A_59 : memref<1x16x512xi32, #tpu.memory_space<vmem>> -> memref<16x512xi32, #tpu.memory_space<vmem>>
      %dma_start3A_61 = arith.constant 0 : i32
      %dma_start3A_62 = tpu.memref_slice %arg2[%add3A_49, %dma_start3A_61] : memref<6144x512xi32, #tpu.memory_space<hbm>> -> memref<16x512xi32, #tpu.memory_space<hbm>>
      tpu.enqueue_dma source(%dma_start3A_62 : memref<16x512xi32, #tpu.memory_space<hbm>>) target(%dma_start3A_60 : memref<16x512xi32, #tpu.memory_space<vmem>>) target_semaphore(%arg23 : memref<!tpu.dma_semaphore, #tpu.memory_space<semaphore_mem>>)
      %dma_wait3A = arith.constant 0 : i32
      %dma_wait3A_63 = arith.constant 0 : i32
      %dma_wait3A_64 = arith.constant 0 : i32
      %dma_wait3A_65 = tpu.memref_slice %arg14[%dma_wait3A, %dma_wait3A_63, %dma_wait3A_64] : memref<2x16x512xi32, #tpu.memory_space<vmem>> -> memref<1x16x512xi32, #tpu.memory_space<vmem>>
      %dma_wait3A_66 = tpu.memref_squeeze %dma_wait3A_65 : memref<1x16x512xi32, #tpu.memory_space<vmem>> -> memref<16x512xi32, #tpu.memory_space<vmem>>
      %dma_wait3A_67 = arith.constant 0 : i32
      %dma_wait3A_68 = arith.constant 0 : i32
      %dma_wait3A_69 = tpu.memref_slice %arg2[%dma_wait3A_67, %dma_wait3A_68] : memref<6144x512xi32, #tpu.memory_space<hbm>> -> memref<16x512xi32, #tpu.memory_space<hbm>>
      %dma_wait3A_70 = arith.constant 0 : i32
      %dma_wait3A_71 = arith.constant 0 : i32
      %dma_wait3A_72 = tpu.memref_slice %arg14[%dma_wait3A, %dma_wait3A_70, %dma_wait3A_71] : memref<2x16x512xi32, #tpu.memory_space<vmem>> -> memref<1x16x512xi32, #tpu.memory_space<vmem>>
      %dma_wait3A_73 = tpu.memref_squeeze %dma_wait3A_72 : memref<1x16x512xi32, #tpu.memory_space<vmem>> -> memref<16x512xi32, #tpu.memory_space<vmem>>
      %dma_wait3A_74 = arith.constant 0 : i32
      %dma_wait3A_75 = arith.constant 0 : i32
      %dma_wait3A_76 = tpu.memref_slice %arg2[%dma_wait3A_74, %dma_wait3A_75] : memref<6144x512xi32, #tpu.memory_space<hbm>> -> memref<16x512xi32, #tpu.memory_space<hbm>>
      tpu.wait_dma2 semaphore(%arg22 : memref<!tpu.dma_semaphore, #tpu.memory_space<semaphore_mem>>) src(%dma_wait3A_76 : memref<16x512xi32, #tpu.memory_space<hbm>>) dst(%dma_wait3A_73 : memref<16x512xi32, #tpu.memory_space<vmem>>)
      %parallel_loop3A = arith.constant 0 : i32
      %parallel_loop3A_77 = arith.constant 512 : i32
      %parallel_loop3A_78 = arith.constant 1 : i32
      scf.for %parallel_loop3A_2909 = %parallel_loop3A to %parallel_loop3A_77 step %parallel_loop3A_78  : i32 {
        %parallel_loop3A_2910 = arith.constant 5 : i32
        %parallel_loop3A_2911 = arith.shrsi %parallel_loop3A_2909, %parallel_loop3A_2910 : i32
        %parallel_loop3A_2912 = arith.constant 31 : i32
        %parallel_loop3A_2913 = arith.andi %parallel_loop3A_2909, %parallel_loop3A_2912 : i32
        %parallel_loop3A_2914 = arith.constant 16 : i32
        %parallel_loop3A_2915 = arith.muli %parallel_loop3A_2913, %parallel_loop3A_2914 : i32
        %parallel_loop3A_2916 = arith.constant 0 : i32
        %parallel_loop3A_2917 = arith.index_cast %parallel_loop3A_2916 : i32 to index
        %parallel_loop3A_2918 = arith.index_cast %parallel_loop3A_2911 : i32 to index
        %parallel_loop3A_2919 = arith.index_cast %parallel_loop3A_2915 : i32 to index
        %parallel_loop3A_2920 = tpu.vector_load %arg14[%parallel_loop3A_2917, %parallel_loop3A_2918, %parallel_loop3A_2919] {strides = array<i32>} : memref<2x16x512xi32, #tpu.memory_space<vmem>>, vector<16xi32>,
        %parallel_loop3A_2921 = arith.constant 65535 : i32
        %parallel_loop3A_2922 = vector.broadcast %parallel_loop3A_2921 : i32 to vector<16xi32>
        %parallel_loop3A_2923 = arith.andi %parallel_loop3A_2920, %parallel_loop3A_2922 : vector<16xi32>
        %parallel_loop3A_2924 = arith.addi %parallel_loop3A_2923, %iota3A : vector<16xi32>
        %parallel_loop3A_2925 = arith.constant 16 : i32
        %parallel_loop3A_2926 = vector.broadcast %parallel_loop3A_2925 : i32 to vector<16xi32>
        %parallel_loop3A_2927 = arith.shrui %parallel_loop3A_2920, %parallel_loop3A_2926 : vector<16xi32>
        %parallel_loop3A_2928 = arith.addi %parallel_loop3A_2927, %iota3A : vector<16xi32>
        tpu.vector_store_idx %arg7[%parallel_loop3A_2924], %broadcast_in_dim3A_0 {add = true} : memref<12288xf32, #tpu.memory_space<vmem>>[vector<16xi32>], vector<16xf32>,
        tpu.vector_store_idx %arg8[%parallel_loop3A_2928], %broadcast_in_dim3A_0 {add = true} : memref<12288xf32, #tpu.memory_space<vmem>>[vector<16xi32>], vector<16xf32>,
      } {sc.loop_unroll_factor = 8 : i64, sc.parallel_access}
      %dma_wait3A_79 = arith.constant 1 : i32
      %dma_wait3A_80 = arith.constant 0 : i32
      %dma_wait3A_81 = arith.constant 0 : i32
      %dma_wait3A_82 = tpu.memref_slice %arg14[%dma_wait3A_79, %dma_wait3A_80, %dma_wait3A_81] : memref<2x16x512xi32, #tpu.memory_space<vmem>> -> memref<1x16x512xi32, #tpu.memory_space<vmem>>
      %dma_wait3A_83 = tpu.memref_squeeze %dma_wait3A_82 : memref<1x16x512xi32, #tpu.memory_space<vmem>> -> memref<16x512xi32, #tpu.memory_space<vmem>>
      %dma_wait3A_84 = arith.constant 0 : i32
      %dma_wait3A_85 = arith.constant 0 : i32
      %dma_wait3A_86 = tpu.memref_slice %arg2[%dma_wait3A_84, %dma_wait3A_85] : memref<6144x512xi32, #tpu.memory_space<hbm>> -> memref<16x512xi32, #tpu.memory_space<hbm>>
      %dma_wait3A_87 = arith.constant 0 : i32
      %dma_wait3A_88 = arith.constant 0 : i32
      %dma_wait3A_89 = tpu.memref_slice %arg14[%dma_wait3A_79, %dma_wait3A_87, %dma_wait3A_88] : memref<2x16x512xi32, #tpu.memory_space<vmem>> -> memref<1x16x512xi32, #tpu.memory_space<vmem>>
      %dma_wait3A_90 = tpu.memref_squeeze %dma_wait3A_89 : memref<1x16x512xi32, #tpu.memory_space<vmem>> -> memref<16x512xi32, #tpu.memory_space<vmem>>
      %dma_wait3A_91 = arith.constant 0 : i32
      %dma_wait3A_92 = arith.constant 0 : i32
      %dma_wait3A_93 = tpu.memref_slice %arg2[%dma_wait3A_91, %dma_wait3A_92] : memref<6144x512xi32, #tpu.memory_space<hbm>> -> memref<16x512xi32, #tpu.memory_space<hbm>>
      tpu.wait_dma2 semaphore(%arg23 : memref<!tpu.dma_semaphore, #tpu.memory_space<semaphore_mem>>) src(%dma_wait3A_93 : memref<16x512xi32, #tpu.memory_space<hbm>>) dst(%dma_wait3A_90 : memref<16x512xi32, #tpu.memory_space<vmem>>)
      %parallel_loop3A_94 = arith.constant 0 : i32
      %parallel_loop3A_95 = arith.constant 512 : i32
      %parallel_loop3A_96 = arith.constant 1 : i32
      scf.for %parallel_loop3A_2909 = %parallel_loop3A_94 to %parallel_loop3A_95 step %parallel_loop3A_96  : i32 {
        %parallel_loop3A_2910 = arith.constant 5 : i32
        %parallel_loop3A_2911 = arith.shrsi %parallel_loop3A_2909, %parallel_loop3A_2910 : i32
        %parallel_loop3A_2912 = arith.constant 31 : i32
        %parallel_loop3A_2913 = arith.andi %parallel_loop3A_2909, %parallel_loop3A_2912 : i32
        %parallel_loop3A_2914 = arith.constant 16 : i32
        %parallel_loop3A_2915 = arith.muli %parallel_loop3A_2913, %parallel_loop3A_2914 : i32
        %parallel_loop3A_2916 = arith.constant 1 : i32
        %parallel_loop3A_2917 = arith.index_cast %parallel_loop3A_2916 : i32 to index
        %parallel_loop3A_2918 = arith.index_cast %parallel_loop3A_2911 : i32 to index
        %parallel_loop3A_2919 = arith.index_cast %parallel_loop3A_2915 : i32 to index
        %parallel_loop3A_2920 = tpu.vector_load %arg14[%parallel_loop3A_2917, %parallel_loop3A_2918, %parallel_loop3A_2919] {strides = array<i32>} : memref<2x16x512xi32, #tpu.memory_space<vmem>>, vector<16xi32>,
        %parallel_loop3A_2921 = arith.constant 65535 : i32
        %parallel_loop3A_2922 = vector.broadcast %parallel_loop3A_2921 : i32 to vector<16xi32>
        %parallel_loop3A_2923 = arith.andi %parallel_loop3A_2920, %parallel_loop3A_2922 : vector<16xi32>
        %parallel_loop3A_2924 = arith.addi %parallel_loop3A_2923, %iota3A : vector<16xi32>
        %parallel_loop3A_2925 = arith.constant 16 : i32
        %parallel_loop3A_2926 = vector.broadcast %parallel_loop3A_2925 : i32 to vector<16xi32>
        %parallel_loop3A_2927 = arith.shrui %parallel_loop3A_2920, %parallel_loop3A_2926 : vector<16xi32>
        %parallel_loop3A_2928 = arith.addi %parallel_loop3A_2927, %iota3A : vector<16xi32>
        tpu.vector_store_idx %arg7[%parallel_loop3A_2924], %broadcast_in_dim3A_0 {add = true} : memref<12288xf32, #tpu.memory_space<vmem>>[vector<16xi32>], vector<16xf32>,
        tpu.vector_store_idx %arg8[%parallel_loop3A_2928], %broadcast_in_dim3A_0 {add = true} : memref<12288xf32, #tpu.memory_space<vmem>>[vector<16xi32>], vector<16xf32>,
      } {sc.loop_unroll_factor = 8 : i64, sc.parallel_access}
      %scan3A_97 = arith.constant 0 : i32
      %scan3A_98 = arith.constant 0 : i32
      %scan3A_99 = arith.constant 48 : i32
      %scan3A_100 = arith.addi %scan3A_98, %scan3A_99 : i32
      %scan3A_101 = arith.constant 1 : i32
      scf.for %scan3A_2909 = %scan3A_98 to %scan3A_100 step %scan3A_101  : i32 {
        %mul3A_2910 = arith.constant 16 : i32
        %mul3A_2911 = arith.muli %scan3A_2909, %mul3A_2910 : i32
        %add3A_2912 = vector.broadcast %mul3A_2911 : i32 to vector<16xi32>
        %add3A_2913 = arith.addi %add3A_2912, %iota3A : vector<16xi32>
        %mul3A_2914 = arith.constant 16 : i32
        %mul3A_2915 = vector.broadcast %mul3A_2914 : i32 to vector<16xi32>
        %mul3A_2916 = arith.muli %add3A_2913, %mul3A_2915 : vector<16xi32>
        %broadcast_in_dim3A_2917 = arith.constant 0.000000e+00 : f32
        %broadcast_in_dim3A_2918 = vector.broadcast %broadcast_in_dim3A_2917 : f32 to vector<16xf32>
        %add3A_2919 = arith.constant 0 : i32
        %add3A_2920 = vector.broadcast %add3A_2919 : i32 to vector<16xi32>
        %add3A_2921 = arith.addi %mul3A_2916, %add3A_2920 : vector<16xi32>
        %gather3A_2922 = tpu.vector_load_idx %arg7[%add3A_2921] : memref<12288xf32, #tpu.memory_space<vmem>>[vector<16xi32>], vector<16xf32>,
        %add3A_2923 = arith.addf %broadcast_in_dim3A_2918, %gather3A_2922 : vector<16xf32>
        %add3A_2924 = arith.constant 1 : i32
        %add3A_2925 = vector.broadcast %add3A_2924 : i32 to vector<16xi32>
        %add3A_2926 = arith.addi %mul3A_2916, %add3A_2925 : vector<16xi32>
        %gather3A_2927 = tpu.vector_load_idx %arg7[%add3A_2926] : memref<12288xf32, #tpu.memory_space<vmem>>[vector<16xi32>], vector<16xf32>,
        %add3A_2928 = arith.addf %add3A_2923, %gather3A_2927 : vector<16xf32>
        %add3A_2929 = arith.constant 2 : i32
        %add3A_2930 = vector.broadcast %add3A_2929 : i32 to vector<16xi32>
        %add3A_2931 = arith.addi %mul3A_2916, %add3A_2930 : vector<16xi32>
        %gather3A_2932 = tpu.vector_load_idx %arg7[%add3A_2931] : memref<12288xf32, #tpu.memory_space<vmem>>[vector<16xi32>], vector<16xf32>,
        %add3A_2933 = arith.addf %add3A_2928, %gather3A_2932 : vector<16xf32>
        %add3A_2934 = arith.constant 3 : i32
        %add3A_2935 = vector.broadcast %add3A_2934 : i32 to vector<16xi32>
        %add3A_2936 = arith.addi %mul3A_2916, %add3A_2935 : vector<16xi32>
        %gather3A_2937 = tpu.vector_load_idx %arg7[%add3A_2936] : memref<12288xf32, #tpu.memory_space<vmem>>[vector<16xi32>], vector<16xf32>,
        %add3A_2938 = arith.addf %add3A_2933, %gather3A_2937 : vector<16xf32>
        %add3A_2939 = arith.constant 4 : i32
        %add3A_2940 = vector.broadcast %add3A_2939 : i32 to vector<16xi32>
        %add3A_2941 = arith.addi %mul3A_2916, %add3A_2940 : vector<16xi32>
        %gather3A_2942 = tpu.vector_load_idx %arg7[%add3A_2941] : memref<12288xf32, #tpu.memory_space<vmem>>[vector<16xi32>], vector<16xf32>,
        %add3A_2943 = arith.addf %add3A_2938, %gather3A_2942 : vector<16xf32>
        %add3A_2944 = arith.constant 5 : i32
        %add3A_2945 = vector.broadcast %add3A_2944 : i32 to vector<16xi32>
        %add3A_2946 = arith.addi %mul3A_2916, %add3A_2945 : vector<16xi32>
        %gather3A_2947 = tpu.vector_load_idx %arg7[%add3A_2946] : memref<12288xf32, #tpu.memory_space<vmem>>[vector<16xi32>], vector<16xf32>,
        %add3A_2948 = arith.addf %add3A_2943, %gather3A_2947 : vector<16xf32>
        %add3A_2949 = arith.constant 6 : i32
        %add3A_2950 = vector.broadcast %add3A_2949 : i32 to vector<16xi32>
        %add3A_2951 = arith.addi %mul3A_2916, %add3A_2950 : vector<16xi32>
        %gather3A_2952 = tpu.vector_load_idx %arg7[%add3A_2951] : memref<12288xf32, #tpu.memory_space<vmem>>[vector<16xi32>], vector<16xf32>,
        %add3A_2953 = arith.addf %add3A_2948, %gather3A_2952 : vector<16xf32>
        %add3A_2954 = arith.constant 7 : i32
        %add3A_2955 = vector.broadcast %add3A_2954 : i32 to vector<16xi32>
        %add3A_2956 = arith.addi %mul3A_2916, %add3A_2955 : vector<16xi32>
        %gather3A_2957 = tpu.vector_load_idx %arg7[%add3A_2956] : memref<12288xf32, #tpu.memory_space<vmem>>[vector<16xi32>], vector<16xf32>,
        %add3A_2958 = arith.addf %add3A_2953, %gather3A_2957 : vector<16xf32>
        %add3A_2959 = arith.constant 8 : i32
        %add3A_2960 = vector.broadcast %add3A_2959 : i32 to vector<16xi32>
        %add3A_2961 = arith.addi %mul3A_2916, %add3A_2960 : vector<16xi32>
        %gather3A_2962 = tpu.vector_load_idx %arg7[%add3A_2961] : memref<12288xf32, #tpu.memory_space<vmem>>[vector<16xi32>], vector<16xf32>,
        %add3A_2963 = arith.addf %add3A_2958, %gather3A_2962 : vector<16xf32>
        %add3A_2964 = arith.constant 9 : i32
        %add3A_2965 = vector.broadcast %add3A_2964 : i32 to vector<16xi32>
        %add3A_2966 = arith.addi %mul3A_2916, %add3A_2965 : vector<16xi32>
        %gather3A_2967 = tpu.vector_load_idx %arg7[%add3A_2966] : memref<12288xf32, #tpu.memory_space<vmem>>[vector<16xi32>], vector<16xf32>,
        %add3A_2968 = arith.addf %add3A_2963, %gather3A_2967 : vector<16xf32>
        %add3A_2969 = arith.constant 10 : i32
        %add3A_2970 = vector.broadcast %add3A_2969 : i32 to vector<16xi32>
        %add3A_2971 = arith.addi %mul3A_2916, %add3A_2970 : vector<16xi32>
        %gather3A_2972 = tpu.vector_load_idx %arg7[%add3A_2971] : memref<12288xf32, #tpu.memory_space<vmem>>[vector<16xi32>], vector<16xf32>,
        %add3A_2973 = arith.addf %add3A_2968, %gather3A_2972 : vector<16xf32>
        %add3A_2974 = arith.constant 11 : i32
        %add3A_2975 = vector.broadcast %add3A_2974 : i32 to vector<16xi32>
        %add3A_2976 = arith.addi %mul3A_2916, %add3A_2975 : vector<16xi32>
        %gather3A_2977 = tpu.vector_load_idx %arg7[%add3A_2976] : memref<12288xf32, #tpu.memory_space<vmem>>[vector<16xi32>], vector<16xf32>,
        %add3A_2978 = arith.addf %add3A_2973, %gather3A_2977 : vector<16xf32>
        %add3A_2979 = arith.constant 12 : i32
        %add3A_2980 = vector.broadcast %add3A_2979 : i32 to vector<16xi32>
        %add3A_2981 = arith.addi %mul3A_2916, %add3A_2980 : vector<16xi32>
        %gather3A_2982 = tpu.vector_load_idx %arg7[%add3A_2981] : memref<12288xf32, #tpu.memory_space<vmem>>[vector<16xi32>], vector<16xf32>,
        %add3A_2983 = arith.addf %add3A_2978, %gather3A_2982 : vector<16xf32>
        %add3A_2984 = arith.constant 13 : i32
        %add3A_2985 = vector.broadcast %add3A_2984 : i32 to vector<16xi32>
        %add3A_2986 = arith.addi %mul3A_2916, %add3A_2985 : vector<16xi32>
        %gather3A_2987 = tpu.vector_load_idx %arg7[%add3A_2986] : memref<12288xf32, #tpu.memory_space<vmem>>[vector<16xi32>], vector<16xf32>,
        %add3A_2988 = arith.addf %add3A_2983, %gather3A_2987 : vector<16xf32>
        %add3A_2989 = arith.constant 14 : i32
        %add3A_2990 = vector.broadcast %add3A_2989 : i32 to vector<16xi32>
        %add3A_2991 = arith.addi %mul3A_2916, %add3A_2990 : vector<16xi32>
        %gather3A_2992 = tpu.vector_load_idx %arg7[%add3A_2991] : memref<12288xf32, #tpu.memory_space<vmem>>[vector<16xi32>], vector<16xf32>,
        %add3A_2993 = arith.addf %add3A_2988, %gather3A_2992 : vector<16xf32>
        %add3A_2994 = arith.constant 15 : i32
        %add3A_2995 = vector.broadcast %add3A_2994 : i32 to vector<16xi32>
        %add3A_2996 = arith.addi %mul3A_2916, %add3A_2995 : vector<16xi32>
        %gather3A_2997 = tpu.vector_load_idx %arg7[%add3A_2996] : memref<12288xf32, #tpu.memory_space<vmem>>[vector<16xi32>], vector<16xf32>,
        %add3A_2998 = arith.addf %add3A_2993, %gather3A_2997 : vector<16xf32>
        %broadcast_in_dim3A_2999 = arith.constant 0.000000e+00 : f32
        %broadcast_in_dim3A_3000 = vector.broadcast %broadcast_in_dim3A_2999 : f32 to vector<16xf32>
        %add3A_3001 = arith.constant 0 : i32
        %add3A_3002 = vector.broadcast %add3A_3001 : i32 to vector<16xi32>
        %add3A_3003 = arith.addi %mul3A_2916, %add3A_3002 : vector<16xi32>
        %gather3A_3004 = tpu.vector_load_idx %arg8[%add3A_3003] : memref<12288xf32, #tpu.memory_space<vmem>>[vector<16xi32>], vector<16xf32>,
        %add3A_3005 = arith.addf %broadcast_in_dim3A_3000, %gather3A_3004 : vector<16xf32>
        %add3A_3006 = arith.constant 1 : i32
        %add3A_3007 = vector.broadcast %add3A_3006 : i32 to vector<16xi32>
        %add3A_3008 = arith.addi %mul3A_2916, %add3A_3007 : vector<16xi32>
        %gather3A_3009 = tpu.vector_load_idx %arg8[%add3A_3008] : memref<12288xf32, #tpu.memory_space<vmem>>[vector<16xi32>], vector<16xf32>,
        %add3A_3010 = arith.addf %add3A_3005, %gather3A_3009 : vector<16xf32>
        %add3A_3011 = arith.constant 2 : i32
        %add3A_3012 = vector.broadcast %add3A_3011 : i32 to vector<16xi32>
        %add3A_3013 = arith.addi %mul3A_2916, %add3A_3012 : vector<16xi32>
        %gather3A_3014 = tpu.vector_load_idx %arg8[%add3A_3013] : memref<12288xf32, #tpu.memory_space<vmem>>[vector<16xi32>], vector<16xf32>,
        %add3A_3015 = arith.addf %add3A_3010, %gather3A_3014 : vector<16xf32>
        %add3A_3016 = arith.constant 3 : i32
        %add3A_3017 = vector.broadcast %add3A_3016 : i32 to vector<16xi32>
        %add3A_3018 = arith.addi %mul3A_2916, %add3A_3017 : vector<16xi32>
        %gather3A_3019 = tpu.vector_load_idx %arg8[%add3A_3018] : memref<12288xf32, #tpu.memory_space<vmem>>[vector<16xi32>], vector<16xf32>,
        %add3A_3020 = arith.addf %add3A_3015, %gather3A_3019 : vector<16xf32>
        %add3A_3021 = arith.constant 4 : i32
        %add3A_3022 = vector.broadcast %add3A_3021 : i32 to vector<16xi32>
        %add3A_3023 = arith.addi %mul3A_2916, %add3A_3022 : vector<16xi32>
        %gather3A_3024 = tpu.vector_load_idx %arg8[%add3A_3023] : memref<12288xf32, #tpu.memory_space<vmem>>[vector<16xi32>], vector<16xf32>,
        %add3A_3025 = arith.addf %add3A_3020, %gather3A_3024 : vector<16xf32>
        %add3A_3026 = arith.constant 5 : i32
        %add3A_3027 = vector.broadcast %add3A_3026 : i32 to vector<16xi32>
        %add3A_3028 = arith.addi %mul3A_2916, %add3A_3027 : vector<16xi32>
        %gather3A_3029 = tpu.vector_load_idx %arg8[%add3A_3028] : memref<12288xf32, #tpu.memory_space<vmem>>[vector<16xi32>], vector<16xf32>,
        %add3A_3030 = arith.addf %add3A_3025, %gather3A_3029 : vector<16xf32>
        %add3A_3031 = arith.constant 6 : i32
        %add3A_3032 = vector.broadcast %add3A_3031 : i32 to vector<16xi32>
        %add3A_3033 = arith.addi %mul3A_2916, %add3A_3032 : vector<16xi32>
        %gather3A_3034 = tpu.vector_load_idx %arg8[%add3A_3033] : memref<12288xf32, #tpu.memory_space<vmem>>[vector<16xi32>], vector<16xf32>,
        %add3A_3035 = arith.addf %add3A_3030, %gather3A_3034 : vector<16xf32>
        %add3A_3036 = arith.constant 7 : i32
        %add3A_3037 = vector.broadcast %add3A_3036 : i32 to vector<16xi32>
        %add3A_3038 = arith.addi %mul3A_2916, %add3A_3037 : vector<16xi32>
        %gather3A_3039 = tpu.vector_load_idx %arg8[%add3A_3038] : memref<12288xf32, #tpu.memory_space<vmem>>[vector<16xi32>], vector<16xf32>,
        %add3A_3040 = arith.addf %add3A_3035, %gather3A_3039 : vector<16xf32>
        %add3A_3041 = arith.constant 8 : i32
        %add3A_3042 = vector.broadcast %add3A_3041 : i32 to vector<16xi32>
        %add3A_3043 = arith.addi %mul3A_2916, %add3A_3042 : vector<16xi32>
        %gather3A_3044 = tpu.vector_load_idx %arg8[%add3A_3043] : memref<12288xf32, #tpu.memory_space<vmem>>[vector<16xi32>], vector<16xf32>,
        %add3A_3045 = arith.addf %add3A_3040, %gather3A_3044 : vector<16xf32>
        %add3A_3046 = arith.constant 9 : i32
        %add3A_3047 = vector.broadcast %add3A_3046 : i32 to vector<16xi32>
        %add3A_3048 = arith.addi %mul3A_2916, %add3A_3047 : vector<16xi32>
        %gather3A_3049 = tpu.vector_load_idx %arg8[%add3A_3048] : memref<12288xf32, #tpu.memory_space<vmem>>[vector<16xi32>], vector<16xf32>,
        %add3A_3050 = arith.addf %add3A_3045, %gather3A_3049 : vector<16xf32>
        %add3A_3051 = arith.constant 10 : i32
        %add3A_3052 = vector.broadcast %add3A_3051 : i32 to vector<16xi32>
        %add3A_3053 = arith.addi %mul3A_2916, %add3A_3052 : vector<16xi32>
        %gather3A_3054 = tpu.vector_load_idx %arg8[%add3A_3053] : memref<12288xf32, #tpu.memory_space<vmem>>[vector<16xi32>], vector<16xf32>,
        %add3A_3055 = arith.addf %add3A_3050, %gather3A_3054 : vector<16xf32>
        %add3A_3056 = arith.constant 11 : i32
        %add3A_3057 = vector.broadcast %add3A_3056 : i32 to vector<16xi32>
        %add3A_3058 = arith.addi %mul3A_2916, %add3A_3057 : vector<16xi32>
        %gather3A_3059 = tpu.vector_load_idx %arg8[%add3A_3058] : memref<12288xf32, #tpu.memory_space<vmem>>[vector<16xi32>], vector<16xf32>,
        %add3A_3060 = arith.addf %add3A_3055, %gather3A_3059 : vector<16xf32>
        %add3A_3061 = arith.constant 12 : i32
        %add3A_3062 = vector.broadcast %add3A_3061 : i32 to vector<16xi32>
        %add3A_3063 = arith.addi %mul3A_2916, %add3A_3062 : vector<16xi32>
        %gather3A_3064 = tpu.vector_load_idx %arg8[%add3A_3063] : memref<12288xf32, #tpu.memory_space<vmem>>[vector<16xi32>], vector<16xf32>,
        %add3A_3065 = arith.addf %add3A_3060, %gather3A_3064 : vector<16xf32>
        %add3A_3066 = arith.constant 13 : i32
        %add3A_3067 = vector.broadcast %add3A_3066 : i32 to vector<16xi32>
        %add3A_3068 = arith.addi %mul3A_2916, %add3A_3067 : vector<16xi32>
        %gather3A_3069 = tpu.vector_load_idx %arg8[%add3A_3068] : memref<12288xf32, #tpu.memory_space<vmem>>[vector<16xi32>], vector<16xf32>,
        %add3A_3070 = arith.addf %add3A_3065, %gather3A_3069 : vector<16xf32>
        %add3A_3071 = arith.constant 14 : i32
        %add3A_3072 = vector.broadcast %add3A_3071 : i32 to vector<16xi32>
        %add3A_3073 = arith.addi %mul3A_2916, %add3A_3072 : vector<16xi32>
        %gather3A_3074 = tpu.vector_load_idx %arg8[%add3A_3073] : memref<12288xf32, #tpu.memory_space<vmem>>[vector<16xi32>], vector<16xf32>,
        %add3A_3075 = arith.addf %add3A_3070, %gather3A_3074 : vector<16xf32>
        %add3A_3076 = arith.constant 15 : i32
        %add3A_3077 = vector.broadcast %add3A_3076 : i32 to vector<16xi32>
        %add3A_3078 = arith.addi %mul3A_2916, %add3A_3077 : vector<16xi32>
        %gather3A_3079 = tpu.vector_load_idx %arg8[%add3A_3078] : memref<12288xf32, #tpu.memory_space<vmem>>[vector<16xi32>], vector<16xf32>,
        %add3A_3080 = arith.addf %add3A_3075, %gather3A_3079 : vector<16xf32>
        %jit3A_3081 = arith.constant 3 : i32
        %div3A_3082 = arith.divsi %scan3A_2909, %jit3A_3081 : i32
        %sign3A = arith.constant 0 : i32
        %sign3A_3083 = arith.cmpi sgt, %scan3A_2909, %sign3A : i32
        %sign3A_3084 = arith.extui %sign3A_3083 : i1 to i32
        %sign3A_3085 = arith.constant 0 : i32
        %sign3A_3086 = arith.cmpi slt, %scan3A_2909, %sign3A_3085 : i32
        %sign3A_3087 = arith.extui %sign3A_3086 : i1 to i32
        %sign3A_3088 = arith.subi %sign3A_3084, %sign3A_3087 : i32
        %sign3A_3089 = arith.constant 0 : i32
        %sign3A_3090 = arith.cmpi sgt, %jit3A_3081, %sign3A_3089 : i32
        %sign3A_3091 = arith.extui %sign3A_3090 : i1 to i32
        %sign3A_3092 = arith.constant 0 : i32
        %sign3A_3093 = arith.cmpi slt, %jit3A_3081, %sign3A_3092 : i32
        %sign3A_3094 = arith.extui %sign3A_3093 : i1 to i32
        %sign3A_3095 = arith.subi %sign3A_3091, %sign3A_3094 : i32
        %ne3A = arith.cmpi ne, %sign3A_3088, %sign3A_3095 : i32
        %rem3A = arith.remsi %scan3A_2909, %jit3A_3081 : i32
        %ne3A_3096 = arith.constant 0 : i32
        %ne3A_3097 = arith.cmpi ne, %rem3A, %ne3A_3096 : i32
        %and3A = arith.andi %ne3A, %ne3A_3097 : i1
        %sub3A_3098 = arith.constant 1 : i32
        %sub3A_3099 = arith.subi %div3A_3082, %sub3A_3098 : i32
        %select_n3A_3100 = arith.select %and3A, %sub3A_3099, %div3A_3082 : i32
        %jit3A_3101 = arith.constant 3 : i32
        %eq3A_3102 = arith.constant 0 : i32
        %eq3A_3103 = arith.cmpi eq, %jit3A_3101, %eq3A_3102 : i32
        %jit3A_3104 = arith.constant 1 : i32
        %select_n3A_3105 = arith.select %eq3A_3103, %jit3A_3104, %jit3A_3101 : i32
        %rem3A_3106 = arith.remsi %scan3A_2909, %select_n3A_3105 : i32
        %ne3A_3107 = arith.constant 0 : i32
        %ne3A_3108 = arith.cmpi ne, %rem3A_3106, %ne3A_3107 : i32
        %lt3A_3109 = arith.constant 0 : i32
        %lt3A_3110 = arith.cmpi slt, %rem3A_3106, %lt3A_3109 : i32
        %lt3A_3111 = arith.constant 0 : i32
        %lt3A_3112 = arith.cmpi slt, %select_n3A_3105, %lt3A_3111 : i32
        %ne3A_3113 = arith.xori %lt3A_3110, %lt3A_3112 : i1
        %and3A_3114 = arith.andi %ne3A_3113, %ne3A_3108 : i1
        %add3A_3115 = arith.addi %rem3A_3106, %select_n3A_3105 : i32
        %select_n3A_3116 = arith.select %and3A_3114, %add3A_3115, %rem3A_3106 : i32
        %mul3A_3117 = arith.constant 16 : i32
        %mul3A_3118 = arith.muli %select_n3A_3116, %mul3A_3117 : i32
        %swap3A_3119 = arith.index_cast %select_n3A_3100 : i32 to index
        %swap3A_3120 = arith.index_cast %mul3A_3118 : i32 to index
        %swap3A_3121 = tpu.vector_load %arg11[%swap3A_3119, %swap3A_3120] {strides = array<i32>} : memref<16x128xf32, #tpu.memory_space<vmem>>, vector<16xf32>,
        tpu.vector_store %arg11[%swap3A_3119, %swap3A_3120], %add3A_2998 {strides = array<i32>} : memref<16x128xf32, #tpu.memory_space<vmem>>, vector<16xf32>,
        %add3A_3122 = arith.constant 64 : i32
        %add3A_3123 = arith.addi %add3A_3122, %mul3A_3118 : i32
        %swap3A_3124 = arith.index_cast %select_n3A_3100 : i32 to index
        %swap3A_3125 = arith.index_cast %add3A_3123 : i32 to index
        %swap3A_3126 = tpu.vector_load %arg11[%swap3A_3124, %swap3A_3125] {strides = array<i32>} : memref<16x128xf32, #tpu.memory_space<vmem>>, vector<16xf32>,
        tpu.vector_store %arg11[%swap3A_3124, %swap3A_3125], %add3A_3080 {strides = array<i32>} : memref<16x128xf32, #tpu.memory_space<vmem>>, vector<16xf32>,
        %broadcast_in_dim3A_3127 = arith.constant 0.000000e+00 : f32
        %broadcast_in_dim3A_3128 = vector.broadcast %broadcast_in_dim3A_3127 : f32 to vector<16xf32>
        %mul3A_3129 = arith.constant 16 : i32
        %mul3A_3130 = arith.muli %scan3A_2909, %mul3A_3129 : i32
        %add3A_3131 = arith.constant 0 : i32
        %add3A_3132 = arith.addi %mul3A_3130, %add3A_3131 : i32
        %mul3A_3133 = arith.constant 16 : i32
        %mul3A_3134 = arith.muli %add3A_3132, %mul3A_3133 : i32
        %swap3A_3135 = arith.index_cast %mul3A_3134 : i32 to index
        %swap3A_3136 = tpu.vector_load %arg7[%swap3A_3135] {strides = array<i32>} : memref<12288xf32, #tpu.memory_space<vmem>>, vector<16xf32>,
        tpu.vector_store %arg7[%swap3A_3135], %broadcast_in_dim3A_3128 {strides = array<i32>} : memref<12288xf32, #tpu.memory_space<vmem>>, vector<16xf32>,
        %mul3A_3137 = arith.constant 16 : i32
        %mul3A_3138 = arith.muli %scan3A_2909, %mul3A_3137 : i32
        %add3A_3139 = arith.constant 0 : i32
        %add3A_3140 = arith.addi %mul3A_3138, %add3A_3139 : i32
        %mul3A_3141 = arith.constant 16 : i32
        %mul3A_3142 = arith.muli %add3A_3140, %mul3A_3141 : i32
        %swap3A_3143 = arith.index_cast %mul3A_3142 : i32 to index
        %swap3A_3144 = tpu.vector_load %arg8[%swap3A_3143] {strides = array<i32>} : memref<12288xf32, #tpu.memory_space<vmem>>, vector<16xf32>,
        tpu.vector_store %arg8[%swap3A_3143], %broadcast_in_dim3A_3128 {strides = array<i32>} : memref<12288xf32, #tpu.memory_space<vmem>>, vector<16xf32>,
        %mul3A_3145 = arith.constant 16 : i32
        %mul3A_3146 = arith.muli %scan3A_2909, %mul3A_3145 : i32
        %add3A_3147 = arith.constant 1 : i32
        %add3A_3148 = arith.addi %mul3A_3146, %add3A_3147 : i32
        %mul3A_3149 = arith.constant 16 : i32
        %mul3A_3150 = arith.muli %add3A_3148, %mul3A_3149 : i32
        %swap3A_3151 = arith.index_cast %mul3A_3150 : i32 to index
        %swap3A_3152 = tpu.vector_load %arg7[%swap3A_3151] {strides = array<i32>} : memref<12288xf32, #tpu.memory_space<vmem>>, vector<16xf32>,
        tpu.vector_store %arg7[%swap3A_3151], %broadcast_in_dim3A_3128 {strides = array<i32>} : memref<12288xf32, #tpu.memory_space<vmem>>, vector<16xf32>,
        %mul3A_3153 = arith.constant 16 : i32
        %mul3A_3154 = arith.muli %scan3A_2909, %mul3A_3153 : i32
        %add3A_3155 = arith.constant 1 : i32
        %add3A_3156 = arith.addi %mul3A_3154, %add3A_3155 : i32
        %mul3A_3157 = arith.constant 16 : i32
        %mul3A_3158 = arith.muli %add3A_3156, %mul3A_3157 : i32
        %swap3A_3159 = arith.index_cast %mul3A_3158 : i32 to index
        %swap3A_3160 = tpu.vector_load %arg8[%swap3A_3159] {strides = array<i32>} : memref<12288xf32, #tpu.memory_space<vmem>>, vector<16xf32>,
        tpu.vector_store %arg8[%swap3A_3159], %broadcast_in_dim3A_3128 {strides = array<i32>} : memref<12288xf32, #tpu.memory_space<vmem>>, vector<16xf32>,
        %mul3A_3161 = arith.constant 16 : i32
        %mul3A_3162 = arith.muli %scan3A_2909, %mul3A_3161 : i32
        %add3A_3163 = arith.constant 2 : i32
        %add3A_3164 = arith.addi %mul3A_3162, %add3A_3163 : i32
        %mul3A_3165 = arith.constant 16 : i32
        %mul3A_3166 = arith.muli %add3A_3164, %mul3A_3165 : i32
        %swap3A_3167 = arith.index_cast %mul3A_3166 : i32 to index
        %swap3A_3168 = tpu.vector_load %arg7[%swap3A_3167] {strides = array<i32>} : memref<12288xf32, #tpu.memory_space<vmem>>, vector<16xf32>,
        tpu.vector_store %arg7[%swap3A_3167], %broadcast_in_dim3A_3128 {strides = array<i32>} : memref<12288xf32, #tpu.memory_space<vmem>>, vector<16xf32>,
        %mul3A_3169 = arith.constant 16 : i32
        %mul3A_3170 = arith.muli %scan3A_2909, %mul3A_3169 : i32
        %add3A_3171 = arith.constant 2 : i32
        %add3A_3172 = arith.addi %mul3A_3170, %add3A_3171 : i32
        %mul3A_3173 = arith.constant 16 : i32
        %mul3A_3174 = arith.muli %add3A_3172, %mul3A_3173 : i32
        %swap3A_3175 = arith.index_cast %mul3A_3174 : i32 to index
        %swap3A_3176 = tpu.vector_load %arg8[%swap3A_3175] {strides = array<i32>} : memref<12288xf32, #tpu.memory_space<vmem>>, vector<16xf32>,
        tpu.vector_store %arg8[%swap3A_3175], %broadcast_in_dim3A_3128 {strides = array<i32>} : memref<12288xf32, #tpu.memory_space<vmem>>, vector<16xf32>,
        %mul3A_3177 = arith.constant 16 : i32
        %mul3A_3178 = arith.muli %scan3A_2909, %mul3A_3177 : i32
        %add3A_3179 = arith.constant 3 : i32
        %add3A_3180 = arith.addi %mul3A_3178, %add3A_3179 : i32
        %mul3A_3181 = arith.constant 16 : i32
        %mul3A_3182 = arith.muli %add3A_3180, %mul3A_3181 : i32
        %swap3A_3183 = arith.index_cast %mul3A_3182 : i32 to index
        %swap3A_3184 = tpu.vector_load %arg7[%swap3A_3183] {strides = array<i32>} : memref<12288xf32, #tpu.memory_space<vmem>>, vector<16xf32>,
        tpu.vector_store %arg7[%swap3A_3183], %broadcast_in_dim3A_3128 {strides = array<i32>} : memref<12288xf32, #tpu.memory_space<vmem>>, vector<16xf32>,
        %mul3A_3185 = arith.constant 16 : i32
        %mul3A_3186 = arith.muli %scan3A_2909, %mul3A_3185 : i32
        %add3A_3187 = arith.constant 3 : i32
        %add3A_3188 = arith.addi %mul3A_3186, %add3A_3187 : i32
        %mul3A_3189 = arith.constant 16 : i32
        %mul3A_3190 = arith.muli %add3A_3188, %mul3A_3189 : i32
        %swap3A_3191 = arith.index_cast %mul3A_3190 : i32 to index
        %swap3A_3192 = tpu.vector_load %arg8[%swap3A_3191] {strides = array<i32>} : memref<12288xf32, #tpu.memory_space<vmem>>, vector<16xf32>,
        tpu.vector_store %arg8[%swap3A_3191], %broadcast_in_dim3A_3128 {strides = array<i32>} : memref<12288xf32, #tpu.memory_space<vmem>>, vector<16xf32>,
        %mul3A_3193 = arith.constant 16 : i32
        %mul3A_3194 = arith.muli %scan3A_2909, %mul3A_3193 : i32
        %add3A_3195 = arith.constant 4 : i32
        %add3A_3196 = arith.addi %mul3A_3194, %add3A_3195 : i32
        %mul3A_3197 = arith.constant 16 : i32
        %mul3A_3198 = arith.muli %add3A_3196, %mul3A_3197 : i32
        %swap3A_3199 = arith.index_cast %mul3A_3198 : i32 to index
        %swap3A_3200 = tpu.vector_load %arg7[%swap3A_3199] {strides = array<i32>} : memref<12288xf32, #tpu.memory_space<vmem>>, vector<16xf32>,
        tpu.vector_store %arg7[%swap3A_3199], %broadcast_in_dim3A_3128 {strides = array<i32>} : memref<12288xf32, #tpu.memory_space<vmem>>, vector<16xf32>,
        %mul3A_3201 = arith.constant 16 : i32
        %mul3A_3202 = arith.muli %scan3A_2909, %mul3A_3201 : i32
        %add3A_3203 = arith.constant 4 : i32
        %add3A_3204 = arith.addi %mul3A_3202, %add3A_3203 : i32
        %mul3A_3205 = arith.constant 16 : i32
        %mul3A_3206 = arith.muli %add3A_3204, %mul3A_3205 : i32
        %swap3A_3207 = arith.index_cast %mul3A_3206 : i32 to index
        %swap3A_3208 = tpu.vector_load %arg8[%swap3A_3207] {strides = array<i32>} : memref<12288xf32, #tpu.memory_space<vmem>>, vector<16xf32>,
        tpu.vector_store %arg8[%swap3A_3207], %broadcast_in_dim3A_3128 {strides = array<i32>} : memref<12288xf32, #tpu.memory_space<vmem>>, vector<16xf32>,
        %mul3A_3209 = arith.constant 16 : i32
        %mul3A_3210 = arith.muli %scan3A_2909, %mul3A_3209 : i32
        %add3A_3211 = arith.constant 5 : i32
        %add3A_3212 = arith.addi %mul3A_3210, %add3A_3211 : i32
        %mul3A_3213 = arith.constant 16 : i32
        %mul3A_3214 = arith.muli %add3A_3212, %mul3A_3213 : i32
        %swap3A_3215 = arith.index_cast %mul3A_3214 : i32 to index
        %swap3A_3216 = tpu.vector_load %arg7[%swap3A_3215] {strides = array<i32>} : memref<12288xf32, #tpu.memory_space<vmem>>, vector<16xf32>,
        tpu.vector_store %arg7[%swap3A_3215], %broadcast_in_dim3A_3128 {strides = array<i32>} : memref<12288xf32, #tpu.memory_space<vmem>>, vector<16xf32>,
        %mul3A_3217 = arith.constant 16 : i32
        %mul3A_3218 = arith.muli %scan3A_2909, %mul3A_3217 : i32
        %add3A_3219 = arith.constant 5 : i32
        %add3A_3220 = arith.addi %mul3A_3218, %add3A_3219 : i32
        %mul3A_3221 = arith.constant 16 : i32
        %mul3A_3222 = arith.muli %add3A_3220, %mul3A_3221 : i32
        %swap3A_3223 = arith.index_cast %mul3A_3222 : i32 to index
        %swap3A_3224 = tpu.vector_load %arg8[%swap3A_3223] {strides = array<i32>} : memref<12288xf32, #tpu.memory_space<vmem>>, vector<16xf32>,
        tpu.vector_store %arg8[%swap3A_3223], %broadcast_in_dim3A_3128 {strides = array<i32>} : memref<12288xf32, #tpu.memory_space<vmem>>, vector<16xf32>,
        %mul3A_3225 = arith.constant 16 : i32
        %mul3A_3226 = arith.muli %scan3A_2909, %mul3A_3225 : i32
        %add3A_3227 = arith.constant 6 : i32
        %add3A_3228 = arith.addi %mul3A_3226, %add3A_3227 : i32
        %mul3A_3229 = arith.constant 16 : i32
        %mul3A_3230 = arith.muli %add3A_3228, %mul3A_3229 : i32
        %swap3A_3231 = arith.index_cast %mul3A_3230 : i32 to index
        %swap3A_3232 = tpu.vector_load %arg7[%swap3A_3231] {strides = array<i32>} : memref<12288xf32, #tpu.memory_space<vmem>>, vector<16xf32>,
        tpu.vector_store %arg7[%swap3A_3231], %broadcast_in_dim3A_3128 {strides = array<i32>} : memref<12288xf32, #tpu.memory_space<vmem>>, vector<16xf32>,
        %mul3A_3233 = arith.constant 16 : i32
        %mul3A_3234 = arith.muli %scan3A_2909, %mul3A_3233 : i32
        %add3A_3235 = arith.constant 6 : i32
        %add3A_3236 = arith.addi %mul3A_3234, %add3A_3235 : i32
        %mul3A_3237 = arith.constant 16 : i32
        %mul3A_3238 = arith.muli %add3A_3236, %mul3A_3237 : i32
        %swap3A_3239 = arith.index_cast %mul3A_3238 : i32 to index
        %swap3A_3240 = tpu.vector_load %arg8[%swap3A_3239] {strides = array<i32>} : memref<12288xf32, #tpu.memory_space<vmem>>, vector<16xf32>,
        tpu.vector_store %arg8[%swap3A_3239], %broadcast_in_dim3A_3128 {strides = array<i32>} : memref<12288xf32, #tpu.memory_space<vmem>>, vector<16xf32>,
        %mul3A_3241 = arith.constant 16 : i32
        %mul3A_3242 = arith.muli %scan3A_2909, %mul3A_3241 : i32
        %add3A_3243 = arith.constant 7 : i32
        %add3A_3244 = arith.addi %mul3A_3242, %add3A_3243 : i32
        %mul3A_3245 = arith.constant 16 : i32
        %mul3A_3246 = arith.muli %add3A_3244, %mul3A_3245 : i32
        %swap3A_3247 = arith.index_cast %mul3A_3246 : i32 to index
        %swap3A_3248 = tpu.vector_load %arg7[%swap3A_3247] {strides = array<i32>} : memref<12288xf32, #tpu.memory_space<vmem>>, vector<16xf32>,
        tpu.vector_store %arg7[%swap3A_3247], %broadcast_in_dim3A_3128 {strides = array<i32>} : memref<12288xf32, #tpu.memory_space<vmem>>, vector<16xf32>,
        %mul3A_3249 = arith.constant 16 : i32
        %mul3A_3250 = arith.muli %scan3A_2909, %mul3A_3249 : i32
        %add3A_3251 = arith.constant 7 : i32
        %add3A_3252 = arith.addi %mul3A_3250, %add3A_3251 : i32
        %mul3A_3253 = arith.constant 16 : i32
        %mul3A_3254 = arith.muli %add3A_3252, %mul3A_3253 : i32
        %swap3A_3255 = arith.index_cast %mul3A_3254 : i32 to index
        %swap3A_3256 = tpu.vector_load %arg8[%swap3A_3255] {strides = array<i32>} : memref<12288xf32, #tpu.memory_space<vmem>>, vector<16xf32>,
        tpu.vector_store %arg8[%swap3A_3255], %broadcast_in_dim3A_3128 {strides = array<i32>} : memref<12288xf32, #tpu.memory_space<vmem>>, vector<16xf32>,
        %mul3A_3257 = arith.constant 16 : i32
        %mul3A_3258 = arith.muli %scan3A_2909, %mul3A_3257 : i32
        %add3A_3259 = arith.constant 8 : i32
        %add3A_3260 = arith.addi %mul3A_3258, %add3A_3259 : i32
        %mul3A_3261 = arith.constant 16 : i32
        %mul3A_3262 = arith.muli %add3A_3260, %mul3A_3261 : i32
        %swap3A_3263 = arith.index_cast %mul3A_3262 : i32 to index
        %swap3A_3264 = tpu.vector_load %arg7[%swap3A_3263] {strides = array<i32>} : memref<12288xf32, #tpu.memory_space<vmem>>, vector<16xf32>,
        tpu.vector_store %arg7[%swap3A_3263], %broadcast_in_dim3A_3128 {strides = array<i32>} : memref<12288xf32, #tpu.memory_space<vmem>>, vector<16xf32>,
        %mul3A_3265 = arith.constant 16 : i32
        %mul3A_3266 = arith.muli %scan3A_2909, %mul3A_3265 : i32
        %add3A_3267 = arith.constant 8 : i32
        %add3A_3268 = arith.addi %mul3A_3266, %add3A_3267 : i32
        %mul3A_3269 = arith.constant 16 : i32
        %mul3A_3270 = arith.muli %add3A_3268, %mul3A_3269 : i32
        %swap3A_3271 = arith.index_cast %mul3A_3270 : i32 to index
        %swap3A_3272 = tpu.vector_load %arg8[%swap3A_3271] {strides = array<i32>} : memref<12288xf32, #tpu.memory_space<vmem>>, vector<16xf32>,
        tpu.vector_store %arg8[%swap3A_3271], %broadcast_in_dim3A_3128 {strides = array<i32>} : memref<12288xf32, #tpu.memory_space<vmem>>, vector<16xf32>,
        %mul3A_3273 = arith.constant 16 : i32
        %mul3A_3274 = arith.muli %scan3A_2909, %mul3A_3273 : i32
        %add3A_3275 = arith.constant 9 : i32
        %add3A_3276 = arith.addi %mul3A_3274, %add3A_3275 : i32
        %mul3A_3277 = arith.constant 16 : i32
        %mul3A_3278 = arith.muli %add3A_3276, %mul3A_3277 : i32
        %swap3A_3279 = arith.index_cast %mul3A_3278 : i32 to index
        %swap3A_3280 = tpu.vector_load %arg7[%swap3A_3279] {strides = array<i32>} : memref<12288xf32, #tpu.memory_space<vmem>>, vector<16xf32>,
        tpu.vector_store %arg7[%swap3A_3279], %broadcast_in_dim3A_3128 {strides = array<i32>} : memref<12288xf32, #tpu.memory_space<vmem>>, vector<16xf32>,
        %mul3A_3281 = arith.constant 16 : i32
        %mul3A_3282 = arith.muli %scan3A_2909, %mul3A_3281 : i32
        %add3A_3283 = arith.constant 9 : i32
        %add3A_3284 = arith.addi %mul3A_3282, %add3A_3283 : i32
        %mul3A_3285 = arith.constant 16 : i32
        %mul3A_3286 = arith.muli %add3A_3284, %mul3A_3285 : i32
        %swap3A_3287 = arith.index_cast %mul3A_3286 : i32 to index
        %swap3A_3288 = tpu.vector_load %arg8[%swap3A_3287] {strides = array<i32>} : memref<12288xf32, #tpu.memory_space<vmem>>, vector<16xf32>,
        tpu.vector_store %arg8[%swap3A_3287], %broadcast_in_dim3A_3128 {strides = array<i32>} : memref<12288xf32, #tpu.memory_space<vmem>>, vector<16xf32>,
        %mul3A_3289 = arith.constant 16 : i32
        %mul3A_3290 = arith.muli %scan3A_2909, %mul3A_3289 : i32
        %add3A_3291 = arith.constant 10 : i32
        %add3A_3292 = arith.addi %mul3A_3290, %add3A_3291 : i32
        %mul3A_3293 = arith.constant 16 : i32
        %mul3A_3294 = arith.muli %add3A_3292, %mul3A_3293 : i32
        %swap3A_3295 = arith.index_cast %mul3A_3294 : i32 to index
        %swap3A_3296 = tpu.vector_load %arg7[%swap3A_3295] {strides = array<i32>} : memref<12288xf32, #tpu.memory_space<vmem>>, vector<16xf32>,
        tpu.vector_store %arg7[%swap3A_3295], %broadcast_in_dim3A_3128 {strides = array<i32>} : memref<12288xf32, #tpu.memory_space<vmem>>, vector<16xf32>,
        %mul3A_3297 = arith.constant 16 : i32
        %mul3A_3298 = arith.muli %scan3A_2909, %mul3A_3297 : i32
        %add3A_3299 = arith.constant 10 : i32
        %add3A_3300 = arith.addi %mul3A_3298, %add3A_3299 : i32
        %mul3A_3301 = arith.constant 16 : i32
        %mul3A_3302 = arith.muli %add3A_3300, %mul3A_3301 : i32
        %swap3A_3303 = arith.index_cast %mul3A_3302 : i32 to index
        %swap3A_3304 = tpu.vector_load %arg8[%swap3A_3303] {strides = array<i32>} : memref<12288xf32, #tpu.memory_space<vmem>>, vector<16xf32>,
        tpu.vector_store %arg8[%swap3A_3303], %broadcast_in_dim3A_3128 {strides = array<i32>} : memref<12288xf32, #tpu.memory_space<vmem>>, vector<16xf32>,
        %mul3A_3305 = arith.constant 16 : i32
        %mul3A_3306 = arith.muli %scan3A_2909, %mul3A_3305 : i32
        %add3A_3307 = arith.constant 11 : i32
        %add3A_3308 = arith.addi %mul3A_3306, %add3A_3307 : i32
        %mul3A_3309 = arith.constant 16 : i32
        %mul3A_3310 = arith.muli %add3A_3308, %mul3A_3309 : i32
        %swap3A_3311 = arith.index_cast %mul3A_3310 : i32 to index
        %swap3A_3312 = tpu.vector_load %arg7[%swap3A_3311] {strides = array<i32>} : memref<12288xf32, #tpu.memory_space<vmem>>, vector<16xf32>,
        tpu.vector_store %arg7[%swap3A_3311], %broadcast_in_dim3A_3128 {strides = array<i32>} : memref<12288xf32, #tpu.memory_space<vmem>>, vector<16xf32>,
        %mul3A_3313 = arith.constant 16 : i32
        %mul3A_3314 = arith.muli %scan3A_2909, %mul3A_3313 : i32
        %add3A_3315 = arith.constant 11 : i32
        %add3A_3316 = arith.addi %mul3A_3314, %add3A_3315 : i32
        %mul3A_3317 = arith.constant 16 : i32
        %mul3A_3318 = arith.muli %add3A_3316, %mul3A_3317 : i32
        %swap3A_3319 = arith.index_cast %mul3A_3318 : i32 to index
        %swap3A_3320 = tpu.vector_load %arg8[%swap3A_3319] {strides = array<i32>} : memref<12288xf32, #tpu.memory_space<vmem>>, vector<16xf32>,
        tpu.vector_store %arg8[%swap3A_3319], %broadcast_in_dim3A_3128 {strides = array<i32>} : memref<12288xf32, #tpu.memory_space<vmem>>, vector<16xf32>,
        %mul3A_3321 = arith.constant 16 : i32
        %mul3A_3322 = arith.muli %scan3A_2909, %mul3A_3321 : i32
        %add3A_3323 = arith.constant 12 : i32
        %add3A_3324 = arith.addi %mul3A_3322, %add3A_3323 : i32
        %mul3A_3325 = arith.constant 16 : i32
        %mul3A_3326 = arith.muli %add3A_3324, %mul3A_3325 : i32
        %swap3A_3327 = arith.index_cast %mul3A_3326 : i32 to index
        %swap3A_3328 = tpu.vector_load %arg7[%swap3A_3327] {strides = array<i32>} : memref<12288xf32, #tpu.memory_space<vmem>>, vector<16xf32>,
        tpu.vector_store %arg7[%swap3A_3327], %broadcast_in_dim3A_3128 {strides = array<i32>} : memref<12288xf32, #tpu.memory_space<vmem>>, vector<16xf32>,
        %mul3A_3329 = arith.constant 16 : i32
        %mul3A_3330 = arith.muli %scan3A_2909, %mul3A_3329 : i32
        %add3A_3331 = arith.constant 12 : i32
        %add3A_3332 = arith.addi %mul3A_3330, %add3A_3331 : i32
        %mul3A_3333 = arith.constant 16 : i32
        %mul3A_3334 = arith.muli %add3A_3332, %mul3A_3333 : i32
        %swap3A_3335 = arith.index_cast %mul3A_3334 : i32 to index
        %swap3A_3336 = tpu.vector_load %arg8[%swap3A_3335] {strides = array<i32>} : memref<12288xf32, #tpu.memory_space<vmem>>, vector<16xf32>,
        tpu.vector_store %arg8[%swap3A_3335], %broadcast_in_dim3A_3128 {strides = array<i32>} : memref<12288xf32, #tpu.memory_space<vmem>>, vector<16xf32>,
        %mul3A_3337 = arith.constant 16 : i32
        %mul3A_3338 = arith.muli %scan3A_2909, %mul3A_3337 : i32
        %add3A_3339 = arith.constant 13 : i32
        %add3A_3340 = arith.addi %mul3A_3338, %add3A_3339 : i32
        %mul3A_3341 = arith.constant 16 : i32
        %mul3A_3342 = arith.muli %add3A_3340, %mul3A_3341 : i32
        %swap3A_3343 = arith.index_cast %mul3A_3342 : i32 to index
        %swap3A_3344 = tpu.vector_load %arg7[%swap3A_3343] {strides = array<i32>} : memref<12288xf32, #tpu.memory_space<vmem>>, vector<16xf32>,
        tpu.vector_store %arg7[%swap3A_3343], %broadcast_in_dim3A_3128 {strides = array<i32>} : memref<12288xf32, #tpu.memory_space<vmem>>, vector<16xf32>,
        %mul3A_3345 = arith.constant 16 : i32
        %mul3A_3346 = arith.muli %scan3A_2909, %mul3A_3345 : i32
        %add3A_3347 = arith.constant 13 : i32
        %add3A_3348 = arith.addi %mul3A_3346, %add3A_3347 : i32
        %mul3A_3349 = arith.constant 16 : i32
        %mul3A_3350 = arith.muli %add3A_3348, %mul3A_3349 : i32
        %swap3A_3351 = arith.index_cast %mul3A_3350 : i32 to index
        %swap3A_3352 = tpu.vector_load %arg8[%swap3A_3351] {strides = array<i32>} : memref<12288xf32, #tpu.memory_space<vmem>>, vector<16xf32>,
        tpu.vector_store %arg8[%swap3A_3351], %broadcast_in_dim3A_3128 {strides = array<i32>} : memref<12288xf32, #tpu.memory_space<vmem>>, vector<16xf32>,
        %mul3A_3353 = arith.constant 16 : i32
        %mul3A_3354 = arith.muli %scan3A_2909, %mul3A_3353 : i32
        %add3A_3355 = arith.constant 14 : i32
        %add3A_3356 = arith.addi %mul3A_3354, %add3A_3355 : i32
        %mul3A_3357 = arith.constant 16 : i32
        %mul3A_3358 = arith.muli %add3A_3356, %mul3A_3357 : i32
        %swap3A_3359 = arith.index_cast %mul3A_3358 : i32 to index
        %swap3A_3360 = tpu.vector_load %arg7[%swap3A_3359] {strides = array<i32>} : memref<12288xf32, #tpu.memory_space<vmem>>, vector<16xf32>,
        tpu.vector_store %arg7[%swap3A_3359], %broadcast_in_dim3A_3128 {strides = array<i32>} : memref<12288xf32, #tpu.memory_space<vmem>>, vector<16xf32>,
        %mul3A_3361 = arith.constant 16 : i32
        %mul3A_3362 = arith.muli %scan3A_2909, %mul3A_3361 : i32
        %add3A_3363 = arith.constant 14 : i32
        %add3A_3364 = arith.addi %mul3A_3362, %add3A_3363 : i32
        %mul3A_3365 = arith.constant 16 : i32
        %mul3A_3366 = arith.muli %add3A_3364, %mul3A_3365 : i32
        %swap3A_3367 = arith.index_cast %mul3A_3366 : i32 to index
        %swap3A_3368 = tpu.vector_load %arg8[%swap3A_3367] {strides = array<i32>} : memref<12288xf32, #tpu.memory_space<vmem>>, vector<16xf32>,
        tpu.vector_store %arg8[%swap3A_3367], %broadcast_in_dim3A_3128 {strides = array<i32>} : memref<12288xf32, #tpu.memory_space<vmem>>, vector<16xf32>,
        %mul3A_3369 = arith.constant 16 : i32
        %mul3A_3370 = arith.muli %scan3A_2909, %mul3A_3369 : i32
        %add3A_3371 = arith.constant 15 : i32
        %add3A_3372 = arith.addi %mul3A_3370, %add3A_3371 : i32
        %mul3A_3373 = arith.constant 16 : i32
        %mul3A_3374 = arith.muli %add3A_3372, %mul3A_3373 : i32
        %swap3A_3375 = arith.index_cast %mul3A_3374 : i32 to index
        %swap3A_3376 = tpu.vector_load %arg7[%swap3A_3375] {strides = array<i32>} : memref<12288xf32, #tpu.memory_space<vmem>>, vector<16xf32>,
        tpu.vector_store %arg7[%swap3A_3375], %broadcast_in_dim3A_3128 {strides = array<i32>} : memref<12288xf32, #tpu.memory_space<vmem>>, vector<16xf32>,
        %mul3A_3377 = arith.constant 16 : i32
        %mul3A_3378 = arith.muli %scan3A_2909, %mul3A_3377 : i32
        %add3A_3379 = arith.constant 15 : i32
        %add3A_3380 = arith.addi %mul3A_3378, %add3A_3379 : i32
        %mul3A_3381 = arith.constant 16 : i32
        %mul3A_3382 = arith.muli %add3A_3380, %mul3A_3381 : i32
        %swap3A_3383 = arith.index_cast %mul3A_3382 : i32 to index
        %swap3A_3384 = tpu.vector_load %arg8[%swap3A_3383] {strides = array<i32>} : memref<12288xf32, #tpu.memory_space<vmem>>, vector<16xf32>,
        tpu.vector_store %arg8[%swap3A_3383], %broadcast_in_dim3A_3128 {strides = array<i32>} : memref<12288xf32, #tpu.memory_space<vmem>>, vector<16xf32>,
      }
      %scan3A_102 = arith.constant 48 : i32
      "tpu.region"() ({
        %run_scoped3A_2909 = tpu.sem_alloc : memref<!tpu.dma_semaphore, #tpu.memory_space<semaphore_mem>>
        %dma_start3A_2910 = arith.constant 0 : i32
        %dma_start3A_2911 = arith.constant 0 : i32
        %dma_start3A_2912 = tpu.memref_slice %arg18[%arg1, %dma_start3A_2910, %dma_start3A_2911] : memref<16x16x128xf32, #tpu.memory_space<vmem_shared>> -> memref<1x16x128xf32, #tpu.memory_space<vmem_shared>>
        %dma_start3A_2913 = tpu.memref_squeeze %dma_start3A_2912 : memref<1x16x128xf32, #tpu.memory_space<vmem_shared>> -> memref<16x128xf32, #tpu.memory_space<vmem_shared>>
        %dma_start3A_2914 = arith.constant 0 : i32
        %dma_start3A_2915 = arith.constant 0 : i32
        %dma_start3A_2916 = tpu.memref_slice %arg18[%arg1, %dma_start3A_2914, %dma_start3A_2915] : memref<16x16x128xf32, #tpu.memory_space<vmem_shared>> -> memref<1x16x128xf32, #tpu.memory_space<vmem_shared>>
        %dma_start3A_2917 = tpu.memref_squeeze %dma_start3A_2916 : memref<1x16x128xf32, #tpu.memory_space<vmem_shared>> -> memref<16x128xf32, #tpu.memory_space<vmem_shared>>
        tpu.enqueue_dma source(%arg11 : memref<16x128xf32, #tpu.memory_space<vmem>>) target(%dma_start3A_2917 : memref<16x128xf32, #tpu.memory_space<vmem_shared>>) target_semaphore(%run_scoped3A_2909 : memref<!tpu.dma_semaphore, #tpu.memory_space<semaphore_mem>>)
        %dma_wait3A_2918 = arith.constant 0 : i32
        %dma_wait3A_2919 = arith.constant 0 : i32
        %dma_wait3A_2920 = tpu.memref_slice %arg18[%arg1, %dma_wait3A_2918, %dma_wait3A_2919] : memref<16x16x128xf32, #tpu.memory_space<vmem_shared>> -> memref<1x16x128xf32, #tpu.memory_space<vmem_shared>>
        %dma_wait3A_2921 = tpu.memref_squeeze %dma_wait3A_2920 : memref<1x16x128xf32, #tpu.memory_space<vmem_shared>> -> memref<16x128xf32, #tpu.memory_space<vmem_shared>>
        %dma_wait3A_2922 = arith.constant 0 : i32
        %dma_wait3A_2923 = arith.constant 0 : i32
        %dma_wait3A_2924 = tpu.memref_slice %arg18[%arg1, %dma_wait3A_2922, %dma_wait3A_2923] : memref<16x16x128xf32, #tpu.memory_space<vmem_shared>> -> memref<1x16x128xf32, #tpu.memory_space<vmem_shared>>
        %dma_wait3A_2925 = tpu.memref_squeeze %dma_wait3A_2924 : memref<1x16x128xf32, #tpu.memory_space<vmem_shared>> -> memref<16x128xf32, #tpu.memory_space<vmem_shared>>
        tpu.wait_dma2 semaphore(%run_scoped3A_2909 : memref<!tpu.dma_semaphore, #tpu.memory_space<semaphore_mem>>) src(%arg11 : memref<16x128xf32, #tpu.memory_space<vmem>>) dst(%dma_wait3A_2925 : memref<16x128xf32, #tpu.memory_space<vmem_shared>>)
        tpu.yield
      }) : () -> ()
      %barrier3A = arith.constant 0 : index
      tpu.barrier barrier_id(%barrier3A)
      "tpu.region"() ({
        %run_scoped3A_2909 = tpu.sem_alloc : memref<!tpu.dma_semaphore, #tpu.memory_space<semaphore_mem>>
        %dma_start3A_2910 = arith.constant 0 : i32
        %dma_start3A_2911 = arith.constant 0 : i32
        %dma_start3A_2912 = tpu.memref_slice %arg18[%dma_start3A_2910, %arg1, %dma_start3A_2911] : memref<16x16x128xf32, #tpu.memory_space<vmem_shared>> -> memref<16x1x128xf32, #tpu.memory_space<vmem_shared>>
        %dma_start3A_2913 = tpu.memref_squeeze %dma_start3A_2912 : memref<16x1x128xf32, #tpu.memory_space<vmem_shared>> -> memref<16x128xf32, #tpu.memory_space<vmem_shared>>
        %dma_start3A_2914 = arith.constant 0 : i32
        %dma_start3A_2915 = arith.constant 0 : i32
        %dma_start3A_2916 = tpu.memref_slice %arg18[%dma_start3A_2914, %arg1, %dma_start3A_2915] : memref<16x16x128xf32, #tpu.memory_space<vmem_shared>> -> memref<16x1x128xf32, #tpu.memory_space<vmem_shared>>
        %dma_start3A_2917 = tpu.memref_squeeze %dma_start3A_2916 : memref<16x1x128xf32, #tpu.memory_space<vmem_shared>> -> memref<16x128xf32, #tpu.memory_space<vmem_shared>>
        tpu.enqueue_dma source(%dma_start3A_2917 : memref<16x128xf32, #tpu.memory_space<vmem_shared>>) target(%arg12 : memref<16x128xf32, #tpu.memory_space<vmem>>) target_semaphore(%run_scoped3A_2909 : memref<!tpu.dma_semaphore, #tpu.memory_space<semaphore_mem>>)
        %dma_wait3A_2918 = arith.constant 0 : i32
        %dma_wait3A_2919 = arith.constant 0 : i32
        %dma_wait3A_2920 = tpu.memref_slice %arg18[%dma_wait3A_2918, %arg1, %dma_wait3A_2919] : memref<16x16x128xf32, #tpu.memory_space<vmem_shared>> -> memref<16x1x128xf32, #tpu.memory_space<vmem_shared>>
        %dma_wait3A_2921 = tpu.memref_squeeze %dma_wait3A_2920 : memref<16x1x128xf32, #tpu.memory_space<vmem_shared>> -> memref<16x128xf32, #tpu.memory_space<vmem_shared>>
        %dma_wait3A_2922 = arith.constant 0 : i32
        %dma_wait3A_2923 = arith.constant 0 : i32
        %dma_wait3A_2924 = tpu.memref_slice %arg18[%dma_wait3A_2922, %arg1, %dma_wait3A_2923] : memref<16x16x128xf32, #tpu.memory_space<vmem_shared>> -> memref<16x1x128xf32, #tpu.memory_space<vmem_shared>>
        %dma_wait3A_2925 = tpu.memref_squeeze %dma_wait3A_2924 : memref<16x1x128xf32, #tpu.memory_space<vmem_shared>> -> memref<16x128xf32, #tpu.memory_space<vmem_shared>>
        tpu.wait_dma2 semaphore(%run_scoped3A_2909 : memref<!tpu.dma_semaphore, #tpu.memory_space<semaphore_mem>>) src(%dma_wait3A_2925 : memref<16x128xf32, #tpu.memory_space<vmem_shared>>) dst(%arg12 : memref<16x128xf32, #tpu.memory_space<vmem>>)
        tpu.yield
      }) : () -> ()
      %broadcast_in_dim3A_103 = arith.constant 0.000000e+00 : f32
      %broadcast_in_dim3A_104 = vector.broadcast %broadcast_in_dim3A_103 : f32 to vector<16xf32>
      %broadcast_in_dim3A_105 = arith.constant 0.000000e+00 : f32
      %broadcast_in_dim3A_106 = vector.broadcast %broadcast_in_dim3A_105 : f32 to vector<16xf32>
      %get3A = arith.constant 0 : i32
      %get3A_107 = arith.index_cast %get3A : i32 to index
      %get3A_108 = arith.constant 0 : index
      %get3A_109 = tpu.vector_load %arg12[%get3A_107, %get3A_108] {strides = array<i32>} : memref<16x128xf32, #tpu.memory_space<vmem>>, vector<16xf32>,
      %add3A_110 = arith.addf %broadcast_in_dim3A_104, %get3A_109 : vector<16xf32>
      %get3A_111 = arith.constant 0 : i32
      %get3A_112 = arith.index_cast %get3A_111 : i32 to index
      %get3A_113 = arith.constant 64 : index
      %get3A_114 = tpu.vector_load %arg12[%get3A_112, %get3A_113] {strides = array<i32>} : memref<16x128xf32, #tpu.memory_space<vmem>>, vector<16xf32>,
      %add3A_115 = arith.addf %broadcast_in_dim3A_106, %get3A_114 : vector<16xf32>
      %get3A_116 = arith.constant 1 : i32
      %get3A_117 = arith.index_cast %get3A_116 : i32 to index
      %get3A_118 = arith.constant 0 : index
      %get3A_119 = tpu.vector_load %arg12[%get3A_117, %get3A_118] {strides = array<i32>} : memref<16x128xf32, #tpu.memory_space<vmem>>, vector<16xf32>,
      %add3A_120 = arith.addf %add3A_110, %get3A_119 : vector<16xf32>
      %get3A_121 = arith.constant 1 : i32
      %get3A_122 = arith.index_cast %get3A_121 : i32 to index
      %get3A_123 = arith.constant 64 : index
      %get3A_124 = tpu.vector_load %arg12[%get3A_122, %get3A_123] {strides = array<i32>} : memref<16x128xf32, #tpu.memory_space<vmem>>, vector<16xf32>,
      %add3A_125 = arith.addf %add3A_115, %get3A_124 : vector<16xf32>
      %get3A_126 = arith.constant 2 : i32
      %get3A_127 = arith.index_cast %get3A_126 : i32 to index
      %get3A_128 = arith.constant 0 : index
      %get3A_129 = tpu.vector_load %arg12[%get3A_127, %get3A_128] {strides = array<i32>} : memref<16x128xf32, #tpu.memory_space<vmem>>, vector<16xf32>,
      %add3A_130 = arith.addf %add3A_120, %get3A_129 : vector<16xf32>
      %get3A_131 = arith.constant 2 : i32
      %get3A_132 = arith.index_cast %get3A_131 : i32 to index
      %get3A_133 = arith.constant 64 : index
      %get3A_134 = tpu.vector_load %arg12[%get3A_132, %get3A_133] {strides = array<i32>} : memref<16x128xf32, #tpu.memory_space<vmem>>, vector<16xf32>,
      %add3A_135 = arith.addf %add3A_125, %get3A_134 : vector<16xf32>
      %get3A_136 = arith.constant 3 : i32
      %get3A_137 = arith.index_cast %get3A_136 : i32 to index
      %get3A_138 = arith.constant 0 : index
      %get3A_139 = tpu.vector_load %arg12[%get3A_137, %get3A_138] {strides = array<i32>} : memref<16x128xf32, #tpu.memory_space<vmem>>, vector<16xf32>,
      %add3A_140 = arith.addf %add3A_130, %get3A_139 : vector<16xf32>
      %get3A_141 = arith.constant 3 : i32
      %get3A_142 = arith.index_cast %get3A_141 : i32 to index
      %get3A_143 = arith.constant 64 : index
      %get3A_144 = tpu.vector_load %arg12[%get3A_142, %get3A_143] {strides = array<i32>} : memref<16x128xf32, #tpu.memory_space<vmem>>, vector<16xf32>,
      %add3A_145 = arith.addf %add3A_135, %get3A_144 : vector<16xf32>
      %get3A_146 = arith.constant 4 : i32
      %get3A_147 = arith.index_cast %get3A_146 : i32 to index
      %get3A_148 = arith.constant 0 : index
      %get3A_149 = tpu.vector_load %arg12[%get3A_147, %get3A_148] {strides = array<i32>} : memref<16x128xf32, #tpu.memory_space<vmem>>, vector<16xf32>,
      %add3A_150 = arith.addf %add3A_140, %get3A_149 : vector<16xf32>
      %get3A_151 = arith.constant 4 : i32
      %get3A_152 = arith.index_cast %get3A_151 : i32 to index
      %get3A_153 = arith.constant 64 : index
      %get3A_154 = tpu.vector_load %arg12[%get3A_152, %get3A_153] {strides = array<i32>} : memref<16x128xf32, #tpu.memory_space<vmem>>, vector<16xf32>,
      %add3A_155 = arith.addf %add3A_145, %get3A_154 : vector<16xf32>
      %get3A_156 = arith.constant 5 : i32
      %get3A_157 = arith.index_cast %get3A_156 : i32 to index
      %get3A_158 = arith.constant 0 : index
      %get3A_159 = tpu.vector_load %arg12[%get3A_157, %get3A_158] {strides = array<i32>} : memref<16x128xf32, #tpu.memory_space<vmem>>, vector<16xf32>,
      %add3A_160 = arith.addf %add3A_150, %get3A_159 : vector<16xf32>
      %get3A_161 = arith.constant 5 : i32
      %get3A_162 = arith.index_cast %get3A_161 : i32 to index
      %get3A_163 = arith.constant 64 : index
      %get3A_164 = tpu.vector_load %arg12[%get3A_162, %get3A_163] {strides = array<i32>} : memref<16x128xf32, #tpu.memory_space<vmem>>, vector<16xf32>,
      %add3A_165 = arith.addf %add3A_155, %get3A_164 : vector<16xf32>
      %get3A_166 = arith.constant 6 : i32
      %get3A_167 = arith.index_cast %get3A_166 : i32 to index
      %get3A_168 = arith.constant 0 : index
      %get3A_169 = tpu.vector_load %arg12[%get3A_167, %get3A_168] {strides = array<i32>} : memref<16x128xf32, #tpu.memory_space<vmem>>, vector<16xf32>,
      %add3A_170 = arith.addf %add3A_160, %get3A_169 : vector<16xf32>
      %get3A_171 = arith.constant 6 : i32
      %get3A_172 = arith.index_cast %get3A_171 : i32 to index
      %get3A_173 = arith.constant 64 : index
      %get3A_174 = tpu.vector_load %arg12[%get3A_172, %get3A_173] {strides = array<i32>} : memref<16x128xf32, #tpu.memory_space<vmem>>, vector<16xf32>,
      %add3A_175 = arith.addf %add3A_165, %get3A_174 : vector<16xf32>
      %get3A_176 = arith.constant 7 : i32
      %get3A_177 = arith.index_cast %get3A_176 : i32 to index
      %get3A_178 = arith.constant 0 : index
      %get3A_179 = tpu.vector_load %arg12[%get3A_177, %get3A_178] {strides = array<i32>} : memref<16x128xf32, #tpu.memory_space<vmem>>, vector<16xf32>,
      %add3A_180 = arith.addf %add3A_170, %get3A_179 : vector<16xf32>
      %get3A_181 = arith.constant 7 : i32
      %get3A_182 = arith.index_cast %get3A_181 : i32 to index
      %get3A_183 = arith.constant 64 : index
      %get3A_184 = tpu.vector_load %arg12[%get3A_182, %get3A_183] {strides = array<i32>} : memref<16x128xf32, #tpu.memory_space<vmem>>, vector<16xf32>,
      %add3A_185 = arith.addf %add3A_175, %get3A_184 : vector<16xf32>
      %get3A_186 = arith.constant 8 : i32
      %get3A_187 = arith.index_cast %get3A_186 : i32 to index
      %get3A_188 = arith.constant 0 : index
      %get3A_189 = tpu.vector_load %arg12[%get3A_187, %get3A_188] {strides = array<i32>} : memref<16x128xf32, #tpu.memory_space<vmem>>, vector<16xf32>,
      %add3A_190 = arith.addf %add3A_180, %get3A_189 : vector<16xf32>
      %get3A_191 = arith.constant 8 : i32
      %get3A_192 = arith.index_cast %get3A_191 : i32 to index
      %get3A_193 = arith.constant 64 : index
      %get3A_194 = tpu.vector_load %arg12[%get3A_192, %get3A_193] {strides = array<i32>} : memref<16x128xf32, #tpu.memory_space<vmem>>, vector<16xf32>,
      %add3A_195 = arith.addf %add3A_185, %get3A_194 : vector<16xf32>
      %get3A_196 = arith.constant 9 : i32
      %get3A_197 = arith.index_cast %get3A_196 : i32 to index
      %get3A_198 = arith.constant 0 : index
      %get3A_199 = tpu.vector_load %arg12[%get3A_197, %get3A_198] {strides = array<i32>} : memref<16x128xf32, #tpu.memory_space<vmem>>, vector<16xf32>,
      %add3A_200 = arith.addf %add3A_190, %get3A_199 : vector<16xf32>
      %get3A_201 = arith.constant 9 : i32
      %get3A_202 = arith.index_cast %get3A_201 : i32 to index
      %get3A_203 = arith.constant 64 : index
      %get3A_204 = tpu.vector_load %arg12[%get3A_202, %get3A_203] {strides = array<i32>} : memref<16x128xf32, #tpu.memory_space<vmem>>, vector<16xf32>,
      %add3A_205 = arith.addf %add3A_195, %get3A_204 : vector<16xf32>
      %get3A_206 = arith.constant 10 : i32
      %get3A_207 = arith.index_cast %get3A_206 : i32 to index
      %get3A_208 = arith.constant 0 : index
      %get3A_209 = tpu.vector_load %arg12[%get3A_207, %get3A_208] {strides = array<i32>} : memref<16x128xf32, #tpu.memory_space<vmem>>, vector<16xf32>,
      %add3A_210 = arith.addf %add3A_200, %get3A_209 : vector<16xf32>
      %get3A_211 = arith.constant 10 : i32
      %get3A_212 = arith.index_cast %get3A_211 : i32 to index
      %get3A_213 = arith.constant 64 : index
      %get3A_214 = tpu.vector_load %arg12[%get3A_212, %get3A_213] {strides = array<i32>} : memref<16x128xf32, #tpu.memory_space<vmem>>, vector<16xf32>,
      %add3A_215 = arith.addf %add3A_205, %get3A_214 : vector<16xf32>
      %get3A_216 = arith.constant 11 : i32
      %get3A_217 = arith.index_cast %get3A_216 : i32 to index
      %get3A_218 = arith.constant 0 : index
      %get3A_219 = tpu.vector_load %arg12[%get3A_217, %get3A_218] {strides = array<i32>} : memref<16x128xf32, #tpu.memory_space<vmem>>, vector<16xf32>,
      %add3A_220 = arith.addf %add3A_210, %get3A_219 : vector<16xf32>
      %get3A_221 = arith.constant 11 : i32
      %get3A_222 = arith.index_cast %get3A_221 : i32 to index
      %get3A_223 = arith.constant 64 : index
      %get3A_224 = tpu.vector_load %arg12[%get3A_222, %get3A_223] {strides = array<i32>} : memref<16x128xf32, #tpu.memory_space<vmem>>, vector<16xf32>,
      %add3A_225 = arith.addf %add3A_215, %get3A_224 : vector<16xf32>
      %get3A_226 = arith.constant 12 : i32
      %get3A_227 = arith.index_cast %get3A_226 : i32 to index
      %get3A_228 = arith.constant 0 : index
      %get3A_229 = tpu.vector_load %arg12[%get3A_227, %get3A_228] {strides = array<i32>} : memref<16x128xf32, #tpu.memory_space<vmem>>, vector<16xf32>,
      %add3A_230 = arith.addf %add3A_220, %get3A_229 : vector<16xf32>
      %get3A_231 = arith.constant 12 : i32
      %get3A_232 = arith.index_cast %get3A_231 : i32 to index
      %get3A_233 = arith.constant 64 : index
      %get3A_234 = tpu.vector_load %arg12[%get3A_232, %get3A_233] {strides = array<i32>} : memref<16x128xf32, #tpu.memory_space<vmem>>, vector<16xf32>,
      %add3A_235 = arith.addf %add3A_225, %get3A_234 : vector<16xf32>
      %get3A_236 = arith.constant 13 : i32
      %get3A_237 = arith.index_cast %get3A_236 : i32 to index
      %get3A_238 = arith.constant 0 : index
      %get3A_239 = tpu.vector_load %arg12[%get3A_237, %get3A_238] {strides = array<i32>} : memref<16x128xf32, #tpu.memory_space<vmem>>, vector<16xf32>,
      %add3A_240 = arith.addf %add3A_230, %get3A_239 : vector<16xf32>
      %get3A_241 = arith.constant 13 : i32
      %get3A_242 = arith.index_cast %get3A_241 : i32 to index
      %get3A_243 = arith.constant 64 : index
      %get3A_244 = tpu.vector_load %arg12[%get3A_242, %get3A_243] {strides = array<i32>} : memref<16x128xf32, #tpu.memory_space<vmem>>, vector<16xf32>,
      %add3A_245 = arith.addf %add3A_235, %get3A_244 : vector<16xf32>
      %get3A_246 = arith.constant 14 : i32
      %get3A_247 = arith.index_cast %get3A_246 : i32 to index
      %get3A_248 = arith.constant 0 : index
      %get3A_249 = tpu.vector_load %arg12[%get3A_247, %get3A_248] {strides = array<i32>} : memref<16x128xf32, #tpu.memory_space<vmem>>, vector<16xf32>,
      %add3A_250 = arith.addf %add3A_240, %get3A_249 : vector<16xf32>
      %get3A_251 = arith.constant 14 : i32
      %get3A_252 = arith.index_cast %get3A_251 : i32 to index
      %get3A_253 = arith.constant 64 : index
      %get3A_254 = tpu.vector_load %arg12[%get3A_252, %get3A_253] {strides = array<i32>} : memref<16x128xf32, #tpu.memory_space<vmem>>, vector<16xf32>,
      %add3A_255 = arith.addf %add3A_245, %get3A_254 : vector<16xf32>
      %get3A_256 = arith.constant 15 : i32
      %get3A_257 = arith.index_cast %get3A_256 : i32 to index
      %get3A_258 = arith.constant 0 : index
      %get3A_259 = tpu.vector_load %arg12[%get3A_257, %get3A_258] {strides = array<i32>} : memref<16x128xf32, #tpu.memory_space<vmem>>, vector<16xf32>,
      %add3A_260 = arith.addf %add3A_250, %get3A_259 : vector<16xf32>
      %get3A_261 = arith.constant 15 : i32
      %get3A_262 = arith.index_cast %get3A_261 : i32 to index
      %get3A_263 = arith.constant 64 : index
      %get3A_264 = tpu.vector_load %arg12[%get3A_262, %get3A_263] {strides = array<i32>} : memref<16x128xf32, #tpu.memory_space<vmem>>, vector<16xf32>,
      %add3A_265 = arith.addf %add3A_255, %get3A_264 : vector<16xf32>
      %broadcast_in_dim3A_266 = arith.constant 0.000000e+00 : f32
      %broadcast_in_dim3A_267 = vector.broadcast %broadcast_in_dim3A_266 : f32 to vector<16xf32>
      %broadcast_in_dim3A_268 = arith.constant 0.000000e+00 : f32
      %broadcast_in_dim3A_269 = vector.broadcast %broadcast_in_dim3A_268 : f32 to vector<16xf32>
      %get3A_270 = arith.constant 0 : i32
      %get3A_271 = arith.index_cast %get3A_270 : i32 to index
      %get3A_272 = arith.constant 16 : index
      %get3A_273 = tpu.vector_load %arg12[%get3A_271, %get3A_272] {strides = array<i32>} : memref<16x128xf32, #tpu.memory_space<vmem>>, vector<16xf32>,
      %add3A_274 = arith.addf %broadcast_in_dim3A_267, %get3A_273 : vector<16xf32>
      %get3A_275 = arith.constant 0 : i32
      %get3A_276 = arith.index_cast %get3A_275 : i32 to index
      %get3A_277 = arith.constant 80 : index
      %get3A_278 = tpu.vector_load %arg12[%get3A_276, %get3A_277] {strides = array<i32>} : memref<16x128xf32, #tpu.memory_space<vmem>>, vector<16xf32>,
      %add3A_279 = arith.addf %broadcast_in_dim3A_269, %get3A_278 : vector<16xf32>
      %get3A_280 = arith.constant 1 : i32
      %get3A_281 = arith.index_cast %get3A_280 : i32 to index
      %get3A_282 = arith.constant 16 : index
      %get3A_283 = tpu.vector_load %arg12[%get3A_281, %get3A_282] {strides = array<i32>} : memref<16x128xf32, #tpu.memory_space<vmem>>, vector<16xf32>,
      %add3A_284 = arith.addf %add3A_274, %get3A_283 : vector<16xf32>
      %get3A_285 = arith.constant 1 : i32
      %get3A_286 = arith.index_cast %get3A_285 : i32 to index
      %get3A_287 = arith.constant 80 : index
      %get3A_288 = tpu.vector_load %arg12[%get3A_286, %get3A_287] {strides = array<i32>} : memref<16x128xf32, #tpu.memory_space<vmem>>, vector<16xf32>,
      %add3A_289 = arith.addf %add3A_279, %get3A_288 : vector<16xf32>
      %get3A_290 = arith.constant 2 : i32
      %get3A_291 = arith.index_cast %get3A_290 : i32 to index
      %get3A_292 = arith.constant 16 : index
      %get3A_293 = tpu.vector_load %arg12[%get3A_291, %get3A_292] {strides = array<i32>} : memref<16x128xf32, #tpu.memory_space<vmem>>, vector<16xf32>,
      %add3A_294 = arith.addf %add3A_284, %get3A_293 : vector<16xf32>
      %get3A_295 = arith.constant 2 : i32
      %get3A_296 = arith.index_cast %get3A_295 : i32 to index
      %get3A_297 = arith.constant 80 : index
      %get3A_298 = tpu.vector_load %arg12[%get3A_296, %get3A_297] {strides = array<i32>} : memref<16x128xf32, #tpu.memory_space<vmem>>, vector<16xf32>,
      %add3A_299 = arith.addf %add3A_289, %get3A_298 : vector<16xf32>
      %get3A_300 = arith.constant 3 : i32
      %get3A_301 = arith.index_cast %get3A_300 : i32 to index
      %get3A_302 = arith.constant 16 : index
      %get3A_303 = tpu.vector_load %arg12[%get3A_301, %get3A_302] {strides = array<i32>} : memref<16x128xf32, #tpu.memory_space<vmem>>, vector<16xf32>,
      %add3A_304 = arith.addf %add3A_294, %get3A_303 : vector<16xf32>
      %get3A_305 = arith.constant 3 : i32
      %get3A_306 = arith.index_cast %get3A_305 : i32 to index
      %get3A_307 = arith.constant 80 : index
      %get3A_308 = tpu.vector_load %arg12[%get3A_306, %get3A_307] {strides = array<i32>} : memref<16x128xf32, #tpu.memory_space<vmem>>, vector<16xf32>,
      %add3A_309 = arith.addf %add3A_299, %get3A_308 : vector<16xf32>
      %get3A_310 = arith.constant 4 : i32
      %get3A_311 = arith.index_cast %get3A_310 : i32 to index
      %get3A_312 = arith.constant 16 : index
      %get3A_313 = tpu.vector_load %arg12[%get3A_311, %get3A_312] {strides = array<i32>} : memref<16x128xf32, #tpu.memory_space<vmem>>, vector<16xf32>,
      %add3A_314 = arith.addf %add3A_304, %get3A_313 : vector<16xf32>
      %get3A_315 = arith.constant 4 : i32
      %get3A_316 = arith.index_cast %get3A_315 : i32 to index
      %get3A_317 = arith.constant 80 : index
      %get3A_318 = tpu.vector_load %arg12[%get3A_316, %get3A_317] {strides = array<i32>} : memref<16x128xf32, #tpu.memory_space<vmem>>, vector<16xf32>,
      %add3A_319 = arith.addf %add3A_309, %get3A_318 : vector<16xf32>
      %get3A_320 = arith.constant 5 : i32
      %get3A_321 = arith.index_cast %get3A_320 : i32 to index
      %get3A_322 = arith.constant 16 : index
      %get3A_323 = tpu.vector_load %arg12[%get3A_321, %get3A_322] {strides = array<i32>} : memref<16x128xf32, #tpu.memory_space<vmem>>, vector<16xf32>,
      %add3A_324 = arith.addf %add3A_314, %get3A_323 : vector<16xf32>
      %get3A_325 = arith.constant 5 : i32
      %get3A_326 = arith.index_cast %get3A_325 : i32 to index
      %get3A_327 = arith.constant 80 : index
      %get3A_328 = tpu.vector_load %arg12[%get3A_326, %get3A_327] {strides = array<i32>} : memref<16x128xf32, #tpu.memory_space<vmem>>, vector<16xf32>,
      %add3A_329 = arith.addf %add3A_319, %get3A_328 : vector<16xf32>
      %get3A_330 = arith.constant 6 : i32
      %get3A_331 = arith.index_cast %get3A_330 : i32 to index
      %get3A_332 = arith.constant 16 : index
      %get3A_333 = tpu.vector_load %arg12[%get3A_331, %get3A_332] {strides = array<i32>} : memref<16x128xf32, #tpu.memory_space<vmem>>, vector<16xf32>,
      %add3A_334 = arith.addf %add3A_324, %get3A_333 : vector<16xf32>
      %get3A_335 = arith.constant 6 : i32
      %get3A_336 = arith.index_cast %get3A_335 : i32 to index
      %get3A_337 = arith.constant 80 : index
      %get3A_338 = tpu.vector_load %arg12[%get3A_336, %get3A_337] {strides = array<i32>} : memref<16x128xf32, #tpu.memory_space<vmem>>, vector<16xf32>,
      %add3A_339 = arith.addf %add3A_329, %get3A_338 : vector<16xf32>
      %get3A_340 = arith.constant 7 : i32
      %get3A_341 = arith.index_cast %get3A_340 : i32 to index
      %get3A_342 = arith.constant 16 : index
      %get3A_343 = tpu.vector_load %arg12[%get3A_341, %get3A_342] {strides = array<i32>} : memref<16x128xf32, #tpu.memory_space<vmem>>, vector<16xf32>,
      %add3A_344 = arith.addf %add3A_334, %get3A_343 : vector<16xf32>
      %get3A_345 = arith.constant 7 : i32
      %get3A_346 = arith.index_cast %get3A_345 : i32 to index
      %get3A_347 = arith.constant 80 : index
      %get3A_348 = tpu.vector_load %arg12[%get3A_346, %get3A_347] {strides = array<i32>} : memref<16x128xf32, #tpu.memory_space<vmem>>, vector<16xf32>,
      %add3A_349 = arith.addf %add3A_339, %get3A_348 : vector<16xf32>
      %get3A_350 = arith.constant 8 : i32
      %get3A_351 = arith.index_cast %get3A_350 : i32 to index
      %get3A_352 = arith.constant 16 : index
      %get3A_353 = tpu.vector_load %arg12[%get3A_351, %get3A_352] {strides = array<i32>} : memref<16x128xf32, #tpu.memory_space<vmem>>, vector<16xf32>,
      %add3A_354 = arith.addf %add3A_344, %get3A_353 : vector<16xf32>
      %get3A_355 = arith.constant 8 : i32
      %get3A_356 = arith.index_cast %get3A_355 : i32 to index
      %get3A_357 = arith.constant 80 : index
      %get3A_358 = tpu.vector_load %arg12[%get3A_356, %get3A_357] {strides = array<i32>} : memref<16x128xf32, #tpu.memory_space<vmem>>, vector<16xf32>,
      %add3A_359 = arith.addf %add3A_349, %get3A_358 : vector<16xf32>
      %get3A_360 = arith.constant 9 : i32
      %get3A_361 = arith.index_cast %get3A_360 : i32 to index
      %get3A_362 = arith.constant 16 : index
      %get3A_363 = tpu.vector_load %arg12[%get3A_361, %get3A_362] {strides = array<i32>} : memref<16x128xf32, #tpu.memory_space<vmem>>, vector<16xf32>,
      %add3A_364 = arith.addf %add3A_354, %get3A_363 : vector<16xf32>
      %get3A_365 = arith.constant 9 : i32
      %get3A_366 = arith.index_cast %get3A_365 : i32 to index
      %get3A_367 = arith.constant 80 : index
      %get3A_368 = tpu.vector_load %arg12[%get3A_366, %get3A_367] {strides = array<i32>} : memref<16x128xf32, #tpu.memory_space<vmem>>, vector<16xf32>,
      %add3A_369 = arith.addf %add3A_359, %get3A_368 : vector<16xf32>
      %get3A_370 = arith.constant 10 : i32
      %get3A_371 = arith.index_cast %get3A_370 : i32 to index
      %get3A_372 = arith.constant 16 : index
      %get3A_373 = tpu.vector_load %arg12[%get3A_371, %get3A_372] {strides = array<i32>} : memref<16x128xf32, #tpu.memory_space<vmem>>, vector<16xf32>,
      %add3A_374 = arith.addf %add3A_364, %get3A_373 : vector<16xf32>
      %get3A_375 = arith.constant 10 : i32
      %get3A_376 = arith.index_cast %get3A_375 : i32 to index
      %get3A_377 = arith.constant 80 : index
      %get3A_378 = tpu.vector_load %arg12[%get3A_376, %get3A_377] {strides = array<i32>} : memref<16x128xf32, #tpu.memory_space<vmem>>, vector<16xf32>,
      %add3A_379 = arith.addf %add3A_369, %get3A_378 : vector<16xf32>
      %get3A_380 = arith.constant 11 : i32
      %get3A_381 = arith.index_cast %get3A_380 : i32 to index
      %get3A_382 = arith.constant 16 : index
      %get3A_383 = tpu.vector_load %arg12[%get3A_381, %get3A_382] {strides = array<i32>} : memref<16x128xf32, #tpu.memory_space<vmem>>, vector<16xf32>,
      %add3A_384 = arith.addf %add3A_374, %get3A_383 : vector<16xf32>
      %get3A_385 = arith.constant 11 : i32
      %get3A_386 = arith.index_cast %get3A_385 : i32 to index
      %get3A_387 = arith.constant 80 : index
      %get3A_388 = tpu.vector_load %arg12[%get3A_386, %get3A_387] {strides = array<i32>} : memref<16x128xf32, #tpu.memory_space<vmem>>, vector<16xf32>,
      %add3A_389 = arith.addf %add3A_379, %get3A_388 : vector<16xf32>
      %get3A_390 = arith.constant 12 : i32
      %get3A_391 = arith.index_cast %get3A_390 : i32 to index
      %get3A_392 = arith.constant 16 : index
      %get3A_393 = tpu.vector_load %arg12[%get3A_391, %get3A_392] {strides = array<i32>} : memref<16x128xf32, #tpu.memory_space<vmem>>, vector<16xf32>,
      %add3A_394 = arith.addf %add3A_384, %get3A_393 : vector<16xf32>
      %get3A_395 = arith.constant 12 : i32
      %get3A_396 = arith.index_cast %get3A_395 : i32 to index
      %get3A_397 = arith.constant 80 : index
      %get3A_398 = tpu.vector_load %arg12[%get3A_396, %get3A_397] {strides = array<i32>} : memref<16x128xf32, #tpu.memory_space<vmem>>, vector<16xf32>,
      %add3A_399 = arith.addf %add3A_389, %get3A_398 : vector<16xf32>
      %get3A_400 = arith.constant 13 : i32
      %get3A_401 = arith.index_cast %get3A_400 : i32 to index
      %get3A_402 = arith.constant 16 : index
      %get3A_403 = tpu.vector_load %arg12[%get3A_401, %get3A_402] {strides = array<i32>} : memref<16x128xf32, #tpu.memory_space<vmem>>, vector<16xf32>,
      %add3A_404 = arith.addf %add3A_394, %get3A_403 : vector<16xf32>
      %get3A_405 = arith.constant 13 : i32
      %get3A_406 = arith.index_cast %get3A_405 : i32 to index
      %get3A_407 = arith.constant 80 : index
      %get3A_408 = tpu.vector_load %arg12[%get3A_406, %get3A_407] {strides = array<i32>} : memref<16x128xf32, #tpu.memory_space<vmem>>, vector<16xf32>,
      %add3A_409 = arith.addf %add3A_399, %get3A_408 : vector<16xf32>
      %get3A_410 = arith.constant 14 : i32
      %get3A_411 = arith.index_cast %get3A_410 : i32 to index
      %get3A_412 = arith.constant 16 : index
      %get3A_413 = tpu.vector_load %arg12[%get3A_411, %get3A_412] {strides = array<i32>} : memref<16x128xf32, #tpu.memory_space<vmem>>, vector<16xf32>,
      %add3A_414 = arith.addf %add3A_404, %get3A_413 : vector<16xf32>
      %get3A_415 = arith.constant 14 : i32
      %get3A_416 = arith.index_cast %get3A_415 : i32 to index
      %get3A_417 = arith.constant 80 : index
      %get3A_418 = tpu.vector_load %arg12[%get3A_416, %get3A_417] {strides = array<i32>} : memref<16x128xf32, #tpu.memory_space<vmem>>, vector<16xf32>,
      %add3A_419 = arith.addf %add3A_409, %get3A_418 : vector<16xf32>
      %get3A_420 = arith.constant 15 : i32
      %get3A_421 = arith.index_cast %get3A_420 : i32 to index
      %get3A_422 = arith.constant 16 : index
      %get3A_423 = tpu.vector_load %arg12[%get3A_421, %get3A_422] {strides = array<i32>} : memref<16x128xf32, #tpu.memory_space<vmem>>, vector<16xf32>,
      %add3A_424 = arith.addf %add3A_414, %get3A_423 : vector<16xf32>
      %get3A_425 = arith.constant 15 : i32
      %get3A_426 = arith.index_cast %get3A_425 : i32 to index
      %get3A_427 = arith.constant 80 : index
      %get3A_428 = tpu.vector_load %arg12[%get3A_426, %get3A_427] {strides = array<i32>} : memref<16x128xf32, #tpu.memory_space<vmem>>, vector<16xf32>,
      %add3A_429 = arith.addf %add3A_419, %get3A_428 : vector<16xf32>
      %broadcast_in_dim3A_430 = arith.constant 0.000000e+00 : f32
      %broadcast_in_dim3A_431 = vector.broadcast %broadcast_in_dim3A_430 : f32 to vector<16xf32>
      %broadcast_in_dim3A_432 = arith.constant 0.000000e+00 : f32
      %broadcast_in_dim3A_433 = vector.broadcast %broadcast_in_dim3A_432 : f32 to vector<16xf32>
      %get3A_434 = arith.constant 0 : i32
      %get3A_435 = arith.index_cast %get3A_434 : i32 to index
      %get3A_436 = arith.constant 32 : index
      %get3A_437 = tpu.vector_load %arg12[%get3A_435, %get3A_436] {strides = array<i32>} : memref<16x128xf32, #tpu.memory_space<vmem>>, vector<16xf32>,
      %add3A_438 = arith.addf %broadcast_in_dim3A_431, %get3A_437 : vector<16xf32>
      %get3A_439 = arith.constant 0 : i32
      %get3A_440 = arith.index_cast %get3A_439 : i32 to index
      %get3A_441 = arith.constant 96 : index
      %get3A_442 = tpu.vector_load %arg12[%get3A_440, %get3A_441] {strides = array<i32>} : memref<16x128xf32, #tpu.memory_space<vmem>>, vector<16xf32>,
      %add3A_443 = arith.addf %broadcast_in_dim3A_433, %get3A_442 : vector<16xf32>
      %get3A_444 = arith.constant 1 : i32
      %get3A_445 = arith.index_cast %get3A_444 : i32 to index
      %get3A_446 = arith.constant 32 : index
      %get3A_447 = tpu.vector_load %arg12[%get3A_445, %get3A_446] {strides = array<i32>} : memref<16x128xf32, #tpu.memory_space<vmem>>, vector<16xf32>,
      %add3A_448 = arith.addf %add3A_438, %get3A_447 : vector<16xf32>
      %get3A_449 = arith.constant 1 : i32
      %get3A_450 = arith.index_cast %get3A_449 : i32 to index
      %get3A_451 = arith.constant 96 : index
      %get3A_452 = tpu.vector_load %arg12[%get3A_450, %get3A_451] {strides = array<i32>} : memref<16x128xf32, #tpu.memory_space<vmem>>, vector<16xf32>,
      %add3A_453 = arith.addf %add3A_443, %get3A_452 : vector<16xf32>
      %get3A_454 = arith.constant 2 : i32
      %get3A_455 = arith.index_cast %get3A_454 : i32 to index
      %get3A_456 = arith.constant 32 : index
      %get3A_457 = tpu.vector_load %arg12[%get3A_455, %get3A_456] {strides = array<i32>} : memref<16x128xf32, #tpu.memory_space<vmem>>, vector<16xf32>,
      %add3A_458 = arith.addf %add3A_448, %get3A_457 : vector<16xf32>
      %get3A_459 = arith.constant 2 : i32
      %get3A_460 = arith.index_cast %get3A_459 : i32 to index
      %get3A_461 = arith.constant 96 : index
      %get3A_462 = tpu.vector_load %arg12[%get3A_460, %get3A_461] {strides = array<i32>} : memref<16x128xf32, #tpu.memory_space<vmem>>, vector<16xf32>,
      %add3A_463 = arith.addf %add3A_453, %get3A_462 : vector<16xf32>
      %get3A_464 = arith.constant 3 : i32
      %get3A_465 = arith.index_cast %get3A_464 : i32 to index
      %get3A_466 = arith.constant 32 : index
      %get3A_467 = tpu.vector_load %arg12[%get3A_465, %get3A_466] {strides = array<i32>} : memref<16x128xf32, #tpu.memory_space<vmem>>, vector<16xf32>,
      %add3A_468 = arith.addf %add3A_458, %get3A_467 : vector<16xf32>
      %get3A_469 = arith.constant 3 : i32
      %get3A_470 = arith.index_cast %get3A_469 : i32 to index
      %get3A_471 = arith.constant 96 : index
      %get3A_472 = tpu.vector_load %arg12[%get3A_470, %get3A_471] {strides = array<i32>} : memref<16x128xf32, #tpu.memory_space<vmem>>, vector<16xf32>,
      %add3A_473 = arith.addf %add3A_463, %get3A_472 : vector<16xf32>
      %get3A_474 = arith.constant 4 : i32
      %get3A_475 = arith.index_cast %get3A_474 : i32 to index
      %get3A_476 = arith.constant 32 : index
      %get3A_477 = tpu.vector_load %arg12[%get3A_475, %get3A_476] {strides = array<i32>} : memref<16x128xf32, #tpu.memory_space<vmem>>, vector<16xf32>,
      %add3A_478 = arith.addf %add3A_468, %get3A_477 : vector<16xf32>
      %get3A_479 = arith.constant 4 : i32
      %get3A_480 = arith.index_cast %get3A_479 : i32 to index
      %get3A_481 = arith.constant 96 : index
      %get3A_482 = tpu.vector_load %arg12[%get3A_480, %get3A_481] {strides = array<i32>} : memref<16x128xf32, #tpu.memory_space<vmem>>, vector<16xf32>,
      %add3A_483 = arith.addf %add3A_473, %get3A_482 : vector<16xf32>
      %get3A_484 = arith.constant 5 : i32
      %get3A_485 = arith.index_cast %get3A_484 : i32 to index
      %get3A_486 = arith.constant 32 : index
      %get3A_487 = tpu.vector_load %arg12[%get3A_485, %get3A_486] {strides = array<i32>} : memref<16x128xf32, #tpu.memory_space<vmem>>, vector<16xf32>,
      %add3A_488 = arith.addf %add3A_478, %get3A_487 : vector<16xf32>
      %get3A_489 = arith.constant 5 : i32
      %get3A_490 = arith.index_cast %get3A_489 : i32 to index
      %get3A_491 = arith.constant 96 : index
      %get3A_492 = tpu.vector_load %arg12[%get3A_490, %get3A_491] {strides = array<i32>} : memref<16x128xf32, #tpu.memory_space<vmem>>, vector<16xf32>,
      %add3A_493 = arith.addf %add3A_483, %get3A_492 : vector<16xf32>
      %get3A_494 = arith.constant 6 : i32
      %get3A_495 = arith.index_cast %get3A_494 : i32 to index
      %get3A_496 = arith.constant 32 : index
      %get3A_497 = tpu.vector_load %arg12[%get3A_495, %get3A_496] {strides = array<i32>} : memref<16x128xf32, #tpu.memory_space<vmem>>, vector<16xf32>,
      %add3A_498 = arith.addf %add3A_488, %get3A_497 : vector<16xf32>
      %get3A_499 = arith.constant 6 : i32
      %get3A_500 = arith.index_cast %get3A_499 : i32 to index
      %get3A_501 = arith.constant 96 : index
      %get3A_502 = tpu.vector_load %arg12[%get3A_500, %get3A_501] {strides = array<i32>} : memref<16x128xf32, #tpu.memory_space<vmem>>, vector<16xf32>,
      %add3A_503 = arith.addf %add3A_493, %get3A_502 : vector<16xf32>
      %get3A_504 = arith.constant 7 : i32
      %get3A_505 = arith.index_cast %get3A_504 : i32 to index
      %get3A_506 = arith.constant 32 : index
      %get3A_507 = tpu.vector_load %arg12[%get3A_505, %get3A_506] {strides = array<i32>} : memref<16x128xf32, #tpu.memory_space<vmem>>, vector<16xf32>,
      %add3A_508 = arith.addf %add3A_498, %get3A_507 : vector<16xf32>
      %get3A_509 = arith.constant 7 : i32
      %get3A_510 = arith.index_cast %get3A_509 : i32 to index
      %get3A_511 = arith.constant 96 : index
      %get3A_512 = tpu.vector_load %arg12[%get3A_510, %get3A_511] {strides = array<i32>} : memref<16x128xf32, #tpu.memory_space<vmem>>, vector<16xf32>,
      %add3A_513 = arith.addf %add3A_503, %get3A_512 : vector<16xf32>
      %get3A_514 = arith.constant 8 : i32
      %get3A_515 = arith.index_cast %get3A_514 : i32 to index
      %get3A_516 = arith.constant 32 : index
      %get3A_517 = tpu.vector_load %arg12[%get3A_515, %get3A_516] {strides = array<i32>} : memref<16x128xf32, #tpu.memory_space<vmem>>, vector<16xf32>,
      %add3A_518 = arith.addf %add3A_508, %get3A_517 : vector<16xf32>
      %get3A_519 = arith.constant 8 : i32
      %get3A_520 = arith.index_cast %get3A_519 : i32 to index
      %get3A_521 = arith.constant 96 : index
      %get3A_522 = tpu.vector_load %arg12[%get3A_520, %get3A_521] {strides = array<i32>} : memref<16x128xf32, #tpu.memory_space<vmem>>, vector<16xf32>,
      %add3A_523 = arith.addf %add3A_513, %get3A_522 : vector<16xf32>
      %get3A_524 = arith.constant 9 : i32
      %get3A_525 = arith.index_cast %get3A_524 : i32 to index
      %get3A_526 = arith.constant 32 : index
      %get3A_527 = tpu.vector_load %arg12[%get3A_525, %get3A_526] {strides = array<i32>} : memref<16x128xf32, #tpu.memory_space<vmem>>, vector<16xf32>,
      %add3A_528 = arith.addf %add3A_518, %get3A_527 : vector<16xf32>
      %get3A_529 = arith.constant 9 : i32
      %get3A_530 = arith.index_cast %get3A_529 : i32 to index
      %get3A_531 = arith.constant 96 : index
      %get3A_532 = tpu.vector_load %arg12[%get3A_530, %get3A_531] {strides = array<i32>} : memref<16x128xf32, #tpu.memory_space<vmem>>, vector<16xf32>,
      %add3A_533 = arith.addf %add3A_523, %get3A_532 : vector<16xf32>
      %get3A_534 = arith.constant 10 : i32
      %get3A_535 = arith.index_cast %get3A_534 : i32 to index
      %get3A_536 = arith.constant 32 : index
      %get3A_537 = tpu.vector_load %arg12[%get3A_535, %get3A_536] {strides = array<i32>} : memref<16x128xf32, #tpu.memory_space<vmem>>, vector<16xf32>,
      %add3A_538 = arith.addf %add3A_528, %get3A_537 : vector<16xf32>
      %get3A_539 = arith.constant 10 : i32
      %get3A_540 = arith.index_cast %get3A_539 : i32 to index
      %get3A_541 = arith.constant 96 : index
      %get3A_542 = tpu.vector_load %arg12[%get3A_540, %get3A_541] {strides = array<i32>} : memref<16x128xf32, #tpu.memory_space<vmem>>, vector<16xf32>,
      %add3A_543 = arith.addf %add3A_533, %get3A_542 : vector<16xf32>
      %get3A_544 = arith.constant 11 : i32
      %get3A_545 = arith.index_cast %get3A_544 : i32 to index
      %get3A_546 = arith.constant 32 : index
      %get3A_547 = tpu.vector_load %arg12[%get3A_545, %get3A_546] {strides = array<i32>} : memref<16x128xf32, #tpu.memory_space<vmem>>, vector<16xf32>,
      %add3A_548 = arith.addf %add3A_538, %get3A_547 : vector<16xf32>
      %get3A_549 = arith.constant 11 : i32
      %get3A_550 = arith.index_cast %get3A_549 : i32 to index
      %get3A_551 = arith.constant 96 : index
      %get3A_552 = tpu.vector_load %arg12[%get3A_550, %get3A_551] {strides = array<i32>} : memref<16x128xf32, #tpu.memory_space<vmem>>, vector<16xf32>,
      %add3A_553 = arith.addf %add3A_543, %get3A_552 : vector<16xf32>
      %get3A_554 = arith.constant 12 : i32
      %get3A_555 = arith.index_cast %get3A_554 : i32 to index
      %get3A_556 = arith.constant 32 : index
      %get3A_557 = tpu.vector_load %arg12[%get3A_555, %get3A_556] {strides = array<i32>} : memref<16x128xf32, #tpu.memory_space<vmem>>, vector<16xf32>,
      %add3A_558 = arith.addf %add3A_548, %get3A_557 : vector<16xf32>
      %get3A_559 = arith.constant 12 : i32
      %get3A_560 = arith.index_cast %get3A_559 : i32 to index
      %get3A_561 = arith.constant 96 : index
      %get3A_562 = tpu.vector_load %arg12[%get3A_560, %get3A_561] {strides = array<i32>} : memref<16x128xf32, #tpu.memory_space<vmem>>, vector<16xf32>,
      %add3A_563 = arith.addf %add3A_553, %get3A_562 : vector<16xf32>
      %get3A_564 = arith.constant 13 : i32
      %get3A_565 = arith.index_cast %get3A_564 : i32 to index
      %get3A_566 = arith.constant 32 : index
      %get3A_567 = tpu.vector_load %arg12[%get3A_565, %get3A_566] {strides = array<i32>} : memref<16x128xf32, #tpu.memory_space<vmem>>, vector<16xf32>,
      %add3A_568 = arith.addf %add3A_558, %get3A_567 : vector<16xf32>
      %get3A_569 = arith.constant 13 : i32
      %get3A_570 = arith.index_cast %get3A_569 : i32 to index
      %get3A_571 = arith.constant 96 : index
      %get3A_572 = tpu.vector_load %arg12[%get3A_570, %get3A_571] {strides = array<i32>} : memref<16x128xf32, #tpu.memory_space<vmem>>, vector<16xf32>,
      %add3A_573 = arith.addf %add3A_563, %get3A_572 : vector<16xf32>
      %get3A_574 = arith.constant 14 : i32
      %get3A_575 = arith.index_cast %get3A_574 : i32 to index
      %get3A_576 = arith.constant 32 : index
      %get3A_577 = tpu.vector_load %arg12[%get3A_575, %get3A_576] {strides = array<i32>} : memref<16x128xf32, #tpu.memory_space<vmem>>, vector<16xf32>,
      %add3A_578 = arith.addf %add3A_568, %get3A_577 : vector<16xf32>
      %get3A_579 = arith.constant 14 : i32
      %get3A_580 = arith.index_cast %get3A_579 : i32 to index
      %get3A_581 = arith.constant 96 : index
      %get3A_582 = tpu.vector_load %arg12[%get3A_580, %get3A_581] {strides = array<i32>} : memref<16x128xf32, #tpu.memory_space<vmem>>, vector<16xf32>,
      %add3A_583 = arith.addf %add3A_573, %get3A_582 : vector<16xf32>
      %get3A_584 = arith.constant 15 : i32
      %get3A_585 = arith.index_cast %get3A_584 : i32 to index
      %get3A_586 = arith.constant 32 : index
      %get3A_587 = tpu.vector_load %arg12[%get3A_585, %get3A_586] {strides = array<i32>} : memref<16x128xf32, #tpu.memory_space<vmem>>, vector<16xf32>,
      %add3A_588 = arith.addf %add3A_578, %get3A_587 : vector<16xf32>
      %get3A_589 = arith.constant 15 : i32
      %get3A_590 = arith.index_cast %get3A_589 : i32 to index
      %get3A_591 = arith.constant 96 : index
      %get3A_592 = tpu.vector_load %arg12[%get3A_590, %get3A_591] {strides = array<i32>} : memref<16x128xf32, #tpu.memory_space<vmem>>, vector<16xf32>,
      %add3A_593 = arith.addf %add3A_583, %get3A_592 : vector<16xf32>
      %broadcast_in_dim3A_594 = arith.constant true
      %broadcast_in_dim3A_595 = vector.broadcast %broadcast_in_dim3A_594 : i1 to vector<16xi1>
      %masked_cumsum3A = tpu.scan <sum>, %add3A_260 masked %broadcast_in_dim3A_595 : vector<16xf32>, vector<16xi1> -> vector<16xf32>
      %add3A_596 = arith.constant 0.000000e+00 : f32
      %add3A_597 = vector.broadcast %add3A_596 : f32 to vector<16xf32>
      %add3A_598 = arith.addf %masked_cumsum3A, %add3A_597 : vector<16xf32>
      %reduce_max3A = arith.constant true
      %reduce_max3A_599 = vector.broadcast %reduce_max3A : i1 to vector<16xi1>
      %reduce_max3A_600 = tpu.scan <max>, %add3A_598 masked %reduce_max3A_599 : vector<16xf32>, vector<16xi1> -> vector<16xf32>
      %reduce_max3A_601 = vector.extract %reduce_max3A_600[15] : f32 from vector<16xf32>
      %broadcast_in_dim3A_602 = arith.constant true
      %broadcast_in_dim3A_603 = vector.broadcast %broadcast_in_dim3A_602 : i1 to vector<16xi1>
      %masked_cumsum3A_604 = tpu.scan <sum>, %add3A_424 masked %broadcast_in_dim3A_603 : vector<16xf32>, vector<16xi1> -> vector<16xf32>
      %add3A_605 = vector.broadcast %reduce_max3A_601 : f32 to vector<16xf32>
      %add3A_606 = arith.addf %masked_cumsum3A_604, %add3A_605 : vector<16xf32>
      %reduce_max3A_607 = arith.constant true
      %reduce_max3A_608 = vector.broadcast %reduce_max3A_607 : i1 to vector<16xi1>
      %reduce_max3A_609 = tpu.scan <max>, %add3A_606 masked %reduce_max3A_608 : vector<16xf32>, vector<16xi1> -> vector<16xf32>
      %reduce_max3A_610 = vector.extract %reduce_max3A_609[15] : f32 from vector<16xf32>
      %broadcast_in_dim3A_611 = arith.constant true
      %broadcast_in_dim3A_612 = vector.broadcast %broadcast_in_dim3A_611 : i1 to vector<16xi1>
      %masked_cumsum3A_613 = tpu.scan <sum>, %add3A_588 masked %broadcast_in_dim3A_612 : vector<16xf32>, vector<16xi1> -> vector<16xf32>
      %add3A_614 = vector.broadcast %reduce_max3A_610 : f32 to vector<16xf32>
      %add3A_615 = arith.addf %masked_cumsum3A_613, %add3A_614 : vector<16xf32>
      %reduce_max3A_616 = arith.constant true
      %reduce_max3A_617 = vector.broadcast %reduce_max3A_616 : i1 to vector<16xi1>
      %reduce_max3A_618 = tpu.scan <max>, %add3A_615 masked %reduce_max3A_617 : vector<16xf32>, vector<16xi1> -> vector<16xf32>
      %reduce_max3A_619 = vector.extract %reduce_max3A_618[15] : f32 from vector<16xf32>
      %broadcast_in_dim3A_620 = arith.constant true
      %broadcast_in_dim3A_621 = vector.broadcast %broadcast_in_dim3A_620 : i1 to vector<16xi1>
      %masked_cumsum3A_622 = tpu.scan <sum>, %add3A_265 masked %broadcast_in_dim3A_621 : vector<16xf32>, vector<16xi1> -> vector<16xf32>
      %add3A_623 = arith.constant 0.000000e+00 : f32
      %add3A_624 = vector.broadcast %add3A_623 : f32 to vector<16xf32>
      %add3A_625 = arith.addf %masked_cumsum3A_622, %add3A_624 : vector<16xf32>
      %reduce_max3A_626 = arith.constant true
      %reduce_max3A_627 = vector.broadcast %reduce_max3A_626 : i1 to vector<16xi1>
      %reduce_max3A_628 = tpu.scan <max>, %add3A_625 masked %reduce_max3A_627 : vector<16xf32>, vector<16xi1> -> vector<16xf32>
      %reduce_max3A_629 = vector.extract %reduce_max3A_628[15] : f32 from vector<16xf32>
      %broadcast_in_dim3A_630 = arith.constant true
      %broadcast_in_dim3A_631 = vector.broadcast %broadcast_in_dim3A_630 : i1 to vector<16xi1>
      %masked_cumsum3A_632 = tpu.scan <sum>, %add3A_429 masked %broadcast_in_dim3A_631 : vector<16xf32>, vector<16xi1> -> vector<16xf32>
      %add3A_633 = vector.broadcast %reduce_max3A_629 : f32 to vector<16xf32>
      %add3A_634 = arith.addf %masked_cumsum3A_632, %add3A_633 : vector<16xf32>
      %reduce_max3A_635 = arith.constant true
      %reduce_max3A_636 = vector.broadcast %reduce_max3A_635 : i1 to vector<16xi1>
      %reduce_max3A_637 = tpu.scan <max>, %add3A_634 masked %reduce_max3A_636 : vector<16xf32>, vector<16xi1> -> vector<16xf32>
      %reduce_max3A_638 = vector.extract %reduce_max3A_637[15] : f32 from vector<16xf32>
      %broadcast_in_dim3A_639 = arith.constant true
      %broadcast_in_dim3A_640 = vector.broadcast %broadcast_in_dim3A_639 : i1 to vector<16xi1>
      %masked_cumsum3A_641 = tpu.scan <sum>, %add3A_593 masked %broadcast_in_dim3A_640 : vector<16xf32>, vector<16xi1> -> vector<16xf32>
      %add3A_642 = vector.broadcast %reduce_max3A_638 : f32 to vector<16xf32>
      %add3A_643 = arith.addf %masked_cumsum3A_641, %add3A_642 : vector<16xf32>
      %reduce_max3A_644 = arith.constant true
      %reduce_max3A_645 = vector.broadcast %reduce_max3A_644 : i1 to vector<16xi1>
      %reduce_max3A_646 = tpu.scan <max>, %add3A_643 masked %reduce_max3A_645 : vector<16xf32>, vector<16xi1> -> vector<16xf32>
      %reduce_max3A_647 = vector.extract %reduce_max3A_646[15] : f32 from vector<16xf32>
      %eq3A = arith.constant 0 : i32
      %eq3A_648 = vector.broadcast %eq3A : i32 to vector<16xi32>
      %eq3A_649 = arith.cmpi eq, %iota3A, %eq3A_648 : vector<16xi32>
      %eq3A_650 = arith.constant 1 : i32
      %eq3A_651 = vector.broadcast %eq3A_650 : i32 to vector<16xi32>
      %eq3A_652 = arith.cmpi eq, %iota3A, %eq3A_651 : vector<16xi32>
      %jit3A = arith.constant 0.000000e+00 : f32
      %broadcast_in_dim3A_653 = vector.broadcast %reduce_max3A_647 : f32 to vector<16xf32>
      %broadcast_in_dim3A_654 = vector.broadcast %jit3A : f32 to vector<16xf32>
      %select_n3A = arith.select %eq3A_652, %broadcast_in_dim3A_653, %broadcast_in_dim3A_654 : vector<16xi1>, vector<16xf32>
      %broadcast_in_dim3A_655 = vector.broadcast %reduce_max3A_619 : f32 to vector<16xf32>
      %select_n3A_656 = arith.select %eq3A_649, %broadcast_in_dim3A_655, %select_n3A : vector<16xi1>, vector<16xf32>
      %swap3A_657 = arith.constant 0 : index
      %swap3A_658 = tpu.vector_load %arg13[%swap3A_657] {strides = array<i32>} : memref<128xf32, #tpu.memory_space<vmem>>, vector<16xf32>,
      tpu.vector_store %arg13[%swap3A_657], %select_n3A_656 {strides = array<i32>} : memref<128xf32, #tpu.memory_space<vmem>>, vector<16xf32>,
      "tpu.region"() ({
        %run_scoped3A_2909 = tpu.sem_alloc : memref<!tpu.dma_semaphore, #tpu.memory_space<semaphore_mem>>
        %dma_start3A_2910 = arith.constant 0 : i32
        %dma_start3A_2911 = tpu.memref_slice %arg19[%arg1, %dma_start3A_2910] : memref<16x128xf32, #tpu.memory_space<vmem_shared>> -> memref<1x128xf32, #tpu.memory_space<vmem_shared>>
        %dma_start3A_2912 = tpu.memref_squeeze %dma_start3A_2911 : memref<1x128xf32, #tpu.memory_space<vmem_shared>> -> memref<128xf32, #tpu.memory_space<vmem_shared>>
        %dma_start3A_2913 = arith.constant 0 : i32
        %dma_start3A_2914 = tpu.memref_slice %arg19[%arg1, %dma_start3A_2913] : memref<16x128xf32, #tpu.memory_space<vmem_shared>> -> memref<1x128xf32, #tpu.memory_space<vmem_shared>>
        %dma_start3A_2915 = tpu.memref_squeeze %dma_start3A_2914 : memref<1x128xf32, #tpu.memory_space<vmem_shared>> -> memref<128xf32, #tpu.memory_space<vmem_shared>>
        tpu.enqueue_dma source(%arg13 : memref<128xf32, #tpu.memory_space<vmem>>) target(%dma_start3A_2915 : memref<128xf32, #tpu.memory_space<vmem_shared>>) target_semaphore(%run_scoped3A_2909 : memref<!tpu.dma_semaphore, #tpu.memory_space<semaphore_mem>>)
        %dma_wait3A_2916 = arith.constant 0 : i32
        %dma_wait3A_2917 = tpu.memref_slice %arg19[%arg1, %dma_wait3A_2916] : memref<16x128xf32, #tpu.memory_space<vmem_shared>> -> memref<1x128xf32, #tpu.memory_space<vmem_shared>>
        %dma_wait3A_2918 = tpu.memref_squeeze %dma_wait3A_2917 : memref<1x128xf32, #tpu.memory_space<vmem_shared>> -> memref<128xf32, #tpu.memory_space<vmem_shared>>
        %dma_wait3A_2919 = arith.constant 0 : i32
        %dma_wait3A_2920 = tpu.memref_slice %arg19[%arg1, %dma_wait3A_2919] : memref<16x128xf32, #tpu.memory_space<vmem_shared>> -> memref<1x128xf32, #tpu.memory_space<vmem_shared>>
        %dma_wait3A_2921 = tpu.memref_squeeze %dma_wait3A_2920 : memref<1x128xf32, #tpu.memory_space<vmem_shared>> -> memref<128xf32, #tpu.memory_space<vmem_shared>>
        tpu.wait_dma2 semaphore(%run_scoped3A_2909 : memref<!tpu.dma_semaphore, #tpu.memory_space<semaphore_mem>>) src(%arg13 : memref<128xf32, #tpu.memory_space<vmem>>) dst(%dma_wait3A_2921 : memref<128xf32, #tpu.memory_space<vmem_shared>>)
        tpu.yield
      }) : () -> ()
      %barrier3A_659 = arith.constant 0 : index
      tpu.barrier barrier_id(%barrier3A_659)
      "tpu.region"() ({
        %run_scoped3A_2909 = tpu.sem_alloc : memref<!tpu.dma_semaphore, #tpu.memory_space<semaphore_mem>>
        tpu.enqueue_dma source(%arg19 : memref<16x128xf32, #tpu.memory_space<vmem_shared>>) target(%arg12 : memref<16x128xf32, #tpu.memory_space<vmem>>) target_semaphore(%run_scoped3A_2909 : memref<!tpu.dma_semaphore, #tpu.memory_space<semaphore_mem>>)
        tpu.wait_dma2 semaphore(%run_scoped3A_2909 : memref<!tpu.dma_semaphore, #tpu.memory_space<semaphore_mem>>) src(%arg19 : memref<16x128xf32, #tpu.memory_space<vmem_shared>>) dst(%arg12 : memref<16x128xf32, #tpu.memory_space<vmem>>)
        tpu.yield
      }) : () -> ()
      %gather3A = tpu.vector_load_idx %arg12[%iota3A, %broadcast_in_dim3A_2] : memref<16x128xf32, #tpu.memory_space<vmem>>[vector<16xi32>, vector<16xi32>], vector<16xf32>,
      %add3A_660 = arith.constant 1 : i32
      %add3A_661 = vector.broadcast %add3A_660 : i32 to vector<16xi32>
      %add3A_662 = arith.addi %broadcast_in_dim3A_2, %add3A_661 : vector<16xi32>
      %gather3A_663 = tpu.vector_load_idx %arg12[%iota3A, %add3A_662] : memref<16x128xf32, #tpu.memory_space<vmem>>[vector<16xi32>, vector<16xi32>], vector<16xf32>,
      %lt3A = vector.broadcast %arg1 : i32 to vector<16xi32>
      %lt3A_664 = arith.cmpi slt, %iota3A, %lt3A : vector<16xi32>
      %jit3A_665 = arith.constant 0.000000e+00 : f32
      %broadcast_in_dim3A_666 = vector.broadcast %jit3A_665 : f32 to vector<16xf32>
      %select_n3A_667 = arith.select %lt3A_664, %gather3A, %broadcast_in_dim3A_666 : vector<16xi1>, vector<16xf32>
      %reduce_sum3A = arith.constant true
      %reduce_sum3A_668 = vector.broadcast %reduce_sum3A : i1 to vector<16xi1>
      %reduce_sum3A_669 = tpu.scan <sum>, %select_n3A_667 masked %reduce_sum3A_668 : vector<16xf32>, vector<16xi1> -> vector<16xf32>
      %reduce_sum3A_670 = vector.extract %reduce_sum3A_669[15] : f32 from vector<16xf32>
      %jit3A_671 = arith.constant 0.000000e+00 : f32
      %broadcast_in_dim3A_672 = vector.broadcast %jit3A_671 : f32 to vector<16xf32>
      %select_n3A_673 = arith.select %lt3A_664, %gather3A_663, %broadcast_in_dim3A_672 : vector<16xi1>, vector<16xf32>
      %reduce_sum3A_674 = arith.constant true
      %reduce_sum3A_675 = vector.broadcast %reduce_sum3A_674 : i1 to vector<16xi1>
      %reduce_sum3A_676 = tpu.scan <sum>, %select_n3A_673 masked %reduce_sum3A_675 : vector<16xf32>, vector<16xi1> -> vector<16xf32>
      %reduce_sum3A_677 = vector.extract %reduce_sum3A_676[15] : f32 from vector<16xf32>
      %add3A_678 = vector.broadcast %reduce_sum3A_670 : f32 to vector<16xf32>
      %add3A_679 = arith.addf %add3A_598, %add3A_678 : vector<16xf32>
      %add3A_680 = vector.broadcast %reduce_sum3A_670 : f32 to vector<16xf32>
      %add3A_681 = arith.addf %add3A_606, %add3A_680 : vector<16xf32>
      %add3A_682 = vector.broadcast %reduce_sum3A_670 : f32 to vector<16xf32>
      %add3A_683 = arith.addf %add3A_615, %add3A_682 : vector<16xf32>
      %sub3A = arith.subf %add3A_679, %add3A_260 : vector<16xf32>
      %sub3A_684 = arith.subf %add3A_681, %add3A_424 : vector<16xf32>
      %sub3A_685 = arith.subf %add3A_683, %add3A_588 : vector<16xf32>
      %add3A_686 = vector.broadcast %reduce_sum3A_677 : f32 to vector<16xf32>
      %add3A_687 = arith.addf %add3A_625, %add3A_686 : vector<16xf32>
      %swap3A_688 = arith.constant 0 : index
      %swap3A_689 = tpu.vector_load %arg13[%swap3A_688] {strides = array<i32>} : memref<128xf32, #tpu.memory_space<vmem>>, vector<16xf32>,
      tpu.vector_store %arg13[%swap3A_688], %add3A_687 {strides = array<i32>} : memref<128xf32, #tpu.memory_space<vmem>>, vector<16xf32>,
      %add3A_690 = vector.broadcast %reduce_sum3A_677 : f32 to vector<16xf32>
      %add3A_691 = arith.addf %add3A_634, %add3A_690 : vector<16xf32>
      %swap3A_692 = arith.constant 16 : index
      %swap3A_693 = tpu.vector_load %arg13[%swap3A_692] {strides = array<i32>} : memref<128xf32, #tpu.memory_space<vmem>>, vector<16xf32>,
      tpu.vector_store %arg13[%swap3A_692], %add3A_691 {strides = array<i32>} : memref<128xf32, #tpu.memory_space<vmem>>, vector<16xf32>,
      %add3A_694 = vector.broadcast %reduce_sum3A_677 : f32 to vector<16xf32>
      %add3A_695 = arith.addf %add3A_643, %add3A_694 : vector<16xf32>
      %swap3A_696 = arith.constant 32 : index
      %swap3A_697 = tpu.vector_load %arg13[%swap3A_696] {strides = array<i32>} : memref<128xf32, #tpu.memory_space<vmem>>, vector<16xf32>,
      tpu.vector_store %arg13[%swap3A_696], %add3A_695 {strides = array<i32>} : memref<128xf32, #tpu.memory_space<vmem>>, vector<16xf32>,
      "tpu.region"() ({
        %run_scoped3A_2909 = tpu.sem_alloc : memref<!tpu.dma_semaphore, #tpu.memory_space<semaphore_mem>>
        %dma_start3A_2910 = arith.constant 0 : i32
        %dma_start3A_2911 = tpu.memref_slice %arg20[%arg1, %dma_start3A_2910] : memref<16x128xf32, #tpu.memory_space<vmem_shared>> -> memref<1x128xf32, #tpu.memory_space<vmem_shared>>
        %dma_start3A_2912 = tpu.memref_squeeze %dma_start3A_2911 : memref<1x128xf32, #tpu.memory_space<vmem_shared>> -> memref<128xf32, #tpu.memory_space<vmem_shared>>
        %dma_start3A_2913 = arith.constant 0 : i32
        %dma_start3A_2914 = tpu.memref_slice %arg20[%arg1, %dma_start3A_2913] : memref<16x128xf32, #tpu.memory_space<vmem_shared>> -> memref<1x128xf32, #tpu.memory_space<vmem_shared>>
        %dma_start3A_2915 = tpu.memref_squeeze %dma_start3A_2914 : memref<1x128xf32, #tpu.memory_space<vmem_shared>> -> memref<128xf32, #tpu.memory_space<vmem_shared>>
        tpu.enqueue_dma source(%arg13 : memref<128xf32, #tpu.memory_space<vmem>>) target(%dma_start3A_2915 : memref<128xf32, #tpu.memory_space<vmem_shared>>) target_semaphore(%run_scoped3A_2909 : memref<!tpu.dma_semaphore, #tpu.memory_space<semaphore_mem>>)
        %dma_wait3A_2916 = arith.constant 0 : i32
        %dma_wait3A_2917 = tpu.memref_slice %arg20[%arg1, %dma_wait3A_2916] : memref<16x128xf32, #tpu.memory_space<vmem_shared>> -> memref<1x128xf32, #tpu.memory_space<vmem_shared>>
        %dma_wait3A_2918 = tpu.memref_squeeze %dma_wait3A_2917 : memref<1x128xf32, #tpu.memory_space<vmem_shared>> -> memref<128xf32, #tpu.memory_space<vmem_shared>>
        %dma_wait3A_2919 = arith.constant 0 : i32
        %dma_wait3A_2920 = tpu.memref_slice %arg20[%arg1, %dma_wait3A_2919] : memref<16x128xf32, #tpu.memory_space<vmem_shared>> -> memref<1x128xf32, #tpu.memory_space<vmem_shared>>
        %dma_wait3A_2921 = tpu.memref_squeeze %dma_wait3A_2920 : memref<1x128xf32, #tpu.memory_space<vmem_shared>> -> memref<128xf32, #tpu.memory_space<vmem_shared>>
        tpu.wait_dma2 semaphore(%run_scoped3A_2909 : memref<!tpu.dma_semaphore, #tpu.memory_space<semaphore_mem>>) src(%arg13 : memref<128xf32, #tpu.memory_space<vmem>>) dst(%dma_wait3A_2921 : memref<128xf32, #tpu.memory_space<vmem_shared>>)
        tpu.yield
      }) : () -> ()
      %barrier3A_698 = arith.constant 0 : index
      tpu.barrier barrier_id(%barrier3A_698)
      "tpu.region"() ({
        %run_scoped3A_2909 = tpu.sem_alloc : memref<!tpu.dma_semaphore, #tpu.memory_space<semaphore_mem>>
        tpu.enqueue_dma source(%arg20 : memref<16x128xf32, #tpu.memory_space<vmem_shared>>) target(%arg12 : memref<16x128xf32, #tpu.memory_space<vmem>>) target_semaphore(%run_scoped3A_2909 : memref<!tpu.dma_semaphore, #tpu.memory_space<semaphore_mem>>)
        tpu.wait_dma2 semaphore(%run_scoped3A_2909 : memref<!tpu.dma_semaphore, #tpu.memory_space<semaphore_mem>>) src(%arg20 : memref<16x128xf32, #tpu.memory_space<vmem_shared>>) dst(%arg12 : memref<16x128xf32, #tpu.memory_space<vmem>>)
        tpu.yield
      }) : () -> ()
      %get3A_699 = arith.constant 0 : i32
      %get3A_700 = arith.index_cast %get3A_699 : i32 to index
      %get3A_701 = arith.constant 0 : index
      %get3A_702 = tpu.vector_load %arg12[%get3A_700, %get3A_701] {strides = array<i32>} : memref<16x128xf32, #tpu.memory_space<vmem>>, vector<16xf32>,
      %swap3A_703 = arith.constant 0 : index
      %swap3A_704 = tpu.vector_load %arg10[%swap3A_703] {strides = array<i32>} : memref<768xf32, #tpu.memory_space<vmem>>, vector<16xf32>,
      tpu.vector_store %arg10[%swap3A_703], %get3A_702 {strides = array<i32>} : memref<768xf32, #tpu.memory_space<vmem>>, vector<16xf32>,
      %get3A_705 = arith.constant 0 : i32
      %get3A_706 = arith.index_cast %get3A_705 : i32 to index
      %get3A_707 = arith.constant 16 : index
      %get3A_708 = tpu.vector_load %arg12[%get3A_706, %get3A_707] {strides = array<i32>} : memref<16x128xf32, #tpu.memory_space<vmem>>, vector<16xf32>,
      %swap3A_709 = arith.constant 16 : index
      %swap3A_710 = tpu.vector_load %arg10[%swap3A_709] {strides = array<i32>} : memref<768xf32, #tpu.memory_space<vmem>>, vector<16xf32>,
      tpu.vector_store %arg10[%swap3A_709], %get3A_708 {strides = array<i32>} : memref<768xf32, #tpu.memory_space<vmem>>, vector<16xf32>,
      %get3A_711 = arith.constant 0 : i32
      %get3A_712 = arith.index_cast %get3A_711 : i32 to index
      %get3A_713 = arith.constant 32 : index
      %get3A_714 = tpu.vector_load %arg12[%get3A_712, %get3A_713] {strides = array<i32>} : memref<16x128xf32, #tpu.memory_space<vmem>>, vector<16xf32>,
      %swap3A_715 = arith.constant 32 : index
      %swap3A_716 = tpu.vector_load %arg10[%swap3A_715] {strides = array<i32>} : memref<768xf32, #tpu.memory_space<vmem>>, vector<16xf32>,
      tpu.vector_store %arg10[%swap3A_715], %get3A_714 {strides = array<i32>} : memref<768xf32, #tpu.memory_space<vmem>>, vector<16xf32>,
      %get3A_717 = arith.constant 1 : i32
      %get3A_718 = arith.index_cast %get3A_717 : i32 to index
      %get3A_719 = arith.constant 0 : index
      %get3A_720 = tpu.vector_load %arg12[%get3A_718, %get3A_719] {strides = array<i32>} : memref<16x128xf32, #tpu.memory_space<vmem>>, vector<16xf32>,
      %swap3A_721 = arith.constant 48 : index
      %swap3A_722 = tpu.vector_load %arg10[%swap3A_721] {strides = array<i32>} : memref<768xf32, #tpu.memory_space<vmem>>, vector<16xf32>,
      tpu.vector_store %arg10[%swap3A_721], %get3A_720 {strides = array<i32>} : memref<768xf32, #tpu.memory_space<vmem>>, vector<16xf32>,
      %get3A_723 = arith.constant 1 : i32
      %get3A_724 = arith.index_cast %get3A_723 : i32 to index
      %get3A_725 = arith.constant 16 : index
      %get3A_726 = tpu.vector_load %arg12[%get3A_724, %get3A_725] {strides = array<i32>} : memref<16x128xf32, #tpu.memory_space<vmem>>, vector<16xf32>,
      %swap3A_727 = arith.constant 64 : index
      %swap3A_728 = tpu.vector_load %arg10[%swap3A_727] {strides = array<i32>} : memref<768xf32, #tpu.memory_space<vmem>>, vector<16xf32>,
      tpu.vector_store %arg10[%swap3A_727], %get3A_726 {strides = array<i32>} : memref<768xf32, #tpu.memory_space<vmem>>, vector<16xf32>,
      %get3A_729 = arith.constant 1 : i32
      %get3A_730 = arith.index_cast %get3A_729 : i32 to index
      %get3A_731 = arith.constant 32 : index
      %get3A_732 = tpu.vector_load %arg12[%get3A_730, %get3A_731] {strides = array<i32>} : memref<16x128xf32, #tpu.memory_space<vmem>>, vector<16xf32>,
      %swap3A_733 = arith.constant 80 : index
      %swap3A_734 = tpu.vector_load %arg10[%swap3A_733] {strides = array<i32>} : memref<768xf32, #tpu.memory_space<vmem>>, vector<16xf32>,
      tpu.vector_store %arg10[%swap3A_733], %get3A_732 {strides = array<i32>} : memref<768xf32, #tpu.memory_space<vmem>>, vector<16xf32>,
      %get3A_735 = arith.constant 2 : i32
      %get3A_736 = arith.index_cast %get3A_735 : i32 to index
      %get3A_737 = arith.constant 0 : index
      %get3A_738 = tpu.vector_load %arg12[%get3A_736, %get3A_737] {strides = array<i32>} : memref<16x128xf32, #tpu.memory_space<vmem>>, vector<16xf32>,
      %swap3A_739 = arith.constant 96 : index
      %swap3A_740 = tpu.vector_load %arg10[%swap3A_739] {strides = array<i32>} : memref<768xf32, #tpu.memory_space<vmem>>, vector<16xf32>,
      tpu.vector_store %arg10[%swap3A_739], %get3A_738 {strides = array<i32>} : memref<768xf32, #tpu.memory_space<vmem>>, vector<16xf32>,
      %get3A_741 = arith.constant 2 : i32
      %get3A_742 = arith.index_cast %get3A_741 : i32 to index
      %get3A_743 = arith.constant 16 : index
      %get3A_744 = tpu.vector_load %arg12[%get3A_742, %get3A_743] {strides = array<i32>} : memref<16x128xf32, #tpu.memory_space<vmem>>, vector<16xf32>,
      %swap3A_745 = arith.constant 112 : index
      %swap3A_746 = tpu.vector_load %arg10[%swap3A_745] {strides = array<i32>} : memref<768xf32, #tpu.memory_space<vmem>>, vector<16xf32>,
      tpu.vector_store %arg10[%swap3A_745], %get3A_744 {strides = array<i32>} : memref<768xf32, #tpu.memory_space<vmem>>, vector<16xf32>,
      %get3A_747 = arith.constant 2 : i32
      %get3A_748 = arith.index_cast %get3A_747 : i32 to index
      %get3A_749 = arith.constant 32 : index
      %get3A_750 = tpu.vector_load %arg12[%get3A_748, %get3A_749] {strides = array<i32>} : memref<16x128xf32, #tpu.memory_space<vmem>>, vector<16xf32>,
      %swap3A_751 = arith.constant 128 : index
      %swap3A_752 = tpu.vector_load %arg10[%swap3A_751] {strides = array<i32>} : memref<768xf32, #tpu.memory_space<vmem>>, vector<16xf32>,
      tpu.vector_store %arg10[%swap3A_751], %get3A_750 {strides = array<i32>} : memref<768xf32, #tpu.memory_space<vmem>>, vector<16xf32>,
      %get3A_753 = arith.constant 3 : i32
      %get3A_754 = arith.index_cast %get3A_753 : i32 to index
      %get3A_755 = arith.constant 0 : index
      %get3A_756 = tpu.vector_load %arg12[%get3A_754, %get3A_755] {strides = array<i32>} : memref<16x128xf32, #tpu.memory_space<vmem>>, vector<16xf32>,
      %swap3A_757 = arith.constant 144 : index
      %swap3A_758 = tpu.vector_load %arg10[%swap3A_757] {strides = array<i32>} : memref<768xf32, #tpu.memory_space<vmem>>, vector<16xf32>,
      tpu.vector_store %arg10[%swap3A_757], %get3A_756 {strides = array<i32>} : memref<768xf32, #tpu.memory_space<vmem>>, vector<16xf32>,
      %get3A_759 = arith.constant 3 : i32
      %get3A_760 = arith.index_cast %get3A_759 : i32 to index
      %get3A_761 = arith.constant 16 : index
      %get3A_762 = tpu.vector_load %arg12[%get3A_760, %get3A_761] {strides = array<i32>} : memref<16x128xf32, #tpu.memory_space<vmem>>, vector<16xf32>,
      %swap3A_763 = arith.constant 160 : index
      %swap3A_764 = tpu.vector_load %arg10[%swap3A_763] {strides = array<i32>} : memref<768xf32, #tpu.memory_space<vmem>>, vector<16xf32>,
      tpu.vector_store %arg10[%swap3A_763], %get3A_762 {strides = array<i32>} : memref<768xf32, #tpu.memory_space<vmem>>, vector<16xf32>,
      %get3A_765 = arith.constant 3 : i32
      %get3A_766 = arith.index_cast %get3A_765 : i32 to index
      %get3A_767 = arith.constant 32 : index
      %get3A_768 = tpu.vector_load %arg12[%get3A_766, %get3A_767] {strides = array<i32>} : memref<16x128xf32, #tpu.memory_space<vmem>>, vector<16xf32>,
      %swap3A_769 = arith.constant 176 : index
      %swap3A_770 = tpu.vector_load %arg10[%swap3A_769] {strides = array<i32>} : memref<768xf32, #tpu.memory_space<vmem>>, vector<16xf32>,
      tpu.vector_store %arg10[%swap3A_769], %get3A_768 {strides = array<i32>} : memref<768xf32, #tpu.memory_space<vmem>>, vector<16xf32>,
      %get3A_771 = arith.constant 4 : i32
      %get3A_772 = arith.index_cast %get3A_771 : i32 to index
      %get3A_773 = arith.constant 0 : index
      %get3A_774 = tpu.vector_load %arg12[%get3A_772, %get3A_773] {strides = array<i32>} : memref<16x128xf32, #tpu.memory_space<vmem>>, vector<16xf32>,
      %swap3A_775 = arith.constant 192 : index
      %swap3A_776 = tpu.vector_load %arg10[%swap3A_775] {strides = array<i32>} : memref<768xf32, #tpu.memory_space<vmem>>, vector<16xf32>,
      tpu.vector_store %arg10[%swap3A_775], %get3A_774 {strides = array<i32>} : memref<768xf32, #tpu.memory_space<vmem>>, vector<16xf32>,
      %get3A_777 = arith.constant 4 : i32
      %get3A_778 = arith.index_cast %get3A_777 : i32 to index
      %get3A_779 = arith.constant 16 : index
      %get3A_780 = tpu.vector_load %arg12[%get3A_778, %get3A_779] {strides = array<i32>} : memref<16x128xf32, #tpu.memory_space<vmem>>, vector<16xf32>,
      %swap3A_781 = arith.constant 208 : index
      %swap3A_782 = tpu.vector_load %arg10[%swap3A_781] {strides = array<i32>} : memref<768xf32, #tpu.memory_space<vmem>>, vector<16xf32>,
      tpu.vector_store %arg10[%swap3A_781], %get3A_780 {strides = array<i32>} : memref<768xf32, #tpu.memory_space<vmem>>, vector<16xf32>,
      %get3A_783 = arith.constant 4 : i32
      %get3A_784 = arith.index_cast %get3A_783 : i32 to index
      %get3A_785 = arith.constant 32 : index
      %get3A_786 = tpu.vector_load %arg12[%get3A_784, %get3A_785] {strides = array<i32>} : memref<16x128xf32, #tpu.memory_space<vmem>>, vector<16xf32>,
      %swap3A_787 = arith.constant 224 : index
      %swap3A_788 = tpu.vector_load %arg10[%swap3A_787] {strides = array<i32>} : memref<768xf32, #tpu.memory_space<vmem>>, vector<16xf32>,
      tpu.vector_store %arg10[%swap3A_787], %get3A_786 {strides = array<i32>} : memref<768xf32, #tpu.memory_space<vmem>>, vector<16xf32>,
      %get3A_789 = arith.constant 5 : i32
      %get3A_790 = arith.index_cast %get3A_789 : i32 to index
      %get3A_791 = arith.constant 0 : index
      %get3A_792 = tpu.vector_load %arg12[%get3A_790, %get3A_791] {strides = array<i32>} : memref<16x128xf32, #tpu.memory_space<vmem>>, vector<16xf32>,
      %swap3A_793 = arith.constant 240 : index
      %swap3A_794 = tpu.vector_load %arg10[%swap3A_793] {strides = array<i32>} : memref<768xf32, #tpu.memory_space<vmem>>, vector<16xf32>,
      tpu.vector_store %arg10[%swap3A_793], %get3A_792 {strides = array<i32>} : memref<768xf32, #tpu.memory_space<vmem>>, vector<16xf32>,
      %get3A_795 = arith.constant 5 : i32
      %get3A_796 = arith.index_cast %get3A_795 : i32 to index
      %get3A_797 = arith.constant 16 : index
      %get3A_798 = tpu.vector_load %arg12[%get3A_796, %get3A_797] {strides = array<i32>} : memref<16x128xf32, #tpu.memory_space<vmem>>, vector<16xf32>,
      %swap3A_799 = arith.constant 256 : index
      %swap3A_800 = tpu.vector_load %arg10[%swap3A_799] {strides = array<i32>} : memref<768xf32, #tpu.memory_space<vmem>>, vector<16xf32>,
      tpu.vector_store %arg10[%swap3A_799], %get3A_798 {strides = array<i32>} : memref<768xf32, #tpu.memory_space<vmem>>, vector<16xf32>,
      %get3A_801 = arith.constant 5 : i32
      %get3A_802 = arith.index_cast %get3A_801 : i32 to index
      %get3A_803 = arith.constant 32 : index
      %get3A_804 = tpu.vector_load %arg12[%get3A_802, %get3A_803] {strides = array<i32>} : memref<16x128xf32, #tpu.memory_space<vmem>>, vector<16xf32>,
      %swap3A_805 = arith.constant 272 : index
      %swap3A_806 = tpu.vector_load %arg10[%swap3A_805] {strides = array<i32>} : memref<768xf32, #tpu.memory_space<vmem>>, vector<16xf32>,
      tpu.vector_store %arg10[%swap3A_805], %get3A_804 {strides = array<i32>} : memref<768xf32, #tpu.memory_space<vmem>>, vector<16xf32>,
      %get3A_807 = arith.constant 6 : i32
      %get3A_808 = arith.index_cast %get3A_807 : i32 to index
      %get3A_809 = arith.constant 0 : index
      %get3A_810 = tpu.vector_load %arg12[%get3A_808, %get3A_809] {strides = array<i32>} : memref<16x128xf32, #tpu.memory_space<vmem>>, vector<16xf32>,
      %swap3A_811 = arith.constant 288 : index
      %swap3A_812 = tpu.vector_load %arg10[%swap3A_811] {strides = array<i32>} : memref<768xf32, #tpu.memory_space<vmem>>, vector<16xf32>,
      tpu.vector_store %arg10[%swap3A_811], %get3A_810 {strides = array<i32>} : memref<768xf32, #tpu.memory_space<vmem>>, vector<16xf32>,
      %get3A_813 = arith.constant 6 : i32
      %get3A_814 = arith.index_cast %get3A_813 : i32 to index
      %get3A_815 = arith.constant 16 : index
      %get3A_816 = tpu.vector_load %arg12[%get3A_814, %get3A_815] {strides = array<i32>} : memref<16x128xf32, #tpu.memory_space<vmem>>, vector<16xf32>,
      %swap3A_817 = arith.constant 304 : index
      %swap3A_818 = tpu.vector_load %arg10[%swap3A_817] {strides = array<i32>} : memref<768xf32, #tpu.memory_space<vmem>>, vector<16xf32>,
      tpu.vector_store %arg10[%swap3A_817], %get3A_816 {strides = array<i32>} : memref<768xf32, #tpu.memory_space<vmem>>, vector<16xf32>,
      %get3A_819 = arith.constant 6 : i32
      %get3A_820 = arith.index_cast %get3A_819 : i32 to index
      %get3A_821 = arith.constant 32 : index
      %get3A_822 = tpu.vector_load %arg12[%get3A_820, %get3A_821] {strides = array<i32>} : memref<16x128xf32, #tpu.memory_space<vmem>>, vector<16xf32>,
      %swap3A_823 = arith.constant 320 : index
      %swap3A_824 = tpu.vector_load %arg10[%swap3A_823] {strides = array<i32>} : memref<768xf32, #tpu.memory_space<vmem>>, vector<16xf32>,
      tpu.vector_store %arg10[%swap3A_823], %get3A_822 {strides = array<i32>} : memref<768xf32, #tpu.memory_space<vmem>>, vector<16xf32>,
      %get3A_825 = arith.constant 7 : i32
      %get3A_826 = arith.index_cast %get3A_825 : i32 to index
      %get3A_827 = arith.constant 0 : index
      %get3A_828 = tpu.vector_load %arg12[%get3A_826, %get3A_827] {strides = array<i32>} : memref<16x128xf32, #tpu.memory_space<vmem>>, vector<16xf32>,
      %swap3A_829 = arith.constant 336 : index
      %swap3A_830 = tpu.vector_load %arg10[%swap3A_829] {strides = array<i32>} : memref<768xf32, #tpu.memory_space<vmem>>, vector<16xf32>,
      tpu.vector_store %arg10[%swap3A_829], %get3A_828 {strides = array<i32>} : memref<768xf32, #tpu.memory_space<vmem>>, vector<16xf32>,
      %get3A_831 = arith.constant 7 : i32
      %get3A_832 = arith.index_cast %get3A_831 : i32 to index
      %get3A_833 = arith.constant 16 : index
      %get3A_834 = tpu.vector_load %arg12[%get3A_832, %get3A_833] {strides = array<i32>} : memref<16x128xf32, #tpu.memory_space<vmem>>, vector<16xf32>,
      %swap3A_835 = arith.constant 352 : index
      %swap3A_836 = tpu.vector_load %arg10[%swap3A_835] {strides = array<i32>} : memref<768xf32, #tpu.memory_space<vmem>>, vector<16xf32>,
      tpu.vector_store %arg10[%swap3A_835], %get3A_834 {strides = array<i32>} : memref<768xf32, #tpu.memory_space<vmem>>, vector<16xf32>,
      %get3A_837 = arith.constant 7 : i32
      %get3A_838 = arith.index_cast %get3A_837 : i32 to index
      %get3A_839 = arith.constant 32 : index
      %get3A_840 = tpu.vector_load %arg12[%get3A_838, %get3A_839] {strides = array<i32>} : memref<16x128xf32, #tpu.memory_space<vmem>>, vector<16xf32>,
      %swap3A_841 = arith.constant 368 : index
      %swap3A_842 = tpu.vector_load %arg10[%swap3A_841] {strides = array<i32>} : memref<768xf32, #tpu.memory_space<vmem>>, vector<16xf32>,
      tpu.vector_store %arg10[%swap3A_841], %get3A_840 {strides = array<i32>} : memref<768xf32, #tpu.memory_space<vmem>>, vector<16xf32>,
      %get3A_843 = arith.constant 8 : i32
      %get3A_844 = arith.index_cast %get3A_843 : i32 to index
      %get3A_845 = arith.constant 0 : index
      %get3A_846 = tpu.vector_load %arg12[%get3A_844, %get3A_845] {strides = array<i32>} : memref<16x128xf32, #tpu.memory_space<vmem>>, vector<16xf32>,
      %swap3A_847 = arith.constant 384 : index
      %swap3A_848 = tpu.vector_load %arg10[%swap3A_847] {strides = array<i32>} : memref<768xf32, #tpu.memory_space<vmem>>, vector<16xf32>,
      tpu.vector_store %arg10[%swap3A_847], %get3A_846 {strides = array<i32>} : memref<768xf32, #tpu.memory_space<vmem>>, vector<16xf32>,
      %get3A_849 = arith.constant 8 : i32
      %get3A_850 = arith.index_cast %get3A_849 : i32 to index
      %get3A_851 = arith.constant 16 : index
      %get3A_852 = tpu.vector_load %arg12[%get3A_850, %get3A_851] {strides = array<i32>} : memref<16x128xf32, #tpu.memory_space<vmem>>, vector<16xf32>,
      %swap3A_853 = arith.constant 400 : index
      %swap3A_854 = tpu.vector_load %arg10[%swap3A_853] {strides = array<i32>} : memref<768xf32, #tpu.memory_space<vmem>>, vector<16xf32>,
      tpu.vector_store %arg10[%swap3A_853], %get3A_852 {strides = array<i32>} : memref<768xf32, #tpu.memory_space<vmem>>, vector<16xf32>,
      %get3A_855 = arith.constant 8 : i32
      %get3A_856 = arith.index_cast %get3A_855 : i32 to index
      %get3A_857 = arith.constant 32 : index
      %get3A_858 = tpu.vector_load %arg12[%get3A_856, %get3A_857] {strides = array<i32>} : memref<16x128xf32, #tpu.memory_space<vmem>>, vector<16xf32>,
      %swap3A_859 = arith.constant 416 : index
      %swap3A_860 = tpu.vector_load %arg10[%swap3A_859] {strides = array<i32>} : memref<768xf32, #tpu.memory_space<vmem>>, vector<16xf32>,
      tpu.vector_store %arg10[%swap3A_859], %get3A_858 {strides = array<i32>} : memref<768xf32, #tpu.memory_space<vmem>>, vector<16xf32>,
      %get3A_861 = arith.constant 9 : i32
      %get3A_862 = arith.index_cast %get3A_861 : i32 to index
      %get3A_863 = arith.constant 0 : index
      %get3A_864 = tpu.vector_load %arg12[%get3A_862, %get3A_863] {strides = array<i32>} : memref<16x128xf32, #tpu.memory_space<vmem>>, vector<16xf32>,
      %swap3A_865 = arith.constant 432 : index
      %swap3A_866 = tpu.vector_load %arg10[%swap3A_865] {strides = array<i32>} : memref<768xf32, #tpu.memory_space<vmem>>, vector<16xf32>,
      tpu.vector_store %arg10[%swap3A_865], %get3A_864 {strides = array<i32>} : memref<768xf32, #tpu.memory_space<vmem>>, vector<16xf32>,
      %get3A_867 = arith.constant 9 : i32
      %get3A_868 = arith.index_cast %get3A_867 : i32 to index
      %get3A_869 = arith.constant 16 : index
      %get3A_870 = tpu.vector_load %arg12[%get3A_868, %get3A_869] {strides = array<i32>} : memref<16x128xf32, #tpu.memory_space<vmem>>, vector<16xf32>,
      %swap3A_871 = arith.constant 448 : index
      %swap3A_872 = tpu.vector_load %arg10[%swap3A_871] {strides = array<i32>} : memref<768xf32, #tpu.memory_space<vmem>>, vector<16xf32>,
      tpu.vector_store %arg10[%swap3A_871], %get3A_870 {strides = array<i32>} : memref<768xf32, #tpu.memory_space<vmem>>, vector<16xf32>,
      %get3A_873 = arith.constant 9 : i32
      %get3A_874 = arith.index_cast %get3A_873 : i32 to index
      %get3A_875 = arith.constant 32 : index
      %get3A_876 = tpu.vector_load %arg12[%get3A_874, %get3A_875] {strides = array<i32>} : memref<16x128xf32, #tpu.memory_space<vmem>>, vector<16xf32>,
      %swap3A_877 = arith.constant 464 : index
      %swap3A_878 = tpu.vector_load %arg10[%swap3A_877] {strides = array<i32>} : memref<768xf32, #tpu.memory_space<vmem>>, vector<16xf32>,
      tpu.vector_store %arg10[%swap3A_877], %get3A_876 {strides = array<i32>} : memref<768xf32, #tpu.memory_space<vmem>>, vector<16xf32>,
      %get3A_879 = arith.constant 10 : i32
      %get3A_880 = arith.index_cast %get3A_879 : i32 to index
      %get3A_881 = arith.constant 0 : index
      %get3A_882 = tpu.vector_load %arg12[%get3A_880, %get3A_881] {strides = array<i32>} : memref<16x128xf32, #tpu.memory_space<vmem>>, vector<16xf32>,
      %swap3A_883 = arith.constant 480 : index
      %swap3A_884 = tpu.vector_load %arg10[%swap3A_883] {strides = array<i32>} : memref<768xf32, #tpu.memory_space<vmem>>, vector<16xf32>,
      tpu.vector_store %arg10[%swap3A_883], %get3A_882 {strides = array<i32>} : memref<768xf32, #tpu.memory_space<vmem>>, vector<16xf32>,
      %get3A_885 = arith.constant 10 : i32
      %get3A_886 = arith.index_cast %get3A_885 : i32 to index
      %get3A_887 = arith.constant 16 : index
      %get3A_888 = tpu.vector_load %arg12[%get3A_886, %get3A_887] {strides = array<i32>} : memref<16x128xf32, #tpu.memory_space<vmem>>, vector<16xf32>,
      %swap3A_889 = arith.constant 496 : index
      %swap3A_890 = tpu.vector_load %arg10[%swap3A_889] {strides = array<i32>} : memref<768xf32, #tpu.memory_space<vmem>>, vector<16xf32>,
      tpu.vector_store %arg10[%swap3A_889], %get3A_888 {strides = array<i32>} : memref<768xf32, #tpu.memory_space<vmem>>, vector<16xf32>,
      %get3A_891 = arith.constant 10 : i32
      %get3A_892 = arith.index_cast %get3A_891 : i32 to index
      %get3A_893 = arith.constant 32 : index
      %get3A_894 = tpu.vector_load %arg12[%get3A_892, %get3A_893] {strides = array<i32>} : memref<16x128xf32, #tpu.memory_space<vmem>>, vector<16xf32>,
      %swap3A_895 = arith.constant 512 : index
      %swap3A_896 = tpu.vector_load %arg10[%swap3A_895] {strides = array<i32>} : memref<768xf32, #tpu.memory_space<vmem>>, vector<16xf32>,
      tpu.vector_store %arg10[%swap3A_895], %get3A_894 {strides = array<i32>} : memref<768xf32, #tpu.memory_space<vmem>>, vector<16xf32>,
      %get3A_897 = arith.constant 11 : i32
      %get3A_898 = arith.index_cast %get3A_897 : i32 to index
      %get3A_899 = arith.constant 0 : index
      %get3A_900 = tpu.vector_load %arg12[%get3A_898, %get3A_899] {strides = array<i32>} : memref<16x128xf32, #tpu.memory_space<vmem>>, vector<16xf32>,
      %swap3A_901 = arith.constant 528 : index
      %swap3A_902 = tpu.vector_load %arg10[%swap3A_901] {strides = array<i32>} : memref<768xf32, #tpu.memory_space<vmem>>, vector<16xf32>,
      tpu.vector_store %arg10[%swap3A_901], %get3A_900 {strides = array<i32>} : memref<768xf32, #tpu.memory_space<vmem>>, vector<16xf32>,
      %get3A_903 = arith.constant 11 : i32
      %get3A_904 = arith.index_cast %get3A_903 : i32 to index
      %get3A_905 = arith.constant 16 : index
      %get3A_906 = tpu.vector_load %arg12[%get3A_904, %get3A_905] {strides = array<i32>} : memref<16x128xf32, #tpu.memory_space<vmem>>, vector<16xf32>,
      %swap3A_907 = arith.constant 544 : index
      %swap3A_908 = tpu.vector_load %arg10[%swap3A_907] {strides = array<i32>} : memref<768xf32, #tpu.memory_space<vmem>>, vector<16xf32>,
      tpu.vector_store %arg10[%swap3A_907], %get3A_906 {strides = array<i32>} : memref<768xf32, #tpu.memory_space<vmem>>, vector<16xf32>,
      %get3A_909 = arith.constant 11 : i32
      %get3A_910 = arith.index_cast %get3A_909 : i32 to index
      %get3A_911 = arith.constant 32 : index
      %get3A_912 = tpu.vector_load %arg12[%get3A_910, %get3A_911] {strides = array<i32>} : memref<16x128xf32, #tpu.memory_space<vmem>>, vector<16xf32>,
      %swap3A_913 = arith.constant 560 : index
      %swap3A_914 = tpu.vector_load %arg10[%swap3A_913] {strides = array<i32>} : memref<768xf32, #tpu.memory_space<vmem>>, vector<16xf32>,
      tpu.vector_store %arg10[%swap3A_913], %get3A_912 {strides = array<i32>} : memref<768xf32, #tpu.memory_space<vmem>>, vector<16xf32>,
      %get3A_915 = arith.constant 12 : i32
      %get3A_916 = arith.index_cast %get3A_915 : i32 to index
      %get3A_917 = arith.constant 0 : index
      %get3A_918 = tpu.vector_load %arg12[%get3A_916, %get3A_917] {strides = array<i32>} : memref<16x128xf32, #tpu.memory_space<vmem>>, vector<16xf32>,
      %swap3A_919 = arith.constant 576 : index
      %swap3A_920 = tpu.vector_load %arg10[%swap3A_919] {strides = array<i32>} : memref<768xf32, #tpu.memory_space<vmem>>, vector<16xf32>,
      tpu.vector_store %arg10[%swap3A_919], %get3A_918 {strides = array<i32>} : memref<768xf32, #tpu.memory_space<vmem>>, vector<16xf32>,
      %get3A_921 = arith.constant 12 : i32
      %get3A_922 = arith.index_cast %get3A_921 : i32 to index
      %get3A_923 = arith.constant 16 : index
      %get3A_924 = tpu.vector_load %arg12[%get3A_922, %get3A_923] {strides = array<i32>} : memref<16x128xf32, #tpu.memory_space<vmem>>, vector<16xf32>,
      %swap3A_925 = arith.constant 592 : index
      %swap3A_926 = tpu.vector_load %arg10[%swap3A_925] {strides = array<i32>} : memref<768xf32, #tpu.memory_space<vmem>>, vector<16xf32>,
      tpu.vector_store %arg10[%swap3A_925], %get3A_924 {strides = array<i32>} : memref<768xf32, #tpu.memory_space<vmem>>, vector<16xf32>,
      %get3A_927 = arith.constant 12 : i32
      %get3A_928 = arith.index_cast %get3A_927 : i32 to index
      %get3A_929 = arith.constant 32 : index
      %get3A_930 = tpu.vector_load %arg12[%get3A_928, %get3A_929] {strides = array<i32>} : memref<16x128xf32, #tpu.memory_space<vmem>>, vector<16xf32>,
      %swap3A_931 = arith.constant 608 : index
      %swap3A_932 = tpu.vector_load %arg10[%swap3A_931] {strides = array<i32>} : memref<768xf32, #tpu.memory_space<vmem>>, vector<16xf32>,
      tpu.vector_store %arg10[%swap3A_931], %get3A_930 {strides = array<i32>} : memref<768xf32, #tpu.memory_space<vmem>>, vector<16xf32>,
      %get3A_933 = arith.constant 13 : i32
      %get3A_934 = arith.index_cast %get3A_933 : i32 to index
      %get3A_935 = arith.constant 0 : index
      %get3A_936 = tpu.vector_load %arg12[%get3A_934, %get3A_935] {strides = array<i32>} : memref<16x128xf32, #tpu.memory_space<vmem>>, vector<16xf32>,
      %swap3A_937 = arith.constant 624 : index
      %swap3A_938 = tpu.vector_load %arg10[%swap3A_937] {strides = array<i32>} : memref<768xf32, #tpu.memory_space<vmem>>, vector<16xf32>,
      tpu.vector_store %arg10[%swap3A_937], %get3A_936 {strides = array<i32>} : memref<768xf32, #tpu.memory_space<vmem>>, vector<16xf32>,
      %get3A_939 = arith.constant 13 : i32
      %get3A_940 = arith.index_cast %get3A_939 : i32 to index
      %get3A_941 = arith.constant 16 : index
      %get3A_942 = tpu.vector_load %arg12[%get3A_940, %get3A_941] {strides = array<i32>} : memref<16x128xf32, #tpu.memory_space<vmem>>, vector<16xf32>,
      %swap3A_943 = arith.constant 640 : index
      %swap3A_944 = tpu.vector_load %arg10[%swap3A_943] {strides = array<i32>} : memref<768xf32, #tpu.memory_space<vmem>>, vector<16xf32>,
      tpu.vector_store %arg10[%swap3A_943], %get3A_942 {strides = array<i32>} : memref<768xf32, #tpu.memory_space<vmem>>, vector<16xf32>,
      %get3A_945 = arith.constant 13 : i32
      %get3A_946 = arith.index_cast %get3A_945 : i32 to index
      %get3A_947 = arith.constant 32 : index
      %get3A_948 = tpu.vector_load %arg12[%get3A_946, %get3A_947] {strides = array<i32>} : memref<16x128xf32, #tpu.memory_space<vmem>>, vector<16xf32>,
      %swap3A_949 = arith.constant 656 : index
      %swap3A_950 = tpu.vector_load %arg10[%swap3A_949] {strides = array<i32>} : memref<768xf32, #tpu.memory_space<vmem>>, vector<16xf32>,
      tpu.vector_store %arg10[%swap3A_949], %get3A_948 {strides = array<i32>} : memref<768xf32, #tpu.memory_space<vmem>>, vector<16xf32>,
      %get3A_951 = arith.constant 14 : i32
      %get3A_952 = arith.index_cast %get3A_951 : i32 to index
      %get3A_953 = arith.constant 0 : index
      %get3A_954 = tpu.vector_load %arg12[%get3A_952, %get3A_953] {strides = array<i32>} : memref<16x128xf32, #tpu.memory_space<vmem>>, vector<16xf32>,
      %swap3A_955 = arith.constant 672 : index
      %swap3A_956 = tpu.vector_load %arg10[%swap3A_955] {strides = array<i32>} : memref<768xf32, #tpu.memory_space<vmem>>, vector<16xf32>,
      tpu.vector_store %arg10[%swap3A_955], %get3A_954 {strides = array<i32>} : memref<768xf32, #tpu.memory_space<vmem>>, vector<16xf32>,
      %get3A_957 = arith.constant 14 : i32
      %get3A_958 = arith.index_cast %get3A_957 : i32 to index
      %get3A_959 = arith.constant 16 : index
      %get3A_960 = tpu.vector_load %arg12[%get3A_958, %get3A_959] {strides = array<i32>} : memref<16x128xf32, #tpu.memory_space<vmem>>, vector<16xf32>,
      %swap3A_961 = arith.constant 688 : index
      %swap3A_962 = tpu.vector_load %arg10[%swap3A_961] {strides = array<i32>} : memref<768xf32, #tpu.memory_space<vmem>>, vector<16xf32>,
      tpu.vector_store %arg10[%swap3A_961], %get3A_960 {strides = array<i32>} : memref<768xf32, #tpu.memory_space<vmem>>, vector<16xf32>,
      %get3A_963 = arith.constant 14 : i32
      %get3A_964 = arith.index_cast %get3A_963 : i32 to index
      %get3A_965 = arith.constant 32 : index
      %get3A_966 = tpu.vector_load %arg12[%get3A_964, %get3A_965] {strides = array<i32>} : memref<16x128xf32, #tpu.memory_space<vmem>>, vector<16xf32>,
      %swap3A_967 = arith.constant 704 : index
      %swap3A_968 = tpu.vector_load %arg10[%swap3A_967] {strides = array<i32>} : memref<768xf32, #tpu.memory_space<vmem>>, vector<16xf32>,
      tpu.vector_store %arg10[%swap3A_967], %get3A_966 {strides = array<i32>} : memref<768xf32, #tpu.memory_space<vmem>>, vector<16xf32>,
      %get3A_969 = arith.constant 15 : i32
      %get3A_970 = arith.index_cast %get3A_969 : i32 to index
      %get3A_971 = arith.constant 0 : index
      %get3A_972 = tpu.vector_load %arg12[%get3A_970, %get3A_971] {strides = array<i32>} : memref<16x128xf32, #tpu.memory_space<vmem>>, vector<16xf32>,
      %swap3A_973 = arith.constant 720 : index
      %swap3A_974 = tpu.vector_load %arg10[%swap3A_973] {strides = array<i32>} : memref<768xf32, #tpu.memory_space<vmem>>, vector<16xf32>,
      tpu.vector_store %arg10[%swap3A_973], %get3A_972 {strides = array<i32>} : memref<768xf32, #tpu.memory_space<vmem>>, vector<16xf32>,
      %get3A_975 = arith.constant 15 : i32
      %get3A_976 = arith.index_cast %get3A_975 : i32 to index
      %get3A_977 = arith.constant 16 : index
      %get3A_978 = tpu.vector_load %arg12[%get3A_976, %get3A_977] {strides = array<i32>} : memref<16x128xf32, #tpu.memory_space<vmem>>, vector<16xf32>,
      %swap3A_979 = arith.constant 736 : index
      %swap3A_980 = tpu.vector_load %arg10[%swap3A_979] {strides = array<i32>} : memref<768xf32, #tpu.memory_space<vmem>>, vector<16xf32>,
      tpu.vector_store %arg10[%swap3A_979], %get3A_978 {strides = array<i32>} : memref<768xf32, #tpu.memory_space<vmem>>, vector<16xf32>,
      %get3A_981 = arith.constant 15 : i32
      %get3A_982 = arith.index_cast %get3A_981 : i32 to index
      %get3A_983 = arith.constant 32 : index
      %get3A_984 = tpu.vector_load %arg12[%get3A_982, %get3A_983] {strides = array<i32>} : memref<16x128xf32, #tpu.memory_space<vmem>>, vector<16xf32>,
      %swap3A_985 = arith.constant 752 : index
      %swap3A_986 = tpu.vector_load %arg10[%swap3A_985] {strides = array<i32>} : memref<768xf32, #tpu.memory_space<vmem>>, vector<16xf32>,
      tpu.vector_store %arg10[%swap3A_985], %get3A_984 {strides = array<i32>} : memref<768xf32, #tpu.memory_space<vmem>>, vector<16xf32>,
      %sub3A_987 = arith.constant 5.000000e-01 : f32
      %sub3A_988 = arith.subf %scan3A_10, %sub3A_987 : f32
      %min3A = vector.broadcast %sub3A_988 : f32 to vector<16xf32>
      %min3A_989 = arith.minimumf %sub3A, %min3A : vector<16xf32>
      %broadcast_in_dim3A_990 = arith.constant 0 : i32
      %broadcast_in_dim3A_991 = vector.broadcast %broadcast_in_dim3A_990 : i32 to vector<16xi32>
      %broadcast_in_dim3A_992 = arith.constant 512 : i32
      %broadcast_in_dim3A_993 = vector.broadcast %broadcast_in_dim3A_992 : i32 to vector<16xi32>
      %add3A_994 = arith.addi %broadcast_in_dim3A_991, %broadcast_in_dim3A_993 : vector<16xi32>
      %shift_right_arithmetic3A = arith.constant 1 : i32
      %shift_right_arithmetic3A_995 = vector.broadcast %shift_right_arithmetic3A : i32 to vector<16xi32>
      %shift_right_arithmetic3A_996 = arith.shrsi %add3A_994, %shift_right_arithmetic3A_995 : vector<16xi32>
      %gather3A_997 = tpu.vector_load_idx %arg10[%shift_right_arithmetic3A_996] : memref<768xf32, #tpu.memory_space<vmem>>[vector<16xi32>], vector<16xf32>,
      %gt3A = arith.cmpf ogt, %gather3A_997, %min3A_989 : vector<16xf32>
      %select_n3A_998 = arith.select %gt3A, %shift_right_arithmetic3A_996, %broadcast_in_dim3A_993 : vector<16xi1>, vector<16xi32>
      %add3A_999 = arith.constant 1 : i32
      %add3A_1000 = vector.broadcast %add3A_999 : i32 to vector<16xi32>
      %add3A_1001 = arith.addi %shift_right_arithmetic3A_996, %add3A_1000 : vector<16xi32>
      %select_n3A_1002 = arith.select %gt3A, %broadcast_in_dim3A_991, %add3A_1001 : vector<16xi1>, vector<16xi32>
      %add3A_1003 = arith.addi %select_n3A_1002, %select_n3A_998 : vector<16xi32>
      %shift_right_arithmetic3A_1004 = arith.constant 1 : i32
      %shift_right_arithmetic3A_1005 = vector.broadcast %shift_right_arithmetic3A_1004 : i32 to vector<16xi32>
      %shift_right_arithmetic3A_1006 = arith.shrsi %add3A_1003, %shift_right_arithmetic3A_1005 : vector<16xi32>
      %gather3A_1007 = tpu.vector_load_idx %arg10[%shift_right_arithmetic3A_1006] : memref<768xf32, #tpu.memory_space<vmem>>[vector<16xi32>], vector<16xf32>,
      %gt3A_1008 = arith.cmpf ogt, %gather3A_1007, %min3A_989 : vector<16xf32>
      %select_n3A_1009 = arith.select %gt3A_1008, %shift_right_arithmetic3A_1006, %select_n3A_998 : vector<16xi1>, vector<16xi32>
      %add3A_1010 = arith.constant 1 : i32
      %add3A_1011 = vector.broadcast %add3A_1010 : i32 to vector<16xi32>
      %add3A_1012 = arith.addi %shift_right_arithmetic3A_1006, %add3A_1011 : vector<16xi32>
      %select_n3A_1013 = arith.select %gt3A_1008, %select_n3A_1002, %add3A_1012 : vector<16xi1>, vector<16xi32>
      %add3A_1014 = arith.addi %select_n3A_1013, %select_n3A_1009 : vector<16xi32>
      %shift_right_arithmetic3A_1015 = arith.constant 1 : i32
      %shift_right_arithmetic3A_1016 = vector.broadcast %shift_right_arithmetic3A_1015 : i32 to vector<16xi32>
      %shift_right_arithmetic3A_1017 = arith.shrsi %add3A_1014, %shift_right_arithmetic3A_1016 : vector<16xi32>
      %gather3A_1018 = tpu.vector_load_idx %arg10[%shift_right_arithmetic3A_1017] : memref<768xf32, #tpu.memory_space<vmem>>[vector<16xi32>], vector<16xf32>,
      %gt3A_1019 = arith.cmpf ogt, %gather3A_1018, %min3A_989 : vector<16xf32>
      %select_n3A_1020 = arith.select %gt3A_1019, %shift_right_arithmetic3A_1017, %select_n3A_1009 : vector<16xi1>, vector<16xi32>
      %add3A_1021 = arith.constant 1 : i32
      %add3A_1022 = vector.broadcast %add3A_1021 : i32 to vector<16xi32>
      %add3A_1023 = arith.addi %shift_right_arithmetic3A_1017, %add3A_1022 : vector<16xi32>
      %select_n3A_1024 = arith.select %gt3A_1019, %select_n3A_1013, %add3A_1023 : vector<16xi1>, vector<16xi32>
      %add3A_1025 = arith.addi %select_n3A_1024, %select_n3A_1020 : vector<16xi32>
      %shift_right_arithmetic3A_1026 = arith.constant 1 : i32
      %shift_right_arithmetic3A_1027 = vector.broadcast %shift_right_arithmetic3A_1026 : i32 to vector<16xi32>
      %shift_right_arithmetic3A_1028 = arith.shrsi %add3A_1025, %shift_right_arithmetic3A_1027 : vector<16xi32>
      %gather3A_1029 = tpu.vector_load_idx %arg10[%shift_right_arithmetic3A_1028] : memref<768xf32, #tpu.memory_space<vmem>>[vector<16xi32>], vector<16xf32>,
      %gt3A_1030 = arith.cmpf ogt, %gather3A_1029, %min3A_989 : vector<16xf32>
      %select_n3A_1031 = arith.select %gt3A_1030, %shift_right_arithmetic3A_1028, %select_n3A_1020 : vector<16xi1>, vector<16xi32>
      %add3A_1032 = arith.constant 1 : i32
      %add3A_1033 = vector.broadcast %add3A_1032 : i32 to vector<16xi32>
      %add3A_1034 = arith.addi %shift_right_arithmetic3A_1028, %add3A_1033 : vector<16xi32>
      %select_n3A_1035 = arith.select %gt3A_1030, %select_n3A_1024, %add3A_1034 : vector<16xi1>, vector<16xi32>
      %add3A_1036 = arith.addi %select_n3A_1035, %select_n3A_1031 : vector<16xi32>
      %shift_right_arithmetic3A_1037 = arith.constant 1 : i32
      %shift_right_arithmetic3A_1038 = vector.broadcast %shift_right_arithmetic3A_1037 : i32 to vector<16xi32>
      %shift_right_arithmetic3A_1039 = arith.shrsi %add3A_1036, %shift_right_arithmetic3A_1038 : vector<16xi32>
      %gather3A_1040 = tpu.vector_load_idx %arg10[%shift_right_arithmetic3A_1039] : memref<768xf32, #tpu.memory_space<vmem>>[vector<16xi32>], vector<16xf32>,
      %gt3A_1041 = arith.cmpf ogt, %gather3A_1040, %min3A_989 : vector<16xf32>
      %select_n3A_1042 = arith.select %gt3A_1041, %shift_right_arithmetic3A_1039, %select_n3A_1031 : vector<16xi1>, vector<16xi32>
      %add3A_1043 = arith.constant 1 : i32
      %add3A_1044 = vector.broadcast %add3A_1043 : i32 to vector<16xi32>
      %add3A_1045 = arith.addi %shift_right_arithmetic3A_1039, %add3A_1044 : vector<16xi32>
      %select_n3A_1046 = arith.select %gt3A_1041, %select_n3A_1035, %add3A_1045 : vector<16xi1>, vector<16xi32>
      %add3A_1047 = arith.addi %select_n3A_1046, %select_n3A_1042 : vector<16xi32>
      %shift_right_arithmetic3A_1048 = arith.constant 1 : i32
      %shift_right_arithmetic3A_1049 = vector.broadcast %shift_right_arithmetic3A_1048 : i32 to vector<16xi32>
      %shift_right_arithmetic3A_1050 = arith.shrsi %add3A_1047, %shift_right_arithmetic3A_1049 : vector<16xi32>
      %gather3A_1051 = tpu.vector_load_idx %arg10[%shift_right_arithmetic3A_1050] : memref<768xf32, #tpu.memory_space<vmem>>[vector<16xi32>], vector<16xf32>,
      %gt3A_1052 = arith.cmpf ogt, %gather3A_1051, %min3A_989 : vector<16xf32>
      %select_n3A_1053 = arith.select %gt3A_1052, %shift_right_arithmetic3A_1050, %select_n3A_1042 : vector<16xi1>, vector<16xi32>
      %add3A_1054 = arith.constant 1 : i32
      %add3A_1055 = vector.broadcast %add3A_1054 : i32 to vector<16xi32>
      %add3A_1056 = arith.addi %shift_right_arithmetic3A_1050, %add3A_1055 : vector<16xi32>
      %select_n3A_1057 = arith.select %gt3A_1052, %select_n3A_1046, %add3A_1056 : vector<16xi1>, vector<16xi32>
      %add3A_1058 = arith.addi %select_n3A_1057, %select_n3A_1053 : vector<16xi32>
      %shift_right_arithmetic3A_1059 = arith.constant 1 : i32
      %shift_right_arithmetic3A_1060 = vector.broadcast %shift_right_arithmetic3A_1059 : i32 to vector<16xi32>
      %shift_right_arithmetic3A_1061 = arith.shrsi %add3A_1058, %shift_right_arithmetic3A_1060 : vector<16xi32>
      %gather3A_1062 = tpu.vector_load_idx %arg10[%shift_right_arithmetic3A_1061] : memref<768xf32, #tpu.memory_space<vmem>>[vector<16xi32>], vector<16xf32>,
      %gt3A_1063 = arith.cmpf ogt, %gather3A_1062, %min3A_989 : vector<16xf32>
      %select_n3A_1064 = arith.select %gt3A_1063, %shift_right_arithmetic3A_1061, %select_n3A_1053 : vector<16xi1>, vector<16xi32>
      %add3A_1065 = arith.constant 1 : i32
      %add3A_1066 = vector.broadcast %add3A_1065 : i32 to vector<16xi32>
      %add3A_1067 = arith.addi %shift_right_arithmetic3A_1061, %add3A_1066 : vector<16xi32>
      %select_n3A_1068 = arith.select %gt3A_1063, %select_n3A_1057, %add3A_1067 : vector<16xi1>, vector<16xi32>
      %add3A_1069 = arith.addi %select_n3A_1068, %select_n3A_1064 : vector<16xi32>
      %shift_right_arithmetic3A_1070 = arith.constant 1 : i32
      %shift_right_arithmetic3A_1071 = vector.broadcast %shift_right_arithmetic3A_1070 : i32 to vector<16xi32>
      %shift_right_arithmetic3A_1072 = arith.shrsi %add3A_1069, %shift_right_arithmetic3A_1071 : vector<16xi32>
      %gather3A_1073 = tpu.vector_load_idx %arg10[%shift_right_arithmetic3A_1072] : memref<768xf32, #tpu.memory_space<vmem>>[vector<16xi32>], vector<16xf32>,
      %gt3A_1074 = arith.cmpf ogt, %gather3A_1073, %min3A_989 : vector<16xf32>
      %select_n3A_1075 = arith.select %gt3A_1074, %shift_right_arithmetic3A_1072, %select_n3A_1064 : vector<16xi1>, vector<16xi32>
      %add3A_1076 = arith.constant 1 : i32
      %add3A_1077 = vector.broadcast %add3A_1076 : i32 to vector<16xi32>
      %add3A_1078 = arith.addi %shift_right_arithmetic3A_1072, %add3A_1077 : vector<16xi32>
      %select_n3A_1079 = arith.select %gt3A_1074, %select_n3A_1068, %add3A_1078 : vector<16xi1>, vector<16xi32>
      %add3A_1080 = arith.addi %select_n3A_1079, %select_n3A_1075 : vector<16xi32>
      %shift_right_arithmetic3A_1081 = arith.constant 1 : i32
      %shift_right_arithmetic3A_1082 = vector.broadcast %shift_right_arithmetic3A_1081 : i32 to vector<16xi32>
      %shift_right_arithmetic3A_1083 = arith.shrsi %add3A_1080, %shift_right_arithmetic3A_1082 : vector<16xi32>
      %gather3A_1084 = tpu.vector_load_idx %arg10[%shift_right_arithmetic3A_1083] : memref<768xf32, #tpu.memory_space<vmem>>[vector<16xi32>], vector<16xf32>,
      %gt3A_1085 = arith.cmpf ogt, %gather3A_1084, %min3A_989 : vector<16xf32>
      %select_n3A_1086 = arith.select %gt3A_1085, %shift_right_arithmetic3A_1083, %select_n3A_1075 : vector<16xi1>, vector<16xi32>
      %add3A_1087 = arith.constant 1 : i32
      %add3A_1088 = vector.broadcast %add3A_1087 : i32 to vector<16xi32>
      %add3A_1089 = arith.addi %shift_right_arithmetic3A_1083, %add3A_1088 : vector<16xi32>
      %select_n3A_1090 = arith.select %gt3A_1085, %select_n3A_1079, %add3A_1089 : vector<16xi1>, vector<16xi32>
      %add3A_1091 = arith.addi %select_n3A_1090, %select_n3A_1086 : vector<16xi32>
      %shift_right_arithmetic3A_1092 = arith.constant 1 : i32
      %shift_right_arithmetic3A_1093 = vector.broadcast %shift_right_arithmetic3A_1092 : i32 to vector<16xi32>
      %shift_right_arithmetic3A_1094 = arith.shrsi %add3A_1091, %shift_right_arithmetic3A_1093 : vector<16xi32>
      %gather3A_1095 = tpu.vector_load_idx %arg10[%shift_right_arithmetic3A_1094] : memref<768xf32, #tpu.memory_space<vmem>>[vector<16xi32>], vector<16xf32>,
      %gt3A_1096 = arith.cmpf ogt, %gather3A_1095, %min3A_989 : vector<16xf32>
      %select_n3A_1097 = arith.select %gt3A_1096, %shift_right_arithmetic3A_1094, %select_n3A_1086 : vector<16xi1>, vector<16xi32>
      %add3A_1098 = arith.constant 1 : i32
      %add3A_1099 = vector.broadcast %add3A_1098 : i32 to vector<16xi32>
      %add3A_1100 = arith.addi %shift_right_arithmetic3A_1094, %add3A_1099 : vector<16xi32>
      %select_n3A_1101 = arith.select %gt3A_1096, %select_n3A_1090, %add3A_1100 : vector<16xi1>, vector<16xi32>
      %sub3A_1102 = arith.constant 1 : i32
      %sub3A_1103 = vector.broadcast %sub3A_1102 : i32 to vector<16xi32>
      %sub3A_1104 = arith.subi %select_n3A_1101, %sub3A_1103 : vector<16xi32>
      %max3A = arith.constant 0 : i32
      %max3A_1105 = vector.broadcast %max3A : i32 to vector<16xi32>
      %max3A_1106 = arith.maxsi %sub3A_1104, %max3A_1105 : vector<16xi32>
      %gather3A_1107 = tpu.vector_load_idx %arg10[%max3A_1106] : memref<768xf32, #tpu.memory_space<vmem>>[vector<16xi32>], vector<16xf32>,
      %eq3A_1108 = arith.constant 0 : i32
      %eq3A_1109 = vector.broadcast %eq3A_1108 : i32 to vector<16xi32>
      %eq3A_1110 = arith.cmpi eq, %select_n3A_1101, %eq3A_1109 : vector<16xi32>
      %jit3A_1111 = arith.constant 0.000000e+00 : f32
      %broadcast_in_dim3A_1112 = vector.broadcast %jit3A_1111 : f32 to vector<16xf32>
      %select_n3A_1113 = arith.select %eq3A_1110, %broadcast_in_dim3A_1112, %gather3A_1107 : vector<16xi1>, vector<16xf32>
      %gather3A_1114 = tpu.vector_load_idx %arg10[%select_n3A_1101] : memref<768xf32, #tpu.memory_space<vmem>>[vector<16xi32>], vector<16xf32>,
      %sub3A_1115 = arith.subf %gather3A_1114, %select_n3A_1113 : vector<16xf32>
      %max3A_1116 = arith.constant 1.000000e+00 : f32
      %max3A_1117 = vector.broadcast %max3A_1116 : f32 to vector<16xf32>
      %max3A_1118 = arith.maximumf %sub3A_1115, %max3A_1117 : vector<16xf32>
      %convert_element_type3A = arith.sitofp %select_n3A_1101 : vector<16xi32> to vector<16xf32>
      %sub3A_1119 = arith.constant 1.000000e+00 : f32
      %sub3A_1120 = vector.broadcast %sub3A_1119 : f32 to vector<16xf32>
      %sub3A_1121 = arith.subf %convert_element_type3A, %sub3A_1120 : vector<16xf32>
      %mul3A_1122 = arith.constant 0.001953125 : f32
      %mul3A_1123 = vector.broadcast %mul3A_1122 : f32 to vector<16xf32>
      %mul3A_1124 = arith.mulf %sub3A_1121, %mul3A_1123 : vector<16xf32>
      %sub3A_1125 = arith.subf %min3A_989, %select_n3A_1113 : vector<16xf32>
      %mul3A_1126 = arith.constant 0.001953125 : f32
      %mul3A_1127 = vector.broadcast %mul3A_1126 : f32 to vector<16xf32>
      %mul3A_1128 = arith.mulf %mul3A_1127, %sub3A_1125 : vector<16xf32>
      %div3A = arith.divf %mul3A_1128, %max3A_1118 : vector<16xf32>
      %add3A_1129 = arith.addf %mul3A_1124, %div3A : vector<16xf32>
      %eq3A_1130 = arith.constant 0 : i32
      %eq3A_1131 = vector.broadcast %eq3A_1130 : i32 to vector<16xi32>
      %eq3A_1132 = arith.cmpi eq, %select_n3A_1101, %eq3A_1131 : vector<16xi32>
      %jit3A_1133 = arith.constant 0.000000e+00 : f32
      %broadcast_in_dim3A_1134 = vector.broadcast %jit3A_1133 : f32 to vector<16xf32>
      %select_n3A_1135 = arith.select %eq3A_1132, %broadcast_in_dim3A_1134, %add3A_1129 : vector<16xi1>, vector<16xf32>
      %sub3A_1136 = arith.constant 5.000000e-01 : f32
      %sub3A_1137 = arith.subf %scan3A_10, %sub3A_1136 : f32
      %min3A_1138 = vector.broadcast %sub3A_1137 : f32 to vector<16xf32>
      %min3A_1139 = arith.minimumf %add3A_679, %min3A_1138 : vector<16xf32>
      %broadcast_in_dim3A_1140 = arith.constant 0 : i32
      %broadcast_in_dim3A_1141 = vector.broadcast %broadcast_in_dim3A_1140 : i32 to vector<16xi32>
      %broadcast_in_dim3A_1142 = arith.constant 512 : i32
      %broadcast_in_dim3A_1143 = vector.broadcast %broadcast_in_dim3A_1142 : i32 to vector<16xi32>
      %add3A_1144 = arith.addi %broadcast_in_dim3A_1141, %broadcast_in_dim3A_1143 : vector<16xi32>
      %shift_right_arithmetic3A_1145 = arith.constant 1 : i32
      %shift_right_arithmetic3A_1146 = vector.broadcast %shift_right_arithmetic3A_1145 : i32 to vector<16xi32>
      %shift_right_arithmetic3A_1147 = arith.shrsi %add3A_1144, %shift_right_arithmetic3A_1146 : vector<16xi32>
      %gather3A_1148 = tpu.vector_load_idx %arg10[%shift_right_arithmetic3A_1147] : memref<768xf32, #tpu.memory_space<vmem>>[vector<16xi32>], vector<16xf32>,
      %gt3A_1149 = arith.cmpf ogt, %gather3A_1148, %min3A_1139 : vector<16xf32>
      %select_n3A_1150 = arith.select %gt3A_1149, %shift_right_arithmetic3A_1147, %broadcast_in_dim3A_1143 : vector<16xi1>, vector<16xi32>
      %add3A_1151 = arith.constant 1 : i32
      %add3A_1152 = vector.broadcast %add3A_1151 : i32 to vector<16xi32>
      %add3A_1153 = arith.addi %shift_right_arithmetic3A_1147, %add3A_1152 : vector<16xi32>
      %select_n3A_1154 = arith.select %gt3A_1149, %broadcast_in_dim3A_1141, %add3A_1153 : vector<16xi1>, vector<16xi32>
      %add3A_1155 = arith.addi %select_n3A_1154, %select_n3A_1150 : vector<16xi32>
      %shift_right_arithmetic3A_1156 = arith.constant 1 : i32
      %shift_right_arithmetic3A_1157 = vector.broadcast %shift_right_arithmetic3A_1156 : i32 to vector<16xi32>
      %shift_right_arithmetic3A_1158 = arith.shrsi %add3A_1155, %shift_right_arithmetic3A_1157 : vector<16xi32>
      %gather3A_1159 = tpu.vector_load_idx %arg10[%shift_right_arithmetic3A_1158] : memref<768xf32, #tpu.memory_space<vmem>>[vector<16xi32>], vector<16xf32>,
      %gt3A_1160 = arith.cmpf ogt, %gather3A_1159, %min3A_1139 : vector<16xf32>
      %select_n3A_1161 = arith.select %gt3A_1160, %shift_right_arithmetic3A_1158, %select_n3A_1150 : vector<16xi1>, vector<16xi32>
      %add3A_1162 = arith.constant 1 : i32
      %add3A_1163 = vector.broadcast %add3A_1162 : i32 to vector<16xi32>
      %add3A_1164 = arith.addi %shift_right_arithmetic3A_1158, %add3A_1163 : vector<16xi32>
      %select_n3A_1165 = arith.select %gt3A_1160, %select_n3A_1154, %add3A_1164 : vector<16xi1>, vector<16xi32>
      %add3A_1166 = arith.addi %select_n3A_1165, %select_n3A_1161 : vector<16xi32>
      %shift_right_arithmetic3A_1167 = arith.constant 1 : i32
      %shift_right_arithmetic3A_1168 = vector.broadcast %shift_right_arithmetic3A_1167 : i32 to vector<16xi32>
      %shift_right_arithmetic3A_1169 = arith.shrsi %add3A_1166, %shift_right_arithmetic3A_1168 : vector<16xi32>
      %gather3A_1170 = tpu.vector_load_idx %arg10[%shift_right_arithmetic3A_1169] : memref<768xf32, #tpu.memory_space<vmem>>[vector<16xi32>], vector<16xf32>,
      %gt3A_1171 = arith.cmpf ogt, %gather3A_1170, %min3A_1139 : vector<16xf32>
      %select_n3A_1172 = arith.select %gt3A_1171, %shift_right_arithmetic3A_1169, %select_n3A_1161 : vector<16xi1>, vector<16xi32>
      %add3A_1173 = arith.constant 1 : i32
      %add3A_1174 = vector.broadcast %add3A_1173 : i32 to vector<16xi32>
      %add3A_1175 = arith.addi %shift_right_arithmetic3A_1169, %add3A_1174 : vector<16xi32>
      %select_n3A_1176 = arith.select %gt3A_1171, %select_n3A_1165, %add3A_1175 : vector<16xi1>, vector<16xi32>
      %add3A_1177 = arith.addi %select_n3A_1176, %select_n3A_1172 : vector<16xi32>
      %shift_right_arithmetic3A_1178 = arith.constant 1 : i32
      %shift_right_arithmetic3A_1179 = vector.broadcast %shift_right_arithmetic3A_1178 : i32 to vector<16xi32>
      %shift_right_arithmetic3A_1180 = arith.shrsi %add3A_1177, %shift_right_arithmetic3A_1179 : vector<16xi32>
      %gather3A_1181 = tpu.vector_load_idx %arg10[%shift_right_arithmetic3A_1180] : memref<768xf32, #tpu.memory_space<vmem>>[vector<16xi32>], vector<16xf32>,
      %gt3A_1182 = arith.cmpf ogt, %gather3A_1181, %min3A_1139 : vector<16xf32>
      %select_n3A_1183 = arith.select %gt3A_1182, %shift_right_arithmetic3A_1180, %select_n3A_1172 : vector<16xi1>, vector<16xi32>
      %add3A_1184 = arith.constant 1 : i32
      %add3A_1185 = vector.broadcast %add3A_1184 : i32 to vector<16xi32>
      %add3A_1186 = arith.addi %shift_right_arithmetic3A_1180, %add3A_1185 : vector<16xi32>
      %select_n3A_1187 = arith.select %gt3A_1182, %select_n3A_1176, %add3A_1186 : vector<16xi1>, vector<16xi32>
      %add3A_1188 = arith.addi %select_n3A_1187, %select_n3A_1183 : vector<16xi32>
      %shift_right_arithmetic3A_1189 = arith.constant 1 : i32
      %shift_right_arithmetic3A_1190 = vector.broadcast %shift_right_arithmetic3A_1189 : i32 to vector<16xi32>
      %shift_right_arithmetic3A_1191 = arith.shrsi %add3A_1188, %shift_right_arithmetic3A_1190 : vector<16xi32>
      %gather3A_1192 = tpu.vector_load_idx %arg10[%shift_right_arithmetic3A_1191] : memref<768xf32, #tpu.memory_space<vmem>>[vector<16xi32>], vector<16xf32>,
      %gt3A_1193 = arith.cmpf ogt, %gather3A_1192, %min3A_1139 : vector<16xf32>
      %select_n3A_1194 = arith.select %gt3A_1193, %shift_right_arithmetic3A_1191, %select_n3A_1183 : vector<16xi1>, vector<16xi32>
      %add3A_1195 = arith.constant 1 : i32
      %add3A_1196 = vector.broadcast %add3A_1195 : i32 to vector<16xi32>
      %add3A_1197 = arith.addi %shift_right_arithmetic3A_1191, %add3A_1196 : vector<16xi32>
      %select_n3A_1198 = arith.select %gt3A_1193, %select_n3A_1187, %add3A_1197 : vector<16xi1>, vector<16xi32>
      %add3A_1199 = arith.addi %select_n3A_1198, %select_n3A_1194 : vector<16xi32>
      %shift_right_arithmetic3A_1200 = arith.constant 1 : i32
      %shift_right_arithmetic3A_1201 = vector.broadcast %shift_right_arithmetic3A_1200 : i32 to vector<16xi32>
      %shift_right_arithmetic3A_1202 = arith.shrsi %add3A_1199, %shift_right_arithmetic3A_1201 : vector<16xi32>
      %gather3A_1203 = tpu.vector_load_idx %arg10[%shift_right_arithmetic3A_1202] : memref<768xf32, #tpu.memory_space<vmem>>[vector<16xi32>], vector<16xf32>,
      %gt3A_1204 = arith.cmpf ogt, %gather3A_1203, %min3A_1139 : vector<16xf32>
      %select_n3A_1205 = arith.select %gt3A_1204, %shift_right_arithmetic3A_1202, %select_n3A_1194 : vector<16xi1>, vector<16xi32>
      %add3A_1206 = arith.constant 1 : i32
      %add3A_1207 = vector.broadcast %add3A_1206 : i32 to vector<16xi32>
      %add3A_1208 = arith.addi %shift_right_arithmetic3A_1202, %add3A_1207 : vector<16xi32>
      %select_n3A_1209 = arith.select %gt3A_1204, %select_n3A_1198, %add3A_1208 : vector<16xi1>, vector<16xi32>
      %add3A_1210 = arith.addi %select_n3A_1209, %select_n3A_1205 : vector<16xi32>
      %shift_right_arithmetic3A_1211 = arith.constant 1 : i32
      %shift_right_arithmetic3A_1212 = vector.broadcast %shift_right_arithmetic3A_1211 : i32 to vector<16xi32>
      %shift_right_arithmetic3A_1213 = arith.shrsi %add3A_1210, %shift_right_arithmetic3A_1212 : vector<16xi32>
      %gather3A_1214 = tpu.vector_load_idx %arg10[%shift_right_arithmetic3A_1213] : memref<768xf32, #tpu.memory_space<vmem>>[vector<16xi32>], vector<16xf32>,
      %gt3A_1215 = arith.cmpf ogt, %gather3A_1214, %min3A_1139 : vector<16xf32>
      %select_n3A_1216 = arith.select %gt3A_1215, %shift_right_arithmetic3A_1213, %select_n3A_1205 : vector<16xi1>, vector<16xi32>
      %add3A_1217 = arith.constant 1 : i32
      %add3A_1218 = vector.broadcast %add3A_1217 : i32 to vector<16xi32>
      %add3A_1219 = arith.addi %shift_right_arithmetic3A_1213, %add3A_1218 : vector<16xi32>
      %select_n3A_1220 = arith.select %gt3A_1215, %select_n3A_1209, %add3A_1219 : vector<16xi1>, vector<16xi32>
      %add3A_1221 = arith.addi %select_n3A_1220, %select_n3A_1216 : vector<16xi32>
      %shift_right_arithmetic3A_1222 = arith.constant 1 : i32
      %shift_right_arithmetic3A_1223 = vector.broadcast %shift_right_arithmetic3A_1222 : i32 to vector<16xi32>
      %shift_right_arithmetic3A_1224 = arith.shrsi %add3A_1221, %shift_right_arithmetic3A_1223 : vector<16xi32>
      %gather3A_1225 = tpu.vector_load_idx %arg10[%shift_right_arithmetic3A_1224] : memref<768xf32, #tpu.memory_space<vmem>>[vector<16xi32>], vector<16xf32>,
      %gt3A_1226 = arith.cmpf ogt, %gather3A_1225, %min3A_1139 : vector<16xf32>
      %select_n3A_1227 = arith.select %gt3A_1226, %shift_right_arithmetic3A_1224, %select_n3A_1216 : vector<16xi1>, vector<16xi32>
      %add3A_1228 = arith.constant 1 : i32
      %add3A_1229 = vector.broadcast %add3A_1228 : i32 to vector<16xi32>
      %add3A_1230 = arith.addi %shift_right_arithmetic3A_1224, %add3A_1229 : vector<16xi32>
      %select_n3A_1231 = arith.select %gt3A_1226, %select_n3A_1220, %add3A_1230 : vector<16xi1>, vector<16xi32>
      %add3A_1232 = arith.addi %select_n3A_1231, %select_n3A_1227 : vector<16xi32>
      %shift_right_arithmetic3A_1233 = arith.constant 1 : i32
      %shift_right_arithmetic3A_1234 = vector.broadcast %shift_right_arithmetic3A_1233 : i32 to vector<16xi32>
      %shift_right_arithmetic3A_1235 = arith.shrsi %add3A_1232, %shift_right_arithmetic3A_1234 : vector<16xi32>
      %gather3A_1236 = tpu.vector_load_idx %arg10[%shift_right_arithmetic3A_1235] : memref<768xf32, #tpu.memory_space<vmem>>[vector<16xi32>], vector<16xf32>,
      %gt3A_1237 = arith.cmpf ogt, %gather3A_1236, %min3A_1139 : vector<16xf32>
      %select_n3A_1238 = arith.select %gt3A_1237, %shift_right_arithmetic3A_1235, %select_n3A_1227 : vector<16xi1>, vector<16xi32>
      %add3A_1239 = arith.constant 1 : i32
      %add3A_1240 = vector.broadcast %add3A_1239 : i32 to vector<16xi32>
      %add3A_1241 = arith.addi %shift_right_arithmetic3A_1235, %add3A_1240 : vector<16xi32>
      %select_n3A_1242 = arith.select %gt3A_1237, %select_n3A_1231, %add3A_1241 : vector<16xi1>, vector<16xi32>
      %add3A_1243 = arith.addi %select_n3A_1242, %select_n3A_1238 : vector<16xi32>
      %shift_right_arithmetic3A_1244 = arith.constant 1 : i32
      %shift_right_arithmetic3A_1245 = vector.broadcast %shift_right_arithmetic3A_1244 : i32 to vector<16xi32>
      %shift_right_arithmetic3A_1246 = arith.shrsi %add3A_1243, %shift_right_arithmetic3A_1245 : vector<16xi32>
      %gather3A_1247 = tpu.vector_load_idx %arg10[%shift_right_arithmetic3A_1246] : memref<768xf32, #tpu.memory_space<vmem>>[vector<16xi32>], vector<16xf32>,
      %gt3A_1248 = arith.cmpf ogt, %gather3A_1247, %min3A_1139 : vector<16xf32>
      %select_n3A_1249 = arith.select %gt3A_1248, %shift_right_arithmetic3A_1246, %select_n3A_1238 : vector<16xi1>, vector<16xi32>
      %add3A_1250 = arith.constant 1 : i32
      %add3A_1251 = vector.broadcast %add3A_1250 : i32 to vector<16xi32>
      %add3A_1252 = arith.addi %shift_right_arithmetic3A_1246, %add3A_1251 : vector<16xi32>
      %select_n3A_1253 = arith.select %gt3A_1248, %select_n3A_1242, %add3A_1252 : vector<16xi1>, vector<16xi32>
      %sub3A_1254 = arith.constant 1 : i32
      %sub3A_1255 = vector.broadcast %sub3A_1254 : i32 to vector<16xi32>
      %sub3A_1256 = arith.subi %select_n3A_1253, %sub3A_1255 : vector<16xi32>
      %max3A_1257 = arith.constant 0 : i32
      %max3A_1258 = vector.broadcast %max3A_1257 : i32 to vector<16xi32>
      %max3A_1259 = arith.maxsi %sub3A_1256, %max3A_1258 : vector<16xi32>
      %gather3A_1260 = tpu.vector_load_idx %arg10[%max3A_1259] : memref<768xf32, #tpu.memory_space<vmem>>[vector<16xi32>], vector<16xf32>,
      %eq3A_1261 = arith.constant 0 : i32
      %eq3A_1262 = vector.broadcast %eq3A_1261 : i32 to vector<16xi32>
      %eq3A_1263 = arith.cmpi eq, %select_n3A_1253, %eq3A_1262 : vector<16xi32>
      %jit3A_1264 = arith.constant 0.000000e+00 : f32
      %broadcast_in_dim3A_1265 = vector.broadcast %jit3A_1264 : f32 to vector<16xf32>
      %select_n3A_1266 = arith.select %eq3A_1263, %broadcast_in_dim3A_1265, %gather3A_1260 : vector<16xi1>, vector<16xf32>
      %gather3A_1267 = tpu.vector_load_idx %arg10[%select_n3A_1253] : memref<768xf32, #tpu.memory_space<vmem>>[vector<16xi32>], vector<16xf32>,
      %sub3A_1268 = arith.subf %gather3A_1267, %select_n3A_1266 : vector<16xf32>
      %max3A_1269 = arith.constant 1.000000e+00 : f32
      %max3A_1270 = vector.broadcast %max3A_1269 : f32 to vector<16xf32>
      %max3A_1271 = arith.maximumf %sub3A_1268, %max3A_1270 : vector<16xf32>
      %convert_element_type3A_1272 = arith.sitofp %select_n3A_1253 : vector<16xi32> to vector<16xf32>
      %sub3A_1273 = arith.constant 1.000000e+00 : f32
      %sub3A_1274 = vector.broadcast %sub3A_1273 : f32 to vector<16xf32>
      %sub3A_1275 = arith.subf %convert_element_type3A_1272, %sub3A_1274 : vector<16xf32>
      %mul3A_1276 = arith.constant 0.001953125 : f32
      %mul3A_1277 = vector.broadcast %mul3A_1276 : f32 to vector<16xf32>
      %mul3A_1278 = arith.mulf %sub3A_1275, %mul3A_1277 : vector<16xf32>
      %sub3A_1279 = arith.subf %min3A_1139, %select_n3A_1266 : vector<16xf32>
      %mul3A_1280 = arith.constant 0.001953125 : f32
      %mul3A_1281 = vector.broadcast %mul3A_1280 : f32 to vector<16xf32>
      %mul3A_1282 = arith.mulf %mul3A_1281, %sub3A_1279 : vector<16xf32>
      %div3A_1283 = arith.divf %mul3A_1282, %max3A_1271 : vector<16xf32>
      %add3A_1284 = arith.addf %mul3A_1278, %div3A_1283 : vector<16xf32>
      %eq3A_1285 = arith.constant 0 : i32
      %eq3A_1286 = vector.broadcast %eq3A_1285 : i32 to vector<16xi32>
      %eq3A_1287 = arith.cmpi eq, %select_n3A_1253, %eq3A_1286 : vector<16xi32>
      %jit3A_1288 = arith.constant 0.000000e+00 : f32
      %broadcast_in_dim3A_1289 = vector.broadcast %jit3A_1288 : f32 to vector<16xf32>
      %select_n3A_1290 = arith.select %eq3A_1287, %broadcast_in_dim3A_1289, %add3A_1284 : vector<16xi1>, vector<16xf32>
      %mul3A_1291 = arith.constant 48 : i32
      %mul3A_1292 = arith.muli %arg1, %mul3A_1291 : i32
      %add3A_1293 = arith.constant 0 : i32
      %add3A_1294 = arith.addi %mul3A_1292, %add3A_1293 : i32
      %add3A_1295 = vector.broadcast %add3A_1294 : i32 to vector<16xi32>
      %add3A_1296 = arith.addi %add3A_1295, %iota3A : vector<16xi32>
      %eq3A_1297 = arith.constant 0 : i32
      %eq3A_1298 = vector.broadcast %eq3A_1297 : i32 to vector<16xi32>
      %eq3A_1299 = arith.cmpi eq, %add3A_1296, %eq3A_1298 : vector<16xi32>
      %sub3A_1300 = arith.subf %select_n3A_1290, %select_n3A_1135 : vector<16xf32>
      %jit3A_1301 = arith.constant 0.000000e+00 : f32
      %broadcast_in_dim3A_1302 = vector.broadcast %jit3A_1301 : f32 to vector<16xf32>
      %select_n3A_1303 = arith.select %eq3A_1299, %broadcast_in_dim3A_1302, %sub3A_1300 : vector<16xi1>, vector<16xf32>
      %swap3A_1304 = arith.constant 0 : index
      %swap3A_1305 = tpu.vector_load %arg13[%swap3A_1304] {strides = array<i32>} : memref<128xf32, #tpu.memory_space<vmem>>, vector<16xf32>,
      tpu.vector_store %arg13[%swap3A_1304], %select_n3A_1135 {strides = array<i32>} : memref<128xf32, #tpu.memory_space<vmem>>, vector<16xf32>,
      %swap3A_1306 = arith.constant 64 : index
      %swap3A_1307 = tpu.vector_load %arg13[%swap3A_1306] {strides = array<i32>} : memref<128xf32, #tpu.memory_space<vmem>>, vector<16xf32>,
      tpu.vector_store %arg13[%swap3A_1306], %select_n3A_1303 {strides = array<i32>} : memref<128xf32, #tpu.memory_space<vmem>>, vector<16xf32>,
      %sub3A_1308 = arith.constant 5.000000e-01 : f32
      %sub3A_1309 = arith.subf %scan3A_10, %sub3A_1308 : f32
      %min3A_1310 = vector.broadcast %sub3A_1309 : f32 to vector<16xf32>
      %min3A_1311 = arith.minimumf %sub3A_684, %min3A_1310 : vector<16xf32>
      %broadcast_in_dim3A_1312 = arith.constant 0 : i32
      %broadcast_in_dim3A_1313 = vector.broadcast %broadcast_in_dim3A_1312 : i32 to vector<16xi32>
      %broadcast_in_dim3A_1314 = arith.constant 512 : i32
      %broadcast_in_dim3A_1315 = vector.broadcast %broadcast_in_dim3A_1314 : i32 to vector<16xi32>
      %add3A_1316 = arith.addi %broadcast_in_dim3A_1313, %broadcast_in_dim3A_1315 : vector<16xi32>
      %shift_right_arithmetic3A_1317 = arith.constant 1 : i32
      %shift_right_arithmetic3A_1318 = vector.broadcast %shift_right_arithmetic3A_1317 : i32 to vector<16xi32>
      %shift_right_arithmetic3A_1319 = arith.shrsi %add3A_1316, %shift_right_arithmetic3A_1318 : vector<16xi32>
      %gather3A_1320 = tpu.vector_load_idx %arg10[%shift_right_arithmetic3A_1319] : memref<768xf32, #tpu.memory_space<vmem>>[vector<16xi32>], vector<16xf32>,
      %gt3A_1321 = arith.cmpf ogt, %gather3A_1320, %min3A_1311 : vector<16xf32>
      %select_n3A_1322 = arith.select %gt3A_1321, %shift_right_arithmetic3A_1319, %broadcast_in_dim3A_1315 : vector<16xi1>, vector<16xi32>
      %add3A_1323 = arith.constant 1 : i32
      %add3A_1324 = vector.broadcast %add3A_1323 : i32 to vector<16xi32>
      %add3A_1325 = arith.addi %shift_right_arithmetic3A_1319, %add3A_1324 : vector<16xi32>
      %select_n3A_1326 = arith.select %gt3A_1321, %broadcast_in_dim3A_1313, %add3A_1325 : vector<16xi1>, vector<16xi32>
      %add3A_1327 = arith.addi %select_n3A_1326, %select_n3A_1322 : vector<16xi32>
      %shift_right_arithmetic3A_1328 = arith.constant 1 : i32
      %shift_right_arithmetic3A_1329 = vector.broadcast %shift_right_arithmetic3A_1328 : i32 to vector<16xi32>
      %shift_right_arithmetic3A_1330 = arith.shrsi %add3A_1327, %shift_right_arithmetic3A_1329 : vector<16xi32>
      %gather3A_1331 = tpu.vector_load_idx %arg10[%shift_right_arithmetic3A_1330] : memref<768xf32, #tpu.memory_space<vmem>>[vector<16xi32>], vector<16xf32>,
      %gt3A_1332 = arith.cmpf ogt, %gather3A_1331, %min3A_1311 : vector<16xf32>
      %select_n3A_1333 = arith.select %gt3A_1332, %shift_right_arithmetic3A_1330, %select_n3A_1322 : vector<16xi1>, vector<16xi32>
      %add3A_1334 = arith.constant 1 : i32
      %add3A_1335 = vector.broadcast %add3A_1334 : i32 to vector<16xi32>
      %add3A_1336 = arith.addi %shift_right_arithmetic3A_1330, %add3A_1335 : vector<16xi32>
      %select_n3A_1337 = arith.select %gt3A_1332, %select_n3A_1326, %add3A_1336 : vector<16xi1>, vector<16xi32>
      %add3A_1338 = arith.addi %select_n3A_1337, %select_n3A_1333 : vector<16xi32>
      %shift_right_arithmetic3A_1339 = arith.constant 1 : i32
      %shift_right_arithmetic3A_1340 = vector.broadcast %shift_right_arithmetic3A_1339 : i32 to vector<16xi32>
      %shift_right_arithmetic3A_1341 = arith.shrsi %add3A_1338, %shift_right_arithmetic3A_1340 : vector<16xi32>
      %gather3A_1342 = tpu.vector_load_idx %arg10[%shift_right_arithmetic3A_1341] : memref<768xf32, #tpu.memory_space<vmem>>[vector<16xi32>], vector<16xf32>,
      %gt3A_1343 = arith.cmpf ogt, %gather3A_1342, %min3A_1311 : vector<16xf32>
      %select_n3A_1344 = arith.select %gt3A_1343, %shift_right_arithmetic3A_1341, %select_n3A_1333 : vector<16xi1>, vector<16xi32>
      %add3A_1345 = arith.constant 1 : i32
      %add3A_1346 = vector.broadcast %add3A_1345 : i32 to vector<16xi32>
      %add3A_1347 = arith.addi %shift_right_arithmetic3A_1341, %add3A_1346 : vector<16xi32>
      %select_n3A_1348 = arith.select %gt3A_1343, %select_n3A_1337, %add3A_1347 : vector<16xi1>, vector<16xi32>
      %add3A_1349 = arith.addi %select_n3A_1348, %select_n3A_1344 : vector<16xi32>
      %shift_right_arithmetic3A_1350 = arith.constant 1 : i32
      %shift_right_arithmetic3A_1351 = vector.broadcast %shift_right_arithmetic3A_1350 : i32 to vector<16xi32>
      %shift_right_arithmetic3A_1352 = arith.shrsi %add3A_1349, %shift_right_arithmetic3A_1351 : vector<16xi32>
      %gather3A_1353 = tpu.vector_load_idx %arg10[%shift_right_arithmetic3A_1352] : memref<768xf32, #tpu.memory_space<vmem>>[vector<16xi32>], vector<16xf32>,
      %gt3A_1354 = arith.cmpf ogt, %gather3A_1353, %min3A_1311 : vector<16xf32>
      %select_n3A_1355 = arith.select %gt3A_1354, %shift_right_arithmetic3A_1352, %select_n3A_1344 : vector<16xi1>, vector<16xi32>
      %add3A_1356 = arith.constant 1 : i32
      %add3A_1357 = vector.broadcast %add3A_1356 : i32 to vector<16xi32>
      %add3A_1358 = arith.addi %shift_right_arithmetic3A_1352, %add3A_1357 : vector<16xi32>
      %select_n3A_1359 = arith.select %gt3A_1354, %select_n3A_1348, %add3A_1358 : vector<16xi1>, vector<16xi32>
      %add3A_1360 = arith.addi %select_n3A_1359, %select_n3A_1355 : vector<16xi32>
      %shift_right_arithmetic3A_1361 = arith.constant 1 : i32
      %shift_right_arithmetic3A_1362 = vector.broadcast %shift_right_arithmetic3A_1361 : i32 to vector<16xi32>
      %shift_right_arithmetic3A_1363 = arith.shrsi %add3A_1360, %shift_right_arithmetic3A_1362 : vector<16xi32>
      %gather3A_1364 = tpu.vector_load_idx %arg10[%shift_right_arithmetic3A_1363] : memref<768xf32, #tpu.memory_space<vmem>>[vector<16xi32>], vector<16xf32>,
      %gt3A_1365 = arith.cmpf ogt, %gather3A_1364, %min3A_1311 : vector<16xf32>
      %select_n3A_1366 = arith.select %gt3A_1365, %shift_right_arithmetic3A_1363, %select_n3A_1355 : vector<16xi1>, vector<16xi32>
      %add3A_1367 = arith.constant 1 : i32
      %add3A_1368 = vector.broadcast %add3A_1367 : i32 to vector<16xi32>
      %add3A_1369 = arith.addi %shift_right_arithmetic3A_1363, %add3A_1368 : vector<16xi32>
      %select_n3A_1370 = arith.select %gt3A_1365, %select_n3A_1359, %add3A_1369 : vector<16xi1>, vector<16xi32>
      %add3A_1371 = arith.addi %select_n3A_1370, %select_n3A_1366 : vector<16xi32>
      %shift_right_arithmetic3A_1372 = arith.constant 1 : i32
      %shift_right_arithmetic3A_1373 = vector.broadcast %shift_right_arithmetic3A_1372 : i32 to vector<16xi32>
      %shift_right_arithmetic3A_1374 = arith.shrsi %add3A_1371, %shift_right_arithmetic3A_1373 : vector<16xi32>
      %gather3A_1375 = tpu.vector_load_idx %arg10[%shift_right_arithmetic3A_1374] : memref<768xf32, #tpu.memory_space<vmem>>[vector<16xi32>], vector<16xf32>,
      %gt3A_1376 = arith.cmpf ogt, %gather3A_1375, %min3A_1311 : vector<16xf32>
      %select_n3A_1377 = arith.select %gt3A_1376, %shift_right_arithmetic3A_1374, %select_n3A_1366 : vector<16xi1>, vector<16xi32>
      %add3A_1378 = arith.constant 1 : i32
      %add3A_1379 = vector.broadcast %add3A_1378 : i32 to vector<16xi32>
      %add3A_1380 = arith.addi %shift_right_arithmetic3A_1374, %add3A_1379 : vector<16xi32>
      %select_n3A_1381 = arith.select %gt3A_1376, %select_n3A_1370, %add3A_1380 : vector<16xi1>, vector<16xi32>
      %add3A_1382 = arith.addi %select_n3A_1381, %select_n3A_1377 : vector<16xi32>
      %shift_right_arithmetic3A_1383 = arith.constant 1 : i32
      %shift_right_arithmetic3A_1384 = vector.broadcast %shift_right_arithmetic3A_1383 : i32 to vector<16xi32>
      %shift_right_arithmetic3A_1385 = arith.shrsi %add3A_1382, %shift_right_arithmetic3A_1384 : vector<16xi32>
      %gather3A_1386 = tpu.vector_load_idx %arg10[%shift_right_arithmetic3A_1385] : memref<768xf32, #tpu.memory_space<vmem>>[vector<16xi32>], vector<16xf32>,
      %gt3A_1387 = arith.cmpf ogt, %gather3A_1386, %min3A_1311 : vector<16xf32>
      %select_n3A_1388 = arith.select %gt3A_1387, %shift_right_arithmetic3A_1385, %select_n3A_1377 : vector<16xi1>, vector<16xi32>
      %add3A_1389 = arith.constant 1 : i32
      %add3A_1390 = vector.broadcast %add3A_1389 : i32 to vector<16xi32>
      %add3A_1391 = arith.addi %shift_right_arithmetic3A_1385, %add3A_1390 : vector<16xi32>
      %select_n3A_1392 = arith.select %gt3A_1387, %select_n3A_1381, %add3A_1391 : vector<16xi1>, vector<16xi32>
      %add3A_1393 = arith.addi %select_n3A_1392, %select_n3A_1388 : vector<16xi32>
      %shift_right_arithmetic3A_1394 = arith.constant 1 : i32
      %shift_right_arithmetic3A_1395 = vector.broadcast %shift_right_arithmetic3A_1394 : i32 to vector<16xi32>
      %shift_right_arithmetic3A_1396 = arith.shrsi %add3A_1393, %shift_right_arithmetic3A_1395 : vector<16xi32>
      %gather3A_1397 = tpu.vector_load_idx %arg10[%shift_right_arithmetic3A_1396] : memref<768xf32, #tpu.memory_space<vmem>>[vector<16xi32>], vector<16xf32>,
      %gt3A_1398 = arith.cmpf ogt, %gather3A_1397, %min3A_1311 : vector<16xf32>
      %select_n3A_1399 = arith.select %gt3A_1398, %shift_right_arithmetic3A_1396, %select_n3A_1388 : vector<16xi1>, vector<16xi32>
      %add3A_1400 = arith.constant 1 : i32
      %add3A_1401 = vector.broadcast %add3A_1400 : i32 to vector<16xi32>
      %add3A_1402 = arith.addi %shift_right_arithmetic3A_1396, %add3A_1401 : vector<16xi32>
      %select_n3A_1403 = arith.select %gt3A_1398, %select_n3A_1392, %add3A_1402 : vector<16xi1>, vector<16xi32>
      %add3A_1404 = arith.addi %select_n3A_1403, %select_n3A_1399 : vector<16xi32>
      %shift_right_arithmetic3A_1405 = arith.constant 1 : i32
      %shift_right_arithmetic3A_1406 = vector.broadcast %shift_right_arithmetic3A_1405 : i32 to vector<16xi32>
      %shift_right_arithmetic3A_1407 = arith.shrsi %add3A_1404, %shift_right_arithmetic3A_1406 : vector<16xi32>
      %gather3A_1408 = tpu.vector_load_idx %arg10[%shift_right_arithmetic3A_1407] : memref<768xf32, #tpu.memory_space<vmem>>[vector<16xi32>], vector<16xf32>,
      %gt3A_1409 = arith.cmpf ogt, %gather3A_1408, %min3A_1311 : vector<16xf32>
      %select_n3A_1410 = arith.select %gt3A_1409, %shift_right_arithmetic3A_1407, %select_n3A_1399 : vector<16xi1>, vector<16xi32>
      %add3A_1411 = arith.constant 1 : i32
      %add3A_1412 = vector.broadcast %add3A_1411 : i32 to vector<16xi32>
      %add3A_1413 = arith.addi %shift_right_arithmetic3A_1407, %add3A_1412 : vector<16xi32>
      %select_n3A_1414 = arith.select %gt3A_1409, %select_n3A_1403, %add3A_1413 : vector<16xi1>, vector<16xi32>
      %add3A_1415 = arith.addi %select_n3A_1414, %select_n3A_1410 : vector<16xi32>
      %shift_right_arithmetic3A_1416 = arith.constant 1 : i32
      %shift_right_arithmetic3A_1417 = vector.broadcast %shift_right_arithmetic3A_1416 : i32 to vector<16xi32>
      %shift_right_arithmetic3A_1418 = arith.shrsi %add3A_1415, %shift_right_arithmetic3A_1417 : vector<16xi32>
      %gather3A_1419 = tpu.vector_load_idx %arg10[%shift_right_arithmetic3A_1418] : memref<768xf32, #tpu.memory_space<vmem>>[vector<16xi32>], vector<16xf32>,
      %gt3A_1420 = arith.cmpf ogt, %gather3A_1419, %min3A_1311 : vector<16xf32>
      %select_n3A_1421 = arith.select %gt3A_1420, %shift_right_arithmetic3A_1418, %select_n3A_1410 : vector<16xi1>, vector<16xi32>
      %add3A_1422 = arith.constant 1 : i32
      %add3A_1423 = vector.broadcast %add3A_1422 : i32 to vector<16xi32>
      %add3A_1424 = arith.addi %shift_right_arithmetic3A_1418, %add3A_1423 : vector<16xi32>
      %select_n3A_1425 = arith.select %gt3A_1420, %select_n3A_1414, %add3A_1424 : vector<16xi1>, vector<16xi32>
      %sub3A_1426 = arith.constant 1 : i32
      %sub3A_1427 = vector.broadcast %sub3A_1426 : i32 to vector<16xi32>
      %sub3A_1428 = arith.subi %select_n3A_1425, %sub3A_1427 : vector<16xi32>
      %max3A_1429 = arith.constant 0 : i32
      %max3A_1430 = vector.broadcast %max3A_1429 : i32 to vector<16xi32>
      %max3A_1431 = arith.maxsi %sub3A_1428, %max3A_1430 : vector<16xi32>
      %gather3A_1432 = tpu.vector_load_idx %arg10[%max3A_1431] : memref<768xf32, #tpu.memory_space<vmem>>[vector<16xi32>], vector<16xf32>,
      %eq3A_1433 = arith.constant 0 : i32
      %eq3A_1434 = vector.broadcast %eq3A_1433 : i32 to vector<16xi32>
      %eq3A_1435 = arith.cmpi eq, %select_n3A_1425, %eq3A_1434 : vector<16xi32>
      %jit3A_1436 = arith.constant 0.000000e+00 : f32
      %broadcast_in_dim3A_1437 = vector.broadcast %jit3A_1436 : f32 to vector<16xf32>
      %select_n3A_1438 = arith.select %eq3A_1435, %broadcast_in_dim3A_1437, %gather3A_1432 : vector<16xi1>, vector<16xf32>
      %gather3A_1439 = tpu.vector_load_idx %arg10[%select_n3A_1425] : memref<768xf32, #tpu.memory_space<vmem>>[vector<16xi32>], vector<16xf32>,
      %sub3A_1440 = arith.subf %gather3A_1439, %select_n3A_1438 : vector<16xf32>
      %max3A_1441 = arith.constant 1.000000e+00 : f32
      %max3A_1442 = vector.broadcast %max3A_1441 : f32 to vector<16xf32>
      %max3A_1443 = arith.maximumf %sub3A_1440, %max3A_1442 : vector<16xf32>
      %convert_element_type3A_1444 = arith.sitofp %select_n3A_1425 : vector<16xi32> to vector<16xf32>
      %sub3A_1445 = arith.constant 1.000000e+00 : f32
      %sub3A_1446 = vector.broadcast %sub3A_1445 : f32 to vector<16xf32>
      %sub3A_1447 = arith.subf %convert_element_type3A_1444, %sub3A_1446 : vector<16xf32>
      %mul3A_1448 = arith.constant 0.001953125 : f32
      %mul3A_1449 = vector.broadcast %mul3A_1448 : f32 to vector<16xf32>
      %mul3A_1450 = arith.mulf %sub3A_1447, %mul3A_1449 : vector<16xf32>
      %sub3A_1451 = arith.subf %min3A_1311, %select_n3A_1438 : vector<16xf32>
      %mul3A_1452 = arith.constant 0.001953125 : f32
      %mul3A_1453 = vector.broadcast %mul3A_1452 : f32 to vector<16xf32>
      %mul3A_1454 = arith.mulf %mul3A_1453, %sub3A_1451 : vector<16xf32>
      %div3A_1455 = arith.divf %mul3A_1454, %max3A_1443 : vector<16xf32>
      %add3A_1456 = arith.addf %mul3A_1450, %div3A_1455 : vector<16xf32>
      %eq3A_1457 = arith.constant 0 : i32
      %eq3A_1458 = vector.broadcast %eq3A_1457 : i32 to vector<16xi32>
      %eq3A_1459 = arith.cmpi eq, %select_n3A_1425, %eq3A_1458 : vector<16xi32>
      %jit3A_1460 = arith.constant 0.000000e+00 : f32
      %broadcast_in_dim3A_1461 = vector.broadcast %jit3A_1460 : f32 to vector<16xf32>
      %select_n3A_1462 = arith.select %eq3A_1459, %broadcast_in_dim3A_1461, %add3A_1456 : vector<16xi1>, vector<16xf32>
      %sub3A_1463 = arith.constant 5.000000e-01 : f32
      %sub3A_1464 = arith.subf %scan3A_10, %sub3A_1463 : f32
      %min3A_1465 = vector.broadcast %sub3A_1464 : f32 to vector<16xf32>
      %min3A_1466 = arith.minimumf %add3A_681, %min3A_1465 : vector<16xf32>
      %broadcast_in_dim3A_1467 = arith.constant 0 : i32
      %broadcast_in_dim3A_1468 = vector.broadcast %broadcast_in_dim3A_1467 : i32 to vector<16xi32>
      %broadcast_in_dim3A_1469 = arith.constant 512 : i32
      %broadcast_in_dim3A_1470 = vector.broadcast %broadcast_in_dim3A_1469 : i32 to vector<16xi32>
      %add3A_1471 = arith.addi %broadcast_in_dim3A_1468, %broadcast_in_dim3A_1470 : vector<16xi32>
      %shift_right_arithmetic3A_1472 = arith.constant 1 : i32
      %shift_right_arithmetic3A_1473 = vector.broadcast %shift_right_arithmetic3A_1472 : i32 to vector<16xi32>
      %shift_right_arithmetic3A_1474 = arith.shrsi %add3A_1471, %shift_right_arithmetic3A_1473 : vector<16xi32>
      %gather3A_1475 = tpu.vector_load_idx %arg10[%shift_right_arithmetic3A_1474] : memref<768xf32, #tpu.memory_space<vmem>>[vector<16xi32>], vector<16xf32>,
      %gt3A_1476 = arith.cmpf ogt, %gather3A_1475, %min3A_1466 : vector<16xf32>
      %select_n3A_1477 = arith.select %gt3A_1476, %shift_right_arithmetic3A_1474, %broadcast_in_dim3A_1470 : vector<16xi1>, vector<16xi32>
      %add3A_1478 = arith.constant 1 : i32
      %add3A_1479 = vector.broadcast %add3A_1478 : i32 to vector<16xi32>
      %add3A_1480 = arith.addi %shift_right_arithmetic3A_1474, %add3A_1479 : vector<16xi32>
      %select_n3A_1481 = arith.select %gt3A_1476, %broadcast_in_dim3A_1468, %add3A_1480 : vector<16xi1>, vector<16xi32>
      %add3A_1482 = arith.addi %select_n3A_1481, %select_n3A_1477 : vector<16xi32>
      %shift_right_arithmetic3A_1483 = arith.constant 1 : i32
      %shift_right_arithmetic3A_1484 = vector.broadcast %shift_right_arithmetic3A_1483 : i32 to vector<16xi32>
      %shift_right_arithmetic3A_1485 = arith.shrsi %add3A_1482, %shift_right_arithmetic3A_1484 : vector<16xi32>
      %gather3A_1486 = tpu.vector_load_idx %arg10[%shift_right_arithmetic3A_1485] : memref<768xf32, #tpu.memory_space<vmem>>[vector<16xi32>], vector<16xf32>,
      %gt3A_1487 = arith.cmpf ogt, %gather3A_1486, %min3A_1466 : vector<16xf32>
      %select_n3A_1488 = arith.select %gt3A_1487, %shift_right_arithmetic3A_1485, %select_n3A_1477 : vector<16xi1>, vector<16xi32>
      %add3A_1489 = arith.constant 1 : i32
      %add3A_1490 = vector.broadcast %add3A_1489 : i32 to vector<16xi32>
      %add3A_1491 = arith.addi %shift_right_arithmetic3A_1485, %add3A_1490 : vector<16xi32>
      %select_n3A_1492 = arith.select %gt3A_1487, %select_n3A_1481, %add3A_1491 : vector<16xi1>, vector<16xi32>
      %add3A_1493 = arith.addi %select_n3A_1492, %select_n3A_1488 : vector<16xi32>
      %shift_right_arithmetic3A_1494 = arith.constant 1 : i32
      %shift_right_arithmetic3A_1495 = vector.broadcast %shift_right_arithmetic3A_1494 : i32 to vector<16xi32>
      %shift_right_arithmetic3A_1496 = arith.shrsi %add3A_1493, %shift_right_arithmetic3A_1495 : vector<16xi32>
      %gather3A_1497 = tpu.vector_load_idx %arg10[%shift_right_arithmetic3A_1496] : memref<768xf32, #tpu.memory_space<vmem>>[vector<16xi32>], vector<16xf32>,
      %gt3A_1498 = arith.cmpf ogt, %gather3A_1497, %min3A_1466 : vector<16xf32>
      %select_n3A_1499 = arith.select %gt3A_1498, %shift_right_arithmetic3A_1496, %select_n3A_1488 : vector<16xi1>, vector<16xi32>
      %add3A_1500 = arith.constant 1 : i32
      %add3A_1501 = vector.broadcast %add3A_1500 : i32 to vector<16xi32>
      %add3A_1502 = arith.addi %shift_right_arithmetic3A_1496, %add3A_1501 : vector<16xi32>
      %select_n3A_1503 = arith.select %gt3A_1498, %select_n3A_1492, %add3A_1502 : vector<16xi1>, vector<16xi32>
      %add3A_1504 = arith.addi %select_n3A_1503, %select_n3A_1499 : vector<16xi32>
      %shift_right_arithmetic3A_1505 = arith.constant 1 : i32
      %shift_right_arithmetic3A_1506 = vector.broadcast %shift_right_arithmetic3A_1505 : i32 to vector<16xi32>
      %shift_right_arithmetic3A_1507 = arith.shrsi %add3A_1504, %shift_right_arithmetic3A_1506 : vector<16xi32>
      %gather3A_1508 = tpu.vector_load_idx %arg10[%shift_right_arithmetic3A_1507] : memref<768xf32, #tpu.memory_space<vmem>>[vector<16xi32>], vector<16xf32>,
      %gt3A_1509 = arith.cmpf ogt, %gather3A_1508, %min3A_1466 : vector<16xf32>
      %select_n3A_1510 = arith.select %gt3A_1509, %shift_right_arithmetic3A_1507, %select_n3A_1499 : vector<16xi1>, vector<16xi32>
      %add3A_1511 = arith.constant 1 : i32
      %add3A_1512 = vector.broadcast %add3A_1511 : i32 to vector<16xi32>
      %add3A_1513 = arith.addi %shift_right_arithmetic3A_1507, %add3A_1512 : vector<16xi32>
      %select_n3A_1514 = arith.select %gt3A_1509, %select_n3A_1503, %add3A_1513 : vector<16xi1>, vector<16xi32>
      %add3A_1515 = arith.addi %select_n3A_1514, %select_n3A_1510 : vector<16xi32>
      %shift_right_arithmetic3A_1516 = arith.constant 1 : i32
      %shift_right_arithmetic3A_1517 = vector.broadcast %shift_right_arithmetic3A_1516 : i32 to vector<16xi32>
      %shift_right_arithmetic3A_1518 = arith.shrsi %add3A_1515, %shift_right_arithmetic3A_1517 : vector<16xi32>
      %gather3A_1519 = tpu.vector_load_idx %arg10[%shift_right_arithmetic3A_1518] : memref<768xf32, #tpu.memory_space<vmem>>[vector<16xi32>], vector<16xf32>,
      %gt3A_1520 = arith.cmpf ogt, %gather3A_1519, %min3A_1466 : vector<16xf32>
      %select_n3A_1521 = arith.select %gt3A_1520, %shift_right_arithmetic3A_1518, %select_n3A_1510 : vector<16xi1>, vector<16xi32>
      %add3A_1522 = arith.constant 1 : i32
      %add3A_1523 = vector.broadcast %add3A_1522 : i32 to vector<16xi32>
      %add3A_1524 = arith.addi %shift_right_arithmetic3A_1518, %add3A_1523 : vector<16xi32>
      %select_n3A_1525 = arith.select %gt3A_1520, %select_n3A_1514, %add3A_1524 : vector<16xi1>, vector<16xi32>
      %add3A_1526 = arith.addi %select_n3A_1525, %select_n3A_1521 : vector<16xi32>
      %shift_right_arithmetic3A_1527 = arith.constant 1 : i32
      %shift_right_arithmetic3A_1528 = vector.broadcast %shift_right_arithmetic3A_1527 : i32 to vector<16xi32>
      %shift_right_arithmetic3A_1529 = arith.shrsi %add3A_1526, %shift_right_arithmetic3A_1528 : vector<16xi32>
      %gather3A_1530 = tpu.vector_load_idx %arg10[%shift_right_arithmetic3A_1529] : memref<768xf32, #tpu.memory_space<vmem>>[vector<16xi32>], vector<16xf32>,
      %gt3A_1531 = arith.cmpf ogt, %gather3A_1530, %min3A_1466 : vector<16xf32>
      %select_n3A_1532 = arith.select %gt3A_1531, %shift_right_arithmetic3A_1529, %select_n3A_1521 : vector<16xi1>, vector<16xi32>
      %add3A_1533 = arith.constant 1 : i32
      %add3A_1534 = vector.broadcast %add3A_1533 : i32 to vector<16xi32>
      %add3A_1535 = arith.addi %shift_right_arithmetic3A_1529, %add3A_1534 : vector<16xi32>
      %select_n3A_1536 = arith.select %gt3A_1531, %select_n3A_1525, %add3A_1535 : vector<16xi1>, vector<16xi32>
      %add3A_1537 = arith.addi %select_n3A_1536, %select_n3A_1532 : vector<16xi32>
      %shift_right_arithmetic3A_1538 = arith.constant 1 : i32
      %shift_right_arithmetic3A_1539 = vector.broadcast %shift_right_arithmetic3A_1538 : i32 to vector<16xi32>
      %shift_right_arithmetic3A_1540 = arith.shrsi %add3A_1537, %shift_right_arithmetic3A_1539 : vector<16xi32>
      %gather3A_1541 = tpu.vector_load_idx %arg10[%shift_right_arithmetic3A_1540] : memref<768xf32, #tpu.memory_space<vmem>>[vector<16xi32>], vector<16xf32>,
      %gt3A_1542 = arith.cmpf ogt, %gather3A_1541, %min3A_1466 : vector<16xf32>
      %select_n3A_1543 = arith.select %gt3A_1542, %shift_right_arithmetic3A_1540, %select_n3A_1532 : vector<16xi1>, vector<16xi32>
      %add3A_1544 = arith.constant 1 : i32
      %add3A_1545 = vector.broadcast %add3A_1544 : i32 to vector<16xi32>
      %add3A_1546 = arith.addi %shift_right_arithmetic3A_1540, %add3A_1545 : vector<16xi32>
      %select_n3A_1547 = arith.select %gt3A_1542, %select_n3A_1536, %add3A_1546 : vector<16xi1>, vector<16xi32>
      %add3A_1548 = arith.addi %select_n3A_1547, %select_n3A_1543 : vector<16xi32>
      %shift_right_arithmetic3A_1549 = arith.constant 1 : i32
      %shift_right_arithmetic3A_1550 = vector.broadcast %shift_right_arithmetic3A_1549 : i32 to vector<16xi32>
      %shift_right_arithmetic3A_1551 = arith.shrsi %add3A_1548, %shift_right_arithmetic3A_1550 : vector<16xi32>
      %gather3A_1552 = tpu.vector_load_idx %arg10[%shift_right_arithmetic3A_1551] : memref<768xf32, #tpu.memory_space<vmem>>[vector<16xi32>], vector<16xf32>,
      %gt3A_1553 = arith.cmpf ogt, %gather3A_1552, %min3A_1466 : vector<16xf32>
      %select_n3A_1554 = arith.select %gt3A_1553, %shift_right_arithmetic3A_1551, %select_n3A_1543 : vector<16xi1>, vector<16xi32>
      %add3A_1555 = arith.constant 1 : i32
      %add3A_1556 = vector.broadcast %add3A_1555 : i32 to vector<16xi32>
      %add3A_1557 = arith.addi %shift_right_arithmetic3A_1551, %add3A_1556 : vector<16xi32>
      %select_n3A_1558 = arith.select %gt3A_1553, %select_n3A_1547, %add3A_1557 : vector<16xi1>, vector<16xi32>
      %add3A_1559 = arith.addi %select_n3A_1558, %select_n3A_1554 : vector<16xi32>
      %shift_right_arithmetic3A_1560 = arith.constant 1 : i32
      %shift_right_arithmetic3A_1561 = vector.broadcast %shift_right_arithmetic3A_1560 : i32 to vector<16xi32>
      %shift_right_arithmetic3A_1562 = arith.shrsi %add3A_1559, %shift_right_arithmetic3A_1561 : vector<16xi32>
      %gather3A_1563 = tpu.vector_load_idx %arg10[%shift_right_arithmetic3A_1562] : memref<768xf32, #tpu.memory_space<vmem>>[vector<16xi32>], vector<16xf32>,
      %gt3A_1564 = arith.cmpf ogt, %gather3A_1563, %min3A_1466 : vector<16xf32>
      %select_n3A_1565 = arith.select %gt3A_1564, %shift_right_arithmetic3A_1562, %select_n3A_1554 : vector<16xi1>, vector<16xi32>
      %add3A_1566 = arith.constant 1 : i32
      %add3A_1567 = vector.broadcast %add3A_1566 : i32 to vector<16xi32>
      %add3A_1568 = arith.addi %shift_right_arithmetic3A_1562, %add3A_1567 : vector<16xi32>
      %select_n3A_1569 = arith.select %gt3A_1564, %select_n3A_1558, %add3A_1568 : vector<16xi1>, vector<16xi32>
      %add3A_1570 = arith.addi %select_n3A_1569, %select_n3A_1565 : vector<16xi32>
      %shift_right_arithmetic3A_1571 = arith.constant 1 : i32
      %shift_right_arithmetic3A_1572 = vector.broadcast %shift_right_arithmetic3A_1571 : i32 to vector<16xi32>
      %shift_right_arithmetic3A_1573 = arith.shrsi %add3A_1570, %shift_right_arithmetic3A_1572 : vector<16xi32>
      %gather3A_1574 = tpu.vector_load_idx %arg10[%shift_right_arithmetic3A_1573] : memref<768xf32, #tpu.memory_space<vmem>>[vector<16xi32>], vector<16xf32>,
      %gt3A_1575 = arith.cmpf ogt, %gather3A_1574, %min3A_1466 : vector<16xf32>
      %select_n3A_1576 = arith.select %gt3A_1575, %shift_right_arithmetic3A_1573, %select_n3A_1565 : vector<16xi1>, vector<16xi32>
      %add3A_1577 = arith.constant 1 : i32
      %add3A_1578 = vector.broadcast %add3A_1577 : i32 to vector<16xi32>
      %add3A_1579 = arith.addi %shift_right_arithmetic3A_1573, %add3A_1578 : vector<16xi32>
      %select_n3A_1580 = arith.select %gt3A_1575, %select_n3A_1569, %add3A_1579 : vector<16xi1>, vector<16xi32>
      %sub3A_1581 = arith.constant 1 : i32
      %sub3A_1582 = vector.broadcast %sub3A_1581 : i32 to vector<16xi32>
      %sub3A_1583 = arith.subi %select_n3A_1580, %sub3A_1582 : vector<16xi32>
      %max3A_1584 = arith.constant 0 : i32
      %max3A_1585 = vector.broadcast %max3A_1584 : i32 to vector<16xi32>
      %max3A_1586 = arith.maxsi %sub3A_1583, %max3A_1585 : vector<16xi32>
      %gather3A_1587 = tpu.vector_load_idx %arg10[%max3A_1586] : memref<768xf32, #tpu.memory_space<vmem>>[vector<16xi32>], vector<16xf32>,
      %eq3A_1588 = arith.constant 0 : i32
      %eq3A_1589 = vector.broadcast %eq3A_1588 : i32 to vector<16xi32>
      %eq3A_1590 = arith.cmpi eq, %select_n3A_1580, %eq3A_1589 : vector<16xi32>
      %jit3A_1591 = arith.constant 0.000000e+00 : f32
      %broadcast_in_dim3A_1592 = vector.broadcast %jit3A_1591 : f32 to vector<16xf32>
      %select_n3A_1593 = arith.select %eq3A_1590, %broadcast_in_dim3A_1592, %gather3A_1587 : vector<16xi1>, vector<16xf32>
      %gather3A_1594 = tpu.vector_load_idx %arg10[%select_n3A_1580] : memref<768xf32, #tpu.memory_space<vmem>>[vector<16xi32>], vector<16xf32>,
      %sub3A_1595 = arith.subf %gather3A_1594, %select_n3A_1593 : vector<16xf32>
      %max3A_1596 = arith.constant 1.000000e+00 : f32
      %max3A_1597 = vector.broadcast %max3A_1596 : f32 to vector<16xf32>
      %max3A_1598 = arith.maximumf %sub3A_1595, %max3A_1597 : vector<16xf32>
      %convert_element_type3A_1599 = arith.sitofp %select_n3A_1580 : vector<16xi32> to vector<16xf32>
      %sub3A_1600 = arith.constant 1.000000e+00 : f32
      %sub3A_1601 = vector.broadcast %sub3A_1600 : f32 to vector<16xf32>
      %sub3A_1602 = arith.subf %convert_element_type3A_1599, %sub3A_1601 : vector<16xf32>
      %mul3A_1603 = arith.constant 0.001953125 : f32
      %mul3A_1604 = vector.broadcast %mul3A_1603 : f32 to vector<16xf32>
      %mul3A_1605 = arith.mulf %sub3A_1602, %mul3A_1604 : vector<16xf32>
      %sub3A_1606 = arith.subf %min3A_1466, %select_n3A_1593 : vector<16xf32>
      %mul3A_1607 = arith.constant 0.001953125 : f32
      %mul3A_1608 = vector.broadcast %mul3A_1607 : f32 to vector<16xf32>
      %mul3A_1609 = arith.mulf %mul3A_1608, %sub3A_1606 : vector<16xf32>
      %div3A_1610 = arith.divf %mul3A_1609, %max3A_1598 : vector<16xf32>
      %add3A_1611 = arith.addf %mul3A_1605, %div3A_1610 : vector<16xf32>
      %eq3A_1612 = arith.constant 0 : i32
      %eq3A_1613 = vector.broadcast %eq3A_1612 : i32 to vector<16xi32>
      %eq3A_1614 = arith.cmpi eq, %select_n3A_1580, %eq3A_1613 : vector<16xi32>
      %jit3A_1615 = arith.constant 0.000000e+00 : f32
      %broadcast_in_dim3A_1616 = vector.broadcast %jit3A_1615 : f32 to vector<16xf32>
      %select_n3A_1617 = arith.select %eq3A_1614, %broadcast_in_dim3A_1616, %add3A_1611 : vector<16xi1>, vector<16xf32>
      %mul3A_1618 = arith.constant 48 : i32
      %mul3A_1619 = arith.muli %arg1, %mul3A_1618 : i32
      %add3A_1620 = arith.constant 16 : i32
      %add3A_1621 = arith.addi %mul3A_1619, %add3A_1620 : i32
      %add3A_1622 = vector.broadcast %add3A_1621 : i32 to vector<16xi32>
      %add3A_1623 = arith.addi %add3A_1622, %iota3A : vector<16xi32>
      %eq3A_1624 = arith.constant 0 : i32
      %eq3A_1625 = vector.broadcast %eq3A_1624 : i32 to vector<16xi32>
      %eq3A_1626 = arith.cmpi eq, %add3A_1623, %eq3A_1625 : vector<16xi32>
      %sub3A_1627 = arith.subf %select_n3A_1617, %select_n3A_1462 : vector<16xf32>
      %jit3A_1628 = arith.constant 0.000000e+00 : f32
      %broadcast_in_dim3A_1629 = vector.broadcast %jit3A_1628 : f32 to vector<16xf32>
      %select_n3A_1630 = arith.select %eq3A_1626, %broadcast_in_dim3A_1629, %sub3A_1627 : vector<16xi1>, vector<16xf32>
      %swap3A_1631 = arith.constant 16 : index
      %swap3A_1632 = tpu.vector_load %arg13[%swap3A_1631] {strides = array<i32>} : memref<128xf32, #tpu.memory_space<vmem>>, vector<16xf32>,
      tpu.vector_store %arg13[%swap3A_1631], %select_n3A_1462 {strides = array<i32>} : memref<128xf32, #tpu.memory_space<vmem>>, vector<16xf32>,
      %swap3A_1633 = arith.constant 80 : index
      %swap3A_1634 = tpu.vector_load %arg13[%swap3A_1633] {strides = array<i32>} : memref<128xf32, #tpu.memory_space<vmem>>, vector<16xf32>,
      tpu.vector_store %arg13[%swap3A_1633], %select_n3A_1630 {strides = array<i32>} : memref<128xf32, #tpu.memory_space<vmem>>, vector<16xf32>,
      %sub3A_1635 = arith.constant 5.000000e-01 : f32
      %sub3A_1636 = arith.subf %scan3A_10, %sub3A_1635 : f32
      %min3A_1637 = vector.broadcast %sub3A_1636 : f32 to vector<16xf32>
      %min3A_1638 = arith.minimumf %sub3A_685, %min3A_1637 : vector<16xf32>
      %broadcast_in_dim3A_1639 = arith.constant 0 : i32
      %broadcast_in_dim3A_1640 = vector.broadcast %broadcast_in_dim3A_1639 : i32 to vector<16xi32>
      %broadcast_in_dim3A_1641 = arith.constant 512 : i32
      %broadcast_in_dim3A_1642 = vector.broadcast %broadcast_in_dim3A_1641 : i32 to vector<16xi32>
      %add3A_1643 = arith.addi %broadcast_in_dim3A_1640, %broadcast_in_dim3A_1642 : vector<16xi32>
      %shift_right_arithmetic3A_1644 = arith.constant 1 : i32
      %shift_right_arithmetic3A_1645 = vector.broadcast %shift_right_arithmetic3A_1644 : i32 to vector<16xi32>
      %shift_right_arithmetic3A_1646 = arith.shrsi %add3A_1643, %shift_right_arithmetic3A_1645 : vector<16xi32>
      %gather3A_1647 = tpu.vector_load_idx %arg10[%shift_right_arithmetic3A_1646] : memref<768xf32, #tpu.memory_space<vmem>>[vector<16xi32>], vector<16xf32>,
      %gt3A_1648 = arith.cmpf ogt, %gather3A_1647, %min3A_1638 : vector<16xf32>
      %select_n3A_1649 = arith.select %gt3A_1648, %shift_right_arithmetic3A_1646, %broadcast_in_dim3A_1642 : vector<16xi1>, vector<16xi32>
      %add3A_1650 = arith.constant 1 : i32
      %add3A_1651 = vector.broadcast %add3A_1650 : i32 to vector<16xi32>
      %add3A_1652 = arith.addi %shift_right_arithmetic3A_1646, %add3A_1651 : vector<16xi32>
      %select_n3A_1653 = arith.select %gt3A_1648, %broadcast_in_dim3A_1640, %add3A_1652 : vector<16xi1>, vector<16xi32>
      %add3A_1654 = arith.addi %select_n3A_1653, %select_n3A_1649 : vector<16xi32>
      %shift_right_arithmetic3A_1655 = arith.constant 1 : i32
      %shift_right_arithmetic3A_1656 = vector.broadcast %shift_right_arithmetic3A_1655 : i32 to vector<16xi32>
      %shift_right_arithmetic3A_1657 = arith.shrsi %add3A_1654, %shift_right_arithmetic3A_1656 : vector<16xi32>
      %gather3A_1658 = tpu.vector_load_idx %arg10[%shift_right_arithmetic3A_1657] : memref<768xf32, #tpu.memory_space<vmem>>[vector<16xi32>], vector<16xf32>,
      %gt3A_1659 = arith.cmpf ogt, %gather3A_1658, %min3A_1638 : vector<16xf32>
      %select_n3A_1660 = arith.select %gt3A_1659, %shift_right_arithmetic3A_1657, %select_n3A_1649 : vector<16xi1>, vector<16xi32>
      %add3A_1661 = arith.constant 1 : i32
      %add3A_1662 = vector.broadcast %add3A_1661 : i32 to vector<16xi32>
      %add3A_1663 = arith.addi %shift_right_arithmetic3A_1657, %add3A_1662 : vector<16xi32>
      %select_n3A_1664 = arith.select %gt3A_1659, %select_n3A_1653, %add3A_1663 : vector<16xi1>, vector<16xi32>
      %add3A_1665 = arith.addi %select_n3A_1664, %select_n3A_1660 : vector<16xi32>
      %shift_right_arithmetic3A_1666 = arith.constant 1 : i32
      %shift_right_arithmetic3A_1667 = vector.broadcast %shift_right_arithmetic3A_1666 : i32 to vector<16xi32>
      %shift_right_arithmetic3A_1668 = arith.shrsi %add3A_1665, %shift_right_arithmetic3A_1667 : vector<16xi32>
      %gather3A_1669 = tpu.vector_load_idx %arg10[%shift_right_arithmetic3A_1668] : memref<768xf32, #tpu.memory_space<vmem>>[vector<16xi32>], vector<16xf32>,
      %gt3A_1670 = arith.cmpf ogt, %gather3A_1669, %min3A_1638 : vector<16xf32>
      %select_n3A_1671 = arith.select %gt3A_1670, %shift_right_arithmetic3A_1668, %select_n3A_1660 : vector<16xi1>, vector<16xi32>
      %add3A_1672 = arith.constant 1 : i32
      %add3A_1673 = vector.broadcast %add3A_1672 : i32 to vector<16xi32>
      %add3A_1674 = arith.addi %shift_right_arithmetic3A_1668, %add3A_1673 : vector<16xi32>
      %select_n3A_1675 = arith.select %gt3A_1670, %select_n3A_1664, %add3A_1674 : vector<16xi1>, vector<16xi32>
      %add3A_1676 = arith.addi %select_n3A_1675, %select_n3A_1671 : vector<16xi32>
      %shift_right_arithmetic3A_1677 = arith.constant 1 : i32
      %shift_right_arithmetic3A_1678 = vector.broadcast %shift_right_arithmetic3A_1677 : i32 to vector<16xi32>
      %shift_right_arithmetic3A_1679 = arith.shrsi %add3A_1676, %shift_right_arithmetic3A_1678 : vector<16xi32>
      %gather3A_1680 = tpu.vector_load_idx %arg10[%shift_right_arithmetic3A_1679] : memref<768xf32, #tpu.memory_space<vmem>>[vector<16xi32>], vector<16xf32>,
      %gt3A_1681 = arith.cmpf ogt, %gather3A_1680, %min3A_1638 : vector<16xf32>
      %select_n3A_1682 = arith.select %gt3A_1681, %shift_right_arithmetic3A_1679, %select_n3A_1671 : vector<16xi1>, vector<16xi32>
      %add3A_1683 = arith.constant 1 : i32
      %add3A_1684 = vector.broadcast %add3A_1683 : i32 to vector<16xi32>
      %add3A_1685 = arith.addi %shift_right_arithmetic3A_1679, %add3A_1684 : vector<16xi32>
      %select_n3A_1686 = arith.select %gt3A_1681, %select_n3A_1675, %add3A_1685 : vector<16xi1>, vector<16xi32>
      %add3A_1687 = arith.addi %select_n3A_1686, %select_n3A_1682 : vector<16xi32>
      %shift_right_arithmetic3A_1688 = arith.constant 1 : i32
      %shift_right_arithmetic3A_1689 = vector.broadcast %shift_right_arithmetic3A_1688 : i32 to vector<16xi32>
      %shift_right_arithmetic3A_1690 = arith.shrsi %add3A_1687, %shift_right_arithmetic3A_1689 : vector<16xi32>
      %gather3A_1691 = tpu.vector_load_idx %arg10[%shift_right_arithmetic3A_1690] : memref<768xf32, #tpu.memory_space<vmem>>[vector<16xi32>], vector<16xf32>,
      %gt3A_1692 = arith.cmpf ogt, %gather3A_1691, %min3A_1638 : vector<16xf32>
      %select_n3A_1693 = arith.select %gt3A_1692, %shift_right_arithmetic3A_1690, %select_n3A_1682 : vector<16xi1>, vector<16xi32>
      %add3A_1694 = arith.constant 1 : i32
      %add3A_1695 = vector.broadcast %add3A_1694 : i32 to vector<16xi32>
      %add3A_1696 = arith.addi %shift_right_arithmetic3A_1690, %add3A_1695 : vector<16xi32>
      %select_n3A_1697 = arith.select %gt3A_1692, %select_n3A_1686, %add3A_1696 : vector<16xi1>, vector<16xi32>
      %add3A_1698 = arith.addi %select_n3A_1697, %select_n3A_1693 : vector<16xi32>
      %shift_right_arithmetic3A_1699 = arith.constant 1 : i32
      %shift_right_arithmetic3A_1700 = vector.broadcast %shift_right_arithmetic3A_1699 : i32 to vector<16xi32>
      %shift_right_arithmetic3A_1701 = arith.shrsi %add3A_1698, %shift_right_arithmetic3A_1700 : vector<16xi32>
      %gather3A_1702 = tpu.vector_load_idx %arg10[%shift_right_arithmetic3A_1701] : memref<768xf32, #tpu.memory_space<vmem>>[vector<16xi32>], vector<16xf32>,
      %gt3A_1703 = arith.cmpf ogt, %gather3A_1702, %min3A_1638 : vector<16xf32>
      %select_n3A_1704 = arith.select %gt3A_1703, %shift_right_arithmetic3A_1701, %select_n3A_1693 : vector<16xi1>, vector<16xi32>
      %add3A_1705 = arith.constant 1 : i32
      %add3A_1706 = vector.broadcast %add3A_1705 : i32 to vector<16xi32>
      %add3A_1707 = arith.addi %shift_right_arithmetic3A_1701, %add3A_1706 : vector<16xi32>
      %select_n3A_1708 = arith.select %gt3A_1703, %select_n3A_1697, %add3A_1707 : vector<16xi1>, vector<16xi32>
      %add3A_1709 = arith.addi %select_n3A_1708, %select_n3A_1704 : vector<16xi32>
      %shift_right_arithmetic3A_1710 = arith.constant 1 : i32
      %shift_right_arithmetic3A_1711 = vector.broadcast %shift_right_arithmetic3A_1710 : i32 to vector<16xi32>
      %shift_right_arithmetic3A_1712 = arith.shrsi %add3A_1709, %shift_right_arithmetic3A_1711 : vector<16xi32>
      %gather3A_1713 = tpu.vector_load_idx %arg10[%shift_right_arithmetic3A_1712] : memref<768xf32, #tpu.memory_space<vmem>>[vector<16xi32>], vector<16xf32>,
      %gt3A_1714 = arith.cmpf ogt, %gather3A_1713, %min3A_1638 : vector<16xf32>
      %select_n3A_1715 = arith.select %gt3A_1714, %shift_right_arithmetic3A_1712, %select_n3A_1704 : vector<16xi1>, vector<16xi32>
      %add3A_1716 = arith.constant 1 : i32
      %add3A_1717 = vector.broadcast %add3A_1716 : i32 to vector<16xi32>
      %add3A_1718 = arith.addi %shift_right_arithmetic3A_1712, %add3A_1717 : vector<16xi32>
      %select_n3A_1719 = arith.select %gt3A_1714, %select_n3A_1708, %add3A_1718 : vector<16xi1>, vector<16xi32>
      %add3A_1720 = arith.addi %select_n3A_1719, %select_n3A_1715 : vector<16xi32>
      %shift_right_arithmetic3A_1721 = arith.constant 1 : i32
      %shift_right_arithmetic3A_1722 = vector.broadcast %shift_right_arithmetic3A_1721 : i32 to vector<16xi32>
      %shift_right_arithmetic3A_1723 = arith.shrsi %add3A_1720, %shift_right_arithmetic3A_1722 : vector<16xi32>
      %gather3A_1724 = tpu.vector_load_idx %arg10[%shift_right_arithmetic3A_1723] : memref<768xf32, #tpu.memory_space<vmem>>[vector<16xi32>], vector<16xf32>,
      %gt3A_1725 = arith.cmpf ogt, %gather3A_1724, %min3A_1638 : vector<16xf32>
      %select_n3A_1726 = arith.select %gt3A_1725, %shift_right_arithmetic3A_1723, %select_n3A_1715 : vector<16xi1>, vector<16xi32>
      %add3A_1727 = arith.constant 1 : i32
      %add3A_1728 = vector.broadcast %add3A_1727 : i32 to vector<16xi32>
      %add3A_1729 = arith.addi %shift_right_arithmetic3A_1723, %add3A_1728 : vector<16xi32>
      %select_n3A_1730 = arith.select %gt3A_1725, %select_n3A_1719, %add3A_1729 : vector<16xi1>, vector<16xi32>
      %add3A_1731 = arith.addi %select_n3A_1730, %select_n3A_1726 : vector<16xi32>
      %shift_right_arithmetic3A_1732 = arith.constant 1 : i32
      %shift_right_arithmetic3A_1733 = vector.broadcast %shift_right_arithmetic3A_1732 : i32 to vector<16xi32>
      %shift_right_arithmetic3A_1734 = arith.shrsi %add3A_1731, %shift_right_arithmetic3A_1733 : vector<16xi32>
      %gather3A_1735 = tpu.vector_load_idx %arg10[%shift_right_arithmetic3A_1734] : memref<768xf32, #tpu.memory_space<vmem>>[vector<16xi32>], vector<16xf32>,
      %gt3A_1736 = arith.cmpf ogt, %gather3A_1735, %min3A_1638 : vector<16xf32>
      %select_n3A_1737 = arith.select %gt3A_1736, %shift_right_arithmetic3A_1734, %select_n3A_1726 : vector<16xi1>, vector<16xi32>
      %add3A_1738 = arith.constant 1 : i32
      %add3A_1739 = vector.broadcast %add3A_1738 : i32 to vector<16xi32>
      %add3A_1740 = arith.addi %shift_right_arithmetic3A_1734, %add3A_1739 : vector<16xi32>
      %select_n3A_1741 = arith.select %gt3A_1736, %select_n3A_1730, %add3A_1740 : vector<16xi1>, vector<16xi32>
      %add3A_1742 = arith.addi %select_n3A_1741, %select_n3A_1737 : vector<16xi32>
      %shift_right_arithmetic3A_1743 = arith.constant 1 : i32
      %shift_right_arithmetic3A_1744 = vector.broadcast %shift_right_arithmetic3A_1743 : i32 to vector<16xi32>
      %shift_right_arithmetic3A_1745 = arith.shrsi %add3A_1742, %shift_right_arithmetic3A_1744 : vector<16xi32>
      %gather3A_1746 = tpu.vector_load_idx %arg10[%shift_right_arithmetic3A_1745] : memref<768xf32, #tpu.memory_space<vmem>>[vector<16xi32>], vector<16xf32>,
      %gt3A_1747 = arith.cmpf ogt, %gather3A_1746, %min3A_1638 : vector<16xf32>
      %select_n3A_1748 = arith.select %gt3A_1747, %shift_right_arithmetic3A_1745, %select_n3A_1737 : vector<16xi1>, vector<16xi32>
      %add3A_1749 = arith.constant 1 : i32
      %add3A_1750 = vector.broadcast %add3A_1749 : i32 to vector<16xi32>
      %add3A_1751 = arith.addi %shift_right_arithmetic3A_1745, %add3A_1750 : vector<16xi32>
      %select_n3A_1752 = arith.select %gt3A_1747, %select_n3A_1741, %add3A_1751 : vector<16xi1>, vector<16xi32>
      %sub3A_1753 = arith.constant 1 : i32
      %sub3A_1754 = vector.broadcast %sub3A_1753 : i32 to vector<16xi32>
      %sub3A_1755 = arith.subi %select_n3A_1752, %sub3A_1754 : vector<16xi32>
      %max3A_1756 = arith.constant 0 : i32
      %max3A_1757 = vector.broadcast %max3A_1756 : i32 to vector<16xi32>
      %max3A_1758 = arith.maxsi %sub3A_1755, %max3A_1757 : vector<16xi32>
      %gather3A_1759 = tpu.vector_load_idx %arg10[%max3A_1758] : memref<768xf32, #tpu.memory_space<vmem>>[vector<16xi32>], vector<16xf32>,
      %eq3A_1760 = arith.constant 0 : i32
      %eq3A_1761 = vector.broadcast %eq3A_1760 : i32 to vector<16xi32>
      %eq3A_1762 = arith.cmpi eq, %select_n3A_1752, %eq3A_1761 : vector<16xi32>
      %jit3A_1763 = arith.constant 0.000000e+00 : f32
      %broadcast_in_dim3A_1764 = vector.broadcast %jit3A_1763 : f32 to vector<16xf32>
      %select_n3A_1765 = arith.select %eq3A_1762, %broadcast_in_dim3A_1764, %gather3A_1759 : vector<16xi1>, vector<16xf32>
      %gather3A_1766 = tpu.vector_load_idx %arg10[%select_n3A_1752] : memref<768xf32, #tpu.memory_space<vmem>>[vector<16xi32>], vector<16xf32>,
      %sub3A_1767 = arith.subf %gather3A_1766, %select_n3A_1765 : vector<16xf32>
      %max3A_1768 = arith.constant 1.000000e+00 : f32
      %max3A_1769 = vector.broadcast %max3A_1768 : f32 to vector<16xf32>
      %max3A_1770 = arith.maximumf %sub3A_1767, %max3A_1769 : vector<16xf32>
      %convert_element_type3A_1771 = arith.sitofp %select_n3A_1752 : vector<16xi32> to vector<16xf32>
      %sub3A_1772 = arith.constant 1.000000e+00 : f32
      %sub3A_1773 = vector.broadcast %sub3A_1772 : f32 to vector<16xf32>
      %sub3A_1774 = arith.subf %convert_element_type3A_1771, %sub3A_1773 : vector<16xf32>
      %mul3A_1775 = arith.constant 0.001953125 : f32
      %mul3A_1776 = vector.broadcast %mul3A_1775 : f32 to vector<16xf32>
      %mul3A_1777 = arith.mulf %sub3A_1774, %mul3A_1776 : vector<16xf32>
      %sub3A_1778 = arith.subf %min3A_1638, %select_n3A_1765 : vector<16xf32>
      %mul3A_1779 = arith.constant 0.001953125 : f32
      %mul3A_1780 = vector.broadcast %mul3A_1779 : f32 to vector<16xf32>
      %mul3A_1781 = arith.mulf %mul3A_1780, %sub3A_1778 : vector<16xf32>
      %div3A_1782 = arith.divf %mul3A_1781, %max3A_1770 : vector<16xf32>
      %add3A_1783 = arith.addf %mul3A_1777, %div3A_1782 : vector<16xf32>
      %eq3A_1784 = arith.constant 0 : i32
      %eq3A_1785 = vector.broadcast %eq3A_1784 : i32 to vector<16xi32>
      %eq3A_1786 = arith.cmpi eq, %select_n3A_1752, %eq3A_1785 : vector<16xi32>
      %jit3A_1787 = arith.constant 0.000000e+00 : f32
      %broadcast_in_dim3A_1788 = vector.broadcast %jit3A_1787 : f32 to vector<16xf32>
      %select_n3A_1789 = arith.select %eq3A_1786, %broadcast_in_dim3A_1788, %add3A_1783 : vector<16xi1>, vector<16xf32>
      %sub3A_1790 = arith.constant 5.000000e-01 : f32
      %sub3A_1791 = arith.subf %scan3A_10, %sub3A_1790 : f32
      %min3A_1792 = vector.broadcast %sub3A_1791 : f32 to vector<16xf32>
      %min3A_1793 = arith.minimumf %add3A_683, %min3A_1792 : vector<16xf32>
      %broadcast_in_dim3A_1794 = arith.constant 0 : i32
      %broadcast_in_dim3A_1795 = vector.broadcast %broadcast_in_dim3A_1794 : i32 to vector<16xi32>
      %broadcast_in_dim3A_1796 = arith.constant 512 : i32
      %broadcast_in_dim3A_1797 = vector.broadcast %broadcast_in_dim3A_1796 : i32 to vector<16xi32>
      %add3A_1798 = arith.addi %broadcast_in_dim3A_1795, %broadcast_in_dim3A_1797 : vector<16xi32>
      %shift_right_arithmetic3A_1799 = arith.constant 1 : i32
      %shift_right_arithmetic3A_1800 = vector.broadcast %shift_right_arithmetic3A_1799 : i32 to vector<16xi32>
      %shift_right_arithmetic3A_1801 = arith.shrsi %add3A_1798, %shift_right_arithmetic3A_1800 : vector<16xi32>
      %gather3A_1802 = tpu.vector_load_idx %arg10[%shift_right_arithmetic3A_1801] : memref<768xf32, #tpu.memory_space<vmem>>[vector<16xi32>], vector<16xf32>,
      %gt3A_1803 = arith.cmpf ogt, %gather3A_1802, %min3A_1793 : vector<16xf32>
      %select_n3A_1804 = arith.select %gt3A_1803, %shift_right_arithmetic3A_1801, %broadcast_in_dim3A_1797 : vector<16xi1>, vector<16xi32>
      %add3A_1805 = arith.constant 1 : i32
      %add3A_1806 = vector.broadcast %add3A_1805 : i32 to vector<16xi32>
      %add3A_1807 = arith.addi %shift_right_arithmetic3A_1801, %add3A_1806 : vector<16xi32>
      %select_n3A_1808 = arith.select %gt3A_1803, %broadcast_in_dim3A_1795, %add3A_1807 : vector<16xi1>, vector<16xi32>
      %add3A_1809 = arith.addi %select_n3A_1808, %select_n3A_1804 : vector<16xi32>
      %shift_right_arithmetic3A_1810 = arith.constant 1 : i32
      %shift_right_arithmetic3A_1811 = vector.broadcast %shift_right_arithmetic3A_1810 : i32 to vector<16xi32>
      %shift_right_arithmetic3A_1812 = arith.shrsi %add3A_1809, %shift_right_arithmetic3A_1811 : vector<16xi32>
      %gather3A_1813 = tpu.vector_load_idx %arg10[%shift_right_arithmetic3A_1812] : memref<768xf32, #tpu.memory_space<vmem>>[vector<16xi32>], vector<16xf32>,
      %gt3A_1814 = arith.cmpf ogt, %gather3A_1813, %min3A_1793 : vector<16xf32>
      %select_n3A_1815 = arith.select %gt3A_1814, %shift_right_arithmetic3A_1812, %select_n3A_1804 : vector<16xi1>, vector<16xi32>
      %add3A_1816 = arith.constant 1 : i32
      %add3A_1817 = vector.broadcast %add3A_1816 : i32 to vector<16xi32>
      %add3A_1818 = arith.addi %shift_right_arithmetic3A_1812, %add3A_1817 : vector<16xi32>
      %select_n3A_1819 = arith.select %gt3A_1814, %select_n3A_1808, %add3A_1818 : vector<16xi1>, vector<16xi32>
      %add3A_1820 = arith.addi %select_n3A_1819, %select_n3A_1815 : vector<16xi32>
      %shift_right_arithmetic3A_1821 = arith.constant 1 : i32
      %shift_right_arithmetic3A_1822 = vector.broadcast %shift_right_arithmetic3A_1821 : i32 to vector<16xi32>
      %shift_right_arithmetic3A_1823 = arith.shrsi %add3A_1820, %shift_right_arithmetic3A_1822 : vector<16xi32>
      %gather3A_1824 = tpu.vector_load_idx %arg10[%shift_right_arithmetic3A_1823] : memref<768xf32, #tpu.memory_space<vmem>>[vector<16xi32>], vector<16xf32>,
      %gt3A_1825 = arith.cmpf ogt, %gather3A_1824, %min3A_1793 : vector<16xf32>
      %select_n3A_1826 = arith.select %gt3A_1825, %shift_right_arithmetic3A_1823, %select_n3A_1815 : vector<16xi1>, vector<16xi32>
      %add3A_1827 = arith.constant 1 : i32
      %add3A_1828 = vector.broadcast %add3A_1827 : i32 to vector<16xi32>
      %add3A_1829 = arith.addi %shift_right_arithmetic3A_1823, %add3A_1828 : vector<16xi32>
      %select_n3A_1830 = arith.select %gt3A_1825, %select_n3A_1819, %add3A_1829 : vector<16xi1>, vector<16xi32>
      %add3A_1831 = arith.addi %select_n3A_1830, %select_n3A_1826 : vector<16xi32>
      %shift_right_arithmetic3A_1832 = arith.constant 1 : i32
      %shift_right_arithmetic3A_1833 = vector.broadcast %shift_right_arithmetic3A_1832 : i32 to vector<16xi32>
      %shift_right_arithmetic3A_1834 = arith.shrsi %add3A_1831, %shift_right_arithmetic3A_1833 : vector<16xi32>
      %gather3A_1835 = tpu.vector_load_idx %arg10[%shift_right_arithmetic3A_1834] : memref<768xf32, #tpu.memory_space<vmem>>[vector<16xi32>], vector<16xf32>,
      %gt3A_1836 = arith.cmpf ogt, %gather3A_1835, %min3A_1793 : vector<16xf32>
      %select_n3A_1837 = arith.select %gt3A_1836, %shift_right_arithmetic3A_1834, %select_n3A_1826 : vector<16xi1>, vector<16xi32>
      %add3A_1838 = arith.constant 1 : i32
      %add3A_1839 = vector.broadcast %add3A_1838 : i32 to vector<16xi32>
      %add3A_1840 = arith.addi %shift_right_arithmetic3A_1834, %add3A_1839 : vector<16xi32>
      %select_n3A_1841 = arith.select %gt3A_1836, %select_n3A_1830, %add3A_1840 : vector<16xi1>, vector<16xi32>
      %add3A_1842 = arith.addi %select_n3A_1841, %select_n3A_1837 : vector<16xi32>
      %shift_right_arithmetic3A_1843 = arith.constant 1 : i32
      %shift_right_arithmetic3A_1844 = vector.broadcast %shift_right_arithmetic3A_1843 : i32 to vector<16xi32>
      %shift_right_arithmetic3A_1845 = arith.shrsi %add3A_1842, %shift_right_arithmetic3A_1844 : vector<16xi32>
      %gather3A_1846 = tpu.vector_load_idx %arg10[%shift_right_arithmetic3A_1845] : memref<768xf32, #tpu.memory_space<vmem>>[vector<16xi32>], vector<16xf32>,
      %gt3A_1847 = arith.cmpf ogt, %gather3A_1846, %min3A_1793 : vector<16xf32>
      %select_n3A_1848 = arith.select %gt3A_1847, %shift_right_arithmetic3A_1845, %select_n3A_1837 : vector<16xi1>, vector<16xi32>
      %add3A_1849 = arith.constant 1 : i32
      %add3A_1850 = vector.broadcast %add3A_1849 : i32 to vector<16xi32>
      %add3A_1851 = arith.addi %shift_right_arithmetic3A_1845, %add3A_1850 : vector<16xi32>
      %select_n3A_1852 = arith.select %gt3A_1847, %select_n3A_1841, %add3A_1851 : vector<16xi1>, vector<16xi32>
      %add3A_1853 = arith.addi %select_n3A_1852, %select_n3A_1848 : vector<16xi32>
      %shift_right_arithmetic3A_1854 = arith.constant 1 : i32
      %shift_right_arithmetic3A_1855 = vector.broadcast %shift_right_arithmetic3A_1854 : i32 to vector<16xi32>
      %shift_right_arithmetic3A_1856 = arith.shrsi %add3A_1853, %shift_right_arithmetic3A_1855 : vector<16xi32>
      %gather3A_1857 = tpu.vector_load_idx %arg10[%shift_right_arithmetic3A_1856] : memref<768xf32, #tpu.memory_space<vmem>>[vector<16xi32>], vector<16xf32>,
      %gt3A_1858 = arith.cmpf ogt, %gather3A_1857, %min3A_1793 : vector<16xf32>
      %select_n3A_1859 = arith.select %gt3A_1858, %shift_right_arithmetic3A_1856, %select_n3A_1848 : vector<16xi1>, vector<16xi32>
      %add3A_1860 = arith.constant 1 : i32
      %add3A_1861 = vector.broadcast %add3A_1860 : i32 to vector<16xi32>
      %add3A_1862 = arith.addi %shift_right_arithmetic3A_1856, %add3A_1861 : vector<16xi32>
      %select_n3A_1863 = arith.select %gt3A_1858, %select_n3A_1852, %add3A_1862 : vector<16xi1>, vector<16xi32>
      %add3A_1864 = arith.addi %select_n3A_1863, %select_n3A_1859 : vector<16xi32>
      %shift_right_arithmetic3A_1865 = arith.constant 1 : i32
      %shift_right_arithmetic3A_1866 = vector.broadcast %shift_right_arithmetic3A_1865 : i32 to vector<16xi32>
      %shift_right_arithmetic3A_1867 = arith.shrsi %add3A_1864, %shift_right_arithmetic3A_1866 : vector<16xi32>
      %gather3A_1868 = tpu.vector_load_idx %arg10[%shift_right_arithmetic3A_1867] : memref<768xf32, #tpu.memory_space<vmem>>[vector<16xi32>], vector<16xf32>,
      %gt3A_1869 = arith.cmpf ogt, %gather3A_1868, %min3A_1793 : vector<16xf32>
      %select_n3A_1870 = arith.select %gt3A_1869, %shift_right_arithmetic3A_1867, %select_n3A_1859 : vector<16xi1>, vector<16xi32>
      %add3A_1871 = arith.constant 1 : i32
      %add3A_1872 = vector.broadcast %add3A_1871 : i32 to vector<16xi32>
      %add3A_1873 = arith.addi %shift_right_arithmetic3A_1867, %add3A_1872 : vector<16xi32>
      %select_n3A_1874 = arith.select %gt3A_1869, %select_n3A_1863, %add3A_1873 : vector<16xi1>, vector<16xi32>
      %add3A_1875 = arith.addi %select_n3A_1874, %select_n3A_1870 : vector<16xi32>
      %shift_right_arithmetic3A_1876 = arith.constant 1 : i32
      %shift_right_arithmetic3A_1877 = vector.broadcast %shift_right_arithmetic3A_1876 : i32 to vector<16xi32>
      %shift_right_arithmetic3A_1878 = arith.shrsi %add3A_1875, %shift_right_arithmetic3A_1877 : vector<16xi32>
      %gather3A_1879 = tpu.vector_load_idx %arg10[%shift_right_arithmetic3A_1878] : memref<768xf32, #tpu.memory_space<vmem>>[vector<16xi32>], vector<16xf32>,
      %gt3A_1880 = arith.cmpf ogt, %gather3A_1879, %min3A_1793 : vector<16xf32>
      %select_n3A_1881 = arith.select %gt3A_1880, %shift_right_arithmetic3A_1878, %select_n3A_1870 : vector<16xi1>, vector<16xi32>
      %add3A_1882 = arith.constant 1 : i32
      %add3A_1883 = vector.broadcast %add3A_1882 : i32 to vector<16xi32>
      %add3A_1884 = arith.addi %shift_right_arithmetic3A_1878, %add3A_1883 : vector<16xi32>
      %select_n3A_1885 = arith.select %gt3A_1880, %select_n3A_1874, %add3A_1884 : vector<16xi1>, vector<16xi32>
      %add3A_1886 = arith.addi %select_n3A_1885, %select_n3A_1881 : vector<16xi32>
      %shift_right_arithmetic3A_1887 = arith.constant 1 : i32
      %shift_right_arithmetic3A_1888 = vector.broadcast %shift_right_arithmetic3A_1887 : i32 to vector<16xi32>
      %shift_right_arithmetic3A_1889 = arith.shrsi %add3A_1886, %shift_right_arithmetic3A_1888 : vector<16xi32>
      %gather3A_1890 = tpu.vector_load_idx %arg10[%shift_right_arithmetic3A_1889] : memref<768xf32, #tpu.memory_space<vmem>>[vector<16xi32>], vector<16xf32>,
      %gt3A_1891 = arith.cmpf ogt, %gather3A_1890, %min3A_1793 : vector<16xf32>
      %select_n3A_1892 = arith.select %gt3A_1891, %shift_right_arithmetic3A_1889, %select_n3A_1881 : vector<16xi1>, vector<16xi32>
      %add3A_1893 = arith.constant 1 : i32
      %add3A_1894 = vector.broadcast %add3A_1893 : i32 to vector<16xi32>
      %add3A_1895 = arith.addi %shift_right_arithmetic3A_1889, %add3A_1894 : vector<16xi32>
      %select_n3A_1896 = arith.select %gt3A_1891, %select_n3A_1885, %add3A_1895 : vector<16xi1>, vector<16xi32>
      %add3A_1897 = arith.addi %select_n3A_1896, %select_n3A_1892 : vector<16xi32>
      %shift_right_arithmetic3A_1898 = arith.constant 1 : i32
      %shift_right_arithmetic3A_1899 = vector.broadcast %shift_right_arithmetic3A_1898 : i32 to vector<16xi32>
      %shift_right_arithmetic3A_1900 = arith.shrsi %add3A_1897, %shift_right_arithmetic3A_1899 : vector<16xi32>
      %gather3A_1901 = tpu.vector_load_idx %arg10[%shift_right_arithmetic3A_1900] : memref<768xf32, #tpu.memory_space<vmem>>[vector<16xi32>], vector<16xf32>,
      %gt3A_1902 = arith.cmpf ogt, %gather3A_1901, %min3A_1793 : vector<16xf32>
      %select_n3A_1903 = arith.select %gt3A_1902, %shift_right_arithmetic3A_1900, %select_n3A_1892 : vector<16xi1>, vector<16xi32>
      %add3A_1904 = arith.constant 1 : i32
      %add3A_1905 = vector.broadcast %add3A_1904 : i32 to vector<16xi32>
      %add3A_1906 = arith.addi %shift_right_arithmetic3A_1900, %add3A_1905 : vector<16xi32>
      %select_n3A_1907 = arith.select %gt3A_1902, %select_n3A_1896, %add3A_1906 : vector<16xi1>, vector<16xi32>
      %sub3A_1908 = arith.constant 1 : i32
      %sub3A_1909 = vector.broadcast %sub3A_1908 : i32 to vector<16xi32>
      %sub3A_1910 = arith.subi %select_n3A_1907, %sub3A_1909 : vector<16xi32>
      %max3A_1911 = arith.constant 0 : i32
      %max3A_1912 = vector.broadcast %max3A_1911 : i32 to vector<16xi32>
      %max3A_1913 = arith.maxsi %sub3A_1910, %max3A_1912 : vector<16xi32>
      %gather3A_1914 = tpu.vector_load_idx %arg10[%max3A_1913] : memref<768xf32, #tpu.memory_space<vmem>>[vector<16xi32>], vector<16xf32>,
      %eq3A_1915 = arith.constant 0 : i32
      %eq3A_1916 = vector.broadcast %eq3A_1915 : i32 to vector<16xi32>
      %eq3A_1917 = arith.cmpi eq, %select_n3A_1907, %eq3A_1916 : vector<16xi32>
      %jit3A_1918 = arith.constant 0.000000e+00 : f32
      %broadcast_in_dim3A_1919 = vector.broadcast %jit3A_1918 : f32 to vector<16xf32>
      %select_n3A_1920 = arith.select %eq3A_1917, %broadcast_in_dim3A_1919, %gather3A_1914 : vector<16xi1>, vector<16xf32>
      %gather3A_1921 = tpu.vector_load_idx %arg10[%select_n3A_1907] : memref<768xf32, #tpu.memory_space<vmem>>[vector<16xi32>], vector<16xf32>,
      %sub3A_1922 = arith.subf %gather3A_1921, %select_n3A_1920 : vector<16xf32>
      %max3A_1923 = arith.constant 1.000000e+00 : f32
      %max3A_1924 = vector.broadcast %max3A_1923 : f32 to vector<16xf32>
      %max3A_1925 = arith.maximumf %sub3A_1922, %max3A_1924 : vector<16xf32>
      %convert_element_type3A_1926 = arith.sitofp %select_n3A_1907 : vector<16xi32> to vector<16xf32>
      %sub3A_1927 = arith.constant 1.000000e+00 : f32
      %sub3A_1928 = vector.broadcast %sub3A_1927 : f32 to vector<16xf32>
      %sub3A_1929 = arith.subf %convert_element_type3A_1926, %sub3A_1928 : vector<16xf32>
      %mul3A_1930 = arith.constant 0.001953125 : f32
      %mul3A_1931 = vector.broadcast %mul3A_1930 : f32 to vector<16xf32>
      %mul3A_1932 = arith.mulf %sub3A_1929, %mul3A_1931 : vector<16xf32>
      %sub3A_1933 = arith.subf %min3A_1793, %select_n3A_1920 : vector<16xf32>
      %mul3A_1934 = arith.constant 0.001953125 : f32
      %mul3A_1935 = vector.broadcast %mul3A_1934 : f32 to vector<16xf32>
      %mul3A_1936 = arith.mulf %mul3A_1935, %sub3A_1933 : vector<16xf32>
      %div3A_1937 = arith.divf %mul3A_1936, %max3A_1925 : vector<16xf32>
      %add3A_1938 = arith.addf %mul3A_1932, %div3A_1937 : vector<16xf32>
      %eq3A_1939 = arith.constant 0 : i32
      %eq3A_1940 = vector.broadcast %eq3A_1939 : i32 to vector<16xi32>
      %eq3A_1941 = arith.cmpi eq, %select_n3A_1907, %eq3A_1940 : vector<16xi32>
      %jit3A_1942 = arith.constant 0.000000e+00 : f32
      %broadcast_in_dim3A_1943 = vector.broadcast %jit3A_1942 : f32 to vector<16xf32>
      %select_n3A_1944 = arith.select %eq3A_1941, %broadcast_in_dim3A_1943, %add3A_1938 : vector<16xi1>, vector<16xf32>
      %mul3A_1945 = arith.constant 48 : i32
      %mul3A_1946 = arith.muli %arg1, %mul3A_1945 : i32
      %add3A_1947 = arith.constant 32 : i32
      %add3A_1948 = arith.addi %mul3A_1946, %add3A_1947 : i32
      %add3A_1949 = vector.broadcast %add3A_1948 : i32 to vector<16xi32>
      %add3A_1950 = arith.addi %add3A_1949, %iota3A : vector<16xi32>
      %eq3A_1951 = arith.constant 0 : i32
      %eq3A_1952 = vector.broadcast %eq3A_1951 : i32 to vector<16xi32>
      %eq3A_1953 = arith.cmpi eq, %add3A_1950, %eq3A_1952 : vector<16xi32>
      %sub3A_1954 = arith.subf %select_n3A_1944, %select_n3A_1789 : vector<16xf32>
      %jit3A_1955 = arith.constant 0.000000e+00 : f32
      %broadcast_in_dim3A_1956 = vector.broadcast %jit3A_1955 : f32 to vector<16xf32>
      %select_n3A_1957 = arith.select %eq3A_1953, %broadcast_in_dim3A_1956, %sub3A_1954 : vector<16xi1>, vector<16xf32>
      %swap3A_1958 = arith.constant 32 : index
      %swap3A_1959 = tpu.vector_load %arg13[%swap3A_1958] {strides = array<i32>} : memref<128xf32, #tpu.memory_space<vmem>>, vector<16xf32>,
      tpu.vector_store %arg13[%swap3A_1958], %select_n3A_1789 {strides = array<i32>} : memref<128xf32, #tpu.memory_space<vmem>>, vector<16xf32>,
      %swap3A_1960 = arith.constant 96 : index
      %swap3A_1961 = tpu.vector_load %arg13[%swap3A_1960] {strides = array<i32>} : memref<128xf32, #tpu.memory_space<vmem>>, vector<16xf32>,
      tpu.vector_store %arg13[%swap3A_1960], %select_n3A_1957 {strides = array<i32>} : memref<128xf32, #tpu.memory_space<vmem>>, vector<16xf32>,
      "tpu.region"() ({
        %run_scoped3A_2909 = tpu.sem_alloc : memref<!tpu.dma_semaphore, #tpu.memory_space<semaphore_mem>>
        %dma_start3A_2910 = arith.constant 0 : i32
        %dma_start3A_2911 = tpu.memref_slice %arg21[%arg1, %dma_start3A_2910] : memref<16x128xf32, #tpu.memory_space<vmem_shared>> -> memref<1x128xf32, #tpu.memory_space<vmem_shared>>
        %dma_start3A_2912 = tpu.memref_squeeze %dma_start3A_2911 : memref<1x128xf32, #tpu.memory_space<vmem_shared>> -> memref<128xf32, #tpu.memory_space<vmem_shared>>
        %dma_start3A_2913 = arith.constant 0 : i32
        %dma_start3A_2914 = tpu.memref_slice %arg21[%arg1, %dma_start3A_2913] : memref<16x128xf32, #tpu.memory_space<vmem_shared>> -> memref<1x128xf32, #tpu.memory_space<vmem_shared>>
        %dma_start3A_2915 = tpu.memref_squeeze %dma_start3A_2914 : memref<1x128xf32, #tpu.memory_space<vmem_shared>> -> memref<128xf32, #tpu.memory_space<vmem_shared>>
        tpu.enqueue_dma source(%arg13 : memref<128xf32, #tpu.memory_space<vmem>>) target(%dma_start3A_2915 : memref<128xf32, #tpu.memory_space<vmem_shared>>) target_semaphore(%run_scoped3A_2909 : memref<!tpu.dma_semaphore, #tpu.memory_space<semaphore_mem>>)
        %dma_wait3A_2916 = arith.constant 0 : i32
        %dma_wait3A_2917 = tpu.memref_slice %arg21[%arg1, %dma_wait3A_2916] : memref<16x128xf32, #tpu.memory_space<vmem_shared>> -> memref<1x128xf32, #tpu.memory_space<vmem_shared>>
        %dma_wait3A_2918 = tpu.memref_squeeze %dma_wait3A_2917 : memref<1x128xf32, #tpu.memory_space<vmem_shared>> -> memref<128xf32, #tpu.memory_space<vmem_shared>>
        %dma_wait3A_2919 = arith.constant 0 : i32
        %dma_wait3A_2920 = tpu.memref_slice %arg21[%arg1, %dma_wait3A_2919] : memref<16x128xf32, #tpu.memory_space<vmem_shared>> -> memref<1x128xf32, #tpu.memory_space<vmem_shared>>
        %dma_wait3A_2921 = tpu.memref_squeeze %dma_wait3A_2920 : memref<1x128xf32, #tpu.memory_space<vmem_shared>> -> memref<128xf32, #tpu.memory_space<vmem_shared>>
        tpu.wait_dma2 semaphore(%run_scoped3A_2909 : memref<!tpu.dma_semaphore, #tpu.memory_space<semaphore_mem>>) src(%arg13 : memref<128xf32, #tpu.memory_space<vmem>>) dst(%dma_wait3A_2921 : memref<128xf32, #tpu.memory_space<vmem_shared>>)
        tpu.yield
      }) : () -> ()
      %barrier3A_1962 = arith.constant 0 : index
      tpu.barrier barrier_id(%barrier3A_1962)
      "tpu.region"() ({
        %run_scoped3A_2909 = tpu.sem_alloc : memref<!tpu.dma_semaphore, #tpu.memory_space<semaphore_mem>>
        tpu.enqueue_dma source(%arg21 : memref<16x128xf32, #tpu.memory_space<vmem_shared>>) target(%arg12 : memref<16x128xf32, #tpu.memory_space<vmem>>) target_semaphore(%run_scoped3A_2909 : memref<!tpu.dma_semaphore, #tpu.memory_space<semaphore_mem>>)
        tpu.wait_dma2 semaphore(%run_scoped3A_2909 : memref<!tpu.dma_semaphore, #tpu.memory_space<semaphore_mem>>) src(%arg21 : memref<16x128xf32, #tpu.memory_space<vmem_shared>>) dst(%arg12 : memref<16x128xf32, #tpu.memory_space<vmem>>)
        tpu.yield
      }) : () -> ()
      %get3A_1963 = arith.constant 0 : i32
      %get3A_1964 = arith.index_cast %get3A_1963 : i32 to index
      %get3A_1965 = arith.constant 0 : index
      %get3A_1966 = tpu.vector_load %arg12[%get3A_1964, %get3A_1965] {strides = array<i32>} : memref<16x128xf32, #tpu.memory_space<vmem>>, vector<16xf32>,
      %swap3A_1967 = arith.constant 0 : i32
      %swap3A_1968 = arith.index_cast %swap3A_1967 : i32 to index
      %swap3A_1969 = arith.constant 0 : index
      %swap3A_1970 = tpu.vector_load %arg9[%swap3A_1968, %swap3A_1969] {strides = array<i32>} : memref<2x768xf32, #tpu.memory_space<vmem>>, vector<16xf32>,
      tpu.vector_store %arg9[%swap3A_1968, %swap3A_1969], %get3A_1966 {strides = array<i32>} : memref<2x768xf32, #tpu.memory_space<vmem>>, vector<16xf32>,
      %get3A_1971 = arith.constant 0 : i32
      %get3A_1972 = arith.index_cast %get3A_1971 : i32 to index
      %get3A_1973 = arith.constant 64 : index
      %get3A_1974 = tpu.vector_load %arg12[%get3A_1972, %get3A_1973] {strides = array<i32>} : memref<16x128xf32, #tpu.memory_space<vmem>>, vector<16xf32>,
      %swap3A_1975 = arith.constant 1 : i32
      %swap3A_1976 = arith.index_cast %swap3A_1975 : i32 to index
      %swap3A_1977 = arith.constant 0 : index
      %swap3A_1978 = tpu.vector_load %arg9[%swap3A_1976, %swap3A_1977] {strides = array<i32>} : memref<2x768xf32, #tpu.memory_space<vmem>>, vector<16xf32>,
      tpu.vector_store %arg9[%swap3A_1976, %swap3A_1977], %get3A_1974 {strides = array<i32>} : memref<2x768xf32, #tpu.memory_space<vmem>>, vector<16xf32>,
      %get3A_1979 = arith.constant 0 : i32
      %get3A_1980 = arith.index_cast %get3A_1979 : i32 to index
      %get3A_1981 = arith.constant 16 : index
      %get3A_1982 = tpu.vector_load %arg12[%get3A_1980, %get3A_1981] {strides = array<i32>} : memref<16x128xf32, #tpu.memory_space<vmem>>, vector<16xf32>,
      %swap3A_1983 = arith.constant 0 : i32
      %swap3A_1984 = arith.index_cast %swap3A_1983 : i32 to index
      %swap3A_1985 = arith.constant 16 : index
      %swap3A_1986 = tpu.vector_load %arg9[%swap3A_1984, %swap3A_1985] {strides = array<i32>} : memref<2x768xf32, #tpu.memory_space<vmem>>, vector<16xf32>,
      tpu.vector_store %arg9[%swap3A_1984, %swap3A_1985], %get3A_1982 {strides = array<i32>} : memref<2x768xf32, #tpu.memory_space<vmem>>, vector<16xf32>,
      %get3A_1987 = arith.constant 0 : i32
      %get3A_1988 = arith.index_cast %get3A_1987 : i32 to index
      %get3A_1989 = arith.constant 80 : index
      %get3A_1990 = tpu.vector_load %arg12[%get3A_1988, %get3A_1989] {strides = array<i32>} : memref<16x128xf32, #tpu.memory_space<vmem>>, vector<16xf32>,
      %swap3A_1991 = arith.constant 1 : i32
      %swap3A_1992 = arith.index_cast %swap3A_1991 : i32 to index
      %swap3A_1993 = arith.constant 16 : index
      %swap3A_1994 = tpu.vector_load %arg9[%swap3A_1992, %swap3A_1993] {strides = array<i32>} : memref<2x768xf32, #tpu.memory_space<vmem>>, vector<16xf32>,
      tpu.vector_store %arg9[%swap3A_1992, %swap3A_1993], %get3A_1990 {strides = array<i32>} : memref<2x768xf32, #tpu.memory_space<vmem>>, vector<16xf32>,
      %get3A_1995 = arith.constant 0 : i32
      %get3A_1996 = arith.index_cast %get3A_1995 : i32 to index
      %get3A_1997 = arith.constant 32 : index
      %get3A_1998 = tpu.vector_load %arg12[%get3A_1996, %get3A_1997] {strides = array<i32>} : memref<16x128xf32, #tpu.memory_space<vmem>>, vector<16xf32>,
      %swap3A_1999 = arith.constant 0 : i32
      %swap3A_2000 = arith.index_cast %swap3A_1999 : i32 to index
      %swap3A_2001 = arith.constant 32 : index
      %swap3A_2002 = tpu.vector_load %arg9[%swap3A_2000, %swap3A_2001] {strides = array<i32>} : memref<2x768xf32, #tpu.memory_space<vmem>>, vector<16xf32>,
      tpu.vector_store %arg9[%swap3A_2000, %swap3A_2001], %get3A_1998 {strides = array<i32>} : memref<2x768xf32, #tpu.memory_space<vmem>>, vector<16xf32>,
      %get3A_2003 = arith.constant 0 : i32
      %get3A_2004 = arith.index_cast %get3A_2003 : i32 to index
      %get3A_2005 = arith.constant 96 : index
      %get3A_2006 = tpu.vector_load %arg12[%get3A_2004, %get3A_2005] {strides = array<i32>} : memref<16x128xf32, #tpu.memory_space<vmem>>, vector<16xf32>,
      %swap3A_2007 = arith.constant 1 : i32
      %swap3A_2008 = arith.index_cast %swap3A_2007 : i32 to index
      %swap3A_2009 = arith.constant 32 : index
      %swap3A_2010 = tpu.vector_load %arg9[%swap3A_2008, %swap3A_2009] {strides = array<i32>} : memref<2x768xf32, #tpu.memory_space<vmem>>, vector<16xf32>,
      tpu.vector_store %arg9[%swap3A_2008, %swap3A_2009], %get3A_2006 {strides = array<i32>} : memref<2x768xf32, #tpu.memory_space<vmem>>, vector<16xf32>,
      %get3A_2011 = arith.constant 1 : i32
      %get3A_2012 = arith.index_cast %get3A_2011 : i32 to index
      %get3A_2013 = arith.constant 0 : index
      %get3A_2014 = tpu.vector_load %arg12[%get3A_2012, %get3A_2013] {strides = array<i32>} : memref<16x128xf32, #tpu.memory_space<vmem>>, vector<16xf32>,
      %swap3A_2015 = arith.constant 0 : i32
      %swap3A_2016 = arith.index_cast %swap3A_2015 : i32 to index
      %swap3A_2017 = arith.constant 48 : index
      %swap3A_2018 = tpu.vector_load %arg9[%swap3A_2016, %swap3A_2017] {strides = array<i32>} : memref<2x768xf32, #tpu.memory_space<vmem>>, vector<16xf32>,
      tpu.vector_store %arg9[%swap3A_2016, %swap3A_2017], %get3A_2014 {strides = array<i32>} : memref<2x768xf32, #tpu.memory_space<vmem>>, vector<16xf32>,
      %get3A_2019 = arith.constant 1 : i32
      %get3A_2020 = arith.index_cast %get3A_2019 : i32 to index
      %get3A_2021 = arith.constant 64 : index
      %get3A_2022 = tpu.vector_load %arg12[%get3A_2020, %get3A_2021] {strides = array<i32>} : memref<16x128xf32, #tpu.memory_space<vmem>>, vector<16xf32>,
      %swap3A_2023 = arith.constant 1 : i32
      %swap3A_2024 = arith.index_cast %swap3A_2023 : i32 to index
      %swap3A_2025 = arith.constant 48 : index
      %swap3A_2026 = tpu.vector_load %arg9[%swap3A_2024, %swap3A_2025] {strides = array<i32>} : memref<2x768xf32, #tpu.memory_space<vmem>>, vector<16xf32>,
      tpu.vector_store %arg9[%swap3A_2024, %swap3A_2025], %get3A_2022 {strides = array<i32>} : memref<2x768xf32, #tpu.memory_space<vmem>>, vector<16xf32>,
      %get3A_2027 = arith.constant 1 : i32
      %get3A_2028 = arith.index_cast %get3A_2027 : i32 to index
      %get3A_2029 = arith.constant 16 : index
      %get3A_2030 = tpu.vector_load %arg12[%get3A_2028, %get3A_2029] {strides = array<i32>} : memref<16x128xf32, #tpu.memory_space<vmem>>, vector<16xf32>,
      %swap3A_2031 = arith.constant 0 : i32
      %swap3A_2032 = arith.index_cast %swap3A_2031 : i32 to index
      %swap3A_2033 = arith.constant 64 : index
      %swap3A_2034 = tpu.vector_load %arg9[%swap3A_2032, %swap3A_2033] {strides = array<i32>} : memref<2x768xf32, #tpu.memory_space<vmem>>, vector<16xf32>,
      tpu.vector_store %arg9[%swap3A_2032, %swap3A_2033], %get3A_2030 {strides = array<i32>} : memref<2x768xf32, #tpu.memory_space<vmem>>, vector<16xf32>,
      %get3A_2035 = arith.constant 1 : i32
      %get3A_2036 = arith.index_cast %get3A_2035 : i32 to index
      %get3A_2037 = arith.constant 80 : index
      %get3A_2038 = tpu.vector_load %arg12[%get3A_2036, %get3A_2037] {strides = array<i32>} : memref<16x128xf32, #tpu.memory_space<vmem>>, vector<16xf32>,
      %swap3A_2039 = arith.constant 1 : i32
      %swap3A_2040 = arith.index_cast %swap3A_2039 : i32 to index
      %swap3A_2041 = arith.constant 64 : index
      %swap3A_2042 = tpu.vector_load %arg9[%swap3A_2040, %swap3A_2041] {strides = array<i32>} : memref<2x768xf32, #tpu.memory_space<vmem>>, vector<16xf32>,
      tpu.vector_store %arg9[%swap3A_2040, %swap3A_2041], %get3A_2038 {strides = array<i32>} : memref<2x768xf32, #tpu.memory_space<vmem>>, vector<16xf32>,
      %get3A_2043 = arith.constant 1 : i32
      %get3A_2044 = arith.index_cast %get3A_2043 : i32 to index
      %get3A_2045 = arith.constant 32 : index
      %get3A_2046 = tpu.vector_load %arg12[%get3A_2044, %get3A_2045] {strides = array<i32>} : memref<16x128xf32, #tpu.memory_space<vmem>>, vector<16xf32>,
      %swap3A_2047 = arith.constant 0 : i32
      %swap3A_2048 = arith.index_cast %swap3A_2047 : i32 to index
      %swap3A_2049 = arith.constant 80 : index
      %swap3A_2050 = tpu.vector_load %arg9[%swap3A_2048, %swap3A_2049] {strides = array<i32>} : memref<2x768xf32, #tpu.memory_space<vmem>>, vector<16xf32>,
      tpu.vector_store %arg9[%swap3A_2048, %swap3A_2049], %get3A_2046 {strides = array<i32>} : memref<2x768xf32, #tpu.memory_space<vmem>>, vector<16xf32>,
      %get3A_2051 = arith.constant 1 : i32
      %get3A_2052 = arith.index_cast %get3A_2051 : i32 to index
      %get3A_2053 = arith.constant 96 : index
      %get3A_2054 = tpu.vector_load %arg12[%get3A_2052, %get3A_2053] {strides = array<i32>} : memref<16x128xf32, #tpu.memory_space<vmem>>, vector<16xf32>,
      %swap3A_2055 = arith.constant 1 : i32
      %swap3A_2056 = arith.index_cast %swap3A_2055 : i32 to index
      %swap3A_2057 = arith.constant 80 : index
      %swap3A_2058 = tpu.vector_load %arg9[%swap3A_2056, %swap3A_2057] {strides = array<i32>} : memref<2x768xf32, #tpu.memory_space<vmem>>, vector<16xf32>,
      tpu.vector_store %arg9[%swap3A_2056, %swap3A_2057], %get3A_2054 {strides = array<i32>} : memref<2x768xf32, #tpu.memory_space<vmem>>, vector<16xf32>,
      %get3A_2059 = arith.constant 2 : i32
      %get3A_2060 = arith.index_cast %get3A_2059 : i32 to index
      %get3A_2061 = arith.constant 0 : index
      %get3A_2062 = tpu.vector_load %arg12[%get3A_2060, %get3A_2061] {strides = array<i32>} : memref<16x128xf32, #tpu.memory_space<vmem>>, vector<16xf32>,
      %swap3A_2063 = arith.constant 0 : i32
      %swap3A_2064 = arith.index_cast %swap3A_2063 : i32 to index
      %swap3A_2065 = arith.constant 96 : index
      %swap3A_2066 = tpu.vector_load %arg9[%swap3A_2064, %swap3A_2065] {strides = array<i32>} : memref<2x768xf32, #tpu.memory_space<vmem>>, vector<16xf32>,
      tpu.vector_store %arg9[%swap3A_2064, %swap3A_2065], %get3A_2062 {strides = array<i32>} : memref<2x768xf32, #tpu.memory_space<vmem>>, vector<16xf32>,
      %get3A_2067 = arith.constant 2 : i32
      %get3A_2068 = arith.index_cast %get3A_2067 : i32 to index
      %get3A_2069 = arith.constant 64 : index
      %get3A_2070 = tpu.vector_load %arg12[%get3A_2068, %get3A_2069] {strides = array<i32>} : memref<16x128xf32, #tpu.memory_space<vmem>>, vector<16xf32>,
      %swap3A_2071 = arith.constant 1 : i32
      %swap3A_2072 = arith.index_cast %swap3A_2071 : i32 to index
      %swap3A_2073 = arith.constant 96 : index
      %swap3A_2074 = tpu.vector_load %arg9[%swap3A_2072, %swap3A_2073] {strides = array<i32>} : memref<2x768xf32, #tpu.memory_space<vmem>>, vector<16xf32>,
      tpu.vector_store %arg9[%swap3A_2072, %swap3A_2073], %get3A_2070 {strides = array<i32>} : memref<2x768xf32, #tpu.memory_space<vmem>>, vector<16xf32>,
      %get3A_2075 = arith.constant 2 : i32
      %get3A_2076 = arith.index_cast %get3A_2075 : i32 to index
      %get3A_2077 = arith.constant 16 : index
      %get3A_2078 = tpu.vector_load %arg12[%get3A_2076, %get3A_2077] {strides = array<i32>} : memref<16x128xf32, #tpu.memory_space<vmem>>, vector<16xf32>,
      %swap3A_2079 = arith.constant 0 : i32
      %swap3A_2080 = arith.index_cast %swap3A_2079 : i32 to index
      %swap3A_2081 = arith.constant 112 : index
      %swap3A_2082 = tpu.vector_load %arg9[%swap3A_2080, %swap3A_2081] {strides = array<i32>} : memref<2x768xf32, #tpu.memory_space<vmem>>, vector<16xf32>,
      tpu.vector_store %arg9[%swap3A_2080, %swap3A_2081], %get3A_2078 {strides = array<i32>} : memref<2x768xf32, #tpu.memory_space<vmem>>, vector<16xf32>,
      %get3A_2083 = arith.constant 2 : i32
      %get3A_2084 = arith.index_cast %get3A_2083 : i32 to index
      %get3A_2085 = arith.constant 80 : index
      %get3A_2086 = tpu.vector_load %arg12[%get3A_2084, %get3A_2085] {strides = array<i32>} : memref<16x128xf32, #tpu.memory_space<vmem>>, vector<16xf32>,
      %swap3A_2087 = arith.constant 1 : i32
      %swap3A_2088 = arith.index_cast %swap3A_2087 : i32 to index
      %swap3A_2089 = arith.constant 112 : index
      %swap3A_2090 = tpu.vector_load %arg9[%swap3A_2088, %swap3A_2089] {strides = array<i32>} : memref<2x768xf32, #tpu.memory_space<vmem>>, vector<16xf32>,
      tpu.vector_store %arg9[%swap3A_2088, %swap3A_2089], %get3A_2086 {strides = array<i32>} : memref<2x768xf32, #tpu.memory_space<vmem>>, vector<16xf32>,
      %get3A_2091 = arith.constant 2 : i32
      %get3A_2092 = arith.index_cast %get3A_2091 : i32 to index
      %get3A_2093 = arith.constant 32 : index
      %get3A_2094 = tpu.vector_load %arg12[%get3A_2092, %get3A_2093] {strides = array<i32>} : memref<16x128xf32, #tpu.memory_space<vmem>>, vector<16xf32>,
      %swap3A_2095 = arith.constant 0 : i32
      %swap3A_2096 = arith.index_cast %swap3A_2095 : i32 to index
      %swap3A_2097 = arith.constant 128 : index
      %swap3A_2098 = tpu.vector_load %arg9[%swap3A_2096, %swap3A_2097] {strides = array<i32>} : memref<2x768xf32, #tpu.memory_space<vmem>>, vector<16xf32>,
      tpu.vector_store %arg9[%swap3A_2096, %swap3A_2097], %get3A_2094 {strides = array<i32>} : memref<2x768xf32, #tpu.memory_space<vmem>>, vector<16xf32>,
      %get3A_2099 = arith.constant 2 : i32
      %get3A_2100 = arith.index_cast %get3A_2099 : i32 to index
      %get3A_2101 = arith.constant 96 : index
      %get3A_2102 = tpu.vector_load %arg12[%get3A_2100, %get3A_2101] {strides = array<i32>} : memref<16x128xf32, #tpu.memory_space<vmem>>, vector<16xf32>,
      %swap3A_2103 = arith.constant 1 : i32
      %swap3A_2104 = arith.index_cast %swap3A_2103 : i32 to index
      %swap3A_2105 = arith.constant 128 : index
      %swap3A_2106 = tpu.vector_load %arg9[%swap3A_2104, %swap3A_2105] {strides = array<i32>} : memref<2x768xf32, #tpu.memory_space<vmem>>, vector<16xf32>,
      tpu.vector_store %arg9[%swap3A_2104, %swap3A_2105], %get3A_2102 {strides = array<i32>} : memref<2x768xf32, #tpu.memory_space<vmem>>, vector<16xf32>,
      %get3A_2107 = arith.constant 3 : i32
      %get3A_2108 = arith.index_cast %get3A_2107 : i32 to index
      %get3A_2109 = arith.constant 0 : index
      %get3A_2110 = tpu.vector_load %arg12[%get3A_2108, %get3A_2109] {strides = array<i32>} : memref<16x128xf32, #tpu.memory_space<vmem>>, vector<16xf32>,
      %swap3A_2111 = arith.constant 0 : i32
      %swap3A_2112 = arith.index_cast %swap3A_2111 : i32 to index
      %swap3A_2113 = arith.constant 144 : index
      %swap3A_2114 = tpu.vector_load %arg9[%swap3A_2112, %swap3A_2113] {strides = array<i32>} : memref<2x768xf32, #tpu.memory_space<vmem>>, vector<16xf32>,
      tpu.vector_store %arg9[%swap3A_2112, %swap3A_2113], %get3A_2110 {strides = array<i32>} : memref<2x768xf32, #tpu.memory_space<vmem>>, vector<16xf32>,
      %get3A_2115 = arith.constant 3 : i32
      %get3A_2116 = arith.index_cast %get3A_2115 : i32 to index
      %get3A_2117 = arith.constant 64 : index
      %get3A_2118 = tpu.vector_load %arg12[%get3A_2116, %get3A_2117] {strides = array<i32>} : memref<16x128xf32, #tpu.memory_space<vmem>>, vector<16xf32>,
      %swap3A_2119 = arith.constant 1 : i32
      %swap3A_2120 = arith.index_cast %swap3A_2119 : i32 to index
      %swap3A_2121 = arith.constant 144 : index
      %swap3A_2122 = tpu.vector_load %arg9[%swap3A_2120, %swap3A_2121] {strides = array<i32>} : memref<2x768xf32, #tpu.memory_space<vmem>>, vector<16xf32>,
      tpu.vector_store %arg9[%swap3A_2120, %swap3A_2121], %get3A_2118 {strides = array<i32>} : memref<2x768xf32, #tpu.memory_space<vmem>>, vector<16xf32>,
      %get3A_2123 = arith.constant 3 : i32
      %get3A_2124 = arith.index_cast %get3A_2123 : i32 to index
      %get3A_2125 = arith.constant 16 : index
      %get3A_2126 = tpu.vector_load %arg12[%get3A_2124, %get3A_2125] {strides = array<i32>} : memref<16x128xf32, #tpu.memory_space<vmem>>, vector<16xf32>,
      %swap3A_2127 = arith.constant 0 : i32
      %swap3A_2128 = arith.index_cast %swap3A_2127 : i32 to index
      %swap3A_2129 = arith.constant 160 : index
      %swap3A_2130 = tpu.vector_load %arg9[%swap3A_2128, %swap3A_2129] {strides = array<i32>} : memref<2x768xf32, #tpu.memory_space<vmem>>, vector<16xf32>,
      tpu.vector_store %arg9[%swap3A_2128, %swap3A_2129], %get3A_2126 {strides = array<i32>} : memref<2x768xf32, #tpu.memory_space<vmem>>, vector<16xf32>,
      %get3A_2131 = arith.constant 3 : i32
      %get3A_2132 = arith.index_cast %get3A_2131 : i32 to index
      %get3A_2133 = arith.constant 80 : index
      %get3A_2134 = tpu.vector_load %arg12[%get3A_2132, %get3A_2133] {strides = array<i32>} : memref<16x128xf32, #tpu.memory_space<vmem>>, vector<16xf32>,
      %swap3A_2135 = arith.constant 1 : i32
      %swap3A_2136 = arith.index_cast %swap3A_2135 : i32 to index
      %swap3A_2137 = arith.constant 160 : index
      %swap3A_2138 = tpu.vector_load %arg9[%swap3A_2136, %swap3A_2137] {strides = array<i32>} : memref<2x768xf32, #tpu.memory_space<vmem>>, vector<16xf32>,
      tpu.vector_store %arg9[%swap3A_2136, %swap3A_2137], %get3A_2134 {strides = array<i32>} : memref<2x768xf32, #tpu.memory_space<vmem>>, vector<16xf32>,
      %get3A_2139 = arith.constant 3 : i32
      %get3A_2140 = arith.index_cast %get3A_2139 : i32 to index
      %get3A_2141 = arith.constant 32 : index
      %get3A_2142 = tpu.vector_load %arg12[%get3A_2140, %get3A_2141] {strides = array<i32>} : memref<16x128xf32, #tpu.memory_space<vmem>>, vector<16xf32>,
      %swap3A_2143 = arith.constant 0 : i32
      %swap3A_2144 = arith.index_cast %swap3A_2143 : i32 to index
      %swap3A_2145 = arith.constant 176 : index
      %swap3A_2146 = tpu.vector_load %arg9[%swap3A_2144, %swap3A_2145] {strides = array<i32>} : memref<2x768xf32, #tpu.memory_space<vmem>>, vector<16xf32>,
      tpu.vector_store %arg9[%swap3A_2144, %swap3A_2145], %get3A_2142 {strides = array<i32>} : memref<2x768xf32, #tpu.memory_space<vmem>>, vector<16xf32>,
      %get3A_2147 = arith.constant 3 : i32
      %get3A_2148 = arith.index_cast %get3A_2147 : i32 to index
      %get3A_2149 = arith.constant 96 : index
      %get3A_2150 = tpu.vector_load %arg12[%get3A_2148, %get3A_2149] {strides = array<i32>} : memref<16x128xf32, #tpu.memory_space<vmem>>, vector<16xf32>,
      %swap3A_2151 = arith.constant 1 : i32
      %swap3A_2152 = arith.index_cast %swap3A_2151 : i32 to index
      %swap3A_2153 = arith.constant 176 : index
      %swap3A_2154 = tpu.vector_load %arg9[%swap3A_2152, %swap3A_2153] {strides = array<i32>} : memref<2x768xf32, #tpu.memory_space<vmem>>, vector<16xf32>,
      tpu.vector_store %arg9[%swap3A_2152, %swap3A_2153], %get3A_2150 {strides = array<i32>} : memref<2x768xf32, #tpu.memory_space<vmem>>, vector<16xf32>,
      %get3A_2155 = arith.constant 4 : i32
      %get3A_2156 = arith.index_cast %get3A_2155 : i32 to index
      %get3A_2157 = arith.constant 0 : index
      %get3A_2158 = tpu.vector_load %arg12[%get3A_2156, %get3A_2157] {strides = array<i32>} : memref<16x128xf32, #tpu.memory_space<vmem>>, vector<16xf32>,
      %swap3A_2159 = arith.constant 0 : i32
      %swap3A_2160 = arith.index_cast %swap3A_2159 : i32 to index
      %swap3A_2161 = arith.constant 192 : index
      %swap3A_2162 = tpu.vector_load %arg9[%swap3A_2160, %swap3A_2161] {strides = array<i32>} : memref<2x768xf32, #tpu.memory_space<vmem>>, vector<16xf32>,
      tpu.vector_store %arg9[%swap3A_2160, %swap3A_2161], %get3A_2158 {strides = array<i32>} : memref<2x768xf32, #tpu.memory_space<vmem>>, vector<16xf32>,
      %get3A_2163 = arith.constant 4 : i32
      %get3A_2164 = arith.index_cast %get3A_2163 : i32 to index
      %get3A_2165 = arith.constant 64 : index
      %get3A_2166 = tpu.vector_load %arg12[%get3A_2164, %get3A_2165] {strides = array<i32>} : memref<16x128xf32, #tpu.memory_space<vmem>>, vector<16xf32>,
      %swap3A_2167 = arith.constant 1 : i32
      %swap3A_2168 = arith.index_cast %swap3A_2167 : i32 to index
      %swap3A_2169 = arith.constant 192 : index
      %swap3A_2170 = tpu.vector_load %arg9[%swap3A_2168, %swap3A_2169] {strides = array<i32>} : memref<2x768xf32, #tpu.memory_space<vmem>>, vector<16xf32>,
      tpu.vector_store %arg9[%swap3A_2168, %swap3A_2169], %get3A_2166 {strides = array<i32>} : memref<2x768xf32, #tpu.memory_space<vmem>>, vector<16xf32>,
      %get3A_2171 = arith.constant 4 : i32
      %get3A_2172 = arith.index_cast %get3A_2171 : i32 to index
      %get3A_2173 = arith.constant 16 : index
      %get3A_2174 = tpu.vector_load %arg12[%get3A_2172, %get3A_2173] {strides = array<i32>} : memref<16x128xf32, #tpu.memory_space<vmem>>, vector<16xf32>,
      %swap3A_2175 = arith.constant 0 : i32
      %swap3A_2176 = arith.index_cast %swap3A_2175 : i32 to index
      %swap3A_2177 = arith.constant 208 : index
      %swap3A_2178 = tpu.vector_load %arg9[%swap3A_2176, %swap3A_2177] {strides = array<i32>} : memref<2x768xf32, #tpu.memory_space<vmem>>, vector<16xf32>,
      tpu.vector_store %arg9[%swap3A_2176, %swap3A_2177], %get3A_2174 {strides = array<i32>} : memref<2x768xf32, #tpu.memory_space<vmem>>, vector<16xf32>,
      %get3A_2179 = arith.constant 4 : i32
      %get3A_2180 = arith.index_cast %get3A_2179 : i32 to index
      %get3A_2181 = arith.constant 80 : index
      %get3A_2182 = tpu.vector_load %arg12[%get3A_2180, %get3A_2181] {strides = array<i32>} : memref<16x128xf32, #tpu.memory_space<vmem>>, vector<16xf32>,
      %swap3A_2183 = arith.constant 1 : i32
      %swap3A_2184 = arith.index_cast %swap3A_2183 : i32 to index
      %swap3A_2185 = arith.constant 208 : index
      %swap3A_2186 = tpu.vector_load %arg9[%swap3A_2184, %swap3A_2185] {strides = array<i32>} : memref<2x768xf32, #tpu.memory_space<vmem>>, vector<16xf32>,
      tpu.vector_store %arg9[%swap3A_2184, %swap3A_2185], %get3A_2182 {strides = array<i32>} : memref<2x768xf32, #tpu.memory_space<vmem>>, vector<16xf32>,
      %get3A_2187 = arith.constant 4 : i32
      %get3A_2188 = arith.index_cast %get3A_2187 : i32 to index
      %get3A_2189 = arith.constant 32 : index
      %get3A_2190 = tpu.vector_load %arg12[%get3A_2188, %get3A_2189] {strides = array<i32>} : memref<16x128xf32, #tpu.memory_space<vmem>>, vector<16xf32>,
      %swap3A_2191 = arith.constant 0 : i32
      %swap3A_2192 = arith.index_cast %swap3A_2191 : i32 to index
      %swap3A_2193 = arith.constant 224 : index
      %swap3A_2194 = tpu.vector_load %arg9[%swap3A_2192, %swap3A_2193] {strides = array<i32>} : memref<2x768xf32, #tpu.memory_space<vmem>>, vector<16xf32>,
      tpu.vector_store %arg9[%swap3A_2192, %swap3A_2193], %get3A_2190 {strides = array<i32>} : memref<2x768xf32, #tpu.memory_space<vmem>>, vector<16xf32>,
      %get3A_2195 = arith.constant 4 : i32
      %get3A_2196 = arith.index_cast %get3A_2195 : i32 to index
      %get3A_2197 = arith.constant 96 : index
      %get3A_2198 = tpu.vector_load %arg12[%get3A_2196, %get3A_2197] {strides = array<i32>} : memref<16x128xf32, #tpu.memory_space<vmem>>, vector<16xf32>,
      %swap3A_2199 = arith.constant 1 : i32
      %swap3A_2200 = arith.index_cast %swap3A_2199 : i32 to index
      %swap3A_2201 = arith.constant 224 : index
      %swap3A_2202 = tpu.vector_load %arg9[%swap3A_2200, %swap3A_2201] {strides = array<i32>} : memref<2x768xf32, #tpu.memory_space<vmem>>, vector<16xf32>,
      tpu.vector_store %arg9[%swap3A_2200, %swap3A_2201], %get3A_2198 {strides = array<i32>} : memref<2x768xf32, #tpu.memory_space<vmem>>, vector<16xf32>,
      %get3A_2203 = arith.constant 5 : i32
      %get3A_2204 = arith.index_cast %get3A_2203 : i32 to index
      %get3A_2205 = arith.constant 0 : index
      %get3A_2206 = tpu.vector_load %arg12[%get3A_2204, %get3A_2205] {strides = array<i32>} : memref<16x128xf32, #tpu.memory_space<vmem>>, vector<16xf32>,
      %swap3A_2207 = arith.constant 0 : i32
      %swap3A_2208 = arith.index_cast %swap3A_2207 : i32 to index
      %swap3A_2209 = arith.constant 240 : index
      %swap3A_2210 = tpu.vector_load %arg9[%swap3A_2208, %swap3A_2209] {strides = array<i32>} : memref<2x768xf32, #tpu.memory_space<vmem>>, vector<16xf32>,
      tpu.vector_store %arg9[%swap3A_2208, %swap3A_2209], %get3A_2206 {strides = array<i32>} : memref<2x768xf32, #tpu.memory_space<vmem>>, vector<16xf32>,
      %get3A_2211 = arith.constant 5 : i32
      %get3A_2212 = arith.index_cast %get3A_2211 : i32 to index
      %get3A_2213 = arith.constant 64 : index
      %get3A_2214 = tpu.vector_load %arg12[%get3A_2212, %get3A_2213] {strides = array<i32>} : memref<16x128xf32, #tpu.memory_space<vmem>>, vector<16xf32>,
      %swap3A_2215 = arith.constant 1 : i32
      %swap3A_2216 = arith.index_cast %swap3A_2215 : i32 to index
      %swap3A_2217 = arith.constant 240 : index
      %swap3A_2218 = tpu.vector_load %arg9[%swap3A_2216, %swap3A_2217] {strides = array<i32>} : memref<2x768xf32, #tpu.memory_space<vmem>>, vector<16xf32>,
      tpu.vector_store %arg9[%swap3A_2216, %swap3A_2217], %get3A_2214 {strides = array<i32>} : memref<2x768xf32, #tpu.memory_space<vmem>>, vector<16xf32>,
      %get3A_2219 = arith.constant 5 : i32
      %get3A_2220 = arith.index_cast %get3A_2219 : i32 to index
      %get3A_2221 = arith.constant 16 : index
      %get3A_2222 = tpu.vector_load %arg12[%get3A_2220, %get3A_2221] {strides = array<i32>} : memref<16x128xf32, #tpu.memory_space<vmem>>, vector<16xf32>,
      %swap3A_2223 = arith.constant 0 : i32
      %swap3A_2224 = arith.index_cast %swap3A_2223 : i32 to index
      %swap3A_2225 = arith.constant 256 : index
      %swap3A_2226 = tpu.vector_load %arg9[%swap3A_2224, %swap3A_2225] {strides = array<i32>} : memref<2x768xf32, #tpu.memory_space<vmem>>, vector<16xf32>,
      tpu.vector_store %arg9[%swap3A_2224, %swap3A_2225], %get3A_2222 {strides = array<i32>} : memref<2x768xf32, #tpu.memory_space<vmem>>, vector<16xf32>,
      %get3A_2227 = arith.constant 5 : i32
      %get3A_2228 = arith.index_cast %get3A_2227 : i32 to index
      %get3A_2229 = arith.constant 80 : index
      %get3A_2230 = tpu.vector_load %arg12[%get3A_2228, %get3A_2229] {strides = array<i32>} : memref<16x128xf32, #tpu.memory_space<vmem>>, vector<16xf32>,
      %swap3A_2231 = arith.constant 1 : i32
      %swap3A_2232 = arith.index_cast %swap3A_2231 : i32 to index
      %swap3A_2233 = arith.constant 256 : index
      %swap3A_2234 = tpu.vector_load %arg9[%swap3A_2232, %swap3A_2233] {strides = array<i32>} : memref<2x768xf32, #tpu.memory_space<vmem>>, vector<16xf32>,
      tpu.vector_store %arg9[%swap3A_2232, %swap3A_2233], %get3A_2230 {strides = array<i32>} : memref<2x768xf32, #tpu.memory_space<vmem>>, vector<16xf32>,
      %get3A_2235 = arith.constant 5 : i32
      %get3A_2236 = arith.index_cast %get3A_2235 : i32 to index
      %get3A_2237 = arith.constant 32 : index
      %get3A_2238 = tpu.vector_load %arg12[%get3A_2236, %get3A_2237] {strides = array<i32>} : memref<16x128xf32, #tpu.memory_space<vmem>>, vector<16xf32>,
      %swap3A_2239 = arith.constant 0 : i32
      %swap3A_2240 = arith.index_cast %swap3A_2239 : i32 to index
      %swap3A_2241 = arith.constant 272 : index
      %swap3A_2242 = tpu.vector_load %arg9[%swap3A_2240, %swap3A_2241] {strides = array<i32>} : memref<2x768xf32, #tpu.memory_space<vmem>>, vector<16xf32>,
      tpu.vector_store %arg9[%swap3A_2240, %swap3A_2241], %get3A_2238 {strides = array<i32>} : memref<2x768xf32, #tpu.memory_space<vmem>>, vector<16xf32>,
      %get3A_2243 = arith.constant 5 : i32
      %get3A_2244 = arith.index_cast %get3A_2243 : i32 to index
      %get3A_2245 = arith.constant 96 : index
      %get3A_2246 = tpu.vector_load %arg12[%get3A_2244, %get3A_2245] {strides = array<i32>} : memref<16x128xf32, #tpu.memory_space<vmem>>, vector<16xf32>,
      %swap3A_2247 = arith.constant 1 : i32
      %swap3A_2248 = arith.index_cast %swap3A_2247 : i32 to index
      %swap3A_2249 = arith.constant 272 : index
      %swap3A_2250 = tpu.vector_load %arg9[%swap3A_2248, %swap3A_2249] {strides = array<i32>} : memref<2x768xf32, #tpu.memory_space<vmem>>, vector<16xf32>,
      tpu.vector_store %arg9[%swap3A_2248, %swap3A_2249], %get3A_2246 {strides = array<i32>} : memref<2x768xf32, #tpu.memory_space<vmem>>, vector<16xf32>,
      %get3A_2251 = arith.constant 6 : i32
      %get3A_2252 = arith.index_cast %get3A_2251 : i32 to index
      %get3A_2253 = arith.constant 0 : index
      %get3A_2254 = tpu.vector_load %arg12[%get3A_2252, %get3A_2253] {strides = array<i32>} : memref<16x128xf32, #tpu.memory_space<vmem>>, vector<16xf32>,
      %swap3A_2255 = arith.constant 0 : i32
      %swap3A_2256 = arith.index_cast %swap3A_2255 : i32 to index
      %swap3A_2257 = arith.constant 288 : index
      %swap3A_2258 = tpu.vector_load %arg9[%swap3A_2256, %swap3A_2257] {strides = array<i32>} : memref<2x768xf32, #tpu.memory_space<vmem>>, vector<16xf32>,
      tpu.vector_store %arg9[%swap3A_2256, %swap3A_2257], %get3A_2254 {strides = array<i32>} : memref<2x768xf32, #tpu.memory_space<vmem>>, vector<16xf32>,
      %get3A_2259 = arith.constant 6 : i32
      %get3A_2260 = arith.index_cast %get3A_2259 : i32 to index
      %get3A_2261 = arith.constant 64 : index
      %get3A_2262 = tpu.vector_load %arg12[%get3A_2260, %get3A_2261] {strides = array<i32>} : memref<16x128xf32, #tpu.memory_space<vmem>>, vector<16xf32>,
      %swap3A_2263 = arith.constant 1 : i32
      %swap3A_2264 = arith.index_cast %swap3A_2263 : i32 to index
      %swap3A_2265 = arith.constant 288 : index
      %swap3A_2266 = tpu.vector_load %arg9[%swap3A_2264, %swap3A_2265] {strides = array<i32>} : memref<2x768xf32, #tpu.memory_space<vmem>>, vector<16xf32>,
      tpu.vector_store %arg9[%swap3A_2264, %swap3A_2265], %get3A_2262 {strides = array<i32>} : memref<2x768xf32, #tpu.memory_space<vmem>>, vector<16xf32>,
      %get3A_2267 = arith.constant 6 : i32
      %get3A_2268 = arith.index_cast %get3A_2267 : i32 to index
      %get3A_2269 = arith.constant 16 : index
      %get3A_2270 = tpu.vector_load %arg12[%get3A_2268, %get3A_2269] {strides = array<i32>} : memref<16x128xf32, #tpu.memory_space<vmem>>, vector<16xf32>,
      %swap3A_2271 = arith.constant 0 : i32
      %swap3A_2272 = arith.index_cast %swap3A_2271 : i32 to index
      %swap3A_2273 = arith.constant 304 : index
      %swap3A_2274 = tpu.vector_load %arg9[%swap3A_2272, %swap3A_2273] {strides = array<i32>} : memref<2x768xf32, #tpu.memory_space<vmem>>, vector<16xf32>,
      tpu.vector_store %arg9[%swap3A_2272, %swap3A_2273], %get3A_2270 {strides = array<i32>} : memref<2x768xf32, #tpu.memory_space<vmem>>, vector<16xf32>,
      %get3A_2275 = arith.constant 6 : i32
      %get3A_2276 = arith.index_cast %get3A_2275 : i32 to index
      %get3A_2277 = arith.constant 80 : index
      %get3A_2278 = tpu.vector_load %arg12[%get3A_2276, %get3A_2277] {strides = array<i32>} : memref<16x128xf32, #tpu.memory_space<vmem>>, vector<16xf32>,
      %swap3A_2279 = arith.constant 1 : i32
      %swap3A_2280 = arith.index_cast %swap3A_2279 : i32 to index
      %swap3A_2281 = arith.constant 304 : index
      %swap3A_2282 = tpu.vector_load %arg9[%swap3A_2280, %swap3A_2281] {strides = array<i32>} : memref<2x768xf32, #tpu.memory_space<vmem>>, vector<16xf32>,
      tpu.vector_store %arg9[%swap3A_2280, %swap3A_2281], %get3A_2278 {strides = array<i32>} : memref<2x768xf32, #tpu.memory_space<vmem>>, vector<16xf32>,
      %get3A_2283 = arith.constant 6 : i32
      %get3A_2284 = arith.index_cast %get3A_2283 : i32 to index
      %get3A_2285 = arith.constant 32 : index
      %get3A_2286 = tpu.vector_load %arg12[%get3A_2284, %get3A_2285] {strides = array<i32>} : memref<16x128xf32, #tpu.memory_space<vmem>>, vector<16xf32>,
      %swap3A_2287 = arith.constant 0 : i32
      %swap3A_2288 = arith.index_cast %swap3A_2287 : i32 to index
      %swap3A_2289 = arith.constant 320 : index
      %swap3A_2290 = tpu.vector_load %arg9[%swap3A_2288, %swap3A_2289] {strides = array<i32>} : memref<2x768xf32, #tpu.memory_space<vmem>>, vector<16xf32>,
      tpu.vector_store %arg9[%swap3A_2288, %swap3A_2289], %get3A_2286 {strides = array<i32>} : memref<2x768xf32, #tpu.memory_space<vmem>>, vector<16xf32>,
      %get3A_2291 = arith.constant 6 : i32
      %get3A_2292 = arith.index_cast %get3A_2291 : i32 to index
      %get3A_2293 = arith.constant 96 : index
      %get3A_2294 = tpu.vector_load %arg12[%get3A_2292, %get3A_2293] {strides = array<i32>} : memref<16x128xf32, #tpu.memory_space<vmem>>, vector<16xf32>,
      %swap3A_2295 = arith.constant 1 : i32
      %swap3A_2296 = arith.index_cast %swap3A_2295 : i32 to index
      %swap3A_2297 = arith.constant 320 : index
      %swap3A_2298 = tpu.vector_load %arg9[%swap3A_2296, %swap3A_2297] {strides = array<i32>} : memref<2x768xf32, #tpu.memory_space<vmem>>, vector<16xf32>,
      tpu.vector_store %arg9[%swap3A_2296, %swap3A_2297], %get3A_2294 {strides = array<i32>} : memref<2x768xf32, #tpu.memory_space<vmem>>, vector<16xf32>,
      %get3A_2299 = arith.constant 7 : i32
      %get3A_2300 = arith.index_cast %get3A_2299 : i32 to index
      %get3A_2301 = arith.constant 0 : index
      %get3A_2302 = tpu.vector_load %arg12[%get3A_2300, %get3A_2301] {strides = array<i32>} : memref<16x128xf32, #tpu.memory_space<vmem>>, vector<16xf32>,
      %swap3A_2303 = arith.constant 0 : i32
      %swap3A_2304 = arith.index_cast %swap3A_2303 : i32 to index
      %swap3A_2305 = arith.constant 336 : index
      %swap3A_2306 = tpu.vector_load %arg9[%swap3A_2304, %swap3A_2305] {strides = array<i32>} : memref<2x768xf32, #tpu.memory_space<vmem>>, vector<16xf32>,
      tpu.vector_store %arg9[%swap3A_2304, %swap3A_2305], %get3A_2302 {strides = array<i32>} : memref<2x768xf32, #tpu.memory_space<vmem>>, vector<16xf32>,
      %get3A_2307 = arith.constant 7 : i32
      %get3A_2308 = arith.index_cast %get3A_2307 : i32 to index
      %get3A_2309 = arith.constant 64 : index
      %get3A_2310 = tpu.vector_load %arg12[%get3A_2308, %get3A_2309] {strides = array<i32>} : memref<16x128xf32, #tpu.memory_space<vmem>>, vector<16xf32>,
      %swap3A_2311 = arith.constant 1 : i32
      %swap3A_2312 = arith.index_cast %swap3A_2311 : i32 to index
      %swap3A_2313 = arith.constant 336 : index
      %swap3A_2314 = tpu.vector_load %arg9[%swap3A_2312, %swap3A_2313] {strides = array<i32>} : memref<2x768xf32, #tpu.memory_space<vmem>>, vector<16xf32>,
      tpu.vector_store %arg9[%swap3A_2312, %swap3A_2313], %get3A_2310 {strides = array<i32>} : memref<2x768xf32, #tpu.memory_space<vmem>>, vector<16xf32>,
      %get3A_2315 = arith.constant 7 : i32
      %get3A_2316 = arith.index_cast %get3A_2315 : i32 to index
      %get3A_2317 = arith.constant 16 : index
      %get3A_2318 = tpu.vector_load %arg12[%get3A_2316, %get3A_2317] {strides = array<i32>} : memref<16x128xf32, #tpu.memory_space<vmem>>, vector<16xf32>,
      %swap3A_2319 = arith.constant 0 : i32
      %swap3A_2320 = arith.index_cast %swap3A_2319 : i32 to index
      %swap3A_2321 = arith.constant 352 : index
      %swap3A_2322 = tpu.vector_load %arg9[%swap3A_2320, %swap3A_2321] {strides = array<i32>} : memref<2x768xf32, #tpu.memory_space<vmem>>, vector<16xf32>,
      tpu.vector_store %arg9[%swap3A_2320, %swap3A_2321], %get3A_2318 {strides = array<i32>} : memref<2x768xf32, #tpu.memory_space<vmem>>, vector<16xf32>,
      %get3A_2323 = arith.constant 7 : i32
      %get3A_2324 = arith.index_cast %get3A_2323 : i32 to index
      %get3A_2325 = arith.constant 80 : index
      %get3A_2326 = tpu.vector_load %arg12[%get3A_2324, %get3A_2325] {strides = array<i32>} : memref<16x128xf32, #tpu.memory_space<vmem>>, vector<16xf32>,
      %swap3A_2327 = arith.constant 1 : i32
      %swap3A_2328 = arith.index_cast %swap3A_2327 : i32 to index
      %swap3A_2329 = arith.constant 352 : index
      %swap3A_2330 = tpu.vector_load %arg9[%swap3A_2328, %swap3A_2329] {strides = array<i32>} : memref<2x768xf32, #tpu.memory_space<vmem>>, vector<16xf32>,
      tpu.vector_store %arg9[%swap3A_2328, %swap3A_2329], %get3A_2326 {strides = array<i32>} : memref<2x768xf32, #tpu.memory_space<vmem>>, vector<16xf32>,
      %get3A_2331 = arith.constant 7 : i32
      %get3A_2332 = arith.index_cast %get3A_2331 : i32 to index
      %get3A_2333 = arith.constant 32 : index
      %get3A_2334 = tpu.vector_load %arg12[%get3A_2332, %get3A_2333] {strides = array<i32>} : memref<16x128xf32, #tpu.memory_space<vmem>>, vector<16xf32>,
      %swap3A_2335 = arith.constant 0 : i32
      %swap3A_2336 = arith.index_cast %swap3A_2335 : i32 to index
      %swap3A_2337 = arith.constant 368 : index
      %swap3A_2338 = tpu.vector_load %arg9[%swap3A_2336, %swap3A_2337] {strides = array<i32>} : memref<2x768xf32, #tpu.memory_space<vmem>>, vector<16xf32>,
      tpu.vector_store %arg9[%swap3A_2336, %swap3A_2337], %get3A_2334 {strides = array<i32>} : memref<2x768xf32, #tpu.memory_space<vmem>>, vector<16xf32>,
      %get3A_2339 = arith.constant 7 : i32
      %get3A_2340 = arith.index_cast %get3A_2339 : i32 to index
      %get3A_2341 = arith.constant 96 : index
      %get3A_2342 = tpu.vector_load %arg12[%get3A_2340, %get3A_2341] {strides = array<i32>} : memref<16x128xf32, #tpu.memory_space<vmem>>, vector<16xf32>,
      %swap3A_2343 = arith.constant 1 : i32
      %swap3A_2344 = arith.index_cast %swap3A_2343 : i32 to index
      %swap3A_2345 = arith.constant 368 : index
      %swap3A_2346 = tpu.vector_load %arg9[%swap3A_2344, %swap3A_2345] {strides = array<i32>} : memref<2x768xf32, #tpu.memory_space<vmem>>, vector<16xf32>,
      tpu.vector_store %arg9[%swap3A_2344, %swap3A_2345], %get3A_2342 {strides = array<i32>} : memref<2x768xf32, #tpu.memory_space<vmem>>, vector<16xf32>,
      %get3A_2347 = arith.constant 8 : i32
      %get3A_2348 = arith.index_cast %get3A_2347 : i32 to index
      %get3A_2349 = arith.constant 0 : index
      %get3A_2350 = tpu.vector_load %arg12[%get3A_2348, %get3A_2349] {strides = array<i32>} : memref<16x128xf32, #tpu.memory_space<vmem>>, vector<16xf32>,
      %swap3A_2351 = arith.constant 0 : i32
      %swap3A_2352 = arith.index_cast %swap3A_2351 : i32 to index
      %swap3A_2353 = arith.constant 384 : index
      %swap3A_2354 = tpu.vector_load %arg9[%swap3A_2352, %swap3A_2353] {strides = array<i32>} : memref<2x768xf32, #tpu.memory_space<vmem>>, vector<16xf32>,
      tpu.vector_store %arg9[%swap3A_2352, %swap3A_2353], %get3A_2350 {strides = array<i32>} : memref<2x768xf32, #tpu.memory_space<vmem>>, vector<16xf32>,
      %get3A_2355 = arith.constant 8 : i32
      %get3A_2356 = arith.index_cast %get3A_2355 : i32 to index
      %get3A_2357 = arith.constant 64 : index
      %get3A_2358 = tpu.vector_load %arg12[%get3A_2356, %get3A_2357] {strides = array<i32>} : memref<16x128xf32, #tpu.memory_space<vmem>>, vector<16xf32>,
      %swap3A_2359 = arith.constant 1 : i32
      %swap3A_2360 = arith.index_cast %swap3A_2359 : i32 to index
      %swap3A_2361 = arith.constant 384 : index
      %swap3A_2362 = tpu.vector_load %arg9[%swap3A_2360, %swap3A_2361] {strides = array<i32>} : memref<2x768xf32, #tpu.memory_space<vmem>>, vector<16xf32>,
      tpu.vector_store %arg9[%swap3A_2360, %swap3A_2361], %get3A_2358 {strides = array<i32>} : memref<2x768xf32, #tpu.memory_space<vmem>>, vector<16xf32>,
      %get3A_2363 = arith.constant 8 : i32
      %get3A_2364 = arith.index_cast %get3A_2363 : i32 to index
      %get3A_2365 = arith.constant 16 : index
      %get3A_2366 = tpu.vector_load %arg12[%get3A_2364, %get3A_2365] {strides = array<i32>} : memref<16x128xf32, #tpu.memory_space<vmem>>, vector<16xf32>,
      %swap3A_2367 = arith.constant 0 : i32
      %swap3A_2368 = arith.index_cast %swap3A_2367 : i32 to index
      %swap3A_2369 = arith.constant 400 : index
      %swap3A_2370 = tpu.vector_load %arg9[%swap3A_2368, %swap3A_2369] {strides = array<i32>} : memref<2x768xf32, #tpu.memory_space<vmem>>, vector<16xf32>,
      tpu.vector_store %arg9[%swap3A_2368, %swap3A_2369], %get3A_2366 {strides = array<i32>} : memref<2x768xf32, #tpu.memory_space<vmem>>, vector<16xf32>,
      %get3A_2371 = arith.constant 8 : i32
      %get3A_2372 = arith.index_cast %get3A_2371 : i32 to index
      %get3A_2373 = arith.constant 80 : index
      %get3A_2374 = tpu.vector_load %arg12[%get3A_2372, %get3A_2373] {strides = array<i32>} : memref<16x128xf32, #tpu.memory_space<vmem>>, vector<16xf32>,
      %swap3A_2375 = arith.constant 1 : i32
      %swap3A_2376 = arith.index_cast %swap3A_2375 : i32 to index
      %swap3A_2377 = arith.constant 400 : index
      %swap3A_2378 = tpu.vector_load %arg9[%swap3A_2376, %swap3A_2377] {strides = array<i32>} : memref<2x768xf32, #tpu.memory_space<vmem>>, vector<16xf32>,
      tpu.vector_store %arg9[%swap3A_2376, %swap3A_2377], %get3A_2374 {strides = array<i32>} : memref<2x768xf32, #tpu.memory_space<vmem>>, vector<16xf32>,
      %get3A_2379 = arith.constant 8 : i32
      %get3A_2380 = arith.index_cast %get3A_2379 : i32 to index
      %get3A_2381 = arith.constant 32 : index
      %get3A_2382 = tpu.vector_load %arg12[%get3A_2380, %get3A_2381] {strides = array<i32>} : memref<16x128xf32, #tpu.memory_space<vmem>>, vector<16xf32>,
      %swap3A_2383 = arith.constant 0 : i32
      %swap3A_2384 = arith.index_cast %swap3A_2383 : i32 to index
      %swap3A_2385 = arith.constant 416 : index
      %swap3A_2386 = tpu.vector_load %arg9[%swap3A_2384, %swap3A_2385] {strides = array<i32>} : memref<2x768xf32, #tpu.memory_space<vmem>>, vector<16xf32>,
      tpu.vector_store %arg9[%swap3A_2384, %swap3A_2385], %get3A_2382 {strides = array<i32>} : memref<2x768xf32, #tpu.memory_space<vmem>>, vector<16xf32>,
      %get3A_2387 = arith.constant 8 : i32
      %get3A_2388 = arith.index_cast %get3A_2387 : i32 to index
      %get3A_2389 = arith.constant 96 : index
      %get3A_2390 = tpu.vector_load %arg12[%get3A_2388, %get3A_2389] {strides = array<i32>} : memref<16x128xf32, #tpu.memory_space<vmem>>, vector<16xf32>,
      %swap3A_2391 = arith.constant 1 : i32
      %swap3A_2392 = arith.index_cast %swap3A_2391 : i32 to index
      %swap3A_2393 = arith.constant 416 : index
      %swap3A_2394 = tpu.vector_load %arg9[%swap3A_2392, %swap3A_2393] {strides = array<i32>} : memref<2x768xf32, #tpu.memory_space<vmem>>, vector<16xf32>,
      tpu.vector_store %arg9[%swap3A_2392, %swap3A_2393], %get3A_2390 {strides = array<i32>} : memref<2x768xf32, #tpu.memory_space<vmem>>, vector<16xf32>,
      %get3A_2395 = arith.constant 9 : i32
      %get3A_2396 = arith.index_cast %get3A_2395 : i32 to index
      %get3A_2397 = arith.constant 0 : index
      %get3A_2398 = tpu.vector_load %arg12[%get3A_2396, %get3A_2397] {strides = array<i32>} : memref<16x128xf32, #tpu.memory_space<vmem>>, vector<16xf32>,
      %swap3A_2399 = arith.constant 0 : i32
      %swap3A_2400 = arith.index_cast %swap3A_2399 : i32 to index
      %swap3A_2401 = arith.constant 432 : index
      %swap3A_2402 = tpu.vector_load %arg9[%swap3A_2400, %swap3A_2401] {strides = array<i32>} : memref<2x768xf32, #tpu.memory_space<vmem>>, vector<16xf32>,
      tpu.vector_store %arg9[%swap3A_2400, %swap3A_2401], %get3A_2398 {strides = array<i32>} : memref<2x768xf32, #tpu.memory_space<vmem>>, vector<16xf32>,
      %get3A_2403 = arith.constant 9 : i32
      %get3A_2404 = arith.index_cast %get3A_2403 : i32 to index
      %get3A_2405 = arith.constant 64 : index
      %get3A_2406 = tpu.vector_load %arg12[%get3A_2404, %get3A_2405] {strides = array<i32>} : memref<16x128xf32, #tpu.memory_space<vmem>>, vector<16xf32>,
      %swap3A_2407 = arith.constant 1 : i32
      %swap3A_2408 = arith.index_cast %swap3A_2407 : i32 to index
      %swap3A_2409 = arith.constant 432 : index
      %swap3A_2410 = tpu.vector_load %arg9[%swap3A_2408, %swap3A_2409] {strides = array<i32>} : memref<2x768xf32, #tpu.memory_space<vmem>>, vector<16xf32>,
      tpu.vector_store %arg9[%swap3A_2408, %swap3A_2409], %get3A_2406 {strides = array<i32>} : memref<2x768xf32, #tpu.memory_space<vmem>>, vector<16xf32>,
      %get3A_2411 = arith.constant 9 : i32
      %get3A_2412 = arith.index_cast %get3A_2411 : i32 to index
      %get3A_2413 = arith.constant 16 : index
      %get3A_2414 = tpu.vector_load %arg12[%get3A_2412, %get3A_2413] {strides = array<i32>} : memref<16x128xf32, #tpu.memory_space<vmem>>, vector<16xf32>,
      %swap3A_2415 = arith.constant 0 : i32
      %swap3A_2416 = arith.index_cast %swap3A_2415 : i32 to index
      %swap3A_2417 = arith.constant 448 : index
      %swap3A_2418 = tpu.vector_load %arg9[%swap3A_2416, %swap3A_2417] {strides = array<i32>} : memref<2x768xf32, #tpu.memory_space<vmem>>, vector<16xf32>,
      tpu.vector_store %arg9[%swap3A_2416, %swap3A_2417], %get3A_2414 {strides = array<i32>} : memref<2x768xf32, #tpu.memory_space<vmem>>, vector<16xf32>,
      %get3A_2419 = arith.constant 9 : i32
      %get3A_2420 = arith.index_cast %get3A_2419 : i32 to index
      %get3A_2421 = arith.constant 80 : index
      %get3A_2422 = tpu.vector_load %arg12[%get3A_2420, %get3A_2421] {strides = array<i32>} : memref<16x128xf32, #tpu.memory_space<vmem>>, vector<16xf32>,
      %swap3A_2423 = arith.constant 1 : i32
      %swap3A_2424 = arith.index_cast %swap3A_2423 : i32 to index
      %swap3A_2425 = arith.constant 448 : index
      %swap3A_2426 = tpu.vector_load %arg9[%swap3A_2424, %swap3A_2425] {strides = array<i32>} : memref<2x768xf32, #tpu.memory_space<vmem>>, vector<16xf32>,
      tpu.vector_store %arg9[%swap3A_2424, %swap3A_2425], %get3A_2422 {strides = array<i32>} : memref<2x768xf32, #tpu.memory_space<vmem>>, vector<16xf32>,
      %get3A_2427 = arith.constant 9 : i32
      %get3A_2428 = arith.index_cast %get3A_2427 : i32 to index
      %get3A_2429 = arith.constant 32 : index
      %get3A_2430 = tpu.vector_load %arg12[%get3A_2428, %get3A_2429] {strides = array<i32>} : memref<16x128xf32, #tpu.memory_space<vmem>>, vector<16xf32>,
      %swap3A_2431 = arith.constant 0 : i32
      %swap3A_2432 = arith.index_cast %swap3A_2431 : i32 to index
      %swap3A_2433 = arith.constant 464 : index
      %swap3A_2434 = tpu.vector_load %arg9[%swap3A_2432, %swap3A_2433] {strides = array<i32>} : memref<2x768xf32, #tpu.memory_space<vmem>>, vector<16xf32>,
      tpu.vector_store %arg9[%swap3A_2432, %swap3A_2433], %get3A_2430 {strides = array<i32>} : memref<2x768xf32, #tpu.memory_space<vmem>>, vector<16xf32>,
      %get3A_2435 = arith.constant 9 : i32
      %get3A_2436 = arith.index_cast %get3A_2435 : i32 to index
      %get3A_2437 = arith.constant 96 : index
      %get3A_2438 = tpu.vector_load %arg12[%get3A_2436, %get3A_2437] {strides = array<i32>} : memref<16x128xf32, #tpu.memory_space<vmem>>, vector<16xf32>,
      %swap3A_2439 = arith.constant 1 : i32
      %swap3A_2440 = arith.index_cast %swap3A_2439 : i32 to index
      %swap3A_2441 = arith.constant 464 : index
      %swap3A_2442 = tpu.vector_load %arg9[%swap3A_2440, %swap3A_2441] {strides = array<i32>} : memref<2x768xf32, #tpu.memory_space<vmem>>, vector<16xf32>,
      tpu.vector_store %arg9[%swap3A_2440, %swap3A_2441], %get3A_2438 {strides = array<i32>} : memref<2x768xf32, #tpu.memory_space<vmem>>, vector<16xf32>,
      %get3A_2443 = arith.constant 10 : i32
      %get3A_2444 = arith.index_cast %get3A_2443 : i32 to index
      %get3A_2445 = arith.constant 0 : index
      %get3A_2446 = tpu.vector_load %arg12[%get3A_2444, %get3A_2445] {strides = array<i32>} : memref<16x128xf32, #tpu.memory_space<vmem>>, vector<16xf32>,
      %swap3A_2447 = arith.constant 0 : i32
      %swap3A_2448 = arith.index_cast %swap3A_2447 : i32 to index
      %swap3A_2449 = arith.constant 480 : index
      %swap3A_2450 = tpu.vector_load %arg9[%swap3A_2448, %swap3A_2449] {strides = array<i32>} : memref<2x768xf32, #tpu.memory_space<vmem>>, vector<16xf32>,
      tpu.vector_store %arg9[%swap3A_2448, %swap3A_2449], %get3A_2446 {strides = array<i32>} : memref<2x768xf32, #tpu.memory_space<vmem>>, vector<16xf32>,
      %get3A_2451 = arith.constant 10 : i32
      %get3A_2452 = arith.index_cast %get3A_2451 : i32 to index
      %get3A_2453 = arith.constant 64 : index
      %get3A_2454 = tpu.vector_load %arg12[%get3A_2452, %get3A_2453] {strides = array<i32>} : memref<16x128xf32, #tpu.memory_space<vmem>>, vector<16xf32>,
      %swap3A_2455 = arith.constant 1 : i32
      %swap3A_2456 = arith.index_cast %swap3A_2455 : i32 to index
      %swap3A_2457 = arith.constant 480 : index
      %swap3A_2458 = tpu.vector_load %arg9[%swap3A_2456, %swap3A_2457] {strides = array<i32>} : memref<2x768xf32, #tpu.memory_space<vmem>>, vector<16xf32>,
      tpu.vector_store %arg9[%swap3A_2456, %swap3A_2457], %get3A_2454 {strides = array<i32>} : memref<2x768xf32, #tpu.memory_space<vmem>>, vector<16xf32>,
      %get3A_2459 = arith.constant 10 : i32
      %get3A_2460 = arith.index_cast %get3A_2459 : i32 to index
      %get3A_2461 = arith.constant 16 : index
      %get3A_2462 = tpu.vector_load %arg12[%get3A_2460, %get3A_2461] {strides = array<i32>} : memref<16x128xf32, #tpu.memory_space<vmem>>, vector<16xf32>,
      %swap3A_2463 = arith.constant 0 : i32
      %swap3A_2464 = arith.index_cast %swap3A_2463 : i32 to index
      %swap3A_2465 = arith.constant 496 : index
      %swap3A_2466 = tpu.vector_load %arg9[%swap3A_2464, %swap3A_2465] {strides = array<i32>} : memref<2x768xf32, #tpu.memory_space<vmem>>, vector<16xf32>,
      tpu.vector_store %arg9[%swap3A_2464, %swap3A_2465], %get3A_2462 {strides = array<i32>} : memref<2x768xf32, #tpu.memory_space<vmem>>, vector<16xf32>,
      %get3A_2467 = arith.constant 10 : i32
      %get3A_2468 = arith.index_cast %get3A_2467 : i32 to index
      %get3A_2469 = arith.constant 80 : index
      %get3A_2470 = tpu.vector_load %arg12[%get3A_2468, %get3A_2469] {strides = array<i32>} : memref<16x128xf32, #tpu.memory_space<vmem>>, vector<16xf32>,
      %swap3A_2471 = arith.constant 1 : i32
      %swap3A_2472 = arith.index_cast %swap3A_2471 : i32 to index
      %swap3A_2473 = arith.constant 496 : index
      %swap3A_2474 = tpu.vector_load %arg9[%swap3A_2472, %swap3A_2473] {strides = array<i32>} : memref<2x768xf32, #tpu.memory_space<vmem>>, vector<16xf32>,
      tpu.vector_store %arg9[%swap3A_2472, %swap3A_2473], %get3A_2470 {strides = array<i32>} : memref<2x768xf32, #tpu.memory_space<vmem>>, vector<16xf32>,
      %get3A_2475 = arith.constant 10 : i32
      %get3A_2476 = arith.index_cast %get3A_2475 : i32 to index
      %get3A_2477 = arith.constant 32 : index
      %get3A_2478 = tpu.vector_load %arg12[%get3A_2476, %get3A_2477] {strides = array<i32>} : memref<16x128xf32, #tpu.memory_space<vmem>>, vector<16xf32>,
      %swap3A_2479 = arith.constant 0 : i32
      %swap3A_2480 = arith.index_cast %swap3A_2479 : i32 to index
      %swap3A_2481 = arith.constant 512 : index
      %swap3A_2482 = tpu.vector_load %arg9[%swap3A_2480, %swap3A_2481] {strides = array<i32>} : memref<2x768xf32, #tpu.memory_space<vmem>>, vector<16xf32>,
      tpu.vector_store %arg9[%swap3A_2480, %swap3A_2481], %get3A_2478 {strides = array<i32>} : memref<2x768xf32, #tpu.memory_space<vmem>>, vector<16xf32>,
      %get3A_2483 = arith.constant 10 : i32
      %get3A_2484 = arith.index_cast %get3A_2483 : i32 to index
      %get3A_2485 = arith.constant 96 : index
      %get3A_2486 = tpu.vector_load %arg12[%get3A_2484, %get3A_2485] {strides = array<i32>} : memref<16x128xf32, #tpu.memory_space<vmem>>, vector<16xf32>,
      %swap3A_2487 = arith.constant 1 : i32
      %swap3A_2488 = arith.index_cast %swap3A_2487 : i32 to index
      %swap3A_2489 = arith.constant 512 : index
      %swap3A_2490 = tpu.vector_load %arg9[%swap3A_2488, %swap3A_2489] {strides = array<i32>} : memref<2x768xf32, #tpu.memory_space<vmem>>, vector<16xf32>,
      tpu.vector_store %arg9[%swap3A_2488, %swap3A_2489], %get3A_2486 {strides = array<i32>} : memref<2x768xf32, #tpu.memory_space<vmem>>, vector<16xf32>,
      %get3A_2491 = arith.constant 11 : i32
      %get3A_2492 = arith.index_cast %get3A_2491 : i32 to index
      %get3A_2493 = arith.constant 0 : index
      %get3A_2494 = tpu.vector_load %arg12[%get3A_2492, %get3A_2493] {strides = array<i32>} : memref<16x128xf32, #tpu.memory_space<vmem>>, vector<16xf32>,
      %swap3A_2495 = arith.constant 0 : i32
      %swap3A_2496 = arith.index_cast %swap3A_2495 : i32 to index
      %swap3A_2497 = arith.constant 528 : index
      %swap3A_2498 = tpu.vector_load %arg9[%swap3A_2496, %swap3A_2497] {strides = array<i32>} : memref<2x768xf32, #tpu.memory_space<vmem>>, vector<16xf32>,
      tpu.vector_store %arg9[%swap3A_2496, %swap3A_2497], %get3A_2494 {strides = array<i32>} : memref<2x768xf32, #tpu.memory_space<vmem>>, vector<16xf32>,
      %get3A_2499 = arith.constant 11 : i32
      %get3A_2500 = arith.index_cast %get3A_2499 : i32 to index
      %get3A_2501 = arith.constant 64 : index
      %get3A_2502 = tpu.vector_load %arg12[%get3A_2500, %get3A_2501] {strides = array<i32>} : memref<16x128xf32, #tpu.memory_space<vmem>>, vector<16xf32>,
      %swap3A_2503 = arith.constant 1 : i32
      %swap3A_2504 = arith.index_cast %swap3A_2503 : i32 to index
      %swap3A_2505 = arith.constant 528 : index
      %swap3A_2506 = tpu.vector_load %arg9[%swap3A_2504, %swap3A_2505] {strides = array<i32>} : memref<2x768xf32, #tpu.memory_space<vmem>>, vector<16xf32>,
      tpu.vector_store %arg9[%swap3A_2504, %swap3A_2505], %get3A_2502 {strides = array<i32>} : memref<2x768xf32, #tpu.memory_space<vmem>>, vector<16xf32>,
      %get3A_2507 = arith.constant 11 : i32
      %get3A_2508 = arith.index_cast %get3A_2507 : i32 to index
      %get3A_2509 = arith.constant 16 : index
      %get3A_2510 = tpu.vector_load %arg12[%get3A_2508, %get3A_2509] {strides = array<i32>} : memref<16x128xf32, #tpu.memory_space<vmem>>, vector<16xf32>,
      %swap3A_2511 = arith.constant 0 : i32
      %swap3A_2512 = arith.index_cast %swap3A_2511 : i32 to index
      %swap3A_2513 = arith.constant 544 : index
      %swap3A_2514 = tpu.vector_load %arg9[%swap3A_2512, %swap3A_2513] {strides = array<i32>} : memref<2x768xf32, #tpu.memory_space<vmem>>, vector<16xf32>,
      tpu.vector_store %arg9[%swap3A_2512, %swap3A_2513], %get3A_2510 {strides = array<i32>} : memref<2x768xf32, #tpu.memory_space<vmem>>, vector<16xf32>,
      %get3A_2515 = arith.constant 11 : i32
      %get3A_2516 = arith.index_cast %get3A_2515 : i32 to index
      %get3A_2517 = arith.constant 80 : index
      %get3A_2518 = tpu.vector_load %arg12[%get3A_2516, %get3A_2517] {strides = array<i32>} : memref<16x128xf32, #tpu.memory_space<vmem>>, vector<16xf32>,
      %swap3A_2519 = arith.constant 1 : i32
      %swap3A_2520 = arith.index_cast %swap3A_2519 : i32 to index
      %swap3A_2521 = arith.constant 544 : index
      %swap3A_2522 = tpu.vector_load %arg9[%swap3A_2520, %swap3A_2521] {strides = array<i32>} : memref<2x768xf32, #tpu.memory_space<vmem>>, vector<16xf32>,
      tpu.vector_store %arg9[%swap3A_2520, %swap3A_2521], %get3A_2518 {strides = array<i32>} : memref<2x768xf32, #tpu.memory_space<vmem>>, vector<16xf32>,
      %get3A_2523 = arith.constant 11 : i32
      %get3A_2524 = arith.index_cast %get3A_2523 : i32 to index
      %get3A_2525 = arith.constant 32 : index
      %get3A_2526 = tpu.vector_load %arg12[%get3A_2524, %get3A_2525] {strides = array<i32>} : memref<16x128xf32, #tpu.memory_space<vmem>>, vector<16xf32>,
      %swap3A_2527 = arith.constant 0 : i32
      %swap3A_2528 = arith.index_cast %swap3A_2527 : i32 to index
      %swap3A_2529 = arith.constant 560 : index
      %swap3A_2530 = tpu.vector_load %arg9[%swap3A_2528, %swap3A_2529] {strides = array<i32>} : memref<2x768xf32, #tpu.memory_space<vmem>>, vector<16xf32>,
      tpu.vector_store %arg9[%swap3A_2528, %swap3A_2529], %get3A_2526 {strides = array<i32>} : memref<2x768xf32, #tpu.memory_space<vmem>>, vector<16xf32>,
      %get3A_2531 = arith.constant 11 : i32
      %get3A_2532 = arith.index_cast %get3A_2531 : i32 to index
      %get3A_2533 = arith.constant 96 : index
      %get3A_2534 = tpu.vector_load %arg12[%get3A_2532, %get3A_2533] {strides = array<i32>} : memref<16x128xf32, #tpu.memory_space<vmem>>, vector<16xf32>,
      %swap3A_2535 = arith.constant 1 : i32
      %swap3A_2536 = arith.index_cast %swap3A_2535 : i32 to index
      %swap3A_2537 = arith.constant 560 : index
      %swap3A_2538 = tpu.vector_load %arg9[%swap3A_2536, %swap3A_2537] {strides = array<i32>} : memref<2x768xf32, #tpu.memory_space<vmem>>, vector<16xf32>,
      tpu.vector_store %arg9[%swap3A_2536, %swap3A_2537], %get3A_2534 {strides = array<i32>} : memref<2x768xf32, #tpu.memory_space<vmem>>, vector<16xf32>,
      %get3A_2539 = arith.constant 12 : i32
      %get3A_2540 = arith.index_cast %get3A_2539 : i32 to index
      %get3A_2541 = arith.constant 0 : index
      %get3A_2542 = tpu.vector_load %arg12[%get3A_2540, %get3A_2541] {strides = array<i32>} : memref<16x128xf32, #tpu.memory_space<vmem>>, vector<16xf32>,
      %swap3A_2543 = arith.constant 0 : i32
      %swap3A_2544 = arith.index_cast %swap3A_2543 : i32 to index
      %swap3A_2545 = arith.constant 576 : index
      %swap3A_2546 = tpu.vector_load %arg9[%swap3A_2544, %swap3A_2545] {strides = array<i32>} : memref<2x768xf32, #tpu.memory_space<vmem>>, vector<16xf32>,
      tpu.vector_store %arg9[%swap3A_2544, %swap3A_2545], %get3A_2542 {strides = array<i32>} : memref<2x768xf32, #tpu.memory_space<vmem>>, vector<16xf32>,
      %get3A_2547 = arith.constant 12 : i32
      %get3A_2548 = arith.index_cast %get3A_2547 : i32 to index
      %get3A_2549 = arith.constant 64 : index
      %get3A_2550 = tpu.vector_load %arg12[%get3A_2548, %get3A_2549] {strides = array<i32>} : memref<16x128xf32, #tpu.memory_space<vmem>>, vector<16xf32>,
      %swap3A_2551 = arith.constant 1 : i32
      %swap3A_2552 = arith.index_cast %swap3A_2551 : i32 to index
      %swap3A_2553 = arith.constant 576 : index
      %swap3A_2554 = tpu.vector_load %arg9[%swap3A_2552, %swap3A_2553] {strides = array<i32>} : memref<2x768xf32, #tpu.memory_space<vmem>>, vector<16xf32>,
      tpu.vector_store %arg9[%swap3A_2552, %swap3A_2553], %get3A_2550 {strides = array<i32>} : memref<2x768xf32, #tpu.memory_space<vmem>>, vector<16xf32>,
      %get3A_2555 = arith.constant 12 : i32
      %get3A_2556 = arith.index_cast %get3A_2555 : i32 to index
      %get3A_2557 = arith.constant 16 : index
      %get3A_2558 = tpu.vector_load %arg12[%get3A_2556, %get3A_2557] {strides = array<i32>} : memref<16x128xf32, #tpu.memory_space<vmem>>, vector<16xf32>,
      %swap3A_2559 = arith.constant 0 : i32
      %swap3A_2560 = arith.index_cast %swap3A_2559 : i32 to index
      %swap3A_2561 = arith.constant 592 : index
      %swap3A_2562 = tpu.vector_load %arg9[%swap3A_2560, %swap3A_2561] {strides = array<i32>} : memref<2x768xf32, #tpu.memory_space<vmem>>, vector<16xf32>,
      tpu.vector_store %arg9[%swap3A_2560, %swap3A_2561], %get3A_2558 {strides = array<i32>} : memref<2x768xf32, #tpu.memory_space<vmem>>, vector<16xf32>,
      %get3A_2563 = arith.constant 12 : i32
      %get3A_2564 = arith.index_cast %get3A_2563 : i32 to index
      %get3A_2565 = arith.constant 80 : index
      %get3A_2566 = tpu.vector_load %arg12[%get3A_2564, %get3A_2565] {strides = array<i32>} : memref<16x128xf32, #tpu.memory_space<vmem>>, vector<16xf32>,
      %swap3A_2567 = arith.constant 1 : i32
      %swap3A_2568 = arith.index_cast %swap3A_2567 : i32 to index
      %swap3A_2569 = arith.constant 592 : index
      %swap3A_2570 = tpu.vector_load %arg9[%swap3A_2568, %swap3A_2569] {strides = array<i32>} : memref<2x768xf32, #tpu.memory_space<vmem>>, vector<16xf32>,
      tpu.vector_store %arg9[%swap3A_2568, %swap3A_2569], %get3A_2566 {strides = array<i32>} : memref<2x768xf32, #tpu.memory_space<vmem>>, vector<16xf32>,
      %get3A_2571 = arith.constant 12 : i32
      %get3A_2572 = arith.index_cast %get3A_2571 : i32 to index
      %get3A_2573 = arith.constant 32 : index
      %get3A_2574 = tpu.vector_load %arg12[%get3A_2572, %get3A_2573] {strides = array<i32>} : memref<16x128xf32, #tpu.memory_space<vmem>>, vector<16xf32>,
      %swap3A_2575 = arith.constant 0 : i32
      %swap3A_2576 = arith.index_cast %swap3A_2575 : i32 to index
      %swap3A_2577 = arith.constant 608 : index
      %swap3A_2578 = tpu.vector_load %arg9[%swap3A_2576, %swap3A_2577] {strides = array<i32>} : memref<2x768xf32, #tpu.memory_space<vmem>>, vector<16xf32>,
      tpu.vector_store %arg9[%swap3A_2576, %swap3A_2577], %get3A_2574 {strides = array<i32>} : memref<2x768xf32, #tpu.memory_space<vmem>>, vector<16xf32>,
      %get3A_2579 = arith.constant 12 : i32
      %get3A_2580 = arith.index_cast %get3A_2579 : i32 to index
      %get3A_2581 = arith.constant 96 : index
      %get3A_2582 = tpu.vector_load %arg12[%get3A_2580, %get3A_2581] {strides = array<i32>} : memref<16x128xf32, #tpu.memory_space<vmem>>, vector<16xf32>,
      %swap3A_2583 = arith.constant 1 : i32
      %swap3A_2584 = arith.index_cast %swap3A_2583 : i32 to index
      %swap3A_2585 = arith.constant 608 : index
      %swap3A_2586 = tpu.vector_load %arg9[%swap3A_2584, %swap3A_2585] {strides = array<i32>} : memref<2x768xf32, #tpu.memory_space<vmem>>, vector<16xf32>,
      tpu.vector_store %arg9[%swap3A_2584, %swap3A_2585], %get3A_2582 {strides = array<i32>} : memref<2x768xf32, #tpu.memory_space<vmem>>, vector<16xf32>,
      %get3A_2587 = arith.constant 13 : i32
      %get3A_2588 = arith.index_cast %get3A_2587 : i32 to index
      %get3A_2589 = arith.constant 0 : index
      %get3A_2590 = tpu.vector_load %arg12[%get3A_2588, %get3A_2589] {strides = array<i32>} : memref<16x128xf32, #tpu.memory_space<vmem>>, vector<16xf32>,
      %swap3A_2591 = arith.constant 0 : i32
      %swap3A_2592 = arith.index_cast %swap3A_2591 : i32 to index
      %swap3A_2593 = arith.constant 624 : index
      %swap3A_2594 = tpu.vector_load %arg9[%swap3A_2592, %swap3A_2593] {strides = array<i32>} : memref<2x768xf32, #tpu.memory_space<vmem>>, vector<16xf32>,
      tpu.vector_store %arg9[%swap3A_2592, %swap3A_2593], %get3A_2590 {strides = array<i32>} : memref<2x768xf32, #tpu.memory_space<vmem>>, vector<16xf32>,
      %get3A_2595 = arith.constant 13 : i32
      %get3A_2596 = arith.index_cast %get3A_2595 : i32 to index
      %get3A_2597 = arith.constant 64 : index
      %get3A_2598 = tpu.vector_load %arg12[%get3A_2596, %get3A_2597] {strides = array<i32>} : memref<16x128xf32, #tpu.memory_space<vmem>>, vector<16xf32>,
      %swap3A_2599 = arith.constant 1 : i32
      %swap3A_2600 = arith.index_cast %swap3A_2599 : i32 to index
      %swap3A_2601 = arith.constant 624 : index
      %swap3A_2602 = tpu.vector_load %arg9[%swap3A_2600, %swap3A_2601] {strides = array<i32>} : memref<2x768xf32, #tpu.memory_space<vmem>>, vector<16xf32>,
      tpu.vector_store %arg9[%swap3A_2600, %swap3A_2601], %get3A_2598 {strides = array<i32>} : memref<2x768xf32, #tpu.memory_space<vmem>>, vector<16xf32>,
      %get3A_2603 = arith.constant 13 : i32
      %get3A_2604 = arith.index_cast %get3A_2603 : i32 to index
      %get3A_2605 = arith.constant 16 : index
      %get3A_2606 = tpu.vector_load %arg12[%get3A_2604, %get3A_2605] {strides = array<i32>} : memref<16x128xf32, #tpu.memory_space<vmem>>, vector<16xf32>,
      %swap3A_2607 = arith.constant 0 : i32
      %swap3A_2608 = arith.index_cast %swap3A_2607 : i32 to index
      %swap3A_2609 = arith.constant 640 : index
      %swap3A_2610 = tpu.vector_load %arg9[%swap3A_2608, %swap3A_2609] {strides = array<i32>} : memref<2x768xf32, #tpu.memory_space<vmem>>, vector<16xf32>,
      tpu.vector_store %arg9[%swap3A_2608, %swap3A_2609], %get3A_2606 {strides = array<i32>} : memref<2x768xf32, #tpu.memory_space<vmem>>, vector<16xf32>,
      %get3A_2611 = arith.constant 13 : i32
      %get3A_2612 = arith.index_cast %get3A_2611 : i32 to index
      %get3A_2613 = arith.constant 80 : index
      %get3A_2614 = tpu.vector_load %arg12[%get3A_2612, %get3A_2613] {strides = array<i32>} : memref<16x128xf32, #tpu.memory_space<vmem>>, vector<16xf32>,
      %swap3A_2615 = arith.constant 1 : i32
      %swap3A_2616 = arith.index_cast %swap3A_2615 : i32 to index
      %swap3A_2617 = arith.constant 640 : index
      %swap3A_2618 = tpu.vector_load %arg9[%swap3A_2616, %swap3A_2617] {strides = array<i32>} : memref<2x768xf32, #tpu.memory_space<vmem>>, vector<16xf32>,
      tpu.vector_store %arg9[%swap3A_2616, %swap3A_2617], %get3A_2614 {strides = array<i32>} : memref<2x768xf32, #tpu.memory_space<vmem>>, vector<16xf32>,
      %get3A_2619 = arith.constant 13 : i32
      %get3A_2620 = arith.index_cast %get3A_2619 : i32 to index
      %get3A_2621 = arith.constant 32 : index
      %get3A_2622 = tpu.vector_load %arg12[%get3A_2620, %get3A_2621] {strides = array<i32>} : memref<16x128xf32, #tpu.memory_space<vmem>>, vector<16xf32>,
      %swap3A_2623 = arith.constant 0 : i32
      %swap3A_2624 = arith.index_cast %swap3A_2623 : i32 to index
      %swap3A_2625 = arith.constant 656 : index
      %swap3A_2626 = tpu.vector_load %arg9[%swap3A_2624, %swap3A_2625] {strides = array<i32>} : memref<2x768xf32, #tpu.memory_space<vmem>>, vector<16xf32>,
      tpu.vector_store %arg9[%swap3A_2624, %swap3A_2625], %get3A_2622 {strides = array<i32>} : memref<2x768xf32, #tpu.memory_space<vmem>>, vector<16xf32>,
      %get3A_2627 = arith.constant 13 : i32
      %get3A_2628 = arith.index_cast %get3A_2627 : i32 to index
      %get3A_2629 = arith.constant 96 : index
      %get3A_2630 = tpu.vector_load %arg12[%get3A_2628, %get3A_2629] {strides = array<i32>} : memref<16x128xf32, #tpu.memory_space<vmem>>, vector<16xf32>,
      %swap3A_2631 = arith.constant 1 : i32
      %swap3A_2632 = arith.index_cast %swap3A_2631 : i32 to index
      %swap3A_2633 = arith.constant 656 : index
      %swap3A_2634 = tpu.vector_load %arg9[%swap3A_2632, %swap3A_2633] {strides = array<i32>} : memref<2x768xf32, #tpu.memory_space<vmem>>, vector<16xf32>,
      tpu.vector_store %arg9[%swap3A_2632, %swap3A_2633], %get3A_2630 {strides = array<i32>} : memref<2x768xf32, #tpu.memory_space<vmem>>, vector<16xf32>,
      %get3A_2635 = arith.constant 14 : i32
      %get3A_2636 = arith.index_cast %get3A_2635 : i32 to index
      %get3A_2637 = arith.constant 0 : index
      %get3A_2638 = tpu.vector_load %arg12[%get3A_2636, %get3A_2637] {strides = array<i32>} : memref<16x128xf32, #tpu.memory_space<vmem>>, vector<16xf32>,
      %swap3A_2639 = arith.constant 0 : i32
      %swap3A_2640 = arith.index_cast %swap3A_2639 : i32 to index
      %swap3A_2641 = arith.constant 672 : index
      %swap3A_2642 = tpu.vector_load %arg9[%swap3A_2640, %swap3A_2641] {strides = array<i32>} : memref<2x768xf32, #tpu.memory_space<vmem>>, vector<16xf32>,
      tpu.vector_store %arg9[%swap3A_2640, %swap3A_2641], %get3A_2638 {strides = array<i32>} : memref<2x768xf32, #tpu.memory_space<vmem>>, vector<16xf32>,
      %get3A_2643 = arith.constant 14 : i32
      %get3A_2644 = arith.index_cast %get3A_2643 : i32 to index
      %get3A_2645 = arith.constant 64 : index
      %get3A_2646 = tpu.vector_load %arg12[%get3A_2644, %get3A_2645] {strides = array<i32>} : memref<16x128xf32, #tpu.memory_space<vmem>>, vector<16xf32>,
      %swap3A_2647 = arith.constant 1 : i32
      %swap3A_2648 = arith.index_cast %swap3A_2647 : i32 to index
      %swap3A_2649 = arith.constant 672 : index
      %swap3A_2650 = tpu.vector_load %arg9[%swap3A_2648, %swap3A_2649] {strides = array<i32>} : memref<2x768xf32, #tpu.memory_space<vmem>>, vector<16xf32>,
      tpu.vector_store %arg9[%swap3A_2648, %swap3A_2649], %get3A_2646 {strides = array<i32>} : memref<2x768xf32, #tpu.memory_space<vmem>>, vector<16xf32>,
      %get3A_2651 = arith.constant 14 : i32
      %get3A_2652 = arith.index_cast %get3A_2651 : i32 to index
      %get3A_2653 = arith.constant 16 : index
      %get3A_2654 = tpu.vector_load %arg12[%get3A_2652, %get3A_2653] {strides = array<i32>} : memref<16x128xf32, #tpu.memory_space<vmem>>, vector<16xf32>,
      %swap3A_2655 = arith.constant 0 : i32
      %swap3A_2656 = arith.index_cast %swap3A_2655 : i32 to index
      %swap3A_2657 = arith.constant 688 : index
      %swap3A_2658 = tpu.vector_load %arg9[%swap3A_2656, %swap3A_2657] {strides = array<i32>} : memref<2x768xf32, #tpu.memory_space<vmem>>, vector<16xf32>,
      tpu.vector_store %arg9[%swap3A_2656, %swap3A_2657], %get3A_2654 {strides = array<i32>} : memref<2x768xf32, #tpu.memory_space<vmem>>, vector<16xf32>,
      %get3A_2659 = arith.constant 14 : i32
      %get3A_2660 = arith.index_cast %get3A_2659 : i32 to index
      %get3A_2661 = arith.constant 80 : index
      %get3A_2662 = tpu.vector_load %arg12[%get3A_2660, %get3A_2661] {strides = array<i32>} : memref<16x128xf32, #tpu.memory_space<vmem>>, vector<16xf32>,
      %swap3A_2663 = arith.constant 1 : i32
      %swap3A_2664 = arith.index_cast %swap3A_2663 : i32 to index
      %swap3A_2665 = arith.constant 688 : index
      %swap3A_2666 = tpu.vector_load %arg9[%swap3A_2664, %swap3A_2665] {strides = array<i32>} : memref<2x768xf32, #tpu.memory_space<vmem>>, vector<16xf32>,
      tpu.vector_store %arg9[%swap3A_2664, %swap3A_2665], %get3A_2662 {strides = array<i32>} : memref<2x768xf32, #tpu.memory_space<vmem>>, vector<16xf32>,
      %get3A_2667 = arith.constant 14 : i32
      %get3A_2668 = arith.index_cast %get3A_2667 : i32 to index
      %get3A_2669 = arith.constant 32 : index
      %get3A_2670 = tpu.vector_load %arg12[%get3A_2668, %get3A_2669] {strides = array<i32>} : memref<16x128xf32, #tpu.memory_space<vmem>>, vector<16xf32>,
      %swap3A_2671 = arith.constant 0 : i32
      %swap3A_2672 = arith.index_cast %swap3A_2671 : i32 to index
      %swap3A_2673 = arith.constant 704 : index
      %swap3A_2674 = tpu.vector_load %arg9[%swap3A_2672, %swap3A_2673] {strides = array<i32>} : memref<2x768xf32, #tpu.memory_space<vmem>>, vector<16xf32>,
      tpu.vector_store %arg9[%swap3A_2672, %swap3A_2673], %get3A_2670 {strides = array<i32>} : memref<2x768xf32, #tpu.memory_space<vmem>>, vector<16xf32>,
      %get3A_2675 = arith.constant 14 : i32
      %get3A_2676 = arith.index_cast %get3A_2675 : i32 to index
      %get3A_2677 = arith.constant 96 : index
      %get3A_2678 = tpu.vector_load %arg12[%get3A_2676, %get3A_2677] {strides = array<i32>} : memref<16x128xf32, #tpu.memory_space<vmem>>, vector<16xf32>,
      %swap3A_2679 = arith.constant 1 : i32
      %swap3A_2680 = arith.index_cast %swap3A_2679 : i32 to index
      %swap3A_2681 = arith.constant 704 : index
      %swap3A_2682 = tpu.vector_load %arg9[%swap3A_2680, %swap3A_2681] {strides = array<i32>} : memref<2x768xf32, #tpu.memory_space<vmem>>, vector<16xf32>,
      tpu.vector_store %arg9[%swap3A_2680, %swap3A_2681], %get3A_2678 {strides = array<i32>} : memref<2x768xf32, #tpu.memory_space<vmem>>, vector<16xf32>,
      %get3A_2683 = arith.constant 15 : i32
      %get3A_2684 = arith.index_cast %get3A_2683 : i32 to index
      %get3A_2685 = arith.constant 0 : index
      %get3A_2686 = tpu.vector_load %arg12[%get3A_2684, %get3A_2685] {strides = array<i32>} : memref<16x128xf32, #tpu.memory_space<vmem>>, vector<16xf32>,
      %swap3A_2687 = arith.constant 0 : i32
      %swap3A_2688 = arith.index_cast %swap3A_2687 : i32 to index
      %swap3A_2689 = arith.constant 720 : index
      %swap3A_2690 = tpu.vector_load %arg9[%swap3A_2688, %swap3A_2689] {strides = array<i32>} : memref<2x768xf32, #tpu.memory_space<vmem>>, vector<16xf32>,
      tpu.vector_store %arg9[%swap3A_2688, %swap3A_2689], %get3A_2686 {strides = array<i32>} : memref<2x768xf32, #tpu.memory_space<vmem>>, vector<16xf32>,
      %get3A_2691 = arith.constant 15 : i32
      %get3A_2692 = arith.index_cast %get3A_2691 : i32 to index
      %get3A_2693 = arith.constant 64 : index
      %get3A_2694 = tpu.vector_load %arg12[%get3A_2692, %get3A_2693] {strides = array<i32>} : memref<16x128xf32, #tpu.memory_space<vmem>>, vector<16xf32>,
      %swap3A_2695 = arith.constant 1 : i32
      %swap3A_2696 = arith.index_cast %swap3A_2695 : i32 to index
      %swap3A_2697 = arith.constant 720 : index
      %swap3A_2698 = tpu.vector_load %arg9[%swap3A_2696, %swap3A_2697] {strides = array<i32>} : memref<2x768xf32, #tpu.memory_space<vmem>>, vector<16xf32>,
      tpu.vector_store %arg9[%swap3A_2696, %swap3A_2697], %get3A_2694 {strides = array<i32>} : memref<2x768xf32, #tpu.memory_space<vmem>>, vector<16xf32>,
      %get3A_2699 = arith.constant 15 : i32
      %get3A_2700 = arith.index_cast %get3A_2699 : i32 to index
      %get3A_2701 = arith.constant 16 : index
      %get3A_2702 = tpu.vector_load %arg12[%get3A_2700, %get3A_2701] {strides = array<i32>} : memref<16x128xf32, #tpu.memory_space<vmem>>, vector<16xf32>,
      %swap3A_2703 = arith.constant 0 : i32
      %swap3A_2704 = arith.index_cast %swap3A_2703 : i32 to index
      %swap3A_2705 = arith.constant 736 : index
      %swap3A_2706 = tpu.vector_load %arg9[%swap3A_2704, %swap3A_2705] {strides = array<i32>} : memref<2x768xf32, #tpu.memory_space<vmem>>, vector<16xf32>,
      tpu.vector_store %arg9[%swap3A_2704, %swap3A_2705], %get3A_2702 {strides = array<i32>} : memref<2x768xf32, #tpu.memory_space<vmem>>, vector<16xf32>,
      %get3A_2707 = arith.constant 15 : i32
      %get3A_2708 = arith.index_cast %get3A_2707 : i32 to index
      %get3A_2709 = arith.constant 80 : index
      %get3A_2710 = tpu.vector_load %arg12[%get3A_2708, %get3A_2709] {strides = array<i32>} : memref<16x128xf32, #tpu.memory_space<vmem>>, vector<16xf32>,
      %swap3A_2711 = arith.constant 1 : i32
      %swap3A_2712 = arith.index_cast %swap3A_2711 : i32 to index
      %swap3A_2713 = arith.constant 736 : index
      %swap3A_2714 = tpu.vector_load %arg9[%swap3A_2712, %swap3A_2713] {strides = array<i32>} : memref<2x768xf32, #tpu.memory_space<vmem>>, vector<16xf32>,
      tpu.vector_store %arg9[%swap3A_2712, %swap3A_2713], %get3A_2710 {strides = array<i32>} : memref<2x768xf32, #tpu.memory_space<vmem>>, vector<16xf32>,
      %get3A_2715 = arith.constant 15 : i32
      %get3A_2716 = arith.index_cast %get3A_2715 : i32 to index
      %get3A_2717 = arith.constant 32 : index
      %get3A_2718 = tpu.vector_load %arg12[%get3A_2716, %get3A_2717] {strides = array<i32>} : memref<16x128xf32, #tpu.memory_space<vmem>>, vector<16xf32>,
      %swap3A_2719 = arith.constant 0 : i32
      %swap3A_2720 = arith.index_cast %swap3A_2719 : i32 to index
      %swap3A_2721 = arith.constant 752 : index
      %swap3A_2722 = tpu.vector_load %arg9[%swap3A_2720, %swap3A_2721] {strides = array<i32>} : memref<2x768xf32, #tpu.memory_space<vmem>>, vector<16xf32>,
      tpu.vector_store %arg9[%swap3A_2720, %swap3A_2721], %get3A_2718 {strides = array<i32>} : memref<2x768xf32, #tpu.memory_space<vmem>>, vector<16xf32>,
      %get3A_2723 = arith.constant 15 : i32
      %get3A_2724 = arith.index_cast %get3A_2723 : i32 to index
      %get3A_2725 = arith.constant 96 : index
      %get3A_2726 = tpu.vector_load %arg12[%get3A_2724, %get3A_2725] {strides = array<i32>} : memref<16x128xf32, #tpu.memory_space<vmem>>, vector<16xf32>,
      %swap3A_2727 = arith.constant 1 : i32
      %swap3A_2728 = arith.index_cast %swap3A_2727 : i32 to index
      %swap3A_2729 = arith.constant 752 : index
      %swap3A_2730 = tpu.vector_load %arg9[%swap3A_2728, %swap3A_2729] {strides = array<i32>} : memref<2x768xf32, #tpu.memory_space<vmem>>, vector<16xf32>,
      tpu.vector_store %arg9[%swap3A_2728, %swap3A_2729], %get3A_2726 {strides = array<i32>} : memref<2x768xf32, #tpu.memory_space<vmem>>, vector<16xf32>,
      %dma_start3A_2731 = arith.constant 0 : i32
      %dma_start3A_2732 = arith.constant 0 : i32
      %dma_start3A_2733 = arith.constant 0 : i32
      %dma_start3A_2734 = tpu.memref_slice %arg15[%dma_start3A_2731, %dma_start3A_2732, %dma_start3A_2733] : memref<2x16x512xf32, #tpu.memory_space<vmem>> -> memref<1x16x512xf32, #tpu.memory_space<vmem>>
      %dma_start3A_2735 = tpu.memref_squeeze %dma_start3A_2734 : memref<1x16x512xf32, #tpu.memory_space<vmem>> -> memref<16x512xf32, #tpu.memory_space<vmem>>
      %dma_start3A_2736 = arith.constant 0 : i32
      %dma_start3A_2737 = tpu.memref_slice %arg3[%add3A_35, %dma_start3A_2736] : memref<6144x512xf32, #tpu.memory_space<hbm>> -> memref<16x512xf32, #tpu.memory_space<hbm>>
      %dma_start3A_2738 = arith.constant 0 : i32
      %dma_start3A_2739 = arith.constant 0 : i32
      %dma_start3A_2740 = tpu.memref_slice %arg15[%dma_start3A_2731, %dma_start3A_2738, %dma_start3A_2739] : memref<2x16x512xf32, #tpu.memory_space<vmem>> -> memref<1x16x512xf32, #tpu.memory_space<vmem>>
      %dma_start3A_2741 = tpu.memref_squeeze %dma_start3A_2740 : memref<1x16x512xf32, #tpu.memory_space<vmem>> -> memref<16x512xf32, #tpu.memory_space<vmem>>
      %dma_start3A_2742 = arith.constant 0 : i32
      %dma_start3A_2743 = tpu.memref_slice %arg3[%add3A_35, %dma_start3A_2742] : memref<6144x512xf32, #tpu.memory_space<hbm>> -> memref<16x512xf32, #tpu.memory_space<hbm>>
      tpu.enqueue_dma source(%dma_start3A_2743 : memref<16x512xf32, #tpu.memory_space<hbm>>) target(%dma_start3A_2741 : memref<16x512xf32, #tpu.memory_space<vmem>>) target_semaphore(%arg22 : memref<!tpu.dma_semaphore, #tpu.memory_space<semaphore_mem>>)
      %dma_start3A_2744 = arith.constant 0 : i32
      %dma_start3A_2745 = arith.constant 0 : i32
      %dma_start3A_2746 = arith.constant 0 : i32
      %dma_start3A_2747 = tpu.memref_slice %arg16[%dma_start3A_2744, %dma_start3A_2745, %dma_start3A_2746] : memref<2x16x512xf32, #tpu.memory_space<vmem>> -> memref<1x16x512xf32, #tpu.memory_space<vmem>>
      %dma_start3A_2748 = tpu.memref_squeeze %dma_start3A_2747 : memref<1x16x512xf32, #tpu.memory_space<vmem>> -> memref<16x512xf32, #tpu.memory_space<vmem>>
      %dma_start3A_2749 = arith.constant 0 : i32
      %dma_start3A_2750 = tpu.memref_slice %arg4[%add3A_35, %dma_start3A_2749] : memref<6144x512xf32, #tpu.memory_space<hbm>> -> memref<16x512xf32, #tpu.memory_space<hbm>>
      %dma_start3A_2751 = arith.constant 0 : i32
      %dma_start3A_2752 = arith.constant 0 : i32
      %dma_start3A_2753 = tpu.memref_slice %arg16[%dma_start3A_2744, %dma_start3A_2751, %dma_start3A_2752] : memref<2x16x512xf32, #tpu.memory_space<vmem>> -> memref<1x16x512xf32, #tpu.memory_space<vmem>>
      %dma_start3A_2754 = tpu.memref_squeeze %dma_start3A_2753 : memref<1x16x512xf32, #tpu.memory_space<vmem>> -> memref<16x512xf32, #tpu.memory_space<vmem>>
      %dma_start3A_2755 = arith.constant 0 : i32
      %dma_start3A_2756 = tpu.memref_slice %arg4[%add3A_35, %dma_start3A_2755] : memref<6144x512xf32, #tpu.memory_space<hbm>> -> memref<16x512xf32, #tpu.memory_space<hbm>>
      tpu.enqueue_dma source(%dma_start3A_2756 : memref<16x512xf32, #tpu.memory_space<hbm>>) target(%dma_start3A_2754 : memref<16x512xf32, #tpu.memory_space<vmem>>) target_semaphore(%arg22 : memref<!tpu.dma_semaphore, #tpu.memory_space<semaphore_mem>>)
      %dma_start3A_2757 = arith.constant 0 : i32
      %dma_start3A_2758 = arith.constant 0 : i32
      %dma_start3A_2759 = arith.constant 0 : i32
      %dma_start3A_2760 = tpu.memref_slice %arg17[%dma_start3A_2757, %dma_start3A_2758, %dma_start3A_2759] : memref<2x16x512xf32, #tpu.memory_space<vmem>> -> memref<1x16x512xf32, #tpu.memory_space<vmem>>
      %dma_start3A_2761 = tpu.memref_squeeze %dma_start3A_2760 : memref<1x16x512xf32, #tpu.memory_space<vmem>> -> memref<16x512xf32, #tpu.memory_space<vmem>>
      %dma_start3A_2762 = arith.constant 0 : i32
      %dma_start3A_2763 = tpu.memref_slice %arg5[%add3A_35, %dma_start3A_2762] : memref<6144x512xf32, #tpu.memory_space<hbm>> -> memref<16x512xf32, #tpu.memory_space<hbm>>
      %dma_start3A_2764 = arith.constant 0 : i32
      %dma_start3A_2765 = arith.constant 0 : i32
      %dma_start3A_2766 = tpu.memref_slice %arg17[%dma_start3A_2757, %dma_start3A_2764, %dma_start3A_2765] : memref<2x16x512xf32, #tpu.memory_space<vmem>> -> memref<1x16x512xf32, #tpu.memory_space<vmem>>
      %dma_start3A_2767 = tpu.memref_squeeze %dma_start3A_2766 : memref<1x16x512xf32, #tpu.memory_space<vmem>> -> memref<16x512xf32, #tpu.memory_space<vmem>>
      %dma_start3A_2768 = arith.constant 0 : i32
      %dma_start3A_2769 = tpu.memref_slice %arg5[%add3A_35, %dma_start3A_2768] : memref<6144x512xf32, #tpu.memory_space<hbm>> -> memref<16x512xf32, #tpu.memory_space<hbm>>
      tpu.enqueue_dma source(%dma_start3A_2769 : memref<16x512xf32, #tpu.memory_space<hbm>>) target(%dma_start3A_2767 : memref<16x512xf32, #tpu.memory_space<vmem>>) target_semaphore(%arg22 : memref<!tpu.dma_semaphore, #tpu.memory_space<semaphore_mem>>)
      %add3A_2770 = arith.constant 16 : i32
      %add3A_2771 = arith.addi %add3A_35, %add3A_2770 : i32
      %dma_start3A_2772 = arith.constant 1 : i32
      %dma_start3A_2773 = arith.constant 0 : i32
      %dma_start3A_2774 = arith.constant 0 : i32
      %dma_start3A_2775 = tpu.memref_slice %arg15[%dma_start3A_2772, %dma_start3A_2773, %dma_start3A_2774] : memref<2x16x512xf32, #tpu.memory_space<vmem>> -> memref<1x16x512xf32, #tpu.memory_space<vmem>>
      %dma_start3A_2776 = tpu.memref_squeeze %dma_start3A_2775 : memref<1x16x512xf32, #tpu.memory_space<vmem>> -> memref<16x512xf32, #tpu.memory_space<vmem>>
      %dma_start3A_2777 = arith.constant 0 : i32
      %dma_start3A_2778 = tpu.memref_slice %arg3[%add3A_2771, %dma_start3A_2777] : memref<6144x512xf32, #tpu.memory_space<hbm>> -> memref<16x512xf32, #tpu.memory_space<hbm>>
      %dma_start3A_2779 = arith.constant 0 : i32
      %dma_start3A_2780 = arith.constant 0 : i32
      %dma_start3A_2781 = tpu.memref_slice %arg15[%dma_start3A_2772, %dma_start3A_2779, %dma_start3A_2780] : memref<2x16x512xf32, #tpu.memory_space<vmem>> -> memref<1x16x512xf32, #tpu.memory_space<vmem>>
      %dma_start3A_2782 = tpu.memref_squeeze %dma_start3A_2781 : memref<1x16x512xf32, #tpu.memory_space<vmem>> -> memref<16x512xf32, #tpu.memory_space<vmem>>
      %dma_start3A_2783 = arith.constant 0 : i32
      %dma_start3A_2784 = tpu.memref_slice %arg3[%add3A_2771, %dma_start3A_2783] : memref<6144x512xf32, #tpu.memory_space<hbm>> -> memref<16x512xf32, #tpu.memory_space<hbm>>
      tpu.enqueue_dma source(%dma_start3A_2784 : memref<16x512xf32, #tpu.memory_space<hbm>>) target(%dma_start3A_2782 : memref<16x512xf32, #tpu.memory_space<vmem>>) target_semaphore(%arg23 : memref<!tpu.dma_semaphore, #tpu.memory_space<semaphore_mem>>)
      %dma_start3A_2785 = arith.constant 1 : i32
      %dma_start3A_2786 = arith.constant 0 : i32
      %dma_start3A_2787 = arith.constant 0 : i32
      %dma_start3A_2788 = tpu.memref_slice %arg16[%dma_start3A_2785, %dma_start3A_2786, %dma_start3A_2787] : memref<2x16x512xf32, #tpu.memory_space<vmem>> -> memref<1x16x512xf32, #tpu.memory_space<vmem>>
      %dma_start3A_2789 = tpu.memref_squeeze %dma_start3A_2788 : memref<1x16x512xf32, #tpu.memory_space<vmem>> -> memref<16x512xf32, #tpu.memory_space<vmem>>
      %dma_start3A_2790 = arith.constant 0 : i32
      %dma_start3A_2791 = tpu.memref_slice %arg4[%add3A_2771, %dma_start3A_2790] : memref<6144x512xf32, #tpu.memory_space<hbm>> -> memref<16x512xf32, #tpu.memory_space<hbm>>
      %dma_start3A_2792 = arith.constant 0 : i32
      %dma_start3A_2793 = arith.constant 0 : i32
      %dma_start3A_2794 = tpu.memref_slice %arg16[%dma_start3A_2785, %dma_start3A_2792, %dma_start3A_2793] : memref<2x16x512xf32, #tpu.memory_space<vmem>> -> memref<1x16x512xf32, #tpu.memory_space<vmem>>
      %dma_start3A_2795 = tpu.memref_squeeze %dma_start3A_2794 : memref<1x16x512xf32, #tpu.memory_space<vmem>> -> memref<16x512xf32, #tpu.memory_space<vmem>>
      %dma_start3A_2796 = arith.constant 0 : i32
      %dma_start3A_2797 = tpu.memref_slice %arg4[%add3A_2771, %dma_start3A_2796] : memref<6144x512xf32, #tpu.memory_space<hbm>> -> memref<16x512xf32, #tpu.memory_space<hbm>>
      tpu.enqueue_dma source(%dma_start3A_2797 : memref<16x512xf32, #tpu.memory_space<hbm>>) target(%dma_start3A_2795 : memref<16x512xf32, #tpu.memory_space<vmem>>) target_semaphore(%arg23 : memref<!tpu.dma_semaphore, #tpu.memory_space<semaphore_mem>>)
      %dma_start3A_2798 = arith.constant 1 : i32
      %dma_start3A_2799 = arith.constant 0 : i32
      %dma_start3A_2800 = arith.constant 0 : i32
      %dma_start3A_2801 = tpu.memref_slice %arg17[%dma_start3A_2798, %dma_start3A_2799, %dma_start3A_2800] : memref<2x16x512xf32, #tpu.memory_space<vmem>> -> memref<1x16x512xf32, #tpu.memory_space<vmem>>
      %dma_start3A_2802 = tpu.memref_squeeze %dma_start3A_2801 : memref<1x16x512xf32, #tpu.memory_space<vmem>> -> memref<16x512xf32, #tpu.memory_space<vmem>>
      %dma_start3A_2803 = arith.constant 0 : i32
      %dma_start3A_2804 = tpu.memref_slice %arg5[%add3A_2771, %dma_start3A_2803] : memref<6144x512xf32, #tpu.memory_space<hbm>> -> memref<16x512xf32, #tpu.memory_space<hbm>>
      %dma_start3A_2805 = arith.constant 0 : i32
      %dma_start3A_2806 = arith.constant 0 : i32
      %dma_start3A_2807 = tpu.memref_slice %arg17[%dma_start3A_2798, %dma_start3A_2805, %dma_start3A_2806] : memref<2x16x512xf32, #tpu.memory_space<vmem>> -> memref<1x16x512xf32, #tpu.memory_space<vmem>>
      %dma_start3A_2808 = tpu.memref_squeeze %dma_start3A_2807 : memref<1x16x512xf32, #tpu.memory_space<vmem>> -> memref<16x512xf32, #tpu.memory_space<vmem>>
      %dma_start3A_2809 = arith.constant 0 : i32
      %dma_start3A_2810 = tpu.memref_slice %arg5[%add3A_2771, %dma_start3A_2809] : memref<6144x512xf32, #tpu.memory_space<hbm>> -> memref<16x512xf32, #tpu.memory_space<hbm>>
      tpu.enqueue_dma source(%dma_start3A_2810 : memref<16x512xf32, #tpu.memory_space<hbm>>) target(%dma_start3A_2808 : memref<16x512xf32, #tpu.memory_space<vmem>>) target_semaphore(%arg23 : memref<!tpu.dma_semaphore, #tpu.memory_space<semaphore_mem>>)
      %dma_wait3A_2811 = arith.constant 0 : i32
      %dma_wait3A_2812 = arith.constant 0 : i32
      %dma_wait3A_2813 = arith.constant 0 : i32
      %dma_wait3A_2814 = tpu.memref_slice %arg15[%dma_wait3A_2811, %dma_wait3A_2812, %dma_wait3A_2813] : memref<2x16x512xf32, #tpu.memory_space<vmem>> -> memref<1x16x512xf32, #tpu.memory_space<vmem>>
      %dma_wait3A_2815 = tpu.memref_squeeze %dma_wait3A_2814 : memref<1x16x512xf32, #tpu.memory_space<vmem>> -> memref<16x512xf32, #tpu.memory_space<vmem>>
      %dma_wait3A_2816 = arith.constant 0 : i32
      %dma_wait3A_2817 = arith.constant 0 : i32
      %dma_wait3A_2818 = tpu.memref_slice %arg3[%dma_wait3A_2816, %dma_wait3A_2817] : memref<6144x512xf32, #tpu.memory_space<hbm>> -> memref<16x512xf32, #tpu.memory_space<hbm>>
      %dma_wait3A_2819 = arith.constant 0 : i32
      %dma_wait3A_2820 = arith.constant 0 : i32
      %dma_wait3A_2821 = tpu.memref_slice %arg15[%dma_wait3A_2811, %dma_wait3A_2819, %dma_wait3A_2820] : memref<2x16x512xf32, #tpu.memory_space<vmem>> -> memref<1x16x512xf32, #tpu.memory_space<vmem>>
      %dma_wait3A_2822 = tpu.memref_squeeze %dma_wait3A_2821 : memref<1x16x512xf32, #tpu.memory_space<vmem>> -> memref<16x512xf32, #tpu.memory_space<vmem>>
      %dma_wait3A_2823 = arith.constant 0 : i32
      %dma_wait3A_2824 = arith.constant 0 : i32
      %dma_wait3A_2825 = tpu.memref_slice %arg3[%dma_wait3A_2823, %dma_wait3A_2824] : memref<6144x512xf32, #tpu.memory_space<hbm>> -> memref<16x512xf32, #tpu.memory_space<hbm>>
      tpu.wait_dma2 semaphore(%arg22 : memref<!tpu.dma_semaphore, #tpu.memory_space<semaphore_mem>>) src(%dma_wait3A_2825 : memref<16x512xf32, #tpu.memory_space<hbm>>) dst(%dma_wait3A_2822 : memref<16x512xf32, #tpu.memory_space<vmem>>)
      %dma_wait3A_2826 = arith.constant 0 : i32
      %dma_wait3A_2827 = arith.constant 0 : i32
      %dma_wait3A_2828 = arith.constant 0 : i32
      %dma_wait3A_2829 = tpu.memref_slice %arg16[%dma_wait3A_2826, %dma_wait3A_2827, %dma_wait3A_2828] : memref<2x16x512xf32, #tpu.memory_space<vmem>> -> memref<1x16x512xf32, #tpu.memory_space<vmem>>
      %dma_wait3A_2830 = tpu.memref_squeeze %dma_wait3A_2829 : memref<1x16x512xf32, #tpu.memory_space<vmem>> -> memref<16x512xf32, #tpu.memory_space<vmem>>
      %dma_wait3A_2831 = arith.constant 0 : i32
      %dma_wait3A_2832 = arith.constant 0 : i32
      %dma_wait3A_2833 = tpu.memref_slice %arg4[%dma_wait3A_2831, %dma_wait3A_2832] : memref<6144x512xf32, #tpu.memory_space<hbm>> -> memref<16x512xf32, #tpu.memory_space<hbm>>
      %dma_wait3A_2834 = arith.constant 0 : i32
      %dma_wait3A_2835 = arith.constant 0 : i32
      %dma_wait3A_2836 = tpu.memref_slice %arg16[%dma_wait3A_2826, %dma_wait3A_2834, %dma_wait3A_2835] : memref<2x16x512xf32, #tpu.memory_space<vmem>> -> memref<1x16x512xf32, #tpu.memory_space<vmem>>
      %dma_wait3A_2837 = tpu.memref_squeeze %dma_wait3A_2836 : memref<1x16x512xf32, #tpu.memory_space<vmem>> -> memref<16x512xf32, #tpu.memory_space<vmem>>
      %dma_wait3A_2838 = arith.constant 0 : i32
      %dma_wait3A_2839 = arith.constant 0 : i32
      %dma_wait3A_2840 = tpu.memref_slice %arg4[%dma_wait3A_2838, %dma_wait3A_2839] : memref<6144x512xf32, #tpu.memory_space<hbm>> -> memref<16x512xf32, #tpu.memory_space<hbm>>
      tpu.wait_dma2 semaphore(%arg22 : memref<!tpu.dma_semaphore, #tpu.memory_space<semaphore_mem>>) src(%dma_wait3A_2840 : memref<16x512xf32, #tpu.memory_space<hbm>>) dst(%dma_wait3A_2837 : memref<16x512xf32, #tpu.memory_space<vmem>>)
      %dma_wait3A_2841 = arith.constant 0 : i32
      %dma_wait3A_2842 = arith.constant 0 : i32
      %dma_wait3A_2843 = arith.constant 0 : i32
      %dma_wait3A_2844 = tpu.memref_slice %arg17[%dma_wait3A_2841, %dma_wait3A_2842, %dma_wait3A_2843] : memref<2x16x512xf32, #tpu.memory_space<vmem>> -> memref<1x16x512xf32, #tpu.memory_space<vmem>>
      %dma_wait3A_2845 = tpu.memref_squeeze %dma_wait3A_2844 : memref<1x16x512xf32, #tpu.memory_space<vmem>> -> memref<16x512xf32, #tpu.memory_space<vmem>>
      %dma_wait3A_2846 = arith.constant 0 : i32
      %dma_wait3A_2847 = arith.constant 0 : i32
      %dma_wait3A_2848 = tpu.memref_slice %arg5[%dma_wait3A_2846, %dma_wait3A_2847] : memref<6144x512xf32, #tpu.memory_space<hbm>> -> memref<16x512xf32, #tpu.memory_space<hbm>>
      %dma_wait3A_2849 = arith.constant 0 : i32
      %dma_wait3A_2850 = arith.constant 0 : i32
      %dma_wait3A_2851 = tpu.memref_slice %arg17[%dma_wait3A_2841, %dma_wait3A_2849, %dma_wait3A_2850] : memref<2x16x512xf32, #tpu.memory_space<vmem>> -> memref<1x16x512xf32, #tpu.memory_space<vmem>>
      %dma_wait3A_2852 = tpu.memref_squeeze %dma_wait3A_2851 : memref<1x16x512xf32, #tpu.memory_space<vmem>> -> memref<16x512xf32, #tpu.memory_space<vmem>>
      %dma_wait3A_2853 = arith.constant 0 : i32
      %dma_wait3A_2854 = arith.constant 0 : i32
      %dma_wait3A_2855 = tpu.memref_slice %arg5[%dma_wait3A_2853, %dma_wait3A_2854] : memref<6144x512xf32, #tpu.memory_space<hbm>> -> memref<16x512xf32, #tpu.memory_space<hbm>>
      tpu.wait_dma2 semaphore(%arg22 : memref<!tpu.dma_semaphore, #tpu.memory_space<semaphore_mem>>) src(%dma_wait3A_2855 : memref<16x512xf32, #tpu.memory_space<hbm>>) dst(%dma_wait3A_2852 : memref<16x512xf32, #tpu.memory_space<vmem>>)
      %parallel_loop3A_2856 = arith.constant 0 : i32
      %parallel_loop3A_2857 = arith.constant 512 : i32
      %parallel_loop3A_2858 = arith.constant 1 : i32
      %parallel_loop3A_2859 = scf.for %parallel_loop3A_2909 = %parallel_loop3A_2856 to %parallel_loop3A_2857 step %parallel_loop3A_2858 iter_args(%parallel_loop3A_2910 = %scan3A_27) -> (vector<16xf32>)  : i32 {
        %parallel_loop3A_2911 = arith.constant 5 : i32
        %parallel_loop3A_2912 = arith.shrsi %parallel_loop3A_2909, %parallel_loop3A_2911 : i32
        %parallel_loop3A_2913 = arith.constant 31 : i32
        %parallel_loop3A_2914 = arith.andi %parallel_loop3A_2909, %parallel_loop3A_2913 : i32
        %parallel_loop3A_2915 = arith.constant 16 : i32
        %parallel_loop3A_2916 = arith.muli %parallel_loop3A_2914, %parallel_loop3A_2915 : i32
        %parallel_loop3A_2917 = arith.constant 0 : i32
        %parallel_loop3A_2918 = arith.index_cast %parallel_loop3A_2917 : i32 to index
        %parallel_loop3A_2919 = arith.index_cast %parallel_loop3A_2912 : i32 to index
        %parallel_loop3A_2920 = arith.index_cast %parallel_loop3A_2916 : i32 to index
        %parallel_loop3A_2921 = tpu.vector_load %arg15[%parallel_loop3A_2918, %parallel_loop3A_2919, %parallel_loop3A_2920] {strides = array<i32>} : memref<2x16x512xf32, #tpu.memory_space<vmem>>, vector<16xf32>,
        %parallel_loop3A_2922 = arith.constant 0 : i32
        %parallel_loop3A_2923 = arith.index_cast %parallel_loop3A_2922 : i32 to index
        %parallel_loop3A_2924 = arith.index_cast %parallel_loop3A_2912 : i32 to index
        %parallel_loop3A_2925 = arith.index_cast %parallel_loop3A_2916 : i32 to index
        %parallel_loop3A_2926 = tpu.vector_load %arg16[%parallel_loop3A_2923, %parallel_loop3A_2924, %parallel_loop3A_2925] {strides = array<i32>} : memref<2x16x512xf32, #tpu.memory_space<vmem>>, vector<16xf32>,
        %parallel_loop3A_2927 = arith.constant 0 : i32
        %parallel_loop3A_2928 = arith.index_cast %parallel_loop3A_2927 : i32 to index
        %parallel_loop3A_2929 = arith.index_cast %parallel_loop3A_2912 : i32 to index
        %parallel_loop3A_2930 = arith.index_cast %parallel_loop3A_2916 : i32 to index
        %parallel_loop3A_2931 = tpu.vector_load %arg17[%parallel_loop3A_2928, %parallel_loop3A_2929, %parallel_loop3A_2930] {strides = array<i32>} : memref<2x16x512xf32, #tpu.memory_space<vmem>>, vector<16xf32>,
        %parallel_loop3A_2932 = arith.fptosi %parallel_loop3A_2921 : vector<16xf32> to vector<16xi32>
        %parallel_loop3A_2933 = arith.sitofp %parallel_loop3A_2932 : vector<16xi32> to vector<16xf32>
        %parallel_loop3A_2934 = arith.cmpf ogt, %parallel_loop3A_2921, %parallel_loop3A_2933 : vector<16xf32>
        %parallel_loop3A_2935 = arith.constant 1 : i32
        %parallel_loop3A_2936 = vector.broadcast %parallel_loop3A_2935 : i32 to vector<16xi32>
        %parallel_loop3A_2937 = arith.addi %parallel_loop3A_2932, %parallel_loop3A_2936 : vector<16xi32>
        %parallel_loop3A_2938 = arith.select %parallel_loop3A_2934, %parallel_loop3A_2937, %parallel_loop3A_2932 : vector<16xi1>, vector<16xi32>
        %parallel_loop3A_2939 = arith.subf %parallel_loop3A_2921, %parallel_loop3A_2933 : vector<16xf32>
        %parallel_loop3A_2940 = arith.constant 0.000000e+00 : f32
        %parallel_loop3A_2941 = arith.constant 1.000000e+00 : f32
        %parallel_loop3A_2942 = vector.broadcast %parallel_loop3A_2940 : f32 to vector<16xf32>
        %parallel_loop3A_2943 = vector.broadcast %parallel_loop3A_2941 : f32 to vector<16xf32>
        %parallel_loop3A_2944 = arith.select %parallel_loop3A_2934, %parallel_loop3A_2942, %parallel_loop3A_2943 : vector<16xi1>, vector<16xf32>
        %parallel_loop3A_2945 = arith.addf %parallel_loop3A_2939, %parallel_loop3A_2944 : vector<16xf32>
        %parallel_loop3A_2946 = tpu.vector_load_idx %arg9[%broadcast_in_dim3A_2, %parallel_loop3A_2938] : memref<2x768xf32, #tpu.memory_space<vmem>>[vector<16xi32>, vector<16xi32>], vector<16xf32>,
        %parallel_loop3A_2947 = arith.constant 1 : i32
        %parallel_loop3A_2948 = vector.broadcast %parallel_loop3A_2947 : i32 to vector<16xi32>
        %parallel_loop3A_2949 = arith.addi %broadcast_in_dim3A_2, %parallel_loop3A_2948 : vector<16xi32>
        %parallel_loop3A_2950 = tpu.vector_load_idx %arg9[%parallel_loop3A_2949, %parallel_loop3A_2938] : memref<2x768xf32, #tpu.memory_space<vmem>>[vector<16xi32>, vector<16xi32>], vector<16xf32>,
        %parallel_loop3A_2951 = arith.mulf %parallel_loop3A_2950, %parallel_loop3A_2945 : vector<16xf32>
        %parallel_loop3A_2952 = arith.addf %parallel_loop3A_2946, %parallel_loop3A_2951 : vector<16xf32>
        %parallel_loop3A_2953 = arith.mulf %parallel_loop3A_2931, %parallel_loop3A_2952 : vector<16xf32>
        %parallel_loop3A_2954 = arith.subf %parallel_loop3A_2926, %parallel_loop3A_2953 : vector<16xf32>
        %parallel_loop3A_2955 = arith.mulf %parallel_loop3A_2954, %parallel_loop3A_2954 : vector<16xf32>
        %parallel_loop3A_2956 = arith.addf %parallel_loop3A_2910, %parallel_loop3A_2955 : vector<16xf32>
        scf.yield %parallel_loop3A_2956 : vector<16xf32>
      } {sc.loop_unroll_factor = 8 : i64, sc.parallel_access}
      %dma_wait3A_2860 = arith.constant 1 : i32
      %dma_wait3A_2861 = arith.constant 0 : i32
      %dma_wait3A_2862 = arith.constant 0 : i32
      %dma_wait3A_2863 = tpu.memref_slice %arg15[%dma_wait3A_2860, %dma_wait3A_2861, %dma_wait3A_2862] : memref<2x16x512xf32, #tpu.memory_space<vmem>> -> memref<1x16x512xf32, #tpu.memory_space<vmem>>
      %dma_wait3A_2864 = tpu.memref_squeeze %dma_wait3A_2863 : memref<1x16x512xf32, #tpu.memory_space<vmem>> -> memref<16x512xf32, #tpu.memory_space<vmem>>
      %dma_wait3A_2865 = arith.constant 0 : i32
      %dma_wait3A_2866 = arith.constant 0 : i32
      %dma_wait3A_2867 = tpu.memref_slice %arg3[%dma_wait3A_2865, %dma_wait3A_2866] : memref<6144x512xf32, #tpu.memory_space<hbm>> -> memref<16x512xf32, #tpu.memory_space<hbm>>
      %dma_wait3A_2868 = arith.constant 0 : i32
      %dma_wait3A_2869 = arith.constant 0 : i32
      %dma_wait3A_2870 = tpu.memref_slice %arg15[%dma_wait3A_2860, %dma_wait3A_2868, %dma_wait3A_2869] : memref<2x16x512xf32, #tpu.memory_space<vmem>> -> memref<1x16x512xf32, #tpu.memory_space<vmem>>
      %dma_wait3A_2871 = tpu.memref_squeeze %dma_wait3A_2870 : memref<1x16x512xf32, #tpu.memory_space<vmem>> -> memref<16x512xf32, #tpu.memory_space<vmem>>
      %dma_wait3A_2872 = arith.constant 0 : i32
      %dma_wait3A_2873 = arith.constant 0 : i32
      %dma_wait3A_2874 = tpu.memref_slice %arg3[%dma_wait3A_2872, %dma_wait3A_2873] : memref<6144x512xf32, #tpu.memory_space<hbm>> -> memref<16x512xf32, #tpu.memory_space<hbm>>
      tpu.wait_dma2 semaphore(%arg23 : memref<!tpu.dma_semaphore, #tpu.memory_space<semaphore_mem>>) src(%dma_wait3A_2874 : memref<16x512xf32, #tpu.memory_space<hbm>>) dst(%dma_wait3A_2871 : memref<16x512xf32, #tpu.memory_space<vmem>>)
      %dma_wait3A_2875 = arith.constant 1 : i32
      %dma_wait3A_2876 = arith.constant 0 : i32
      %dma_wait3A_2877 = arith.constant 0 : i32
      %dma_wait3A_2878 = tpu.memref_slice %arg16[%dma_wait3A_2875, %dma_wait3A_2876, %dma_wait3A_2877] : memref<2x16x512xf32, #tpu.memory_space<vmem>> -> memref<1x16x512xf32, #tpu.memory_space<vmem>>
      %dma_wait3A_2879 = tpu.memref_squeeze %dma_wait3A_2878 : memref<1x16x512xf32, #tpu.memory_space<vmem>> -> memref<16x512xf32, #tpu.memory_space<vmem>>
      %dma_wait3A_2880 = arith.constant 0 : i32
      %dma_wait3A_2881 = arith.constant 0 : i32
      %dma_wait3A_2882 = tpu.memref_slice %arg4[%dma_wait3A_2880, %dma_wait3A_2881] : memref<6144x512xf32, #tpu.memory_space<hbm>> -> memref<16x512xf32, #tpu.memory_space<hbm>>
      %dma_wait3A_2883 = arith.constant 0 : i32
      %dma_wait3A_2884 = arith.constant 0 : i32
      %dma_wait3A_2885 = tpu.memref_slice %arg16[%dma_wait3A_2875, %dma_wait3A_2883, %dma_wait3A_2884] : memref<2x16x512xf32, #tpu.memory_space<vmem>> -> memref<1x16x512xf32, #tpu.memory_space<vmem>>
      %dma_wait3A_2886 = tpu.memref_squeeze %dma_wait3A_2885 : memref<1x16x512xf32, #tpu.memory_space<vmem>> -> memref<16x512xf32, #tpu.memory_space<vmem>>
      %dma_wait3A_2887 = arith.constant 0 : i32
      %dma_wait3A_2888 = arith.constant 0 : i32
      %dma_wait3A_2889 = tpu.memref_slice %arg4[%dma_wait3A_2887, %dma_wait3A_2888] : memref<6144x512xf32, #tpu.memory_space<hbm>> -> memref<16x512xf32, #tpu.memory_space<hbm>>
      tpu.wait_dma2 semaphore(%arg23 : memref<!tpu.dma_semaphore, #tpu.memory_space<semaphore_mem>>) src(%dma_wait3A_2889 : memref<16x512xf32, #tpu.memory_space<hbm>>) dst(%dma_wait3A_2886 : memref<16x512xf32, #tpu.memory_space<vmem>>)
      %dma_wait3A_2890 = arith.constant 1 : i32
      %dma_wait3A_2891 = arith.constant 0 : i32
      %dma_wait3A_2892 = arith.constant 0 : i32
      %dma_wait3A_2893 = tpu.memref_slice %arg17[%dma_wait3A_2890, %dma_wait3A_2891, %dma_wait3A_2892] : memref<2x16x512xf32, #tpu.memory_space<vmem>> -> memref<1x16x512xf32, #tpu.memory_space<vmem>>
      %dma_wait3A_2894 = tpu.memref_squeeze %dma_wait3A_2893 : memref<1x16x512xf32, #tpu.memory_space<vmem>> -> memref<16x512xf32, #tpu.memory_space<vmem>>
      %dma_wait3A_2895 = arith.constant 0 : i32
      %dma_wait3A_2896 = arith.constant 0 : i32
      %dma_wait3A_2897 = tpu.memref_slice %arg5[%dma_wait3A_2895, %dma_wait3A_2896] : memref<6144x512xf32, #tpu.memory_space<hbm>> -> memref<16x512xf32, #tpu.memory_space<hbm>>
      %dma_wait3A_2898 = arith.constant 0 : i32
      %dma_wait3A_2899 = arith.constant 0 : i32
      %dma_wait3A_2900 = tpu.memref_slice %arg17[%dma_wait3A_2890, %dma_wait3A_2898, %dma_wait3A_2899] : memref<2x16x512xf32, #tpu.memory_space<vmem>> -> memref<1x16x512xf32, #tpu.memory_space<vmem>>
      %dma_wait3A_2901 = tpu.memref_squeeze %dma_wait3A_2900 : memref<1x16x512xf32, #tpu.memory_space<vmem>> -> memref<16x512xf32, #tpu.memory_space<vmem>>
      %dma_wait3A_2902 = arith.constant 0 : i32
      %dma_wait3A_2903 = arith.constant 0 : i32
      %dma_wait3A_2904 = tpu.memref_slice %arg5[%dma_wait3A_2902, %dma_wait3A_2903] : memref<6144x512xf32, #tpu.memory_space<hbm>> -> memref<16x512xf32, #tpu.memory_space<hbm>>
      tpu.wait_dma2 semaphore(%arg23 : memref<!tpu.dma_semaphore, #tpu.memory_space<semaphore_mem>>) src(%dma_wait3A_2904 : memref<16x512xf32, #tpu.memory_space<hbm>>) dst(%dma_wait3A_2901 : memref<16x512xf32, #tpu.memory_space<vmem>>)
      %parallel_loop3A_2905 = arith.constant 0 : i32
      %parallel_loop3A_2906 = arith.constant 512 : i32
      %parallel_loop3A_2907 = arith.constant 1 : i32
      %parallel_loop3A_2908 = scf.for %parallel_loop3A_2909 = %parallel_loop3A_2905 to %parallel_loop3A_2906 step %parallel_loop3A_2907 iter_args(%parallel_loop3A_2910 = %parallel_loop3A_2859) -> (vector<16xf32>)  : i32 {
        %parallel_loop3A_2911 = arith.constant 5 : i32
        %parallel_loop3A_2912 = arith.shrsi %parallel_loop3A_2909, %parallel_loop3A_2911 : i32
        %parallel_loop3A_2913 = arith.constant 31 : i32
        %parallel_loop3A_2914 = arith.andi %parallel_loop3A_2909, %parallel_loop3A_2913 : i32
        %parallel_loop3A_2915 = arith.constant 16 : i32
        %parallel_loop3A_2916 = arith.muli %parallel_loop3A_2914, %parallel_loop3A_2915 : i32
        %parallel_loop3A_2917 = arith.constant 1 : i32
        %parallel_loop3A_2918 = arith.index_cast %parallel_loop3A_2917 : i32 to index
        %parallel_loop3A_2919 = arith.index_cast %parallel_loop3A_2912 : i32 to index
        %parallel_loop3A_2920 = arith.index_cast %parallel_loop3A_2916 : i32 to index
        %parallel_loop3A_2921 = tpu.vector_load %arg15[%parallel_loop3A_2918, %parallel_loop3A_2919, %parallel_loop3A_2920] {strides = array<i32>} : memref<2x16x512xf32, #tpu.memory_space<vmem>>, vector<16xf32>,
        %parallel_loop3A_2922 = arith.constant 1 : i32
        %parallel_loop3A_2923 = arith.index_cast %parallel_loop3A_2922 : i32 to index
        %parallel_loop3A_2924 = arith.index_cast %parallel_loop3A_2912 : i32 to index
        %parallel_loop3A_2925 = arith.index_cast %parallel_loop3A_2916 : i32 to index
        %parallel_loop3A_2926 = tpu.vector_load %arg16[%parallel_loop3A_2923, %parallel_loop3A_2924, %parallel_loop3A_2925] {strides = array<i32>} : memref<2x16x512xf32, #tpu.memory_space<vmem>>, vector<16xf32>,
        %parallel_loop3A_2927 = arith.constant 1 : i32
        %parallel_loop3A_2928 = arith.index_cast %parallel_loop3A_2927 : i32 to index
        %parallel_loop3A_2929 = arith.index_cast %parallel_loop3A_2912 : i32 to index
        %parallel_loop3A_2930 = arith.index_cast %parallel_loop3A_2916 : i32 to index
        %parallel_loop3A_2931 = tpu.vector_load %arg17[%parallel_loop3A_2928, %parallel_loop3A_2929, %parallel_loop3A_2930] {strides = array<i32>} : memref<2x16x512xf32, #tpu.memory_space<vmem>>, vector<16xf32>,
        %parallel_loop3A_2932 = arith.fptosi %parallel_loop3A_2921 : vector<16xf32> to vector<16xi32>
        %parallel_loop3A_2933 = arith.sitofp %parallel_loop3A_2932 : vector<16xi32> to vector<16xf32>
        %parallel_loop3A_2934 = arith.cmpf ogt, %parallel_loop3A_2921, %parallel_loop3A_2933 : vector<16xf32>
        %parallel_loop3A_2935 = arith.constant 1 : i32
        %parallel_loop3A_2936 = vector.broadcast %parallel_loop3A_2935 : i32 to vector<16xi32>
        %parallel_loop3A_2937 = arith.addi %parallel_loop3A_2932, %parallel_loop3A_2936 : vector<16xi32>
        %parallel_loop3A_2938 = arith.select %parallel_loop3A_2934, %parallel_loop3A_2937, %parallel_loop3A_2932 : vector<16xi1>, vector<16xi32>
        %parallel_loop3A_2939 = arith.subf %parallel_loop3A_2921, %parallel_loop3A_2933 : vector<16xf32>
        %parallel_loop3A_2940 = arith.constant 0.000000e+00 : f32
        %parallel_loop3A_2941 = arith.constant 1.000000e+00 : f32
        %parallel_loop3A_2942 = vector.broadcast %parallel_loop3A_2940 : f32 to vector<16xf32>
        %parallel_loop3A_2943 = vector.broadcast %parallel_loop3A_2941 : f32 to vector<16xf32>
        %parallel_loop3A_2944 = arith.select %parallel_loop3A_2934, %parallel_loop3A_2942, %parallel_loop3A_2943 : vector<16xi1>, vector<16xf32>
        %parallel_loop3A_2945 = arith.addf %parallel_loop3A_2939, %parallel_loop3A_2944 : vector<16xf32>
        %parallel_loop3A_2946 = tpu.vector_load_idx %arg9[%broadcast_in_dim3A_2, %parallel_loop3A_2938] : memref<2x768xf32, #tpu.memory_space<vmem>>[vector<16xi32>, vector<16xi32>], vector<16xf32>,
        %parallel_loop3A_2947 = arith.constant 1 : i32
        %parallel_loop3A_2948 = vector.broadcast %parallel_loop3A_2947 : i32 to vector<16xi32>
        %parallel_loop3A_2949 = arith.addi %broadcast_in_dim3A_2, %parallel_loop3A_2948 : vector<16xi32>
        %parallel_loop3A_2950 = tpu.vector_load_idx %arg9[%parallel_loop3A_2949, %parallel_loop3A_2938] : memref<2x768xf32, #tpu.memory_space<vmem>>[vector<16xi32>, vector<16xi32>], vector<16xf32>,
        %parallel_loop3A_2951 = arith.mulf %parallel_loop3A_2950, %parallel_loop3A_2945 : vector<16xf32>
        %parallel_loop3A_2952 = arith.addf %parallel_loop3A_2946, %parallel_loop3A_2951 : vector<16xf32>
        %parallel_loop3A_2953 = arith.mulf %parallel_loop3A_2931, %parallel_loop3A_2952 : vector<16xf32>
        %parallel_loop3A_2954 = arith.subf %parallel_loop3A_2926, %parallel_loop3A_2953 : vector<16xf32>
        %parallel_loop3A_2955 = arith.mulf %parallel_loop3A_2954, %parallel_loop3A_2954 : vector<16xf32>
        %parallel_loop3A_2956 = arith.addf %parallel_loop3A_2910, %parallel_loop3A_2955 : vector<16xf32>
        scf.yield %parallel_loop3A_2956 : vector<16xf32>
      } {sc.loop_unroll_factor = 8 : i64, sc.parallel_access}
      scf.yield %parallel_loop3A_2908 : vector<16xf32>
    }
    %scan3A_16 = arith.constant 6 : i32
    %mul3A = arith.constant 16 : i32
    %mul3A_17 = arith.muli %arg0, %mul3A : i32
    %add3A = arith.addi %mul3A_17, %arg1 : i32
    %swap3A = arith.constant 0 : i32
    %swap3A_18 = arith.constant 0 : i32
    %swap3A_19 = arith.index_cast %swap3A : i32 to index
    %swap3A_20 = arith.index_cast %swap3A_18 : i32 to index
    %swap3A_21 = arith.constant 0 : index
    %swap3A_22 = tpu.vector_load %arg17[%swap3A_19, %swap3A_20, %swap3A_21] {strides = array<i32>} : memref<2x16x512xf32, #tpu.memory_space<vmem>>, vector<16xf32>,
    tpu.vector_store %arg17[%swap3A_19, %swap3A_20, %swap3A_21], %scan3A_15 {strides = array<i32>} : memref<2x16x512xf32, #tpu.memory_space<vmem>>, vector<16xf32>,
    %mul3A_23 = arith.constant 16 : i32
    %mul3A_24 = arith.muli %add3A, %mul3A_23 : i32
    %run_scoped3A = arith.constant 0 : i32
    %run_scoped3A_25 = arith.constant 0 : i32
    "tpu.region"() ({
      %run_scoped3A_26 = tpu.sem_alloc : memref<!tpu.dma_semaphore, #tpu.memory_space<semaphore_mem>>
      %dma_start3A = arith.constant 0 : i32
      %dma_start3A_27 = tpu.memref_slice %arg17[%run_scoped3A, %run_scoped3A_25, %dma_start3A] : memref<2x16x512xf32, #tpu.memory_space<vmem>> -> memref<1x1x16xf32, #tpu.memory_space<vmem>>
      %dma_start3A_28 = tpu.memref_squeeze %dma_start3A_27 : memref<1x1x16xf32, #tpu.memory_space<vmem>> -> memref<16xf32, #tpu.memory_space<vmem>>
      %dma_start3A_29 = tpu.memref_slice %arg6[%mul3A_24] : memref<512xf32, #tpu.memory_space<hbm>> -> memref<16xf32, #tpu.memory_space<hbm>>
      %dma_start3A_30 = tpu.memref_slice %arg6[%mul3A_24] : memref<512xf32, #tpu.memory_space<hbm>> -> memref<16xf32, #tpu.memory_space<hbm>>
      %dma_start3A_31 = arith.constant 0 : i32
      %dma_start3A_32 = tpu.memref_slice %arg17[%run_scoped3A, %run_scoped3A_25, %dma_start3A_31] : memref<2x16x512xf32, #tpu.memory_space<vmem>> -> memref<1x1x16xf32, #tpu.memory_space<vmem>>
      %dma_start3A_33 = tpu.memref_squeeze %dma_start3A_32 : memref<1x1x16xf32, #tpu.memory_space<vmem>> -> memref<16xf32, #tpu.memory_space<vmem>>
      tpu.enqueue_dma source(%dma_start3A_33 : memref<16xf32, #tpu.memory_space<vmem>>) target(%dma_start3A_30 : memref<16xf32, #tpu.memory_space<hbm>>) target_semaphore(%run_scoped3A_26 : memref<!tpu.dma_semaphore, #tpu.memory_space<semaphore_mem>>)
      %dma_wait3A = arith.constant 0 : i32
      %dma_wait3A_34 = tpu.memref_slice %arg17[%run_scoped3A, %run_scoped3A_25, %dma_wait3A] : memref<2x16x512xf32, #tpu.memory_space<vmem>> -> memref<1x1x16xf32, #tpu.memory_space<vmem>>
      %dma_wait3A_35 = tpu.memref_squeeze %dma_wait3A_34 : memref<1x1x16xf32, #tpu.memory_space<vmem>> -> memref<16xf32, #tpu.memory_space<vmem>>
      %dma_wait3A_36 = tpu.memref_slice %arg6[%mul3A_24] : memref<512xf32, #tpu.memory_space<hbm>> -> memref<16xf32, #tpu.memory_space<hbm>>
      %dma_wait3A_37 = tpu.memref_slice %arg6[%mul3A_24] : memref<512xf32, #tpu.memory_space<hbm>> -> memref<16xf32, #tpu.memory_space<hbm>>
      %dma_wait3A_38 = arith.constant 0 : i32
      %dma_wait3A_39 = tpu.memref_slice %arg17[%run_scoped3A, %run_scoped3A_25, %dma_wait3A_38] : memref<2x16x512xf32, #tpu.memory_space<vmem>> -> memref<1x1x16xf32, #tpu.memory_space<vmem>>
      %dma_wait3A_40 = tpu.memref_squeeze %dma_wait3A_39 : memref<1x1x16xf32, #tpu.memory_space<vmem>> -> memref<16xf32, #tpu.memory_space<vmem>>
      tpu.wait_dma2 semaphore(%run_scoped3A_26 : memref<!tpu.dma_semaphore, #tpu.memory_space<semaphore_mem>>) src(%dma_wait3A_40 : memref<16xf32, #tpu.memory_space<vmem>>) dst(%dma_wait3A_37 : memref<16xf32, #tpu.memory_space<hbm>>)
      tpu.yield
    }) : () -> ()
    return
  }
}

module attributes {stable_mosaic.version = 14 : i64} {
  func.func @_prep_body(%arg0: i32, %arg1: i32, %arg2: memref<1x1x512x512xf32, #tpu.memory_space<vmem>>, %arg3: memref<1x1x512x512xf32, #tpu.memory_space<vmem>>, %arg4: memref<1x1x512x512xf32, #tpu.memory_space<vmem>>, %arg5: memref<1x1x512x512xf32, #tpu.memory_space<vmem>>, %arg6: memref<1x1x512x512xf32, #tpu.memory_space<vmem>>, %arg7: memref<1x512x512xi32, #tpu.memory_space<vmem>>, %arg8: memref<1x512x512xf32, #tpu.memory_space<vmem>>, %arg9: memref<1x512x512xf32, #tpu.memory_space<vmem>>, %arg10: memref<1x512x512xf32, #tpu.memory_space<vmem>>) attributes {dimension_semantics = [#tpu.dimension_semantics<arbitrary>, #tpu.dimension_semantics<arbitrary>], iteration_bounds = array<i64: 12, 1>, scalar_prefetch = 0 : i64, scratch_operands = 0 : i64, tpu.core_type = #tpu.core_type<tc>, window_params = [{transform_indices = @transform_0, window_bounds = array<i64: 1, 1, 512, 512>}, {transform_indices = @transform_1, window_bounds = array<i64: 1, 1, 512, 512>}, {transform_indices = @transform_2, window_bounds = array<i64: 1, 1, 512, 512>}, {transform_indices = @transform_3, window_bounds = array<i64: 1, 1, 512, 512>}, {transform_indices = @transform_4, window_bounds = array<i64: 1, 1, 512, 512>}, {transform_indices = @transform_5, window_bounds = array<i64: 1, 512, 512>}, {transform_indices = @transform_6, window_bounds = array<i64: 1, 512, 512>}, {transform_indices = @transform_7, window_bounds = array<i64: 1, 512, 512>}, {transform_indices = @transform_8, window_bounds = array<i64: 1, 512, 512>}]} {
    %get3A = arith.constant 0 : index
    %get3A_0 = arith.constant 0 : index
    %get3A_1 = arith.constant 0 : index
    %get3A_2 = arith.constant 0 : index
    %get3A_3 = vector.load %arg3[%get3A, %get3A_0, %get3A_1, %get3A_2] : memref<1x1x512x512xf32, #tpu.memory_space<vmem>>, vector<1x1x512x512xf32>
    %get3A_4 = vector.shape_cast %get3A_3 : vector<1x1x512x512xf32> to vector<512x512xf32>
    %get3A_5 = arith.constant 0 : index
    %get3A_6 = arith.constant 0 : index
    %get3A_7 = arith.constant 0 : index
    %get3A_8 = arith.constant 0 : index
    %get3A_9 = vector.load %arg2[%get3A_5, %get3A_6, %get3A_7, %get3A_8] : memref<1x1x512x512xf32, #tpu.memory_space<vmem>>, vector<1x1x512x512xf32>
    %get3A_10 = vector.shape_cast %get3A_9 : vector<1x1x512x512xf32> to vector<512x512xf32>
    %mul3A = arith.constant 5.000000e-01 : f32
    %mul3A_11 = vector.broadcast %mul3A : f32 to vector<512x512xf32>
    %mul3A_12 = arith.mulf %get3A_10, %mul3A_11 : vector<512x512xf32>
    %add3A = arith.constant 5.000000e-01 : f32
    %add3A_13 = vector.broadcast %add3A : f32 to vector<512x512xf32>
    %add3A_14 = arith.addf %mul3A_12, %add3A_13 : vector<512x512xf32>
    %max3A = arith.constant 0.000000e+00 : f32
    %max3A_15 = vector.broadcast %max3A : f32 to vector<512x512xf32>
    %max3A_16 = arith.maximumf %add3A_14, %max3A_15 : vector<512x512xf32>
    %min3A = arith.constant 1.000000e+00 : f32
    %min3A_17 = vector.broadcast %min3A : f32 to vector<512x512xf32>
    %min3A_18 = arith.minimumf %max3A_16, %min3A_17 : vector<512x512xf32>
    %mul3A_19 = arith.mulf %min3A_18, %get3A_4 : vector<512x512xf32>
    %mul3A_20 = arith.constant 5.120000e+02 : f32
    %mul3A_21 = vector.broadcast %mul3A_20 : f32 to vector<512x512xf32>
    %mul3A_22 = arith.mulf %mul3A_19, %mul3A_21 : vector<512x512xf32>
    %swap3A = arith.constant 0 : index
    %swap3A_23 = arith.constant 0 : index
    %swap3A_24 = arith.constant 0 : index
    %swap3A_25 = vector.load %arg8[%swap3A, %swap3A_23, %swap3A_24] : memref<1x512x512xf32, #tpu.memory_space<vmem>>, vector<1x512x512xf32>
    %swap3A_26 = vector.shape_cast %swap3A_25 : vector<1x512x512xf32> to vector<512x512xf32>
    %swap3A_27 = vector.shape_cast %mul3A_22 : vector<512x512xf32> to vector<1x512x512xf32>
    tpu.vector_store %arg8[%swap3A, %swap3A_23, %swap3A_24], %swap3A_27 {strides = array<i32>} : memref<1x512x512xf32, #tpu.memory_space<vmem>>, vector<1x512x512xf32>,
    %get3A_28 = arith.constant 0 : index
    %get3A_29 = arith.constant 0 : index
    %get3A_30 = arith.constant 0 : index
    %get3A_31 = arith.constant 0 : index
    %get3A_32 = vector.load %arg5[%get3A_28, %get3A_29, %get3A_30, %get3A_31] : memref<1x1x512x512xf32, #tpu.memory_space<vmem>>, vector<1x1x512x512xf32>
    %get3A_33 = vector.shape_cast %get3A_32 : vector<1x1x512x512xf32> to vector<512x512xf32>
    %get3A_34 = arith.constant 0 : index
    %get3A_35 = arith.constant 0 : index
    %get3A_36 = arith.constant 0 : index
    %get3A_37 = arith.constant 0 : index
    %get3A_38 = vector.load %arg4[%get3A_34, %get3A_35, %get3A_36, %get3A_37] : memref<1x1x512x512xf32, #tpu.memory_space<vmem>>, vector<1x1x512x512xf32>
    %get3A_39 = vector.shape_cast %get3A_38 : vector<1x1x512x512xf32> to vector<512x512xf32>
    %mul3A_40 = arith.constant 5.000000e-01 : f32
    %mul3A_41 = vector.broadcast %mul3A_40 : f32 to vector<512x512xf32>
    %mul3A_42 = arith.mulf %get3A_39, %mul3A_41 : vector<512x512xf32>
    %add3A_43 = arith.constant 5.000000e-01 : f32
    %add3A_44 = vector.broadcast %add3A_43 : f32 to vector<512x512xf32>
    %add3A_45 = arith.addf %mul3A_42, %add3A_44 : vector<512x512xf32>
    %max3A_46 = arith.constant 0.000000e+00 : f32
    %max3A_47 = vector.broadcast %max3A_46 : f32 to vector<512x512xf32>
    %max3A_48 = arith.maximumf %add3A_45, %max3A_47 : vector<512x512xf32>
    %min3A_49 = arith.constant 1.000000e+00 : f32
    %min3A_50 = vector.broadcast %min3A_49 : f32 to vector<512x512xf32>
    %min3A_51 = arith.minimumf %max3A_48, %min3A_50 : vector<512x512xf32>
    %mul3A_52 = arith.mulf %min3A_51, %get3A_33 : vector<512x512xf32>
    %ceil3A = math.ceil %mul3A_22 : vector<512x512xf32>
    %mul3A_53 = arith.constant 1.600000e+01 : f32
    %mul3A_54 = vector.broadcast %mul3A_53 : f32 to vector<512x512xf32>
    %mul3A_55 = arith.mulf %ceil3A, %mul3A_54 : vector<512x512xf32>
    %convert_element_type3A = arith.fptosi %mul3A_55 : vector<512x512xf32> to vector<512x512xi32>
    %mul3A_56 = arith.constant 5.120000e+02 : f32
    %mul3A_57 = vector.broadcast %mul3A_56 : f32 to vector<512x512xf32>
    %mul3A_58 = arith.mulf %mul3A_52, %mul3A_57 : vector<512x512xf32>
    %ceil3A_59 = math.ceil %mul3A_58 : vector<512x512xf32>
    %mul3A_60 = arith.constant 1.600000e+01 : f32
    %mul3A_61 = vector.broadcast %mul3A_60 : f32 to vector<512x512xf32>
    %mul3A_62 = arith.mulf %ceil3A_59, %mul3A_61 : vector<512x512xf32>
    %convert_element_type3A_63 = arith.fptosi %mul3A_62 : vector<512x512xf32> to vector<512x512xi32>
    %shift_left3A = arith.constant 16 : i32
    %shift_left3A_64 = vector.broadcast %shift_left3A : i32 to vector<512x512xi32>
    %shift_left3A_65 = arith.shli %convert_element_type3A_63, %shift_left3A_64 : vector<512x512xi32>
    %or3A = arith.ori %convert_element_type3A, %shift_left3A_65 : vector<512x512xi32>
    %swap3A_66 = arith.constant 0 : index
    %swap3A_67 = arith.constant 0 : index
    %swap3A_68 = arith.constant 0 : index
    %swap3A_69 = vector.load %arg7[%swap3A_66, %swap3A_67, %swap3A_68] : memref<1x512x512xi32, #tpu.memory_space<vmem>>, vector<1x512x512xi32>
    %swap3A_70 = vector.shape_cast %swap3A_69 : vector<1x512x512xi32> to vector<512x512xi32>
    %swap3A_71 = vector.shape_cast %or3A : vector<512x512xi32> to vector<1x512x512xi32>
    tpu.vector_store %arg7[%swap3A_66, %swap3A_67, %swap3A_68], %swap3A_71 {strides = array<i32>} : memref<1x512x512xi32, #tpu.memory_space<vmem>>, vector<1x512x512xi32>,
    %get3A_72 = arith.constant 0 : index
    %get3A_73 = arith.constant 0 : index
    %get3A_74 = arith.constant 0 : index
    %get3A_75 = arith.constant 0 : index
    %get3A_76 = vector.load %arg6[%get3A_72, %get3A_73, %get3A_74, %get3A_75] : memref<1x1x512x512xf32, #tpu.memory_space<vmem>>, vector<1x1x512x512xf32>
    %get3A_77 = vector.shape_cast %get3A_76 : vector<1x1x512x512xf32> to vector<512x512xf32>
    %mul3A_78 = arith.constant 5.000000e-01 : f32
    %mul3A_79 = vector.broadcast %mul3A_78 : f32 to vector<512x512xf32>
    %mul3A_80 = arith.mulf %get3A_77, %mul3A_79 : vector<512x512xf32>
    %add3A_81 = arith.constant 5.000000e-01 : f32
    %add3A_82 = vector.broadcast %add3A_81 : f32 to vector<512x512xf32>
    %add3A_83 = arith.addf %mul3A_80, %add3A_82 : vector<512x512xf32>
    %max3A_84 = arith.constant 0.000000e+00 : f32
    %max3A_85 = vector.broadcast %max3A_84 : f32 to vector<512x512xf32>
    %max3A_86 = arith.maximumf %add3A_83, %max3A_85 : vector<512x512xf32>
    %min3A_87 = arith.constant 1.000000e+00 : f32
    %min3A_88 = vector.broadcast %min3A_87 : f32 to vector<512x512xf32>
    %min3A_89 = arith.minimumf %max3A_86, %min3A_88 : vector<512x512xf32>
    %mul3A_90 = arith.mulf %min3A_89, %get3A_4 : vector<512x512xf32>
    %swap3A_91 = arith.constant 0 : index
    %swap3A_92 = arith.constant 0 : index
    %swap3A_93 = arith.constant 0 : index
    %swap3A_94 = vector.load %arg9[%swap3A_91, %swap3A_92, %swap3A_93] : memref<1x512x512xf32, #tpu.memory_space<vmem>>, vector<1x512x512xf32>
    %swap3A_95 = vector.shape_cast %swap3A_94 : vector<1x512x512xf32> to vector<512x512xf32>
    %swap3A_96 = vector.shape_cast %mul3A_90 : vector<512x512xf32> to vector<1x512x512xf32>
    tpu.vector_store %arg9[%swap3A_91, %swap3A_92, %swap3A_93], %swap3A_96 {strides = array<i32>} : memref<1x512x512xf32, #tpu.memory_space<vmem>>, vector<1x512x512xf32>,
    %swap3A_97 = arith.constant 0 : index
    %swap3A_98 = arith.constant 0 : index
    %swap3A_99 = arith.constant 0 : index
    %swap3A_100 = vector.load %arg10[%swap3A_97, %swap3A_98, %swap3A_99] : memref<1x512x512xf32, #tpu.memory_space<vmem>>, vector<1x512x512xf32>
    %swap3A_101 = vector.shape_cast %swap3A_100 : vector<1x512x512xf32> to vector<512x512xf32>
    %swap3A_102 = vector.shape_cast %get3A_4 : vector<512x512xf32> to vector<1x512x512xf32>
    tpu.vector_store %arg10[%swap3A_97, %swap3A_98, %swap3A_99], %swap3A_102 {strides = array<i32>} : memref<1x512x512xf32, #tpu.memory_space<vmem>>, vector<1x512x512xf32>,
    return
  }
  func.func @transform_0(%arg0: i32, %arg1: i32) -> (i32, i32, i32, i32) {
    %jit3A = arith.constant 3 : i32
    %div3A = arith.divsi %arg0, %jit3A : i32
    %sign3A = arith.constant 0 : i32
    %sign3A_0 = arith.cmpi sgt, %arg0, %sign3A : i32
    %sign3A_1 = arith.extui %sign3A_0 : i1 to i32
    %sign3A_2 = arith.constant 0 : i32
    %sign3A_3 = arith.cmpi slt, %arg0, %sign3A_2 : i32
    %sign3A_4 = arith.extui %sign3A_3 : i1 to i32
    %sign3A_5 = arith.subi %sign3A_1, %sign3A_4 : i32
    %sign3A_6 = arith.constant 0 : i32
    %sign3A_7 = arith.cmpi sgt, %jit3A, %sign3A_6 : i32
    %sign3A_8 = arith.extui %sign3A_7 : i1 to i32
    %sign3A_9 = arith.constant 0 : i32
    %sign3A_10 = arith.cmpi slt, %jit3A, %sign3A_9 : i32
    %sign3A_11 = arith.extui %sign3A_10 : i1 to i32
    %sign3A_12 = arith.subi %sign3A_8, %sign3A_11 : i32
    %ne3A = arith.cmpi ne, %sign3A_5, %sign3A_12 : i32
    %rem3A = arith.remsi %arg0, %jit3A : i32
    %ne3A_13 = arith.constant 0 : i32
    %ne3A_14 = arith.cmpi ne, %rem3A, %ne3A_13 : i32
    %and3A = arith.andi %ne3A, %ne3A_14 : i1
    %sub3A = arith.constant 1 : i32
    %sub3A_15 = arith.subi %div3A, %sub3A : i32
    %select_n3A = arith.select %and3A, %sub3A_15, %div3A : i32
    %jit3A_16 = arith.constant 3 : i32
    %eq3A = arith.constant 0 : i32
    %eq3A_17 = arith.cmpi eq, %jit3A_16, %eq3A : i32
    %jit3A_18 = arith.constant 1 : i32
    %select_n3A_19 = arith.select %eq3A_17, %jit3A_18, %jit3A_16 : i32
    %rem3A_20 = arith.remsi %arg0, %select_n3A_19 : i32
    %ne3A_21 = arith.constant 0 : i32
    %ne3A_22 = arith.cmpi ne, %rem3A_20, %ne3A_21 : i32
    %lt3A = arith.constant 0 : i32
    %lt3A_23 = arith.cmpi slt, %rem3A_20, %lt3A : i32
    %lt3A_24 = arith.constant 0 : i32
    %lt3A_25 = arith.cmpi slt, %select_n3A_19, %lt3A_24 : i32
    %ne3A_26 = arith.xori %lt3A_23, %lt3A_25 : i1
    %and3A_27 = arith.andi %ne3A_26, %ne3A_22 : i1
    %add3A = arith.addi %rem3A_20, %select_n3A_19 : i32
    %select_n3A_28 = arith.select %and3A_27, %add3A, %rem3A_20 : i32
    %c0_i32 = arith.constant 0 : i32
    %c0_i32_29 = arith.constant 0 : i32
    return %select_n3A, %select_n3A_28, %arg1, %c0_i32 : i32, i32, i32, i32
  }
  func.func @transform_1(%arg0: i32, %arg1: i32) -> (i32, i32, i32, i32) {
    %jit3A = arith.constant 3 : i32
    %div3A = arith.divsi %arg0, %jit3A : i32
    %sign3A = arith.constant 0 : i32
    %sign3A_0 = arith.cmpi sgt, %arg0, %sign3A : i32
    %sign3A_1 = arith.extui %sign3A_0 : i1 to i32
    %sign3A_2 = arith.constant 0 : i32
    %sign3A_3 = arith.cmpi slt, %arg0, %sign3A_2 : i32
    %sign3A_4 = arith.extui %sign3A_3 : i1 to i32
    %sign3A_5 = arith.subi %sign3A_1, %sign3A_4 : i32
    %sign3A_6 = arith.constant 0 : i32
    %sign3A_7 = arith.cmpi sgt, %jit3A, %sign3A_6 : i32
    %sign3A_8 = arith.extui %sign3A_7 : i1 to i32
    %sign3A_9 = arith.constant 0 : i32
    %sign3A_10 = arith.cmpi slt, %jit3A, %sign3A_9 : i32
    %sign3A_11 = arith.extui %sign3A_10 : i1 to i32
    %sign3A_12 = arith.subi %sign3A_8, %sign3A_11 : i32
    %ne3A = arith.cmpi ne, %sign3A_5, %sign3A_12 : i32
    %rem3A = arith.remsi %arg0, %jit3A : i32
    %ne3A_13 = arith.constant 0 : i32
    %ne3A_14 = arith.cmpi ne, %rem3A, %ne3A_13 : i32
    %and3A = arith.andi %ne3A, %ne3A_14 : i1
    %sub3A = arith.constant 1 : i32
    %sub3A_15 = arith.subi %div3A, %sub3A : i32
    %select_n3A = arith.select %and3A, %sub3A_15, %div3A : i32
    %c0_i32 = arith.constant 0 : i32
    %c0_i32_16 = arith.constant 0 : i32
    %c0_i32_17 = arith.constant 0 : i32
    return %select_n3A, %c0_i32, %arg1, %c0_i32_16 : i32, i32, i32, i32
  }
  func.func @transform_2(%arg0: i32, %arg1: i32) -> (i32, i32, i32, i32) {
    %jit3A = arith.constant 3 : i32
    %div3A = arith.divsi %arg0, %jit3A : i32
    %sign3A = arith.constant 0 : i32
    %sign3A_0 = arith.cmpi sgt, %arg0, %sign3A : i32
    %sign3A_1 = arith.extui %sign3A_0 : i1 to i32
    %sign3A_2 = arith.constant 0 : i32
    %sign3A_3 = arith.cmpi slt, %arg0, %sign3A_2 : i32
    %sign3A_4 = arith.extui %sign3A_3 : i1 to i32
    %sign3A_5 = arith.subi %sign3A_1, %sign3A_4 : i32
    %sign3A_6 = arith.constant 0 : i32
    %sign3A_7 = arith.cmpi sgt, %jit3A, %sign3A_6 : i32
    %sign3A_8 = arith.extui %sign3A_7 : i1 to i32
    %sign3A_9 = arith.constant 0 : i32
    %sign3A_10 = arith.cmpi slt, %jit3A, %sign3A_9 : i32
    %sign3A_11 = arith.extui %sign3A_10 : i1 to i32
    %sign3A_12 = arith.subi %sign3A_8, %sign3A_11 : i32
    %ne3A = arith.cmpi ne, %sign3A_5, %sign3A_12 : i32
    %rem3A = arith.remsi %arg0, %jit3A : i32
    %ne3A_13 = arith.constant 0 : i32
    %ne3A_14 = arith.cmpi ne, %rem3A, %ne3A_13 : i32
    %and3A = arith.andi %ne3A, %ne3A_14 : i1
    %sub3A = arith.constant 1 : i32
    %sub3A_15 = arith.subi %div3A, %sub3A : i32
    %select_n3A = arith.select %and3A, %sub3A_15, %div3A : i32
    %jit3A_16 = arith.constant 3 : i32
    %eq3A = arith.constant 0 : i32
    %eq3A_17 = arith.cmpi eq, %jit3A_16, %eq3A : i32
    %jit3A_18 = arith.constant 1 : i32
    %select_n3A_19 = arith.select %eq3A_17, %jit3A_18, %jit3A_16 : i32
    %rem3A_20 = arith.remsi %arg0, %select_n3A_19 : i32
    %ne3A_21 = arith.constant 0 : i32
    %ne3A_22 = arith.cmpi ne, %rem3A_20, %ne3A_21 : i32
    %lt3A = arith.constant 0 : i32
    %lt3A_23 = arith.cmpi slt, %rem3A_20, %lt3A : i32
    %lt3A_24 = arith.constant 0 : i32
    %lt3A_25 = arith.cmpi slt, %select_n3A_19, %lt3A_24 : i32
    %ne3A_26 = arith.xori %lt3A_23, %lt3A_25 : i1
    %and3A_27 = arith.andi %ne3A_26, %ne3A_22 : i1
    %add3A = arith.addi %rem3A_20, %select_n3A_19 : i32
    %select_n3A_28 = arith.select %and3A_27, %add3A, %rem3A_20 : i32
    %c0_i32 = arith.constant 0 : i32
    %c0_i32_29 = arith.constant 0 : i32
    return %select_n3A, %select_n3A_28, %arg1, %c0_i32 : i32, i32, i32, i32
  }
  func.func @transform_3(%arg0: i32, %arg1: i32) -> (i32, i32, i32, i32) {
    %jit3A = arith.constant 3 : i32
    %div3A = arith.divsi %arg0, %jit3A : i32
    %sign3A = arith.constant 0 : i32
    %sign3A_0 = arith.cmpi sgt, %arg0, %sign3A : i32
    %sign3A_1 = arith.extui %sign3A_0 : i1 to i32
    %sign3A_2 = arith.constant 0 : i32
    %sign3A_3 = arith.cmpi slt, %arg0, %sign3A_2 : i32
    %sign3A_4 = arith.extui %sign3A_3 : i1 to i32
    %sign3A_5 = arith.subi %sign3A_1, %sign3A_4 : i32
    %sign3A_6 = arith.constant 0 : i32
    %sign3A_7 = arith.cmpi sgt, %jit3A, %sign3A_6 : i32
    %sign3A_8 = arith.extui %sign3A_7 : i1 to i32
    %sign3A_9 = arith.constant 0 : i32
    %sign3A_10 = arith.cmpi slt, %jit3A, %sign3A_9 : i32
    %sign3A_11 = arith.extui %sign3A_10 : i1 to i32
    %sign3A_12 = arith.subi %sign3A_8, %sign3A_11 : i32
    %ne3A = arith.cmpi ne, %sign3A_5, %sign3A_12 : i32
    %rem3A = arith.remsi %arg0, %jit3A : i32
    %ne3A_13 = arith.constant 0 : i32
    %ne3A_14 = arith.cmpi ne, %rem3A, %ne3A_13 : i32
    %and3A = arith.andi %ne3A, %ne3A_14 : i1
    %sub3A = arith.constant 1 : i32
    %sub3A_15 = arith.subi %div3A, %sub3A : i32
    %select_n3A = arith.select %and3A, %sub3A_15, %div3A : i32
    %c0_i32 = arith.constant 0 : i32
    %c0_i32_16 = arith.constant 0 : i32
    %c0_i32_17 = arith.constant 0 : i32
    return %select_n3A, %c0_i32, %arg1, %c0_i32_16 : i32, i32, i32, i32
  }
  func.func @transform_4(%arg0: i32, %arg1: i32) -> (i32, i32, i32, i32) {
    %jit3A = arith.constant 3 : i32
    %div3A = arith.divsi %arg0, %jit3A : i32
    %sign3A = arith.constant 0 : i32
    %sign3A_0 = arith.cmpi sgt, %arg0, %sign3A : i32
    %sign3A_1 = arith.extui %sign3A_0 : i1 to i32
    %sign3A_2 = arith.constant 0 : i32
    %sign3A_3 = arith.cmpi slt, %arg0, %sign3A_2 : i32
    %sign3A_4 = arith.extui %sign3A_3 : i1 to i32
    %sign3A_5 = arith.subi %sign3A_1, %sign3A_4 : i32
    %sign3A_6 = arith.constant 0 : i32
    %sign3A_7 = arith.cmpi sgt, %jit3A, %sign3A_6 : i32
    %sign3A_8 = arith.extui %sign3A_7 : i1 to i32
    %sign3A_9 = arith.constant 0 : i32
    %sign3A_10 = arith.cmpi slt, %jit3A, %sign3A_9 : i32
    %sign3A_11 = arith.extui %sign3A_10 : i1 to i32
    %sign3A_12 = arith.subi %sign3A_8, %sign3A_11 : i32
    %ne3A = arith.cmpi ne, %sign3A_5, %sign3A_12 : i32
    %rem3A = arith.remsi %arg0, %jit3A : i32
    %ne3A_13 = arith.constant 0 : i32
    %ne3A_14 = arith.cmpi ne, %rem3A, %ne3A_13 : i32
    %and3A = arith.andi %ne3A, %ne3A_14 : i1
    %sub3A = arith.constant 1 : i32
    %sub3A_15 = arith.subi %div3A, %sub3A : i32
    %select_n3A = arith.select %and3A, %sub3A_15, %div3A : i32
    %jit3A_16 = arith.constant 3 : i32
    %eq3A = arith.constant 0 : i32
    %eq3A_17 = arith.cmpi eq, %jit3A_16, %eq3A : i32
    %jit3A_18 = arith.constant 1 : i32
    %select_n3A_19 = arith.select %eq3A_17, %jit3A_18, %jit3A_16 : i32
    %rem3A_20 = arith.remsi %arg0, %select_n3A_19 : i32
    %ne3A_21 = arith.constant 0 : i32
    %ne3A_22 = arith.cmpi ne, %rem3A_20, %ne3A_21 : i32
    %lt3A = arith.constant 0 : i32
    %lt3A_23 = arith.cmpi slt, %rem3A_20, %lt3A : i32
    %lt3A_24 = arith.constant 0 : i32
    %lt3A_25 = arith.cmpi slt, %select_n3A_19, %lt3A_24 : i32
    %ne3A_26 = arith.xori %lt3A_23, %lt3A_25 : i1
    %and3A_27 = arith.andi %ne3A_26, %ne3A_22 : i1
    %add3A = arith.addi %rem3A_20, %select_n3A_19 : i32
    %select_n3A_28 = arith.select %and3A_27, %add3A, %rem3A_20 : i32
    %c0_i32 = arith.constant 0 : i32
    %c0_i32_29 = arith.constant 0 : i32
    return %select_n3A, %select_n3A_28, %arg1, %c0_i32 : i32, i32, i32, i32
  }
  func.func @transform_5(%arg0: i32, %arg1: i32) -> (i32, i32, i32) {
    %c0_i32 = arith.constant 0 : i32
    %c0_i32_0 = arith.constant 0 : i32
    return %arg0, %arg1, %c0_i32 : i32, i32, i32
  }
  func.func @transform_6(%arg0: i32, %arg1: i32) -> (i32, i32, i32) {
    %c0_i32 = arith.constant 0 : i32
    %c0_i32_0 = arith.constant 0 : i32
    return %arg0, %arg1, %c0_i32 : i32, i32, i32
  }
  func.func @transform_7(%arg0: i32, %arg1: i32) -> (i32, i32, i32) {
    %c0_i32 = arith.constant 0 : i32
    %c0_i32_0 = arith.constant 0 : i32
    return %arg0, %arg1, %c0_i32 : i32, i32, i32
  }
  func.func @transform_8(%arg0: i32, %arg1: i32) -> (i32, i32, i32) {
    %c0_i32 = arith.constant 0 : i32
    %c0_i32_0 = arith.constant 0 : i32
    return %arg0, %arg1, %c0_i32 : i32, i32, i32
  }
}

</mosaic_0001>

<sc_bundles>
// kernel: kernel.4.cloned.1.call-start
scs
__scs_entry_jumppad:
0x0: {  	(pc) =	sbr.rel $0x88, $3  }
0x1: {  	(tag) =	ssettag $0x0;
	lr =	simm.s32 $0x1  }
0x2: {  	[smem:$0x3F9C] =	sst lr;
	_ =	strace $0xD0000000  }
0x3: {  	_ = 	snop  }
0x4: {  	_ = 	snop  }
0x5: {  	_ = 	snop  }
0x6: {  	_ = 	snop  }
0x7: {  	_ = 	snop  }
__scs_overlays_trampoline_lowered:
0x8: {  	[smem:$0x3FAB] =	sst s0  }
0x9: {  	[smem:$0x3FAC] =	sst s1  }
0xa: {  	[smem:$0x3FAD] =	sst s2  }
0xb: {  	[smem:$0x3FAE] =	sst s3  }
0xc: {  	[smem:$0x3FAF] =	sst s4  }
0xd: {  	[smem:$0x3FB0] =	sst s5  }
0xe: {  	[smem:$0x3FB1] =	sst s6  }
0xf: {  	[smem:$0x3FB2] =	sst s7  }
0x10: {  	[smem:$0x3FB3] =	sst s8  }
0x11: {  	[smem:$0x3FB4] =	sst s9;
	s0 =	simm.s32 @!p0 $0x0  }
0x12: {  	s1 =	sld [smem:$0x3F9A];
	s0 =	simm.s32 @p0 $0x1  }
0x13: {  	[smem:$0x3FB5] =	sst s0;
	s0 =	simm.s32 @!p1 $0x0  }
0x14: {  	s2 =	sld [smem:$0x3F99];
	s0 =	simm.s32 @p1 $0x1  }
0x15: {  	[smem:$0x3FB6] =	sst s0;
	s0 =	simm.s32 @!p2 $0x0  }
0x16: {  	s3 =	sld [smem:$0x3FDB];
	s0 =	simm.s32 @p2 $0x1  }
0x17: {  	s4 =	simm.s32 $0x1BF5;
	[smem:$0x3FB8] =	sst s0  }
0x18: {  	s0 =	sld [smem:$0x3F9B];
	_ =	swait.ge [sflag:s4], $0x0  }
0x19: {  	s7 =	sld [smem:$0x3F9C]  }
0x1a: {  	s8 =	sadd.s32 $0xFFFFE003, lr  }
0x1b: {  	s9 =	sadd.s32 $0xFFFFFEF7, lr;
	s5 =	simm.s32 $0xFFFFFFFF;
	p2 =	slt.u32 s8, $0xFFFFF086  }
0x1c: {  	p1 =	slt.u32 s9, $0xF7A;
	s5 =	simm.s32 @!p2 $0x0  }
0x1d: {  	s5 =	simm.s32 @p1 $0x1;
	p0 =	seq.s32 s7, s2  }
0x1e: {  	s7 =	smul.u32 @!p0 $0xF7A, s2;
	p2 =	seq.s32 @!p0 s5, $0x0  }
0x1f: {  	s9 =	smul.u32 $0xF7A, s1;
	s8 =	simm.s32 @!p0 $0x1BF5;
	p2 =	por !p2, p0  }
0x20: {  	[sflag:s8] =	ssyncset.s32 @!p0 $0xFFFFF086;
	s6 =	sadd.s32 @!p0 s3, s7;
	s7 =	simm.s32 @!p0 $0x108  }
0x21: {  	s3 =	sadd.s32 s3, s9;
	s6 =	sadd.s32 @!p0 $0x88, s6;
	s7 =	simm.s32 @p2 $0x1082  }
0x22: {  	[simem:s7], [sflag:s8] =	dma.local @!p0 [hbm:s6], $0xF7A  }
0x23: {  	s9 =	sor.u32 $0xD0000000, s2;
	s6 =	simm.s32 $0x108;
	_ =	swait.ge @!p0 [sflag:s8], $0x0  }
0x24: {  	s3 =	sadd.s32 $0x88, s3;
	s6 =	simm.s32 @!p1 $0x1082;
	[sflag:s4] =	ssyncset.s32 $0xFFFFF086  }
0x25: {  	[simem:s6], [sflag:s4] =	dma.local [hbm:s3], $0xF7A  }
0x26: {  	[smem:$0x3F9C] =	sst s1;
	(tag) =	ssettag s2;
	_ =	strace s9  }
0x27: {  	s1 =	sld [smem:$0x3FAC]  }
0x28: {  	s2 =	sld [smem:$0x3FAD]  }
0x29: {  	s4 =	sld [smem:$0x3FAF]  }
0x2a: {  	p0 =	seq.s32 s5, $0x0;
	s5 =	sld [smem:$0x3FB0]  }
0x2b: {  	s6 =	sld [smem:$0x3FB1]  }
0x2c: {  	s7 =	sld [smem:$0x3FB2]  }
0x2d: {  	s3 =	simm.s32 $0x108;
	s8 =	sld [smem:$0x3FB3]  }
0x2e: {  	s3 =	simm.s32 @!p0 $0x1082;
	s9 =	sld [smem:$0x3FB4]  }
0x2f: {  	lr =	sadd.s32 s0, s3;
	s0 =	sld [smem:$0x3FAB]  }
0x30: {  	s3 =	sld [smem:$0x3FAE]  }
0x31: {  	[smem:$0x3FB7] =	sst s10  }
0x32: {  	s10 =	sld [smem:$0x3FB5];
	_ =	sdelay $0x3  }
0x33: {  	p0 =	seq.s32 s10, $0x1;
	s10 =	sld [smem:$0x3FB7];
	_ =	sdelay $0x3  }
0x34: {  	[smem:$0x3FB7] =	sst s10  }
0x35: {  	s10 =	sld [smem:$0x3FB6];
	_ =	sdelay $0x3  }
0x36: {  	p1 =	seq.s32 s10, $0x1;
	s10 =	sld [smem:$0x3FB7];
	_ =	sdelay $0x3  }
0x37: {  	[smem:$0x3FB7] =	sst s10  }
0x38: {  	s10 =	sld [smem:$0x3FB8]  }
0x39: {  	_ = 	snop;
	(pc) =	sbr.ind lr, $3  }
0x3a: {  	_ = 	snop  }
0x3b: {  	_ = 	snop  }
0x3c: {  	p2 =	seq.s32 s10, $0x1;
	s10 =	sld [smem:$0x3FB7]  }
0x3d: {  	_ =	shalt  }
0x3e: {  	_ =	shalt  }
0x3f: {  	_ =	shalt  }
0x40: {  	_ =	shalt  }
0x41: {  	_ =	shalt  }
0x42: {  	_ =	shalt  }
0x43: {  	_ =	shalt  }
0x44: {  	_ =	shalt  }
0x45: {  	_ =	shalt  }
0x46: {  	_ =	shalt  }
0x47: {  	_ =	shalt  }
0x48: {  	_ =	shalt  }
0x49: {  	_ =	shalt  }
0x4a: {  	_ =	shalt  }
0x4b: {  	_ =	shalt  }
0x4c: {  	_ =	shalt  }
0x4d: {  	_ =	shalt  }
0x4e: {  	_ =	shalt  }
0x4f: {  	_ =	shalt  }
0x50: {  	_ =	shalt  }
0x51: {  	_ =	shalt  }
0x52: {  	_ =	shalt  }
0x53: {  	_ =	shalt  }
0x54: {  	_ =	shalt  }
0x55: {  	_ =	shalt  }
0x56: {  	_ =	shalt  }
0x57: {  	_ =	shalt  }
0x58: {  	_ =	shalt  }
0x59: {  	_ =	shalt  }
0x5a: {  	_ =	shalt  }
0x5b: {  	_ =	shalt  }
0x5c: {  	_ =	shalt  }
0x5d: {  	_ =	shalt  }
0x5e: {  	_ =	shalt  }
0x5f: {  	_ =	shalt  }
0x60: {  	_ =	shalt  }
0x61: {  	_ =	shalt  }
0x62: {  	_ =	shalt  }
0x63: {  	_ =	shalt  }
0x64: {  	_ =	shalt  }
0x65: {  	_ =	shalt  }
0x66: {  	_ =	shalt  }
0x67: {  	_ =	shalt  }
0x68: {  	_ =	shalt  }
0x69: {  	_ =	shalt  }
0x6a: {  	_ =	shalt  }
0x6b: {  	_ =	shalt  }
0x6c: {  	_ =	shalt  }
0x6d: {  	_ =	shalt  }
0x6e: {  	_ =	shalt  }
0x6f: {  	_ =	shalt  }
0x70: {  	_ =	shalt  }
0x71: {  	_ =	shalt  }
0x72: {  	_ =	shalt  }
0x73: {  	_ =	shalt  }
0x74: {  	_ =	shalt  }
0x75: {  	_ =	shalt  }
0x76: {  	_ =	shalt  }
0x77: {  	_ =	shalt  }
0x78: {  	_ =	shalt  }
0x79: {  	_ =	shalt  }
0x7a: {  	_ =	shalt  }
0x7b: {  	_ =	shalt  }
0x7c: {  	_ =	shalt  }
0x7d: {  	_ =	shalt  }
0x7e: {  	_ =	shalt  }
0x7f: {  	_ =	shalt  }
0x80: {  	_ =	shalt  }
0x81: {  	_ =	shalt  }
0x82: {  	_ =	shalt  }
0x83: {  	_ =	shalt  }
0x84: {  	_ =	shalt  }
0x85: {  	_ =	shalt  }
0x86: {  	_ =	shalt  }
0x87: {  	_ =	shalt  }
.Lfunc_end0:
.L_simem_size_0:
called_computation_lowered:
.L_overlay_start_0:
0x88: {  	s2 =	sld [smem:$0x3FD9]  }
0x89: {  	s3 =	sld [smem:$0x3FFE];
	_ =	sdelay $0x1  }
0x8a: {  	s1 =	srdreg.scid  }
0x8b: {  	s0 =	sand.u32 $0x1, s1  }
0x8c: {  	s16 =	sshll.u32 s0, $0xA;
	s2 =	sadd.s32 s3, s2  }
0x8d: {  	s2 =	sadd.s32 s2, s16  }
0x8e: {  	[smem:$0x3FC3] =	sst s2  }
0x8f: {  	_ = 	snop  }
0x90: {  	(tm) =	ssettm $0x1  }
0x91: {  	s17 =	sld [smem:$0x3FFB];
	_ =	sdelay $0x3  }
0x92: {  	_ =	strace s17  }
0x93: {  	s2 =	sld [smem:$0x3FFC];
	_ =	sdelay $0x3  }
0x94: {  	_ =	strace s2  }
0x95: {  	s2 =	sld [smem:$0x3FFD];
	_ =	sdelay $0x3  }
0x96: {  	_ =	strace s2  }
0x97: {  	_ =	strace $0x8FFFFFFF  }
0x98: {  	s18 =	sld [smem:$0x3FDB];
	_ =	sdelay $0x1  }
0x99: {  	s19 =	simm.s32 $_scs_section_size  }
0x9a: {  	s4 =	simm.s32 $_size__tile_overlayer_lowered;
	s5 =	simm.s32 $_tile_overlayer_lowered  }
0x9b: {  	s22 =	simm.s32 $0x1BFF;
	s21 =	sshll.u32 s5, $0x1;
	s2 =	sadd.s32 s19, s18  }
0x9c: {  	s6 =	simm.s32 $0x0;
	s20 =	sshll.u32 s4, $0x1;
	s4 =	sadd.s32 s21, s2  }
0x9d: {  	[timem:s6], [sflag:s22] =	dma.local [hbm:s4], s20  }
0x9e: {  	_ =	swait.ge [sflag:s22], s20  }
0x9f: {  	s3 =	ssub.s32 $0x0, s20;
	[sflag:s22] =	ssyncset.done $0x0  }
0xa0: {  	[sflag:s22] =	ssyncadd.s32 s3;
	_ =	sdelay $0x1  }
0xa1: {  	s23 =	simm.s32 $0x1B8B  }
0xa2: {  	_ =	swait.ge [sflag:s23], $0x1  }
0xa3: {  	[sflag:s23] =	ssyncset.done $0x0  }
0xa4: {  	s25 =	simm.s32 $0x1B8E;
	s24 =	sld [smem:$0x3FFE];
	[sflag:s23] =	ssyncadd.s32 $0xFFFFFFFF  }
0xa5: {  	s26 =	simm.s32 $execute0_lowered;
	[smem:$0x3FD2] =	sst s25  }
0xa6: {  	s4 =	sshll.u32 s26, $0x1;
	_ =	strace $0x80000046;
	[dreg:$0x1] =	wrdreg $0xFFFFFFFF  }
0xa7: {  	s28 =	simm.s32 $_size_execute0_lowered;
	s2 =	sadd.s32 s2, s4;
	[dreg:$0x0] =	wrdreg $0x0  }
0xa8: {  	s4 =	sshll.u32 s28, $0x1;
	[dreg:$0x2] =	wrdreg s2  }
0xa9: {  	[dreg:$0x3] =	wrdreg s4  }
0xaa: {  	[dreg:$0x4] =	wrdreg $0xC0  }
0xab: {  	_ =	task [dreg:s6], $0x5FFFF  }
0xac: {  	[dreg:$0x1] =	wrdreg $0xFFFFFFFF  }
0xad: {  	[dreg:$0x0] =	wrdreg $0x60  }
0xae: {  	[dreg:$0x2] =	wrdreg s24  }
0xaf: {  	[dreg:$0x3] =	wrdreg $0x179800  }
0xb0: {  	[dreg:$0x4] =	wrdreg $0x181800  }
0xb1: {  	[dreg:$0x5] =	wrdreg $0x182000  }
0xb2: {  	[dreg:$0x6] =	wrdreg $0x182800  }
0xb3: {  	[dreg:$0x7] =	wrdreg $0x9  }
0xb4: {  	_ =	task.clear_ibuf [dreg:s6], $0x8FFFF;
	_ =	strace $0x90000046  }
0xb5: {  	s29 =	simm.s32 $0x9;
	_ =	strace $0x80000048  }
0xb6: {  	_ =	swait.ge [sflag:s29], $0x1  }
0xb7: {  	[sflag:s29] =	ssyncadd.s32 $0xFFFFFFFF  }
0xb8: {  	_ =	strace $0x90000048  }
0xb9: {  	_ =	sfence  }
0xba: {  	s30 =	sld [smem:$0x0];
	_ =	sdelay $0x2  }
0xbb: {  	s31 =	sshll.u32 s1, $0xD;
	s1 =	sshrl.u32 s1, $0x2  }
0xbc: {  	s3 =	sand.u32 $0x4000, s31;
	s1 =	sadd.s32 s1, s30  }
0xbd: {  	s0 =	sor.u32 s3, s0;
	s1 =	sshll.u32 s1, $0x11  }
0xbe: {  	s0 =	sor.u32 s1, s0  }
0xbf: {  	s0 =	sadd.s32 $0x8F2B, s0  }
0xc0: {  	[sflag:s0] =	ssyncadd.remote.s32 $0x1  }
0xc1: {  	_ =	sfence.sel $0xFFFF  }
0xc2: {  	[dreg:$0x0] =	wrdreg $0xFFFFFFFF;
	(pc) =	sbr.abs _section_cstart, $3  }
0xc3: {  	[dreg:$0x1] =	wrdreg $0xFFFFFFFF  }
0xc4: {  	_ =	task.clear_ibuf [dreg:s6], $0x2FFFF;
	_ =	strace $0x9FFFFFFF  }
0xc5: {  	(tm) =	ssettm $0x7FFFFFFF  }
tec
execute0_lowered:
.L_overlay_start_1:
0x0: {  	(tag) =	ssettag $0x1  }
0x1: {  	s0 =	rddreg [dreg:$0x0]  }
0x2: {  	s1 =	rddreg [dreg:$0x1]  }
0x3: {  	s11 =	rddreg [dreg:$0x2]  }
0x4: {  	s12 =	rddreg [dreg:$0x3]  }
0x5: {  	s16 =	rddreg [dreg:$0x4];
	s4 =	simm.s32 $0x0  }
0x6: {  	s2 =	srdreg.scid;
	s17 =	stileid.u32;
	s29 =	simm.s32 $0x7100  }
0x7: {  	s30 =	simm.s32 $0x7900;
	s31 =	simm.s32 $0x6600;
	s19 =	simm.s32 $0x0  }
0x8: {  	[smem:$0x7FF] =	sst s4;
	s6 =	sadd.s32 $0x120800, s0;
	s7 =	sadd.s32 $0x800, s0  }
0x9: {  	s2 =	sand.u32 $0x1, s2;
	s8 =	sadd.s32 $0x60800, s0;
	s3 =	sshll.u32 s17, $0x1  }
0xa: {  	s9 =	sadd.s32 $0xC0800, s0;
	s22 =	sshll.u32 s17, $0xB;
	s23 =	sshll.u32 s17, $0x7  }
0xb: {  	s10 =	smul.u32 $0x30, s17;
	_ =	strace $0x80000047;
	s5 =	ssub.s32 $0x2, s2  }
0xc: {  	s0 =	sadd.s32 s3, s0;
	s21 =	smul.u32 $0x6, s2;
	s13 =	smov.u32 s22  }
0xd: {  	s14 =	sadd.s32 s23, s11;
	s24 =	sshll.u32 s2, $0x5;
	s15 =	sadd.s32 s23, s12  }
0xe: {  	s16 =	sadd.s32 s23, s16;
	s20 =	sshrl.u32 s5, $0x1;
	s25 =	sadd.s32 $0x10, s10  }
0xf: {  	v0 =	vlaneseq.u32;
	v1 =	vimm.f32 $1.000000000e+00;
	s0 =	sadd.s32 s24, s0;
	s26 =	sadd.s32 $0x20, s10;
	s3 =	ssub.s32 s5, s20  }
0x10: {  	v3 =	vimm.f32 $0.0e+00;
	vm4 =	vcmask $0x704;
	[dreg:$0x6] =	wrdreg s21;
	s5 =	sadd.s32 s22, s1;
	s1 =	sadd.s32 s23, s1;
	v4 =	vmov s26  }
0x11: {  	vm5 =	vcmask $0x3F04;
	s0 =	sadd.s32 $0x180800, s0;
	s21 =	simm.s32 $0x1;
	[dreg:$0x7] =	wrdreg s5;
	vm0 =	veq.s32 v4, v0;
	v4 =	vmul.u32 $0x80, v0  }
0x12: {  	v11 =	vimm.s32 $0x0;
	v5 =	vmov s17;
	v2 =	vmul.u32 $0x10, v0;
	s22 =	simm.s32 $0x3000;
	s23 =	simm.s32 $0x2;
	[dreg:$0x8] =	wrdreg s1  }
0x13: {  	v6 =	vmov s10;
	v7 =	vmov s25;
	s25 =	simm.s32 $0x3;
	[dreg:$0x9] =	wrdreg s0;
	s28 =	smax.u32 s3, $0x1;
	[tilespmem:$0x1FFE0] =	vst v4;
	v4 =	vor.u32 $0x1, v4  }
0x14: {  	vm3 =	vgt.u32 v5, v0;
	vm2 =	veq.s32 v6, v0;
	vm1 =	veq.s32 v7, v0;
	s3 =	simm.s32 $0x6000;
	s1 =	simm.s32 $0x0;
	[dreg:$0xa] =	wrdreg s28;
	[tilespmem:$0x1FFF0] =	vst v4  }
.LBB2_1:
0x15: {  	[dreg:$0xb] =	wrdreg s1;
	s0 =	simm.s32 $0x40;
	s1 =	simm.s32 $0x0;
	v12 =	vimm.f32 $0.0e+00  }
.LBB2_2:
0x16: {  	p0 =	sne.s32 s0, $0xBFC0;
	[tilespmem:s1+$0x0] =	vst v12;
	s2 =	smov.u32 s0;
	s0 =	sadd.s32 $0x40, s0  }
.Ltmp0:
0x17: {  	[tilespmem:s1+$0x3000] =	vst v12;
	(pc) =	sbr.rel @p0 .LBB2_2-.Ltmp0, $2  }
0x18: {  	_ =	sdelay $0x2  }
0x19: {  	s1 =	sshra.s32 s2, $0x2;
	v12 =	vimm.f32 $0.0e+00  }
0x1a: {  	[tilespmem:s1+$0x0] =	vst v12  }
0x1b: {  	[tilespmem:s1+$0x3000] =	vst v12;
	s20 =	simm.s32 $0x0  }
.LBB2_4:
0x1c: {  	s0 =	rddreg [dreg:$0x6]  }
0x1d: {  	s0 =	sadd.s32 s0, s20  }
0x1e: {  	s0 =	sshll.u32 s0, $0xF  }
0x1f: {  	s1 =	simm.s32 $0x7980;
	s26 =	sor.u32 s13, s0  }
0x20: {  	s11 =	simm.s32 $0x9980;
	s0 =	sadd.s32 s6, s26;
	s24 =	sor.u32 $0x400, s26  }
0x21: {  	[tilespmem:s1], [sflag:$0x1] =	stream.linear.gather [hbm4b:s0+s19], $0x2000, $0x38;
	[tilespmem:$0x18300] =	vst v63  }
0x22: {  	s12 =	simm.s32 $0x0;
	s17 =	simm.s32 $0x0;
	s10 =	sadd.s32 s6, s24  }
0x23: {  	[tilespmem:s11], [sflag:$0x2] =	stream.linear.gather [hbm4b:s10+s19], $0x2000, $0x38;
	[tilespmem:$0x18300] =	vst v63  }
0x24: {  	s2 =	sand.u32 $0xC00, s19;
	s0 =	sand.u32 $0x1000, s12;
	_ =	swait.ge [sflag:s21], $0x2000  }
0x25: {  	s1 =	sand.u32 $0x380, s17;
	s0 =	sor.u32 s2, s0;
	[sflag:s21] =	ssyncset.done $0x0  }
0x26: {  	s1 =	sor.u32 s1, s0;
	[sflag:s21] =	ssyncadd.s32 $0xFFFFE000  }
0x27: {  	v13 =	vld [tilespmem:s1+$0x7990]  }
0x28: {  	v14 =	vld [tilespmem:s1+$0x79C0];
	_ =	sdelay $0x1  }
0x29: {  	v22 =	vld [tilespmem:s1+$0x79A0];
	_ =	sdelay $0x1  }
0x2a: {  	v15 =	vld [tilespmem:s1+$0x79B0];
	v16 =	vand.u32 $0xFFFF, v13  }
0x2b: {  	s18 =	simm.s32 $0x80;
	s0 =	simm.s32 $0x400;
	v19 =	vld [tilespmem:s1+$0x79E0];
	v17 =	vand.u32 $0xFFFF, v14;
	v16 =	vadd.s32 v0, v16  }
0x2c: {  	s5 =	simm.s32 $0x20;
	s2 =	sand.u32 $0x1000, s18;
	s10 =	sand.u32 $0xC00, s0;
	v18 =	vld [tilespmem:s1+$0x79F0];
	v17 =	vadd.s32 v0, v17  }
0x2d: {  	s28 =	sand.u32 $0x380, s5;
	s2 =	sor.u32 s10, s2;
	v20 =	vld [tilespmem:s1+$0x79D0];
	v24 =	vand.u32 $0xFFFF, v22  }
0x2e: {  	v23 =	vld [tilespmem:s1+$0x7980];
	s1 =	sor.u32 s28, s2;
	v14 =	vshrl.u32 v14, $0x10;
	v24 =	vadd.s32 v0, v24  }
0x2f: {  	v25 =	vld [tilespmem:s1+$0x79C0];
	v21 =	vadd.s32 v0, v14  }
0x30: {  	v13 =	vshrl.u32 v13, $0x10;
	[tilespmem:v16+s4+$0x0] =	vst.idx.add.f32.msk $0xffff, v1  }
0x31: {  	v14 =	vand.u32 $0xFFFF, v15;
	v13 =	vadd.s32 v0, v13;
	[tilespmem:v17+s4+$0x0] =	vst.idx.add.f32.msk $0xffff, v1  }
0x32: {  	v15 =	vshrl.u32 v15, $0x10;
	v16 =	vadd.s32 v0, v14;
	v14 =	vld [tilespmem:s1+$0x7990]  }
0x33: {  	v15 =	vadd.s32 v0, v15;
	v17 =	vand.u32 $0xFFFF, v18;
	[tilespmem:v24+s4+$0x0] =	vst.idx.add.f32.msk $0xffff, v1  }
0x34: {  	[tilespmem:v21+s22+$0x0] =	vst.idx.add.f32.msk $0xffff, v1;
	v17 =	vadd.s32 v0, v17;
	v21 =	vand.u32 $0xFFFF, v23  }
0x35: {  	v63 =	vshrl.u32 v18, $0x10;
	v18 =	vld [tilespmem:s1+$0x79D0];
	v21 =	vadd.s32 v0, v21  }
0x36: {  	[tilespmem:v13+s22+$0x0] =	vst.idx.add.f32.msk $0xffff, v1  }
0x37: {  	[tilespmem:v16+s4+$0x0] =	vst.idx.add.f32.msk $0xffff, v1  }
0x38: {  	v13 =	vshrl.u32 v23, $0x10;
	[tilespmem:v15+s22+$0x0] =	vst.idx.add.f32.msk $0xffff, v1  }
0x39: {  	v13 =	vadd.s32 v0, v13;
	[tilespmem:v17+s4+$0x0] =	vst.idx.add.f32.msk $0xffff, v1;
	v15 =	vshrl.u32 v22, $0x10  }
0x3a: {  	v23 =	vand.u32 $0xFFFF, v19;
	[tilespmem:v21+s4+$0x0] =	vst.idx.add.f32.msk $0xffff, v1;
	v21 =	vadd.s32 v0, v15  }
0x3b: {  	v23 =	vadd.s32 v0, v23;
	v16 =	vand.u32 $0xFFFF, v20;
	v17 =	vld [tilespmem:s1+$0x79B0]  }
0x3c: {  	v20 =	vshrl.u32 v20, $0x10;
	v22 =	vadd.s32 v0, v16;
	v16 =	vld [tilespmem:s1+$0x79F0]  }
0x3d: {  	v20 =	vadd.s32 v0, v20;
	v15 =	vld [tilespmem:s1+$0x79E0]  }
0x3e: {  	v24 =	vadd.s32 v0, v63;
	[tilespmem:v13+s22+$0x0] =	vst.idx.add.f32.msk $0xffff, v1;
	v13 =	vshrl.u32 v19, $0x10  }
0x3f: {  	[tilespmem:v21+s22+$0x0] =	vst.idx.add.f32.msk $0xffff, v1;
	v21 =	vadd.s32 v0, v13  }
0x40: {  	[tilespmem:v23+s4+$0x0] =	vst.idx.add.f32.msk $0xffff, v1  }
0x41: {  	[tilespmem:v22+s4+$0x0] =	vst.idx.add.f32.msk $0xffff, v1;
	v13 =	vand.u32 $0xFFFF, v14  }
0x42: {  	v19 =	vshrl.u32 v25, $0x10;
	[tilespmem:v20+s22+$0x0] =	vst.idx.add.f32.msk $0xffff, v1;
	v20 =	vand.u32 $0xFFFF, v25;
	v22 =	vadd.s32 v0, v13  }
0x43: {  	s2 =	simm.s32 $0x8;
	[tilespmem:v24+s22+$0x0] =	vst.idx.add.f32.msk $0xffff, v1;
	v19 =	vadd.s32 v0, v19;
	v13 =	vshrl.u32 v16, $0x10;
	v20 =	vadd.s32 v0, v20  }
.LBB2_5:
0x44: {  	s2 =	sadd.s32 $0x8, s2;
	v23 =	vand.u32 $0xFFFF, v18;
	v18 =	vshrl.u32 v18, $0x10;
	s0 =	sadd.s32 $0x400, s0;
	[tilespmem:v21+s22+$0x0] =	vst.idx.add.f32.msk $0xffff, v1  }
0x45: {  	v14 =	vshrl.u32 v14, $0x10;
	v24 =	vshrl.u32 v17, $0x10;
	s5 =	sshll.u32 s2, $0x4;
	s10 =	sshll.u32 s2, $0x2;
	p0 =	slt.u32 s2, $0x1F8;
	v21 =	vld [tilespmem:s1+$0x79A0];
	v23 =	vadd.s32 v0, v23  }
0x46: {  	s17 =	sand.u32 $0xC00, s0;
	v26 =	vadd.s32 v0, v14;
	v14 =	vand.u32 $0xFFFF, v17;
	v17 =	vshrl.u32 v15, $0x10;
	s5 =	sand.u32 $0x1000, s5;
	v25 =	vld [tilespmem:s1+$0x7980]  }
0x47: {  	v16 =	vand.u32 $0xFFFF, v16;
	v15 =	vand.u32 $0xFFFF, v15;
	s1 =	sand.u32 $0x380, s10;
	s5 =	sor.u32 s17, s5;
	[tilespmem:v22+s4+$0x0] =	vst.idx.add.f32.msk $0xffff, v1;
	v22 =	vadd.s32 v0, v14  }
0x48: {  	v24 =	vadd.s32 v0, v24;
	s1 =	sor.u32 s1, s5;
	[tilespmem:v20+s4+$0x0] =	vst.idx.add.f32.msk $0xffff, v1  }
0x49: {  	v14 =	vld [tilespmem:s1+$0x7990]  }
0x4a: {  	v16 =	vadd.s32 v0, v16;
	v20 =	vand.u32 $0xFFFF, v21;
	v21 =	vshrl.u32 v21, $0x10;
	[tilespmem:v19+s22+$0x0] =	vst.idx.add.f32.msk $0xffff, v1  }
0x4b: {  	v28 =	vadd.s32 v0, v18;
	v19 =	vld [tilespmem:s1+$0x79C0];
	v27 =	vand.u32 $0xFFFF, v25;
	v20 =	vadd.s32 v0, v20  }
0x4c: {  	v18 =	vadd.s32 v0, v27;
	[tilespmem:v22+s4+$0x0] =	vst.idx.add.f32.msk $0xffff, v1  }
0x4d: {  	[tilespmem:v24+s22+$0x0] =	vst.idx.add.f32.msk $0xffff, v1  }
0x4e: {  	v22 =	vshrl.u32 v25, $0x10;
	v24 =	vadd.s32 v0, v15;
	[tilespmem:v26+s22+$0x0] =	vst.idx.add.f32.msk $0xffff, v1  }
0x4f: {  	v22 =	vadd.s32 v0, v22;
	[tilespmem:v16+s4+$0x0] =	vst.idx.add.f32.msk $0xffff, v1  }
0x50: {  	v25 =	vadd.s32 v0, v21;
	[tilespmem:v20+s4+$0x0] =	vst.idx.add.f32.msk $0xffff, v1  }
0x51: {  	[tilespmem:v18+s4+$0x0] =	vst.idx.add.f32.msk $0xffff, v1  }
0x52: {  	v21 =	vadd.s32 v0, v17;
	v15 =	vld [tilespmem:s1+$0x79E0]  }
0x53: {  	v17 =	vld [tilespmem:s1+$0x79B0]  }
0x54: {  	v16 =	vld [tilespmem:s1+$0x79F0]  }
0x55: {  	v18 =	vld [tilespmem:s1+$0x79D0]  }
0x56: {  	v26 =	vadd.s32 v0, v13;
	[tilespmem:v22+s22+$0x0] =	vst.idx.add.f32.msk $0xffff, v1  }
.Ltmp1:
0x57: {  	v27 =	vshrl.u32 v19, $0x10;
	[tilespmem:v25+s22+$0x0] =	vst.idx.add.f32.msk $0xffff, v1;
	(pc) =	sbr.rel @p0 .LBB2_5-.Ltmp1, $4  }
0x58: {  	[tilespmem:v23+s4+$0x0] =	vst.idx.add.f32.msk $0xffff, v1  }
0x59: {  	v20 =	vand.u32 $0xFFFF, v14;
	v19 =	vand.u32 $0xFFFF, v19;
	v13 =	vshrl.u32 v16, $0x10;
	[tilespmem:v28+s22+$0x0] =	vst.idx.add.f32.msk $0xffff, v1  }
0x5a: {  	v22 =	vadd.s32 v0, v20;
	v20 =	vadd.s32 v0, v19;
	[tilespmem:v24+s4+$0x0] =	vst.idx.add.f32.msk $0xffff, v1  }
0x5b: {  	v19 =	vadd.s32 v0, v27;
	[tilespmem:v26+s22+$0x0] =	vst.idx.add.f32.msk $0xffff, v1  }
0x5c: {  	_ =	sdelay $0x1  }
0x5d: {  	v23 =	vld [tilespmem:s1+$0x79A0];
	v25 =	vand.u32 $0xFFFF, v17  }
0x5e: {  	v24 =	vld [tilespmem:s1+$0x7980];
	v14 =	vshrl.u32 v14, $0x10;
	v25 =	vadd.s32 v0, v25  }
0x5f: {  	v17 =	vshrl.u32 v17, $0x10;
	[tilespmem:v21+s22+$0x0] =	vst.idx.add.f32.msk $0xffff, v1;
	v14 =	vadd.s32 v0, v14  }
0x60: {  	[tilespmem:v22+s4+$0x0] =	vst.idx.add.f32.msk $0xffff, v1;
	v16 =	vand.u32 $0xFFFF, v16;
	v17 =	vadd.s32 v0, v17  }
0x61: {  	[tilespmem:v20+s4+$0x0] =	vst.idx.add.f32.msk $0xffff, v1;
	v16 =	vadd.s32 v0, v16  }
0x62: {  	v13 =	vadd.s32 v0, v13;
	[tilespmem:v19+s22+$0x0] =	vst.idx.add.f32.msk $0xffff, v1;
	v20 =	vand.u32 $0xFFFF, v23  }
0x63: {  	v19 =	vand.u32 $0xFFFF, v24;
	v20 =	vadd.s32 v0, v20;
	[tilespmem:v25+s4+$0x0] =	vst.idx.add.f32.msk $0xffff, v1  }
0x64: {  	v21 =	vshrl.u32 v24, $0x10;
	v19 =	vadd.s32 v0, v19;
	[tilespmem:v14+s22+$0x0] =	vst.idx.add.f32.msk $0xffff, v1  }
0x65: {  	v22 =	vshrl.u32 v23, $0x10;
	[tilespmem:v17+s22+$0x0] =	vst.idx.add.f32.msk $0xffff, v1;
	v17 =	vadd.s32 v0, v21  }
0x66: {  	v14 =	vadd.s32 v0, v22;
	[tilespmem:v16+s4+$0x0] =	vst.idx.add.f32.msk $0xffff, v1;
	v16 =	vand.u32 $0xFFFF, v15  }
0x67: {  	v21 =	vand.u32 $0xFFFF, v18;
	v16 =	vadd.s32 v0, v16;
	[tilespmem:v13+s22+$0x0] =	vst.idx.add.f32.msk $0xffff, v1  }
0x68: {  	v15 =	vshrl.u32 v15, $0x10;
	v21 =	vadd.s32 v0, v21;
	[tilespmem:v20+s4+$0x0] =	vst.idx.add.f32.msk $0xffff, v1  }
0x69: {  	v18 =	vshrl.u32 v18, $0x10;
	v15 =	vadd.s32 v0, v15;
	[tilespmem:v19+s4+$0x0] =	vst.idx.add.f32.msk $0xffff, v1  }
0x6a: {  	v18 =	vadd.s32 v0, v18;
	[tilespmem:v17+s22+$0x0] =	vst.idx.add.f32.msk $0xffff, v1  }
0x6b: {  	[tilespmem:v14+s22+$0x0] =	vst.idx.add.f32.msk $0xffff, v1  }
0x6c: {  	[tilespmem:v16+s4+$0x0] =	vst.idx.add.f32.msk $0xffff, v1  }
0x6d: {  	[tilespmem:v21+s4+$0x0] =	vst.idx.add.f32.msk $0xffff, v1  }
0x6e: {  	[tilespmem:v15+s22+$0x0] =	vst.idx.add.f32.msk $0xffff, v1  }
0x6f: {  	s0 =	simm.s32 $0x0;
	s17 =	simm.s32 $0x0;
	s2 =	simm.s32 $0x0;
	[tilespmem:v18+s22+$0x0] =	vst.idx.add.f32.msk $0xffff, v1  }
0x70: {  	s1 =	sand.u32 $0x1000, s17;
	s5 =	sand.u32 $0xC00, s0;
	_ =	swait.ge [sflag:s23], $0x2000  }
0x71: {  	s2 =	sand.u32 $0x380, s2;
	s1 =	sor.u32 s5, s1;
	[sflag:s23] =	ssyncset.done $0x0  }
0x72: {  	s2 =	sor.u32 s2, s1;
	[sflag:s23] =	ssyncadd.s32 $0xFFFFE000  }
0x73: {  	v13 =	vld [tilespmem:s2+$0x9990]  }
0x74: {  	v14 =	vld [tilespmem:s2+$0x99C0];
	_ =	sdelay $0x1  }
0x75: {  	v22 =	vld [tilespmem:s2+$0x99A0];
	_ =	sdelay $0x1  }
0x76: {  	v15 =	vld [tilespmem:s2+$0x99B0];
	v16 =	vand.u32 $0xFFFF, v13  }
0x77: {  	s18 =	simm.s32 $0x80;
	s1 =	simm.s32 $0x400;
	v19 =	vld [tilespmem:s2+$0x99E0];
	v17 =	vand.u32 $0xFFFF, v14;
	v16 =	vadd.s32 v0, v16  }
0x78: {  	s10 =	simm.s32 $0x20;
	s5 =	sand.u32 $0x1000, s18;
	s17 =	sand.u32 $0xC00, s1;
	v18 =	vld [tilespmem:s2+$0x99F0];
	v17 =	vadd.s32 v0, v17  }
0x79: {  	s28 =	sand.u32 $0x380, s10;
	s5 =	sor.u32 s17, s5;
	v20 =	vld [tilespmem:s2+$0x99D0];
	v61 =	vand.u32 $0xFFFF, v22  }
0x7a: {  	v23 =	vld [tilespmem:s2+$0x9980];
	s2 =	sor.u32 s28, s5;
	v14 =	vshrl.u32 v14, $0x10;
	v24 =	vadd.s32 v0, v61  }
0x7b: {  	v62 =	vld [tilespmem:s2+$0x99C0];
	v21 =	vadd.s32 v0, v14  }
0x7c: {  	v13 =	vshrl.u32 v13, $0x10;
	[tilespmem:v16+s0+$0x0] =	vst.idx.add.f32.msk $0xffff, v1  }
0x7d: {  	v14 =	vand.u32 $0xFFFF, v15;
	v13 =	vadd.s32 v0, v13;
	[tilespmem:v17+s0+$0x0] =	vst.idx.add.f32.msk $0xffff, v1  }
0x7e: {  	v15 =	vshrl.u32 v15, $0x10;
	v16 =	vadd.s32 v0, v14;
	v14 =	vld [tilespmem:s2+$0x9990]  }
0x7f: {  	v15 =	vadd.s32 v0, v15;
	v17 =	vand.u32 $0xFFFF, v18;
	[tilespmem:v24+s0+$0x0] =	vst.idx.add.f32.msk $0xffff, v1  }
0x80: {  	[tilespmem:v21+s22+$0x0] =	vst.idx.add.f32.msk $0xffff, v1;
	v17 =	vadd.s32 v0, v17;
	v21 =	vand.u32 $0xFFFF, v23  }
0x81: {  	v63 =	vshrl.u32 v18, $0x10;
	v18 =	vld [tilespmem:s2+$0x99D0];
	v21 =	vadd.s32 v0, v21  }
0x82: {  	[tilespmem:v13+s22+$0x0] =	vst.idx.add.f32.msk $0xffff, v1  }
0x83: {  	[tilespmem:v16+s0+$0x0] =	vst.idx.add.f32.msk $0xffff, v1  }
0x84: {  	v13 =	vshrl.u32 v23, $0x10;
	[tilespmem:v15+s22+$0x0] =	vst.idx.add.f32.msk $0xffff, v1  }
0x85: {  	v13 =	vadd.s32 v0, v13;
	[tilespmem:v17+s0+$0x0] =	vst.idx.add.f32.msk $0xffff, v1;
	v15 =	vshrl.u32 v22, $0x10  }
0x86: {  	v23 =	vand.u32 $0xFFFF, v19;
	[tilespmem:v21+s0+$0x0] =	vst.idx.add.f32.msk $0xffff, v1;
	v21 =	vadd.s32 v0, v15  }
0x87: {  	v23 =	vadd.s32 v0, v23;
	v16 =	vand.u32 $0xFFFF, v20;
	v17 =	vld [tilespmem:s2+$0x99B0]  }
0x88: {  	v20 =	vshrl.u32 v20, $0x10;
	v22 =	vadd.s32 v0, v16;
	v16 =	vld [tilespmem:s2+$0x99F0]  }
0x89: {  	v20 =	vadd.s32 v0, v20;
	v15 =	vld [tilespmem:s2+$0x99E0]  }
0x8a: {  	v24 =	vadd.s32 v0, v63;
	[tilespmem:v13+s22+$0x0] =	vst.idx.add.f32.msk $0xffff, v1;
	v13 =	vshrl.u32 v19, $0x10  }
0x8b: {  	[tilespmem:v21+s22+$0x0] =	vst.idx.add.f32.msk $0xffff, v1;
	v21 =	vadd.s32 v0, v13  }
0x8c: {  	[tilespmem:v23+s0+$0x0] =	vst.idx.add.f32.msk $0xffff, v1  }
0x8d: {  	[tilespmem:v22+s0+$0x0] =	vst.idx.add.f32.msk $0xffff, v1;
	v13 =	vand.u32 $0xFFFF, v14  }
0x8e: {  	v19 =	vshrl.u32 v62, $0x10;
	[tilespmem:v20+s22+$0x0] =	vst.idx.add.f32.msk $0xffff, v1;
	v20 =	vand.u32 $0xFFFF, v62;
	v22 =	vadd.s32 v0, v13  }
0x8f: {  	s5 =	simm.s32 $0x8;
	[tilespmem:v24+s22+$0x0] =	vst.idx.add.f32.msk $0xffff, v1;
	v19 =	vadd.s32 v0, v19;
	v13 =	vshrl.u32 v16, $0x10;
	v20 =	vadd.s32 v0, v20  }
.LBB2_7:
0x90: {  	s5 =	sadd.s32 $0x8, s5;
	v23 =	vand.u32 $0xFFFF, v18;
	v18 =	vshrl.u32 v18, $0x10;
	s1 =	sadd.s32 $0x400, s1;
	[tilespmem:v21+s22+$0x0] =	vst.idx.add.f32.msk $0xffff, v1  }
0x91: {  	v14 =	vshrl.u32 v14, $0x10;
	v24 =	vshrl.u32 v17, $0x10;
	s10 =	sshll.u32 s5, $0x4;
	s17 =	sshll.u32 s5, $0x2;
	p0 =	slt.u32 s5, $0x1F8;
	v21 =	vld [tilespmem:s2+$0x99A0];
	v23 =	vadd.s32 v0, v23  }
0x92: {  	s18 =	sand.u32 $0xC00, s1;
	v26 =	vadd.s32 v0, v14;
	v14 =	vand.u32 $0xFFFF, v17;
	v17 =	vshrl.u32 v15, $0x10;
	s10 =	sand.u32 $0x1000, s10;
	v25 =	vld [tilespmem:s2+$0x9980]  }
0x93: {  	v16 =	vand.u32 $0xFFFF, v16;
	v15 =	vand.u32 $0xFFFF, v15;
	s2 =	sand.u32 $0x380, s17;
	s10 =	sor.u32 s18, s10;
	[tilespmem:v22+s0+$0x0] =	vst.idx.add.f32.msk $0xffff, v1;
	v22 =	vadd.s32 v0, v14  }
0x94: {  	v24 =	vadd.s32 v0, v24;
	s2 =	sor.u32 s2, s10;
	[tilespmem:v20+s0+$0x0] =	vst.idx.add.f32.msk $0xffff, v1  }
0x95: {  	v14 =	vld [tilespmem:s2+$0x9990]  }
0x96: {  	v16 =	vadd.s32 v0, v16;
	v20 =	vand.u32 $0xFFFF, v21;
	v21 =	vshrl.u32 v21, $0x10;
	[tilespmem:v19+s22+$0x0] =	vst.idx.add.f32.msk $0xffff, v1  }
0x97: {  	v28 =	vadd.s32 v0, v18;
	v19 =	vld [tilespmem:s2+$0x99C0];
	v27 =	vand.u32 $0xFFFF, v25;
	v20 =	vadd.s32 v0, v20  }
0x98: {  	v18 =	vadd.s32 v0, v27;
	[tilespmem:v22+s0+$0x0] =	vst.idx.add.f32.msk $0xffff, v1  }
0x99: {  	[tilespmem:v24+s22+$0x0] =	vst.idx.add.f32.msk $0xffff, v1  }
0x9a: {  	v22 =	vshrl.u32 v25, $0x10;
	v24 =	vadd.s32 v0, v15;
	[tilespmem:v26+s22+$0x0] =	vst.idx.add.f32.msk $0xffff, v1  }
0x9b: {  	v22 =	vadd.s32 v0, v22;
	[tilespmem:v16+s0+$0x0] =	vst.idx.add.f32.msk $0xffff, v1  }
0x9c: {  	v25 =	vadd.s32 v0, v21;
	[tilespmem:v20+s0+$0x0] =	vst.idx.add.f32.msk $0xffff, v1  }
0x9d: {  	[tilespmem:v18+s0+$0x0] =	vst.idx.add.f32.msk $0xffff, v1  }
0x9e: {  	v21 =	vadd.s32 v0, v17;
	v15 =	vld [tilespmem:s2+$0x99E0]  }
0x9f: {  	v17 =	vld [tilespmem:s2+$0x99B0]  }
0xa0: {  	v16 =	vld [tilespmem:s2+$0x99F0]  }
0xa1: {  	v18 =	vld [tilespmem:s2+$0x99D0]  }
0xa2: {  	v26 =	vadd.s32 v0, v13;
	[tilespmem:v22+s22+$0x0] =	vst.idx.add.f32.msk $0xffff, v1  }
.Ltmp2:
0xa3: {  	v27 =	vshrl.u32 v19, $0x10;
	[tilespmem:v25+s22+$0x0] =	vst.idx.add.f32.msk $0xffff, v1;
	(pc) =	sbr.rel @p0 .LBB2_7-.Ltmp2, $4  }
0xa4: {  	[tilespmem:v23+s0+$0x0] =	vst.idx.add.f32.msk $0xffff, v1  }
0xa5: {  	v20 =	vand.u32 $0xFFFF, v14;
	v19 =	vand.u32 $0xFFFF, v19;
	v13 =	vshrl.u32 v16, $0x10;
	[tilespmem:v28+s22+$0x0] =	vst.idx.add.f32.msk $0xffff, v1  }
0xa6: {  	v22 =	vadd.s32 v0, v20;
	v20 =	vadd.s32 v0, v19;
	[tilespmem:v24+s0+$0x0] =	vst.idx.add.f32.msk $0xffff, v1  }
0xa7: {  	s28 =	simm.s32 $0x80;
	v19 =	vadd.s32 v0, v27;
	[tilespmem:v26+s22+$0x0] =	vst.idx.add.f32.msk $0xffff, v1  }
0xa8: {  	_ = 	snop  }
0xa9: {  	v23 =	vld [tilespmem:s2+$0x99A0]  }
0xaa: {  	v24 =	vld [tilespmem:s2+$0x9980];
	v25 =	vand.u32 $0xFFFF, v17  }
0xab: {  	v17 =	vshrl.u32 v17, $0x10;
	v25 =	vadd.s32 v0, v25  }
0xac: {  	[tilespmem:v21+s22+$0x0] =	vst.idx.add.f32.msk $0xffff, v1;
	v14 =	vshrl.u32 v14, $0x10;
	v17 =	vadd.s32 v0, v17  }
0xad: {  	[tilespmem:v22+s0+$0x0] =	vst.idx.add.f32.msk $0xffff, v1;
	v16 =	vand.u32 $0xFFFF, v16;
	v14 =	vadd.s32 v0, v14  }
0xae: {  	[tilespmem:v20+s0+$0x0] =	vst.idx.add.f32.msk $0xffff, v1;
	v16 =	vadd.s32 v0, v16;
	v45 =	vand.u32 $0xFFFF, v23  }
0xaf: {  	[tilespmem:v19+s22+$0x0] =	vst.idx.add.f32.msk $0xffff, v1;
	v19 =	vand.u32 $0xFFFF, v24;
	v20 =	vadd.s32 v0, v45  }
0xb0: {  	v46 =	vshrl.u32 v24, $0x10;
	v19 =	vadd.s32 v0, v19;
	[tilespmem:v25+s0+$0x0] =	vst.idx.add.f32.msk $0xffff, v1  }
0xb1: {  	v47 =	vshrl.u32 v23, $0x10;
	[tilespmem:v17+s22+$0x0] =	vst.idx.add.f32.msk $0xffff, v1;
	v17 =	vadd.s32 v0, v46  }
0xb2: {  	v48 =	vand.u32 $0xFFFF, v18;
	[tilespmem:v14+s22+$0x0] =	vst.idx.add.f32.msk $0xffff, v1;
	v14 =	vadd.s32 v0, v47  }
0xb3: {  	v18 =	vshrl.u32 v18, $0x10;
	v21 =	vadd.s32 v0, v48;
	[tilespmem:v16+s0+$0x0] =	vst.idx.add.f32.msk $0xffff, v1  }
0xb4: {  	v18 =	vadd.s32 v0, v18;
	v16 =	vand.u32 $0xFFFF, v15;
	[tilespmem:v20+s0+$0x0] =	vst.idx.add.f32.msk $0xffff, v1  }
0xb5: {  	v16 =	vadd.s32 v0, v16;
	[tilespmem:v19+s0+$0x0] =	vst.idx.add.f32.msk $0xffff, v1  }
0xb6: {  	v13 =	vadd.s32 v0, v13;
	v15 =	vshrl.u32 v15, $0x10;
	[tilespmem:v17+s22+$0x0] =	vst.idx.add.f32.msk $0xffff, v1;
	v17 =	vmov s0  }
0xb7: {  	v15 =	vadd.s32 v0, v15;
	[tilespmem:v14+s22+$0x0] =	vst.idx.add.f32.msk $0xffff, v1;
	v14 =	vshll.u32 v17, $0x4  }
0xb8: {  	[tilespmem:v21+s0+$0x0] =	vst.idx.add.f32.msk $0xffff, v1;
	v14 =	vor.u32 v2, v14  }
0xb9: {  	[tilespmem:v18+s22+$0x0] =	vst.idx.add.f32.msk $0xffff, v1  }
0xba: {  	[tilespmem:v16+s0+$0x0] =	vst.idx.add.f32.msk $0xffff, v1;
	v16 =	vor.u32 $0x1, v14  }
0xbb: {  	[tilespmem:v13+s22+$0x0] =	vst.idx.add.f32.msk $0xffff, v1  }
0xbc: {  	[tilespmem:v15+s22+$0x0] =	vst.idx.add.f32.msk $0xffff, v1;
	v13 =	vor.u32 $0x2, v14  }
0xbd: {  	v15 =	vld.idx.msk [tilespmem:v14+s4+$0x0], $0xffff  }
0xbe: {  	v17 =	vor.u32 $0x3, v14;
	v18 =	vld.idx.msk [tilespmem:v14+s22+$0x0], $0xffff  }
0xbf: {  	v19 =	vld.idx.msk [tilespmem:v16+s4+$0x0], $0xffff  }
0xc0: {  	v49 =	vor.u32 $0x4, v14;
	v16 =	vld.idx.msk [tilespmem:v16+s22+$0x0], $0xffff  }
0xc1: {  	v21 =	vld.idx.msk [tilespmem:v13+s4+$0x0], $0xffff  }
0xc2: {  	v50 =	vor.u32 $0x5, v14;
	v13 =	vld.idx.msk [tilespmem:v13+s22+$0x0], $0xffff;
	v15 =	vadd.f32 $0.0e+00, v15  }
0xc3: {  	v51 =	vld.idx.msk [tilespmem:v17+s4+$0x0], $0xffff;
	v18 =	vadd.f32 $0.0e+00, v18  }
0xc4: {  	v52 =	vor.u32 $0x6, v14;
	v17 =	vld.idx.msk [tilespmem:v17+s22+$0x0], $0xffff;
	v15 =	vadd.f32 v19, v15  }
0xc5: {  	v19 =	vld.idx.msk [tilespmem:v49+s4+$0x0], $0xffff;
	v16 =	vadd.f32 v16, v18  }
0xc6: {  	v20 =	vld.idx.msk [tilespmem:v49+s22+$0x0], $0xffff;
	v18 =	vor.u32 $0x7, v14;
	v15 =	vadd.f32 v21, v15  }
0xc7: {  	v53 =	vld.idx.msk [tilespmem:v50+s4+$0x0], $0xffff;
	v13 =	vadd.f32 v13, v16  }
0xc8: {  	v22 =	vld.idx.msk [tilespmem:v50+s22+$0x0], $0xffff;
	v16 =	vor.u32 $0x8, v14;
	v15 =	vadd.f32 v51, v15  }
0xc9: {  	v54 =	vld.idx.msk [tilespmem:v52+s4+$0x0], $0xffff;
	v13 =	vadd.f32 v17, v13  }
0xca: {  	v24 =	vld.idx.msk [tilespmem:v52+s22+$0x0], $0xffff;
	v17 =	vor.u32 $0x9, v14;
	v15 =	vadd.f32 v19, v15  }
0xcb: {  	v19 =	vld.idx.msk [tilespmem:v18+s4+$0x0], $0xffff;
	v13 =	vadd.f32 v20, v13  }
0xcc: {  	v55 =	vor.u32 $0xA, v14;
	v18 =	vld.idx.msk [tilespmem:v18+s22+$0x0], $0xffff;
	v15 =	vadd.f32 v53, v15  }
0xcd: {  	v56 =	vld.idx.msk [tilespmem:v16+s4+$0x0], $0xffff;
	v13 =	vadd.f32 v22, v13  }
0xce: {  	v57 =	vor.u32 $0xB, v14;
	v16 =	vld.idx.msk [tilespmem:v16+s22+$0x0], $0xffff;
	v15 =	vadd.f32 v54, v15  }
0xcf: {  	v58 =	vld.idx.msk [tilespmem:v17+s4+$0x0], $0xffff;
	v13 =	vadd.f32 v24, v13  }
0xd0: {  	v59 =	vor.u32 $0xC, v14;
	v17 =	vld.idx.msk [tilespmem:v17+s22+$0x0], $0xffff;
	v15 =	vadd.f32 v19, v15  }
0xd1: {  	v19 =	vld.idx.msk [tilespmem:v55+s4+$0x0], $0xffff;
	v13 =	vadd.f32 v18, v13  }
0xd2: {  	v20 =	vld.idx.msk [tilespmem:v55+s22+$0x0], $0xffff;
	v18 =	vor.u32 $0xD, v14;
	v15 =	vadd.f32 v56, v15  }
0xd3: {  	v60 =	vld.idx.msk [tilespmem:v57+s4+$0x0], $0xffff;
	v13 =	vadd.f32 v16, v13  }
0xd4: {  	v22 =	vld.idx.msk [tilespmem:v57+s22+$0x0], $0xffff;
	v16 =	vor.u32 $0xE, v14;
	v15 =	vadd.f32 v58, v15  }
0xd5: {  	v61 =	vld.idx.msk [tilespmem:v59+s4+$0x0], $0xffff;
	v13 =	vadd.f32 v17, v13  }
0xd6: {  	v14 =	vor.u32 $0xF, v14;
	v17 =	vld.idx.msk [tilespmem:v59+s22+$0x0], $0xffff;
	v15 =	vadd.f32 v19, v15  }
0xd7: {  	v19 =	vld.idx.msk [tilespmem:v18+s4+$0x0], $0xffff;
	v13 =	vadd.f32 v20, v13  }
0xd8: {  	v18 =	vld.idx.msk [tilespmem:v18+s22+$0x0], $0xffff;
	v15 =	vadd.f32 v60, v15  }
0xd9: {  	s18 =	smul.u32 $0xAB, s0;
	v62 =	vld.idx.msk [tilespmem:v16+s4+$0x0], $0xffff;
	v13 =	vadd.f32 v22, v13  }
0xda: {  	v16 =	vld.idx.msk [tilespmem:v16+s22+$0x0], $0xffff;
	v15 =	vadd.f32 v61, v15  }
0xdb: {  	s1 =	sshrl.u32 s18, $0x9;
	v63 =	vld.idx.msk [tilespmem:v14+s4+$0x0], $0xffff;
	v13 =	vadd.f32 v17, v13  }
0xdc: {  	s1 =	smul.u32 $0x3, s1;
	v14 =	vld.idx.msk [tilespmem:v14+s22+$0x0], $0xffff;
	v15 =	vadd.f32 v19, v15  }
0xdd: {  	v13 =	vadd.f32 v18, v13  }
0xde: {  	s1 =	ssub.s32 $0x0, s1;
	v15 =	vadd.f32 v62, v15  }
0xdf: {  	s1 =	sshll.u32 s1, $0x4;
	s0 =	sshrl.u32 s18, $0x2;
	v13 =	vadd.f32 v16, v13  }
0xe0: {  	s1 =	sand.u32 $0xF0, s1;
	s0 =	sand.u32 $0x3F80, s0;
	v15 =	vadd.f32 v63, v15  }
0xe1: {  	s0 =	sor.u32 s1, s0;
	v13 =	vadd.f32 v14, v13  }
0xe2: {  	[tilespmem:s0+$0x6900] =	vst v15  }
0xe3: {  	[tilespmem:s0+$0x6940] =	vst v13  }
0xe4: {  	s18 =	simm.s32 $0x3080;
	[tilespmem:s28+$0xFFFFFF80] =	vst v3  }
0xe5: {  	[tilespmem:s18+$0xFFFFFF80] =	vst v3  }
0xe6: {  	[tilespmem:s28+$0xFFFFFF90] =	vst v3  }
0xe7: {  	[tilespmem:s18+$0xFFFFFF90] =	vst v3  }
0xe8: {  	[tilespmem:s28+$0xFFFFFFA0] =	vst v3  }
0xe9: {  	[tilespmem:s18+$0xFFFFFFA0] =	vst v3  }
0xea: {  	[tilespmem:s28+$0xFFFFFFB0] =	vst v3  }
0xeb: {  	[tilespmem:s18+$0xFFFFFFB0] =	vst v3  }
0xec: {  	[tilespmem:s28+$0xFFFFFFC0] =	vst v3  }
0xed: {  	[tilespmem:s18+$0xFFFFFFC0] =	vst v3  }
0xee: {  	[tilespmem:s28+$0xFFFFFFD0] =	vst v3  }
0xef: {  	[tilespmem:s18+$0xFFFFFFD0] =	vst v3  }
0xf0: {  	[tilespmem:s28+$0xFFFFFFE0] =	vst v3  }
0xf1: {  	[tilespmem:s18+$0xFFFFFFE0] =	vst v3  }
0xf2: {  	[tilespmem:s28+$0xFFFFFFF0] =	vst v3  }
0xf3: {  	[tilespmem:s18+$0xFFFFFFF0] =	vst v3  }
0xf4: {  	[tilespmem:s28+$0x0] =	vst v3  }
0xf5: {  	[tilespmem:s18+$0x0] =	vst v3  }
0xf6: {  	[tilespmem:s28+$0x10] =	vst v3  }
0xf7: {  	[tilespmem:s18+$0x10] =	vst v3  }
0xf8: {  	[tilespmem:s28+$0x20] =	vst v3  }
0xf9: {  	[tilespmem:s18+$0x20] =	vst v3  }
0xfa: {  	[tilespmem:s28+$0x30] =	vst v3  }
0xfb: {  	[tilespmem:s18+$0x30] =	vst v3  }
0xfc: {  	s1 =	simm.s32 $0x10;
	[tilespmem:s28+$0x40] =	vst v3  }
0xfd: {  	v13 =	vmov s1;
	[tilespmem:s18+$0x40] =	vst v3  }
0xfe: {  	v13 =	vshll.u32 v13, $0x4;
	[tilespmem:s28+$0x50] =	vst v3  }
0xff: {  	s5 =	simm.s32 $0x1;
	v13 =	vor.u32 v2, v13;
	[tilespmem:s18+$0x50] =	vst v3  }
0x100: {  	s2 =	simm.s32 $0x2;
	s17 =	simm.s32 $0x80;
	s0 =	simm.s32 $0x3080;
	v16 =	vor.u32 $0x1, v13;
	v15 =	vor.u32 $0x2, v13;
	v14 =	vor.u32 $0x3, v13;
	[tilespmem:s28+$0x60] =	vst v3  }
.LBB2_9:
0x101: {  	p0 =	sne.s32 s2, $0x2F;
	v17 =	vor.u32 $0x4, v13;
	v18 =	vor.u32 $0x5, v13;
	v19 =	vor.u32 $0x6, v13;
	[tilespmem:s18+$0x60] =	vst v3;
	s0 =	sadd.s32 $0x100, s0;
	s28 =	sadd.s32 $0x100, s28  }
0x102: {  	v20 =	vor.u32 $0x7, v13;
	v21 =	vor.u32 $0x8, v13;
	v22 =	vor.u32 $0x9, v13;
	s10 =	smov.u32 s2;
	s2 =	sadd.s32 $0x1, s2;
	[tilespmem:s17+$0x70] =	vst v3;
	s17 =	smov.u32 s28  }
0x103: {  	v23 =	vor.u32 $0xA, v13;
	v24 =	vor.u32 $0xB, v13;
	v25 =	vor.u32 $0xC, v13;
	[tilespmem:s18+$0x70] =	vst v3;
	s18 =	smov.u32 s0  }
0x104: {  	v27 =	vor.u32 $0xD, v13;
	v28 =	vor.u32 $0xE, v13;
	v29 =	vor.u32 $0xF, v13;
	v26 =	vld.idx.msk [tilespmem:v13+s4+$0x0], $0xffff  }
0x105: {  	v30 =	vld.idx.msk [tilespmem:v16+s4+$0x0], $0xffff  }
0x106: {  	v13 =	vld.idx.msk [tilespmem:v13+s22+$0x0], $0xffff  }
0x107: {  	v16 =	vld.idx.msk [tilespmem:v16+s22+$0x0], $0xffff  }
0x108: {  	v31 =	vld.idx.msk [tilespmem:v15+s4+$0x0], $0xffff  }
0x109: {  	v15 =	vld.idx.msk [tilespmem:v15+s22+$0x0], $0xffff  }
0x10a: {  	v26 =	vadd.f32 $0.0e+00, v26;
	v32 =	vld.idx.msk [tilespmem:v14+s4+$0x0], $0xffff  }
0x10b: {  	v14 =	vld.idx.msk [tilespmem:v14+s22+$0x0], $0xffff  }
0x10c: {  	v26 =	vadd.f32 v30, v26;
	v13 =	vadd.f32 $0.0e+00, v13;
	v30 =	vld.idx.msk [tilespmem:v17+s4+$0x0], $0xffff  }
0x10d: {  	v17 =	vld.idx.msk [tilespmem:v17+s22+$0x0], $0xffff  }
0x10e: {  	v26 =	vadd.f32 v31, v26;
	v13 =	vadd.f32 v16, v13;
	v31 =	vld.idx.msk [tilespmem:v18+s4+$0x0], $0xffff  }
0x10f: {  	v16 =	vld.idx.msk [tilespmem:v18+s22+$0x0], $0xffff  }
0x110: {  	v18 =	vadd.f32 v32, v26;
	v13 =	vadd.f32 v15, v13;
	v26 =	vld.idx.msk [tilespmem:v19+s4+$0x0], $0xffff  }
0x111: {  	v15 =	vld.idx.msk [tilespmem:v19+s22+$0x0], $0xffff  }
0x112: {  	v18 =	vadd.f32 v30, v18;
	v13 =	vadd.f32 v14, v13;
	v19 =	vld.idx.msk [tilespmem:v20+s4+$0x0], $0xffff  }
0x113: {  	v14 =	vld.idx.msk [tilespmem:v20+s22+$0x0], $0xffff  }
0x114: {  	v18 =	vadd.f32 v31, v18;
	v13 =	vadd.f32 v17, v13;
	v20 =	vld.idx.msk [tilespmem:v21+s4+$0x0], $0xffff  }
0x115: {  	v17 =	vld.idx.msk [tilespmem:v21+s22+$0x0], $0xffff  }
0x116: {  	v18 =	vadd.f32 v26, v18;
	v13 =	vadd.f32 v16, v13;
	v21 =	vld.idx.msk [tilespmem:v22+s4+$0x0], $0xffff  }
0x117: {  	v16 =	vld.idx.msk [tilespmem:v22+s22+$0x0], $0xffff  }
0x118: {  	v18 =	vadd.f32 v19, v18;
	v13 =	vadd.f32 v15, v13;
	v19 =	vld.idx.msk [tilespmem:v23+s4+$0x0], $0xffff  }
0x119: {  	v15 =	vld.idx.msk [tilespmem:v23+s22+$0x0], $0xffff  }
0x11a: {  	v18 =	vadd.f32 v20, v18;
	v13 =	vadd.f32 v14, v13;
	v20 =	vld.idx.msk [tilespmem:v24+s4+$0x0], $0xffff  }
0x11b: {  	v14 =	vld.idx.msk [tilespmem:v24+s22+$0x0], $0xffff  }
0x11c: {  	v18 =	vadd.f32 v21, v18;
	v13 =	vadd.f32 v17, v13;
	v21 =	vld.idx.msk [tilespmem:v25+s4+$0x0], $0xffff  }
0x11d: {  	v17 =	vld.idx.msk [tilespmem:v25+s22+$0x0], $0xffff  }
0x11e: {  	v18 =	vadd.f32 v19, v18;
	v13 =	vadd.f32 v16, v13;
	v19 =	vld.idx.msk [tilespmem:v27+s4+$0x0], $0xffff  }
0x11f: {  	v16 =	vld.idx.msk [tilespmem:v27+s22+$0x0], $0xffff  }
0x120: {  	v18 =	vadd.f32 v20, v18;
	v13 =	vadd.f32 v15, v13;
	v20 =	vld.idx.msk [tilespmem:v28+s4+$0x0], $0xffff  }
0x121: {  	v15 =	vld.idx.msk [tilespmem:v28+s22+$0x0], $0xffff  }
0x122: {  	s12 =	smul.u32 $0xAB, s5;
	v18 =	vadd.f32 v21, v18;
	v13 =	vadd.f32 v14, v13;
	v21 =	vld.idx.msk [tilespmem:v29+s4+$0x0], $0xffff  }
0x123: {  	v14 =	vld.idx.msk [tilespmem:v29+s22+$0x0], $0xffff  }
0x124: {  	s11 =	sshrl.u32 s12, $0x9;
	s12 =	sshrl.u32 s12, $0x2;
	v18 =	vadd.f32 v19, v18;
	v13 =	vadd.f32 v17, v13  }
0x125: {  	s11 =	smul.u32 $0x3, s11  }
0x126: {  	v17 =	vadd.f32 v20, v18;
	v13 =	vadd.f32 v16, v13  }
0x127: {  	s11 =	ssub.s32 s5, s11;
	s5 =	smov.u32 s10  }
0x128: {  	s10 =	sshll.u32 s11, $0x4;
	v16 =	vadd.f32 v21, v17;
	v13 =	vadd.f32 v15, v13  }
0x129: {  	s11 =	sand.u32 $0x3F80, s12;
	s10 =	sand.u32 $0xF0, s10  }
0x12a: {  	s10 =	sor.u32 s10, s11;
	v13 =	vadd.f32 v14, v13  }
0x12b: {  	[tilespmem:s10+$0x6900] =	vst v16  }
0x12c: {  	[tilespmem:s10+$0x6940] =	vst v13  }
0x12d: {  	[tilespmem:s28+$0xFFFFFF80] =	vst v3  }
0x12e: {  	[tilespmem:s0+$0xFFFFFF80] =	vst v3  }
0x12f: {  	[tilespmem:s28+$0xFFFFFF90] =	vst v3  }
0x130: {  	[tilespmem:s0+$0xFFFFFF90] =	vst v3  }
0x131: {  	[tilespmem:s28+$0xFFFFFFA0] =	vst v3  }
0x132: {  	[tilespmem:s0+$0xFFFFFFA0] =	vst v3  }
0x133: {  	[tilespmem:s28+$0xFFFFFFB0] =	vst v3  }
0x134: {  	[tilespmem:s0+$0xFFFFFFB0] =	vst v3  }
0x135: {  	[tilespmem:s28+$0xFFFFFFC0] =	vst v3  }
0x136: {  	[tilespmem:s0+$0xFFFFFFC0] =	vst v3  }
0x137: {  	[tilespmem:s28+$0xFFFFFFD0] =	vst v3  }
0x138: {  	[tilespmem:s0+$0xFFFFFFD0] =	vst v3  }
0x139: {  	[tilespmem:s28+$0xFFFFFFE0] =	vst v3  }
0x13a: {  	[tilespmem:s0+$0xFFFFFFE0] =	vst v3  }
0x13b: {  	[tilespmem:s28+$0xFFFFFFF0] =	vst v3  }
0x13c: {  	[tilespmem:s0+$0xFFFFFFF0] =	vst v3  }
0x13d: {  	[tilespmem:s28+$0x0] =	vst v3  }
0x13e: {  	[tilespmem:s0+$0x0] =	vst v3  }
0x13f: {  	[tilespmem:s28+$0x10] =	vst v3  }
0x140: {  	[tilespmem:s0+$0x10] =	vst v3  }
0x141: {  	[tilespmem:s28+$0x20] =	vst v3  }
0x142: {  	[tilespmem:s0+$0x20] =	vst v3  }
0x143: {  	[tilespmem:s28+$0x30] =	vst v3  }
0x144: {  	[tilespmem:s0+$0x30] =	vst v3  }
.Ltmp3:
0x145: {  	s1 =	sadd.s32 $0x10, s1;
	[tilespmem:s28+$0x40] =	vst v3;
	(pc) =	sbr.rel @p0 .LBB2_9-.Ltmp3, $4  }
0x146: {  	v13 =	vmov s1;
	[tilespmem:s0+$0x40] =	vst v3  }
0x147: {  	v13 =	vshll.u32 v13, $0x4;
	[tilespmem:s28+$0x50] =	vst v3  }
0x148: {  	v13 =	vor.u32 v2, v13;
	[tilespmem:s0+$0x50] =	vst v3  }
0x149: {  	v16 =	vor.u32 $0x1, v13;
	v15 =	vor.u32 $0x2, v13;
	v14 =	vor.u32 $0x3, v13;
	[tilespmem:s28+$0x60] =	vst v3  }
0x14a: {  	_ = 	snop  }
0x14b: {  	[tilespmem:s18+$0x60] =	vst v3  }
0x14c: {  	[tilespmem:s17+$0x70] =	vst v3  }
0x14d: {  	[tilespmem:s18+$0x70] =	vst v3  }
0x14e: {  	v17 =	vld.idx.msk [tilespmem:v13+s4+$0x0], $0xffff  }
0x14f: {  	v18 =	vld.idx.msk [tilespmem:v13+s22+$0x0], $0xffff  }
0x150: {  	v19 =	vld.idx.msk [tilespmem:v16+s4+$0x0], $0xffff  }
0x151: {  	v20 =	vor.u32 $0x4, v13;
	v16 =	vld.idx.msk [tilespmem:v16+s22+$0x0], $0xffff  }
0x152: {  	v21 =	vld.idx.msk [tilespmem:v15+s4+$0x0], $0xffff  }
0x153: {  	v22 =	vor.u32 $0x5, v13;
	v15 =	vld.idx.msk [tilespmem:v15+s22+$0x0], $0xffff;
	v17 =	vadd.f32 $0.0e+00, v17  }
0x154: {  	v23 =	vld.idx.msk [tilespmem:v14+s4+$0x0], $0xffff;
	v18 =	vadd.f32 $0.0e+00, v18  }
0x155: {  	v24 =	vor.u32 $0x6, v13;
	v14 =	vld.idx.msk [tilespmem:v14+s22+$0x0], $0xffff;
	v17 =	vadd.f32 v19, v17  }
0x156: {  	v19 =	vld.idx.msk [tilespmem:v20+s4+$0x0], $0xffff;
	v16 =	vadd.f32 v16, v18  }
0x157: {  	v18 =	vor.u32 $0x7, v13;
	v20 =	vld.idx.msk [tilespmem:v20+s22+$0x0], $0xffff;
	v17 =	vadd.f32 v21, v17  }
0x158: {  	v21 =	vld.idx.msk [tilespmem:v22+s4+$0x0], $0xffff;
	v15 =	vadd.f32 v15, v16  }
0x159: {  	v16 =	vor.u32 $0x8, v13;
	v22 =	vld.idx.msk [tilespmem:v22+s22+$0x0], $0xffff;
	v17 =	vadd.f32 v23, v17  }
0x15a: {  	v23 =	vld.idx.msk [tilespmem:v24+s4+$0x0], $0xffff;
	v14 =	vadd.f32 v14, v15  }
0x15b: {  	v15 =	vor.u32 $0x9, v13;
	v24 =	vld.idx.msk [tilespmem:v24+s22+$0x0], $0xffff;
	v17 =	vadd.f32 v19, v17  }
0x15c: {  	v19 =	vld.idx.msk [tilespmem:v18+s4+$0x0], $0xffff;
	v14 =	vadd.f32 v20, v14  }
0x15d: {  	v20 =	vor.u32 $0xA, v13;
	v18 =	vld.idx.msk [tilespmem:v18+s22+$0x0], $0xffff;
	v17 =	vadd.f32 v21, v17  }
0x15e: {  	v21 =	vld.idx.msk [tilespmem:v16+s4+$0x0], $0xffff;
	v14 =	vadd.f32 v22, v14  }
0x15f: {  	v22 =	vor.u32 $0xB, v13;
	v16 =	vld.idx.msk [tilespmem:v16+s22+$0x0], $0xffff;
	v17 =	vadd.f32 v23, v17  }
0x160: {  	v23 =	vld.idx.msk [tilespmem:v15+s4+$0x0], $0xffff;
	v14 =	vadd.f32 v24, v14  }
0x161: {  	v24 =	vor.u32 $0xC, v13;
	v15 =	vld.idx.msk [tilespmem:v15+s22+$0x0], $0xffff;
	v17 =	vadd.f32 v19, v17  }
0x162: {  	v19 =	vld.idx.msk [tilespmem:v20+s4+$0x0], $0xffff;
	v14 =	vadd.f32 v18, v14  }
0x163: {  	v18 =	vor.u32 $0xD, v13;
	v20 =	vld.idx.msk [tilespmem:v20+s22+$0x0], $0xffff;
	v17 =	vadd.f32 v21, v17  }
0x164: {  	v21 =	vld.idx.msk [tilespmem:v22+s4+$0x0], $0xffff;
	v14 =	vadd.f32 v16, v14  }
0x165: {  	v16 =	vor.u32 $0xE, v13;
	v22 =	vld.idx.msk [tilespmem:v22+s22+$0x0], $0xffff;
	v17 =	vadd.f32 v23, v17  }
0x166: {  	v23 =	vld.idx.msk [tilespmem:v24+s4+$0x0], $0xffff;
	v14 =	vadd.f32 v15, v14  }
0x167: {  	v13 =	vor.u32 $0xF, v13;
	v15 =	vld.idx.msk [tilespmem:v24+s22+$0x0], $0xffff;
	v17 =	vadd.f32 v19, v17  }
0x168: {  	v19 =	vld.idx.msk [tilespmem:v18+s4+$0x0], $0xffff;
	v14 =	vadd.f32 v20, v14  }
0x169: {  	v18 =	vld.idx.msk [tilespmem:v18+s22+$0x0], $0xffff;
	v17 =	vadd.f32 v21, v17  }
0x16a: {  	s1 =	smul.u32 $0xAB, s5;
	v20 =	vld.idx.msk [tilespmem:v16+s4+$0x0], $0xffff;
	v14 =	vadd.f32 v22, v14  }
0x16b: {  	v16 =	vld.idx.msk [tilespmem:v16+s22+$0x0], $0xffff;
	v17 =	vadd.f32 v23, v17  }
0x16c: {  	s2 =	sshrl.u32 s1, $0x9;
	v21 =	vld.idx.msk [tilespmem:v13+s4+$0x0], $0xffff;
	v14 =	vadd.f32 v15, v14  }
0x16d: {  	s2 =	smul.u32 $0x3, s2;
	v13 =	vld.idx.msk [tilespmem:v13+s22+$0x0], $0xffff;
	v15 =	vadd.f32 v19, v17  }
0x16e: {  	v14 =	vadd.f32 v18, v14  }
0x16f: {  	s2 =	ssub.s32 s5, s2;
	v15 =	vadd.f32 v20, v15  }
0x170: {  	s1 =	sshrl.u32 s1, $0x2;
	s2 =	sshll.u32 s2, $0x4;
	v14 =	vadd.f32 v16, v14  }
0x171: {  	s1 =	sand.u32 $0x3F80, s1;
	s2 =	sand.u32 $0xF0, s2;
	v15 =	vadd.f32 v21, v15  }
0x172: {  	s1 =	sor.u32 s2, s1;
	v13 =	vadd.f32 v13, v14  }
0x173: {  	[tilespmem:s1+$0x6900] =	vst v15  }
0x174: {  	s17 =	sadd.s32 $0x100, s28;
	[tilespmem:s1+$0x6940] =	vst v13  }
0x175: {  	s0 =	sadd.s32 $0x100, s0;
	[tilespmem:s17+$0xFFFFFF80] =	vst v3  }
0x176: {  	[tilespmem:s0+$0xFFFFFF80] =	vst v3  }
0x177: {  	[tilespmem:s17+$0xFFFFFF90] =	vst v3  }
0x178: {  	[tilespmem:s0+$0xFFFFFF90] =	vst v3  }
0x179: {  	[tilespmem:s17+$0xFFFFFFA0] =	vst v3  }
0x17a: {  	[tilespmem:s0+$0xFFFFFFA0] =	vst v3  }
0x17b: {  	[tilespmem:s17+$0xFFFFFFB0] =	vst v3  }
0x17c: {  	[tilespmem:s0+$0xFFFFFFB0] =	vst v3  }
0x17d: {  	[tilespmem:s17+$0xFFFFFFC0] =	vst v3  }
0x17e: {  	[tilespmem:s0+$0xFFFFFFC0] =	vst v3  }
0x17f: {  	[tilespmem:s17+$0xFFFFFFD0] =	vst v3  }
0x180: {  	[tilespmem:s0+$0xFFFFFFD0] =	vst v3  }
0x181: {  	[tilespmem:s17+$0xFFFFFFE0] =	vst v3  }
0x182: {  	[tilespmem:s0+$0xFFFFFFE0] =	vst v3  }
0x183: {  	[tilespmem:s17+$0xFFFFFFF0] =	vst v3  }
0x184: {  	[tilespmem:s0+$0xFFFFFFF0] =	vst v3  }
0x185: {  	[tilespmem:s17+$0x0] =	vst v3  }
0x186: {  	[tilespmem:s0+$0x0] =	vst v3  }
0x187: {  	[tilespmem:s17+$0x10] =	vst v3  }
0x188: {  	[tilespmem:s0+$0x10] =	vst v3  }
0x189: {  	[tilespmem:s17+$0x20] =	vst v3  }
0x18a: {  	[tilespmem:s0+$0x20] =	vst v3  }
0x18b: {  	[tilespmem:s17+$0x30] =	vst v3  }
0x18c: {  	[tilespmem:s0+$0x30] =	vst v3  }
0x18d: {  	[tilespmem:s17+$0x40] =	vst v3  }
0x18e: {  	[tilespmem:s0+$0x40] =	vst v3  }
0x18f: {  	[tilespmem:s17+$0x50] =	vst v3  }
0x190: {  	[tilespmem:s0+$0x50] =	vst v3  }
0x191: {  	[tilespmem:s17+$0x60] =	vst v3  }
0x192: {  	[tilespmem:s0+$0x60] =	vst v3  }
0x193: {  	[tilespmem:s17+$0x70] =	vst v3  }
0x194: {  	s28 =	simm.s32 $0x6900;
	s18 =	rddreg [dreg:$0x7];
	[tilespmem:s0+$0x70] =	vst v3  }
0x195: {  	[spmem:s18] =	stream.linear.scatter [tilespmem:s28], [sflag:$0x3], $0x800, $0x38;
	[tilespmem:$0x18300] =	vst v63  }
0x196: {  	_ =	swait.ge [sflag:s25], $0x800  }
0x197: {  	[sflag:s25] =	ssyncset.done $0x0  }
0x198: {  	[sflag:s25] =	ssyncadd.s32 $0xFFFFF800  }
0x199: {  	[bflag:$0x0] =	sbarrier.arrive $0xFFFF  }
0x19a: {  	s10 =	simm.s32 $0x800;
	s5 =	simm.s32 $0x80;
	s2 =	rddreg [dreg:$0x8]  }
0x19b: {  	[tilespmem:s29], [sflag:$0x3] =	stream.strided.gather [spmem:s2], $0x800, s10, s5, $0x38;
	[tilespmem:$0x18300] =	vst v63  }
0x19c: {  	_ =	swait.ge [sflag:s25], $0x800  }
0x19d: {  	[sflag:s25] =	ssyncset.done $0x0  }
0x19e: {  	[sflag:s25] =	ssyncadd.s32 $0xFFFFF800  }
0x19f: {  	v4 =	vld [tilespmem:$0x7540];
	_ =	sdelay $0x4  }
0x1a0: {  	[tilespmem:$0x1FF10] =	vst v4;
	v4 =	vld [tilespmem:$0x75C0];
	_ =	sdelay $0x4  }
0x1a1: {  	[tilespmem:$0x1FF20] =	vst v4;
	v4 =	vld [tilespmem:$0x7640];
	_ =	sdelay $0x4  }
0x1a2: {  	[tilespmem:$0x1FF30] =	vst v4;
	v4 =	vld [tilespmem:$0x76C0];
	_ =	sdelay $0x4  }
0x1a3: {  	[tilespmem:$0x1FF40] =	vst v4;
	v4 =	vld [tilespmem:$0x7740]  }
0x1a4: {  	v18 =	vld [tilespmem:$0x7100]  }
0x1a5: {  	v28 =	vld [tilespmem:$0x7140]  }
0x1a6: {  	v29 =	vld [tilespmem:$0x7180]  }
0x1a7: {  	v30 =	vld [tilespmem:$0x71C0]  }
0x1a8: {  	[tilespmem:$0x1FF50] =	vst v4;
	v4 =	vld [tilespmem:$0x77C0]  }
0x1a9: {  	v31 =	vld [tilespmem:$0x7200]  }
0x1aa: {  	v32 =	vld [tilespmem:$0x7240]  }
0x1ab: {  	v33 =	vld [tilespmem:$0x7280]  }
0x1ac: {  	v34 =	vld [tilespmem:$0x72C0]  }
0x1ad: {  	[tilespmem:$0x1FF60] =	vst v4;
	v4 =	vld [tilespmem:$0x7840]  }
0x1ae: {  	v35 =	vld [tilespmem:$0x7300]  }
0x1af: {  	v36 =	vld [tilespmem:$0x7340]  }
0x1b0: {  	v37 =	vld [tilespmem:$0x7380]  }
0x1b1: {  	v38 =	vld [tilespmem:$0x73C0]  }
0x1b2: {  	[tilespmem:$0x1FF70] =	vst v4;
	v4 =	vld [tilespmem:$0x78C0]  }
0x1b3: {  	v39 =	vld [tilespmem:$0x7400]  }
0x1b4: {  	v40 =	vld [tilespmem:$0x7440]  }
0x1b5: {  	v41 =	vld [tilespmem:$0x7480]  }
0x1b6: {  	v42 =	vld [tilespmem:$0x74C0]  }
0x1b7: {  	[tilespmem:$0x1FF80] =	vst v4;
	v4 =	vld [tilespmem:$0x76D0]  }
0x1b8: {  	v43 =	vld [tilespmem:$0x7500]  }
0x1b9: {  	v44 =	vld [tilespmem:$0x7580]  }
0x1ba: {  	v45 =	vld [tilespmem:$0x7600]  }
0x1bb: {  	v46 =	vld [tilespmem:$0x7680]  }
0x1bc: {  	[tilespmem:$0x1FF90] =	vst v4;
	v4 =	vld [tilespmem:$0x7750]  }
0x1bd: {  	v47 =	vld [tilespmem:$0x7700]  }
0x1be: {  	v48 =	vld [tilespmem:$0x7780]  }
0x1bf: {  	v49 =	vld [tilespmem:$0x7800]  }
0x1c0: {  	v50 =	vld [tilespmem:$0x7880]  }
0x1c1: {  	[tilespmem:$0x1FFA0] =	vst v4;
	v4 =	vld [tilespmem:$0x77D0]  }
0x1c2: {  	v51 =	vld [tilespmem:$0x7110]  }
0x1c3: {  	v52 =	vld [tilespmem:$0x7150]  }
0x1c4: {  	v53 =	vld [tilespmem:$0x7190]  }
0x1c5: {  	v54 =	vld [tilespmem:$0x71D0]  }
0x1c6: {  	[tilespmem:$0x1FFB0] =	vst v4;
	v4 =	vld [tilespmem:$0x7850]  }
0x1c7: {  	v55 =	vld [tilespmem:$0x7210]  }
0x1c8: {  	v56 =	vld [tilespmem:$0x7250];
	v51 =	vadd.f32 $0.0e+00, v51  }
0x1c9: {  	v57 =	vld [tilespmem:$0x7290]  }
0x1ca: {  	v59 =	vld [tilespmem:$0x7310];
	v51 =	vadd.f32 v53, v51  }
0x1cb: {  	[tilespmem:$0x1FFC0] =	vst v4;
	v4 =	vld [tilespmem:$0x78D0]  }
0x1cc: {  	v58 =	vld [tilespmem:$0x72D0];
	v51 =	vadd.f32 v55, v51  }
0x1cd: {  	v61 =	vld [tilespmem:$0x7390]  }
0x1ce: {  	v60 =	vld [tilespmem:$0x7350];
	v18 =	vadd.f32 $0.0e+00, v18;
	v51 =	vadd.f32 v57, v51  }
0x1cf: {  	v63 =	vld [tilespmem:$0x7410]  }
0x1d0: {  	v18 =	vadd.f32 v29, v18;
	v51 =	vadd.f32 v59, v51;
	[tilespmem:$0x1FFD0] =	vst v4;
	v4 =	vld [tilespmem:$0x7120]  }
0x1d1: {  	v5 =	vld [tilespmem:$0x7490]  }
0x1d2: {  	v29 =	vld [tilespmem:$0x71A0];
	v18 =	vadd.f32 v31, v18;
	v51 =	vadd.f32 v61, v51  }
0x1d3: {  	v7 =	vld [tilespmem:$0x7510]  }
0x1d4: {  	v31 =	vld [tilespmem:$0x7220];
	v18 =	vadd.f32 v33, v18;
	v51 =	vadd.f32 v63, v51  }
0x1d5: {  	v9 =	vld [tilespmem:$0x7590];
	v4 =	vadd.f32 $0.0e+00, v4  }
0x1d6: {  	v33 =	vld [tilespmem:$0x72A0];
	v18 =	vadd.f32 v35, v18;
	v5 =	vadd.f32 v5, v51  }
0x1d7: {  	v6 =	vld [tilespmem:$0x7610];
	v28 =	vadd.f32 $0.0e+00, v28;
	v4 =	vadd.f32 v29, v4  }
0x1d8: {  	v35 =	vld [tilespmem:$0x7320];
	v18 =	vadd.f32 v37, v18;
	v5 =	vadd.f32 v7, v5  }
0x1d9: {  	v8 =	vld [tilespmem:$0x7690];
	v28 =	vadd.f32 v30, v28;
	v4 =	vadd.f32 v31, v4  }
0x1da: {  	v37 =	vld [tilespmem:$0x73A0];
	v18 =	vadd.f32 v39, v18;
	v5 =	vadd.f32 v9, v5  }
0x1db: {  	v10 =	vld [tilespmem:$0x7710];
	v28 =	vadd.f32 v32, v28;
	v4 =	vadd.f32 v33, v4  }
0x1dc: {  	v39 =	vld [tilespmem:$0x7420];
	v18 =	vadd.f32 v41, v18;
	v5 =	vadd.f32 v6, v5  }
0x1dd: {  	v13 =	vld [tilespmem:$0x7790];
	v28 =	vadd.f32 v34, v28;
	v4 =	vadd.f32 v35, v4  }
0x1de: {  	v41 =	vld [tilespmem:$0x74A0];
	v18 =	vadd.f32 v43, v18;
	v5 =	vadd.f32 v8, v5  }
0x1df: {  	v62 =	vld [tilespmem:$0x73D0];
	v28 =	vadd.f32 v36, v28;
	v4 =	vadd.f32 v37, v4  }
0x1e0: {  	v43 =	vld [tilespmem:$0x7520];
	v18 =	vadd.f32 v44, v18;
	v5 =	vadd.f32 v10, v5  }
0x1e1: {  	v28 =	vadd.f32 v38, v28;
	v44 =	vld [tilespmem:$0x75A0];
	v4 =	vadd.f32 v39, v4  }
0x1e2: {  	v18 =	vadd.f32 v45, v18;
	v5 =	vadd.f32 v13, v5;
	v13 =	vld [tilespmem:$0x1FF10]  }
0x1e3: {  	v23 =	vld [tilespmem:$0x7450];
	v28 =	vadd.f32 v40, v28;
	v4 =	vadd.f32 v41, v4  }
0x1e4: {  	v14 =	vld [tilespmem:$0x7810];
	v18 =	vadd.f32 v46, v18  }
0x1e5: {  	v24 =	vld [tilespmem:$0x74D0];
	v10 =	vadd.f32 v42, v28;
	v4 =	vadd.f32 v43, v4  }
0x1e6: {  	v25 =	vld [tilespmem:$0x7550];
	v18 =	vadd.f32 v47, v18  }
0x1e7: {  	v10 =	vadd.f32 v13, v10;
	v13 =	vadd.f32 v44, v4;
	v4 =	vld [tilespmem:$0x1FF20]  }
0x1e8: {  	v26 =	vld [tilespmem:$0x75D0];
	v18 =	vadd.f32 v48, v18  }
0x1e9: {  	v5 =	vadd.f32 v14, v5;
	v14 =	vld [tilespmem:$0x1FF30]  }
0x1ea: {  	v27 =	vld [tilespmem:$0x7650];
	v18 =	vadd.f32 v49, v18  }
0x1eb: {  	v15 =	vld [tilespmem:$0x7890]  }
0x1ec: {  	v16 =	vld [tilespmem:$0x7160];
	v18 =	vadd.f32 v50, v18;
	v10 =	vadd.f32 v4, v10  }
0x1ed: {  	v17 =	vld [tilespmem:$0x71E0]  }
0x1ee: {  	(xrf2) =	vadd.scan.msk.f32 $0xffff, v18;
	v10 =	vadd.f32 v14, v10;
	v14 =	vld [tilespmem:$0x1FF40]  }
0x1ef: {  	v19 =	vld [tilespmem:$0x7260]  }
0x1f0: {  	v4 =	vadd.f32 v15, v5;
	v15 =	vld [tilespmem:$0x1FF50]  }
0x1f1: {  	v45 =	vld [tilespmem:$0x7620];
	v8 =	vadd.f32 $0.0e+00, v52  }
0x1f2: {  	v20 =	vld [tilespmem:$0x72E0]  }
0x1f3: {  	v46 =	vld [tilespmem:$0x76A0];
	v8 =	vadd.f32 v54, v8;
	v10 =	vadd.f32 v14, v10  }
0x1f4: {  	v29 =	vld [tilespmem:$0x7720]  }
0x1f5: {  	v8 =	vadd.f32 v56, v8;
	v10 =	vadd.f32 v15, v10;
	v15 =	vld [tilespmem:$0x1FF60]  }
0x1f6: {  	v21 =	vld [tilespmem:$0x7360];
	v13 =	vadd.f32 v45, v13  }
0x1f7: {  	v8 =	vadd.f32 v58, v8;
	v31 =	vld [tilespmem:$0x77A0]  }
0x1f8: {  	v22 =	vld [tilespmem:$0x73E0];
	v13 =	vadd.f32 v46, v13;
	v5, _, _ =	vpop (xrf2)  }
0x1f9: {  	v49 =	vld [tilespmem:$0x7820];
	v8 =	vadd.f32 v60, v8;
	v5 =	vadd.f32 $0.0e+00, v5;
	(xrf2) =	vadd.scan.msk.f32 $0xffff, v4  }
0x1fa: {  	v13 =	vadd.f32 v29, v13;
	v10 =	vadd.f32 v15, v10;
	v15 =	vld [tilespmem:$0x1FF70]  }
0x1fb: {  	v51 =	vld [tilespmem:$0x78A0];
	v8 =	vadd.f32 v62, v8  }
0x1fc: {  	(xrf0) =	vmax.scan.msk.f32 $0xffff, v5;
	v13 =	vadd.f32 v31, v13;
	v14 =	vadd.f32 $0.0e+00, v16;
	v16 =	vld [tilespmem:$0x1FF80]  }
0x1fd: {  	v53 =	vld [tilespmem:$0x7460];
	v8 =	vadd.f32 v23, v8  }
0x1fe: {  	v30 =	vld [tilespmem:$0x7760];
	v13 =	vadd.f32 v49, v13;
	v14 =	vadd.f32 v17, v14  }
0x1ff: {  	v55 =	vld [tilespmem:$0x74E0];
	v8 =	vadd.f32 v24, v8;
	v10 =	vadd.f32 v15, v10  }
0x200: {  	v57 =	vld [tilespmem:$0x7560];
	v13 =	vadd.f32 v51, v13;
	v14 =	vadd.f32 v19, v14  }
0x201: {  	v59 =	vld [tilespmem:$0x75E0];
	v10 =	vadd.f32 v16, v10  }
0x202: {  	v36 =	vld [tilespmem:$0x78E0];
	v8 =	vadd.f32 v25, v8;
	(xrf2) =	vadd.scan.msk.f32 $0xffff, v13;
	v14 =	vadd.f32 v20, v14;
	v15, _, _ =	vpop (xrf0)  }
0x203: {  	v15 =	vbroadcast v15, $0xF;
	v16, _, _ =	vpop (xrf2);
	(xrf2) =	vadd.scan.msk.f32 $0xffff, v10;
	v10 =	vld [tilespmem:$0x1FF90]  }
0x204: {  	v61 =	vld [tilespmem:$0x7660];
	v8 =	vadd.f32 v26, v8;
	v14 =	vadd.f32 v21, v14  }
0x205: {  	v63 =	vld [tilespmem:$0x76E0];
	v17 =	vadd.f32 v16, v15  }
0x206: {  	v9 =	vld [tilespmem:$0x7860];
	v8 =	vadd.f32 v27, v8;
	v14 =	vadd.f32 v22, v14  }
0x207: {  	v48 =	vld [tilespmem:$0x77E0];
	(xrf0) =	vmax.scan.msk.f32 $0xffff, v17  }
0x208: {  	v8 =	vadd.f32 v10, v8;
	v10 =	vadd.f32 v53, v14;
	v14 =	vld [tilespmem:$0x1FFA0];
	_ =	sdelay $0x4  }
0x209: {  	v8 =	vadd.f32 v14, v8;
	v14 =	vld [tilespmem:$0x1FFB0];
	_ =	sdelay $0x4  }
0x20a: {  	v8 =	vadd.f32 v14, v8;
	v14 =	vld [tilespmem:$0x1FFC0];
	_ =	sdelay $0x1  }
0x20b: {  	v15 =	vld [tilespmem:$0x1FFD0];
	v10 =	vadd.f32 v55, v10;
	_ =	sdelay $0x1  }
0x20c: {  	v10 =	vadd.f32 v57, v10  }
0x20d: {  	v8 =	vadd.f32 v14, v8;
	v14, _, _ =	vpop (xrf0)  }
0x20e: {  	v10 =	vadd.f32 v59, v10;
	v14 =	vbroadcast v14, $0xF  }
0x20f: {  	v8 =	vadd.f32 v15, v8;
	v15, _, _ =	vpop (xrf2)  }
0x210: {  	v10 =	vadd.f32 v61, v10;
	v14 =	vadd.f32 v15, v14;
	v15, _, _ =	vpop (xrf2)  }
0x211: {  	v15 =	vadd.f32 $0.0e+00, v15;
	(xrf2) =	vadd.scan.msk.f32 $0xffff, v8  }
0x212: {  	v8 =	vadd.f32 v63, v10;
	(xrf0) =	vmax.scan.msk.f32 $0xffff, v14  }
0x213: {  	(xrf0) =	vmax.scan.msk.f32 $0xffff, v15  }
0x214: {  	v8 =	vadd.f32 v30, v8;
	_ =	sdelay $0x1  }
0x215: {  	v7 =	vadd.f32 v48, v8;
	_ =	sdelay $0x1  }
0x216: {  	v7 =	vadd.f32 v9, v7;
	v8, _, _ =	vpop (xrf0)  }
0x217: {  	v9, _, _ =	vpop (xrf0)  }
0x218: {  	v6 =	vadd.f32 v36, v7;
	v39 =	vbroadcast v9, $0xF  }
0x219: {  	v9, _, _ =	vpop (xrf2)  }
0x21a: {  	(xrf2) =	vadd.scan.msk.f32 $0xffff, v6;
	v7 =	vadd.f32 v9, v39;
	_ =	sdelay $0x1  }
0x21b: {  	(xrf0) =	vmax.scan.msk.f32 $0xffff, v7;
	_ =	sdelay $0x5  }
0x21c: {  	v40, _, _ =	vpop (xrf0)  }
0x21d: {  	v6 =	vbroadcast v40, $0xF  }
0x21e: {  	v9, _, _ =	vpop (xrf2)  }
0x21f: {  	v6 =	vadd.f32 v9, v6;
	_ =	sdelay $0x1  }
0x220: {  	(xrf0) =	vmax.scan.msk.f32 $0xffff, v6;
	_ =	sdelay $0x5  }
0x221: {  	v9, _, _ =	vpop (xrf0)  }
0x222: {  	v9 =	vbroadcast v9, $0xF  }
0x223: {  	v8 =	vbroadcast v8, $0xF  }
0x224: {  	v9 =	vnsel vm4, $0x0, v9  }
0x225: {  	v8 =	vsel vm5, v9, v8  }
0x226: {  	[tilespmem:$0x7900] =	vst v8  }
0x227: {  	[spmem:s14] =	stream.linear.scatter [tilespmem:s30], [sflag:$0x3], $0x80, $0x38;
	[tilespmem:$0x18300] =	vst v63  }
0x228: {  	_ =	swait.ge [sflag:s25], $0x80  }
0x229: {  	[sflag:s25] =	ssyncset.done $0x0  }
0x22a: {  	[sflag:s25] =	ssyncadd.s32 $0xFFFFFF80  }
0x22b: {  	[bflag:$0x0] =	sbarrier.arrive $0xFFFF  }
0x22c: {  	s11 =	rddreg [dreg:$0x2]  }
0x22d: {  	[tilespmem:s29], [sflag:$0x3] =	stream.linear.gather [spmem:s11], $0x800, $0x38;
	[tilespmem:$0x18300] =	vst v63  }
0x22e: {  	_ =	swait.ge [sflag:s25], $0x800  }
0x22f: {  	v8 =	vld [tilespmem:$0x1FFE0]  }
0x230: {  	v9 =	vld [tilespmem:$0x1FFF0];
	_ =	sdelay $0x4  }
0x231: {  	[sflag:s25] =	ssyncset.done $0x0  }
0x232: {  	[sflag:s25] =	ssyncadd.s32 $0xFFFFF800  }
0x233: {  	v8 =	vld.idx.msk [tilespmem:v8+s29+$0x0], $0xffff  }
0x234: {  	v9 =	vld.idx.msk [tilespmem:v9+s29+$0x0], $0xffff;
	_ =	sdelay $0x3  }
0x235: {  	v8 =	vnsel vm3, $0x0, v8  }
0x236: {  	(xrf2) =	vadd.scan.msk.f32 $0xffff, v8;
	v8 =	vnsel vm3, $0x0, v9  }
0x237: {  	(xrf2) =	vadd.scan.msk.f32 $0xffff, v8;
	_ =	sdelay $0x8  }
0x238: {  	v8, _, _ =	vpop (xrf2)  }
0x239: {  	v9, _, _ =	vpop (xrf2)  }
0x23a: {  	v9 =	vbroadcast v9, $0xF;
	_ =	sdelay $0x1  }
0x23b: {  	v10 =	vadd.f32 v9, v15  }
0x23c: {  	v7 =	vadd.f32 v9, v7  }
0x23d: {  	v6 =	vadd.f32 v9, v6;
	[tilespmem:$0x7900] =	vst v10  }
0x23e: {  	[tilespmem:$0x7910] =	vst v7  }
0x23f: {  	[tilespmem:$0x7920] =	vst v6  }
0x240: {  	[spmem:s15] =	stream.linear.scatter [tilespmem:s30], [sflag:$0x3], $0x80, $0x38;
	[tilespmem:$0x18300] =	vst v63  }
0x241: {  	_ =	swait.ge [sflag:s25], $0x80  }
0x242: {  	[sflag:s25] =	ssyncset.done $0x0  }
0x243: {  	[sflag:s25] =	ssyncadd.s32 $0xFFFFFF80  }
0x244: {  	[bflag:$0x0] =	sbarrier.arrive $0xFFFF  }
0x245: {  	s12 =	rddreg [dreg:$0x3]  }
0x246: {  	[tilespmem:s29], [sflag:$0x3] =	stream.linear.gather [spmem:s12], $0x800, $0x38;
	[tilespmem:$0x18300] =	vst v63  }
0x247: {  	_ =	swait.ge [sflag:s25], $0x800  }
0x248: {  	[sflag:s25] =	ssyncset.done $0x0  }
0x249: {  	[sflag:s25] =	ssyncadd.s32 $0xFFFFF800  }
0x24a: {  	v41 =	vld [tilespmem:$0x7100]  }
0x24b: {  	v42 =	vld [tilespmem:$0x7110]  }
0x24c: {  	v9 =	vld [tilespmem:$0x7120]  }
0x24d: {  	v10 =	vld [tilespmem:$0x7180]  }
0x24e: {  	v15 =	vld [tilespmem:$0x7190]  }
0x24f: {  	v43 =	vld [tilespmem:$0x71A0];
	[tilespmem:$0x6600] =	vst v41  }
0x250: {  	v44 =	vld [tilespmem:$0x7200];
	[tilespmem:$0x6610] =	vst v42  }
0x251: {  	[tilespmem:$0x6620] =	vst v9;
	v9 =	vld [tilespmem:$0x7210]  }
0x252: {  	v45 =	vld [tilespmem:$0x7290];
	[tilespmem:$0x6630] =	vst v10  }
0x253: {  	v46 =	vld [tilespmem:$0x72A0];
	[tilespmem:$0x6640] =	vst v15  }
0x254: {  	v10 =	vld [tilespmem:$0x7220];
	[tilespmem:$0x6650] =	vst v43  }
0x255: {  	v15 =	vld [tilespmem:$0x7280];
	[tilespmem:$0x6660] =	vst v44  }
0x256: {  	[tilespmem:$0x6670] =	vst v9;
	v9 =	vld [tilespmem:$0x7300]  }
0x257: {  	v47 =	vld [tilespmem:$0x7380];
	[tilespmem:$0x66A0] =	vst v45  }
0x258: {  	v48 =	vld [tilespmem:$0x7390];
	[tilespmem:$0x66B0] =	vst v46  }
0x259: {  	[tilespmem:$0x6680] =	vst v10;
	v10 =	vld [tilespmem:$0x7310]  }
0x25a: {  	[tilespmem:$0x6690] =	vst v15;
	v15 =	vld [tilespmem:$0x7320]  }
0x25b: {  	[tilespmem:$0x66C0] =	vst v9;
	v9 =	vld [tilespmem:$0x73A0]  }
0x25c: {  	v49 =	vld [tilespmem:$0x7420];
	[tilespmem:$0x66F0] =	vst v47  }
0x25d: {  	v50 =	vld [tilespmem:$0x7480];
	[tilespmem:$0x6700] =	vst v48  }
0x25e: {  	[tilespmem:$0x66D0] =	vst v10;
	v10 =	vld [tilespmem:$0x7400]  }
0x25f: {  	[tilespmem:$0x66E0] =	vst v15;
	v15 =	vld [tilespmem:$0x7410]  }
0x260: {  	[tilespmem:$0x6710] =	vst v9;
	v9 =	vld [tilespmem:$0x7490]  }
0x261: {  	v51 =	vld [tilespmem:$0x7510];
	[tilespmem:$0x6740] =	vst v49  }
0x262: {  	v52 =	vld [tilespmem:$0x7520];
	[tilespmem:$0x6750] =	vst v50  }
0x263: {  	[tilespmem:$0x6720] =	vst v10;
	v10 =	vld [tilespmem:$0x74A0]  }
0x264: {  	[tilespmem:$0x6730] =	vst v15;
	v15 =	vld [tilespmem:$0x7500]  }
0x265: {  	[tilespmem:$0x6760] =	vst v9;
	v9 =	vld [tilespmem:$0x7580]  }
0x266: {  	v53 =	vld [tilespmem:$0x7600];
	[tilespmem:$0x6790] =	vst v51  }
0x267: {  	v54 =	vld [tilespmem:$0x7610];
	[tilespmem:$0x67A0] =	vst v52  }
0x268: {  	[tilespmem:$0x6770] =	vst v10;
	v10 =	vld [tilespmem:$0x7590]  }
0x269: {  	[tilespmem:$0x6780] =	vst v15;
	v15 =	vld [tilespmem:$0x75A0]  }
0x26a: {  	[tilespmem:$0x67B0] =	vst v9;
	v9 =	vld [tilespmem:$0x7620]  }
0x26b: {  	v55 =	vld [tilespmem:$0x76A0];
	[tilespmem:$0x67E0] =	vst v53  }
0x26c: {  	v56 =	vld [tilespmem:$0x7700];
	[tilespmem:$0x67F0] =	vst v54  }
0x26d: {  	[tilespmem:$0x67C0] =	vst v10;
	v10 =	vld [tilespmem:$0x7680]  }
0x26e: {  	[tilespmem:$0x67D0] =	vst v15;
	v15 =	vld [tilespmem:$0x7690]  }
0x26f: {  	[tilespmem:$0x6800] =	vst v9;
	v9 =	vld [tilespmem:$0x7710]  }
0x270: {  	v57 =	vld [tilespmem:$0x7790];
	[tilespmem:$0x6830] =	vst v55  }
0x271: {  	v58 =	vld [tilespmem:$0x77A0];
	[tilespmem:$0x6840] =	vst v56  }
0x272: {  	[tilespmem:$0x6810] =	vst v10;
	v10 =	vld [tilespmem:$0x7720]  }
0x273: {  	[tilespmem:$0x6820] =	vst v15;
	v15 =	vld [tilespmem:$0x7780]  }
0x274: {  	[tilespmem:$0x6850] =	vst v9;
	v9 =	vld [tilespmem:$0x7800]  }
0x275: {  	v59 =	vld [tilespmem:$0x7880];
	[tilespmem:$0x6880] =	vst v57  }
0x276: {  	v60 =	vld [tilespmem:$0x7890];
	[tilespmem:$0x6890] =	vst v58  }
0x277: {  	[tilespmem:$0x6860] =	vst v10;
	v10 =	vld [tilespmem:$0x7810]  }
0x278: {  	[tilespmem:$0x6870] =	vst v15;
	v15 =	vld [tilespmem:$0x7820]  }
0x279: {  	[tilespmem:$0x68A0] =	vst v9;
	v9 =	vld [tilespmem:$0x78A0]  }
0x27a: {  	v21 =	vimm.s32 $0x100;
	[tilespmem:$0x68D0] =	vst v59  }
0x27b: {  	[tilespmem:$0x68E0] =	vst v60  }
0x27c: {  	[tilespmem:$0x68B0] =	vst v10  }
0x27d: {  	v16 =	vbroadcast v8, $0xF;
	[tilespmem:$0x68C0] =	vst v15  }
0x27e: {  	[tilespmem:$0x68F0] =	vst v9  }
0x27f: {  	v5 =	vadd.f32 v16, v5;
	v6 =	vld.idx.msk [tilespmem:v21+s31+$0x0], $0xffff;
	_ =	sdelay $0x1  }
0x280: {  	v61 =	vsub.f32 v5, v18;
	_ =	sdelay $0x1  }
0x281: {  	v18 =	vmin.f32 v61, $2.621435000e+05  }
0x282: {  	v24 =	vimm.s32 $0x180;
	vm6 =	vgt.f32 v6, v18  }
0x283: {  	v19 =	vmin.f32 v5, $2.621435000e+05;
	v62 =	vsel vm6, $0x80, v24  }
0x284: {  	vm7 =	vgt.f32 v6, v19  }
0x285: {  	v5 =	vsel vm7, $0x80, v24;
	_ =	sdelay $0x2  }
0x286: {  	v63 =	vld.idx.msk [tilespmem:v62+s31+$0x0], $0xffff;
	_ =	sdelay $0x1  }
0x287: {  	v8 =	vld.idx.msk [tilespmem:v5+s31+$0x0], $0xffff;
	_ =	sdelay $0x1  }
0x288: {  	v23 =	vimm.s32 $0x101;
	v22 =	vimm.s32 $0x200  }
0x289: {  	v9 =	vsel vm6, $0x100, v22;
	v32 =	vsel vm6, $0x0, v23;
	vm8 =	vgt.f32 v63, v18  }
0x28a: {  	v15 =	vsel vm7, $0x100, v22;
	v7 =	vor.u32 $0x1, v62;
	v9 =	vsel vm8, v62, v9  }
0x28b: {  	vm6 =	vgt.f32 v8, v19;
	v6 =	vsel vm8, v32, v7;
	v33 =	vadd.s32 $0xFFFFFFFF, v9  }
0x28c: {  	v8 =	vsel vm7, $0x0, v23;
	v15 =	vsel vm6, v5, v15;
	v7 =	vxor.u32 v33, v6  }
0x28d: {  	v5 =	vor.u32 $0x1, v5;
	v10 =	vor.u32 v33, v6;
	v7 =	vshrl.u32 v7, $0x1  }
0x28e: {  	v5 =	vsel vm6, v8, v5;
	v8 =	vadd.s32 $0xFFFFFFFF, v15;
	v7 =	vsub.s32 v10, v7  }
0x28f: {  	v10 =	vxor.u32 v8, v5  }
0x290: {  	v8 =	vor.u32 v8, v5;
	v10 =	vshrl.u32 v10, $0x1  }
0x291: {  	v8 =	vsub.s32 v8, v10;
	_ =	sdelay $0x1  }
0x292: {  	v10 =	vld.idx.msk [tilespmem:v7+s31+$0x0], $0xffff;
	_ =	sdelay $0x2  }
0x293: {  	v20 =	vld.idx.msk [tilespmem:v8+s31+$0x0], $0xffff;
	_ =	sdelay $0x1  }
0x294: {  	vm6 =	vgt.f32 v10, v18;
	v10 =	vor.u32 $0x1, v7  }
0x295: {  	v7 =	vsel vm6, v7, v9;
	v6 =	vsel vm6, v6, v10  }
0x296: {  	v9 =	vand.u32 v7, v6  }
0x297: {  	v10 =	vxor.u32 v7, v6;
	vm6 =	vgt.f32 v20, v19;
	v20 =	vor.u32 $0x1, v8  }
0x298: {  	v10 =	vshrl.u32 v10, $0x1;
	v8 =	vsel vm6, v8, v15;
	v5 =	vsel vm6, v5, v20  }
0x299: {  	v9 =	vadd.s32 v10, v9;
	v10 =	vxor.u32 v8, v5  }
0x29a: {  	v15 =	vand.u32 v8, v5;
	v10 =	vshrl.u32 v10, $0x1  }
0x29b: {  	v10 =	vadd.s32 v10, v15;
	_ =	sdelay $0x2  }
0x29c: {  	v15 =	vld.idx.msk [tilespmem:v9+s31+$0x0], $0xffff;
	_ =	sdelay $0x1  }
0x29d: {  	v20 =	vld.idx.msk [tilespmem:v10+s31+$0x0], $0xffff;
	_ =	sdelay $0x2  }
0x29e: {  	vm6 =	vgt.f32 v15, v18;
	v15 =	vadd.s32 $0x1, v9  }
0x29f: {  	v7 =	vsel vm6, v9, v7;
	v6 =	vsel vm6, v6, v15  }
0x2a0: {  	v15 =	vadd.s32 $0x1, v10;
	v9 =	vadd.s32 v7, v6;
	vm6 =	vgt.f32 v20, v19  }
0x2a1: {  	v9 =	vshrl.u32 v9, $0x1;
	v8 =	vsel vm6, v10, v8;
	v5 =	vsel vm6, v5, v15  }
0x2a2: {  	v10 =	vadd.s32 v8, v5  }
0x2a3: {  	v10 =	vshrl.u32 v10, $0x1;
	_ =	sdelay $0x2  }
0x2a4: {  	v15 =	vld.idx.msk [tilespmem:v9+s31+$0x0], $0xffff;
	_ =	sdelay $0x1  }
0x2a5: {  	v20 =	vld.idx.msk [tilespmem:v10+s31+$0x0], $0xffff;
	_ =	sdelay $0x2  }
0x2a6: {  	vm6 =	vgt.f32 v15, v18;
	v15 =	vadd.s32 $0x1, v9  }
0x2a7: {  	v7 =	vsel vm6, v9, v7;
	v6 =	vsel vm6, v6, v15  }
0x2a8: {  	v15 =	vadd.s32 $0x1, v10;
	v9 =	vadd.s32 v7, v6;
	vm6 =	vgt.f32 v20, v19  }
0x2a9: {  	v9 =	vshrl.u32 v9, $0x1;
	v8 =	vsel vm6, v10, v8;
	v5 =	vsel vm6, v5, v15  }
0x2aa: {  	v10 =	vadd.s32 v8, v5  }
0x2ab: {  	v10 =	vshrl.u32 v10, $0x1;
	_ =	sdelay $0x2  }
0x2ac: {  	v15 =	vld.idx.msk [tilespmem:v9+s31+$0x0], $0xffff;
	_ =	sdelay $0x1  }
0x2ad: {  	v20 =	vld.idx.msk [tilespmem:v10+s31+$0x0], $0xffff;
	_ =	sdelay $0x2  }
0x2ae: {  	vm6 =	vgt.f32 v15, v18;
	v15 =	vadd.s32 $0x1, v9  }
0x2af: {  	v7 =	vsel vm6, v9, v7;
	v6 =	vsel vm6, v6, v15  }
0x2b0: {  	v15 =	vadd.s32 $0x1, v10;
	v9 =	vadd.s32 v7, v6;
	vm6 =	vgt.f32 v20, v19  }
0x2b1: {  	v9 =	vshrl.u32 v9, $0x1;
	v8 =	vsel vm6, v10, v8;
	v5 =	vsel vm6, v5, v15  }
0x2b2: {  	v10 =	vadd.s32 v8, v5  }
0x2b3: {  	v10 =	vshrl.u32 v10, $0x1;
	_ =	sdelay $0x2  }
0x2b4: {  	v15 =	vld.idx.msk [tilespmem:v9+s31+$0x0], $0xffff;
	_ =	sdelay $0x1  }
0x2b5: {  	v20 =	vld.idx.msk [tilespmem:v10+s31+$0x0], $0xffff;
	_ =	sdelay $0x2  }
0x2b6: {  	vm6 =	vgt.f32 v15, v18;
	v15 =	vadd.s32 $0x1, v9  }
0x2b7: {  	v7 =	vsel vm6, v9, v7;
	v6 =	vsel vm6, v6, v15  }
0x2b8: {  	v15 =	vadd.s32 $0x1, v10;
	v9 =	vadd.s32 v7, v6;
	vm6 =	vgt.f32 v20, v19  }
0x2b9: {  	v9 =	vshrl.u32 v9, $0x1;
	v8 =	vsel vm6, v10, v8;
	v5 =	vsel vm6, v5, v15  }
0x2ba: {  	v10 =	vadd.s32 v8, v5  }
0x2bb: {  	v10 =	vshrl.u32 v10, $0x1;
	_ =	sdelay $0x2  }
0x2bc: {  	v15 =	vld.idx.msk [tilespmem:v9+s31+$0x0], $0xffff;
	_ =	sdelay $0x1  }
0x2bd: {  	v20 =	vld.idx.msk [tilespmem:v10+s31+$0x0], $0xffff;
	_ =	sdelay $0x2  }
0x2be: {  	vm6 =	vgt.f32 v15, v18;
	v15 =	vadd.s32 $0x1, v9  }
0x2bf: {  	v7 =	vsel vm6, v9, v7;
	v6 =	vsel vm6, v6, v15  }
0x2c0: {  	v15 =	vadd.s32 $0x1, v10;
	v9 =	vadd.s32 v7, v6;
	vm6 =	vgt.f32 v20, v19  }
0x2c1: {  	v9 =	vshrl.u32 v9, $0x1;
	v8 =	vsel vm6, v10, v8;
	v5 =	vsel vm6, v5, v15  }
0x2c2: {  	v10 =	vadd.s32 v8, v5  }
0x2c3: {  	v10 =	vshrl.u32 v10, $0x1;
	_ =	sdelay $0x2  }
0x2c4: {  	v15 =	vld.idx.msk [tilespmem:v9+s31+$0x0], $0xffff;
	_ =	sdelay $0x1  }
0x2c5: {  	v20 =	vld.idx.msk [tilespmem:v10+s31+$0x0], $0xffff;
	_ =	sdelay $0x2  }
0x2c6: {  	vm6 =	vgt.f32 v15, v18  }
0x2c7: {  	v15 =	vadd.s32 $0x1, v9;
	v7 =	vsel vm6, v9, v7  }
0x2c8: {  	v6 =	vsel vm6, v6, v15;
	v9 =	vadd.s32 $0x1, v10;
	vm6 =	vgt.f32 v20, v19  }
0x2c9: {  	v7 =	vadd.s32 v7, v6;
	v8 =	vsel vm6, v10, v8;
	v5 =	vsel vm6, v5, v9  }
0x2ca: {  	v7 =	vshrl.u32 v7, $0x1;
	v8 =	vadd.s32 v8, v5  }
0x2cb: {  	v8 =	vshrl.u32 v8, $0x1;
	_ =	sdelay $0x3  }
0x2cc: {  	v9 =	vld.idx.msk [tilespmem:v7+s31+$0x0], $0xffff  }
0x2cd: {  	v10 =	vld.idx.msk [tilespmem:v8+s31+$0x0], $0xffff;
	_ =	sdelay $0x3  }
0x2ce: {  	v7 =	vadd.s32 $0x1, v7;
	vm6 =	vgt.f32 v9, v18  }
0x2cf: {  	v8 =	vadd.s32 $0x1, v8;
	v6 =	vsel vm6, v6, v7;
	vm6 =	vgt.f32 v10, v19  }
0x2d0: {  	v20 =	vimm.s32 $0x1;
	v7 =	vmax.u32 v6, $0x1;
	v5 =	vsel vm6, v5, v8  }
0x2d1: {  	v7 =	vsub.s32 v7, v20;
	v8 =	vmax.u32 v5, $0x1  }
0x2d2: {  	v8 =	vsub.s32 v8, v20;
	_ =	sdelay $0x2  }
0x2d3: {  	v9 =	vld.idx.msk [tilespmem:v6+s31+$0x0], $0xffff  }
0x2d4: {  	v7 =	vld.idx.msk [tilespmem:v7+s31+$0x0], $0xffff  }
0x2d5: {  	v8 =	vld.idx.msk [tilespmem:v8+s31+$0x0], $0xffff  }
0x2d6: {  	v10 =	vld.idx.msk [tilespmem:v5+s31+$0x0], $0xffff;
	_ =	sdelay $0x1  }
0x2d7: {  	vm6 =	veq.s32 v6, $0x0  }
0x2d8: {  	vm7 =	veq.s32 v5, $0x0;
	v7 =	vsel vm6, $0x0, v7  }
0x2d9: {  	v9 =	vsub.f32 v9, v7;
	v8 =	vsel vm7, $0x0, v8  }
0x2da: {  	v10 =	vsub.f32 v10, v8  }
0x2db: {  	v9 =	vmax.f32 v9, $1.000000000e+00  }
0x2dc: {  	(erf) = vrcp.f32 v9;
	v9 =	vmax.f32 v10, $1.000000000e+00  }
0x2dd: {  	(erf) = vrcp.f32 v9;
	_ =	sdelay $0x4  }
0x2de: {  	v6 =	vcvt.s32.f32 v6;
	v7 =	vsub.f32 v18, v7  }
0x2df: {  	v5 =	vcvt.s32.f32 v5;
	v8 =	vsub.f32 v19, v8  }
0x2e0: {  	v6 =	vadd.f32 $-1.000000000e+00, v6;
	v7 =	vmul.f32 $1.953125000e-03, v7  }
0x2e1: {  	v5 =	vadd.f32 $-1.000000000e+00, v5;
	v8 =	vmul.f32 $1.953125000e-03, v8;
	v9 =	vpop (erf)  }
0x2e2: {  	v6 =	vmul.f32 $1.953125000e-03, v6;
	v7 =	vmul.f32 v9, v7;
	v9 =	vpop (erf)  }
0x2e3: {  	v5 =	vmul.f32 $1.953125000e-03, v5;
	v8 =	vmul.f32 v9, v8;
	_ =	sdelay $0x1  }
0x2e4: {  	v6 =	vadd.f32 v7, v6;
	v5 =	vadd.f32 v8, v5;
	_ =	sdelay $0x1  }
0x2e5: {  	v6 =	vsel vm6, $0x0, v6;
	v5 =	vsel vm7, $0x0, v5  }
0x2e6: {  	v5 =	vsub.f32 v5, v6;
	_ =	sdelay $0x1  }
0x2e7: {  	[tilespmem:$0x7900] =	vst v6;
	v5 =	vsel vm2, $0x0, v5  }
0x2e8: {  	[tilespmem:$0x7940] =	vst v5  }
0x2e9: {  	v5 =	vadd.f32 v16, v17;
	v6 =	vld.idx.msk [tilespmem:v21+s31+$0x0], $0xffff;
	_ =	sdelay $0x1  }
0x2ea: {  	v4 =	vsub.f32 v5, v4;
	_ =	sdelay $0x1  }
0x2eb: {  	v15 =	vmin.f32 v4, $2.621435000e+05  }
0x2ec: {  	vm6 =	vgt.f32 v6, v15  }
0x2ed: {  	v17 =	vmin.f32 v5, $2.621435000e+05;
	v4 =	vsel vm6, $0x80, v24  }
0x2ee: {  	vm7 =	vgt.f32 v6, v17  }
0x2ef: {  	v5 =	vsel vm7, $0x80, v24;
	_ =	sdelay $0x2  }
0x2f0: {  	v34 =	vld.idx.msk [tilespmem:v4+s31+$0x0], $0xffff;
	_ =	sdelay $0x1  }
0x2f1: {  	v35 =	vld.idx.msk [tilespmem:v5+s31+$0x0], $0xffff;
	_ =	sdelay $0x2  }
0x2f2: {  	v8 =	vsel vm6, $0x100, v22;
	v36 =	vsel vm6, $0x0, v23;
	vm8 =	vgt.f32 v34, v15  }
0x2f3: {  	v10 =	vsel vm7, $0x100, v22;
	v8 =	vsel vm8, v4, v8;
	v4 =	vor.u32 $0x1, v4  }
0x2f4: {  	vm6 =	vgt.f32 v35, v17;
	v4 =	vsel vm8, v36, v4;
	v37 =	vadd.s32 $0xFFFFFFFF, v8  }
0x2f5: {  	v38 =	vsel vm7, $0x0, v23;
	v10 =	vsel vm6, v5, v10;
	v6 =	vxor.u32 v37, v4  }
0x2f6: {  	v5 =	vor.u32 $0x1, v5;
	v9 =	vor.u32 v37, v4;
	v6 =	vshrl.u32 v6, $0x1  }
0x2f7: {  	v5 =	vsel vm6, v38, v5;
	v39 =	vadd.s32 $0xFFFFFFFF, v10;
	v6 =	vsub.s32 v9, v6  }
0x2f8: {  	v9 =	vxor.u32 v39, v5  }
0x2f9: {  	v7 =	vor.u32 v39, v5;
	v9 =	vshrl.u32 v9, $0x1  }
0x2fa: {  	v7 =	vsub.s32 v7, v9;
	_ =	sdelay $0x1  }
0x2fb: {  	v9 =	vld.idx.msk [tilespmem:v6+s31+$0x0], $0xffff;
	_ =	sdelay $0x2  }
0x2fc: {  	v18 =	vld.idx.msk [tilespmem:v7+s31+$0x0], $0xffff;
	_ =	sdelay $0x1  }
0x2fd: {  	vm6 =	vgt.f32 v9, v15;
	v9 =	vor.u32 $0x1, v6  }
0x2fe: {  	v6 =	vsel vm6, v6, v8;
	v4 =	vsel vm6, v4, v9  }
0x2ff: {  	v8 =	vand.u32 v6, v4  }
0x300: {  	v9 =	vxor.u32 v6, v4;
	vm6 =	vgt.f32 v18, v17;
	v18 =	vor.u32 $0x1, v7  }
0x301: {  	v9 =	vshrl.u32 v9, $0x1;
	v7 =	vsel vm6, v7, v10;
	v5 =	vsel vm6, v5, v18  }
0x302: {  	v8 =	vadd.s32 v9, v8;
	v9 =	vxor.u32 v7, v5  }
0x303: {  	v10 =	vand.u32 v7, v5;
	v9 =	vshrl.u32 v9, $0x1  }
0x304: {  	v9 =	vadd.s32 v9, v10;
	_ =	sdelay $0x2  }
0x305: {  	v10 =	vld.idx.msk [tilespmem:v8+s31+$0x0], $0xffff;
	_ =	sdelay $0x1  }
0x306: {  	v18 =	vld.idx.msk [tilespmem:v9+s31+$0x0], $0xffff;
	_ =	sdelay $0x2  }
0x307: {  	vm6 =	vgt.f32 v10, v15;
	v10 =	vadd.s32 $0x1, v8  }
0x308: {  	v6 =	vsel vm6, v8, v6;
	v4 =	vsel vm6, v4, v10  }
0x309: {  	v10 =	vadd.s32 $0x1, v9;
	v8 =	vadd.s32 v6, v4;
	vm6 =	vgt.f32 v18, v17  }
0x30a: {  	v8 =	vshrl.u32 v8, $0x1;
	v7 =	vsel vm6, v9, v7;
	v5 =	vsel vm6, v5, v10  }
0x30b: {  	v9 =	vadd.s32 v7, v5  }
0x30c: {  	v9 =	vshrl.u32 v9, $0x1;
	_ =	sdelay $0x2  }
0x30d: {  	v10 =	vld.idx.msk [tilespmem:v8+s31+$0x0], $0xffff;
	_ =	sdelay $0x1  }
0x30e: {  	v18 =	vld.idx.msk [tilespmem:v9+s31+$0x0], $0xffff;
	_ =	sdelay $0x2  }
0x30f: {  	vm6 =	vgt.f32 v10, v15;
	v10 =	vadd.s32 $0x1, v8  }
0x310: {  	v6 =	vsel vm6, v8, v6;
	v4 =	vsel vm6, v4, v10  }
0x311: {  	v10 =	vadd.s32 $0x1, v9;
	v8 =	vadd.s32 v6, v4;
	vm6 =	vgt.f32 v18, v17  }
0x312: {  	v8 =	vshrl.u32 v8, $0x1;
	v7 =	vsel vm6, v9, v7;
	v5 =	vsel vm6, v5, v10  }
0x313: {  	v9 =	vadd.s32 v7, v5  }
0x314: {  	v9 =	vshrl.u32 v9, $0x1;
	_ =	sdelay $0x2  }
0x315: {  	v10 =	vld.idx.msk [tilespmem:v8+s31+$0x0], $0xffff;
	_ =	sdelay $0x1  }
0x316: {  	v18 =	vld.idx.msk [tilespmem:v9+s31+$0x0], $0xffff;
	_ =	sdelay $0x2  }
0x317: {  	vm6 =	vgt.f32 v10, v15;
	v10 =	vadd.s32 $0x1, v8  }
0x318: {  	v6 =	vsel vm6, v8, v6;
	v4 =	vsel vm6, v4, v10  }
0x319: {  	v10 =	vadd.s32 $0x1, v9;
	v8 =	vadd.s32 v6, v4;
	vm6 =	vgt.f32 v18, v17  }
0x31a: {  	v8 =	vshrl.u32 v8, $0x1;
	v7 =	vsel vm6, v9, v7;
	v5 =	vsel vm6, v5, v10  }
0x31b: {  	v9 =	vadd.s32 v7, v5  }
0x31c: {  	v9 =	vshrl.u32 v9, $0x1;
	_ =	sdelay $0x2  }
0x31d: {  	v10 =	vld.idx.msk [tilespmem:v8+s31+$0x0], $0xffff;
	_ =	sdelay $0x1  }
0x31e: {  	v18 =	vld.idx.msk [tilespmem:v9+s31+$0x0], $0xffff;
	_ =	sdelay $0x2  }
0x31f: {  	vm6 =	vgt.f32 v10, v15;
	v10 =	vadd.s32 $0x1, v8  }
0x320: {  	v6 =	vsel vm6, v8, v6;
	v4 =	vsel vm6, v4, v10  }
0x321: {  	v10 =	vadd.s32 $0x1, v9;
	v8 =	vadd.s32 v6, v4;
	vm6 =	vgt.f32 v18, v17  }
0x322: {  	v8 =	vshrl.u32 v8, $0x1;
	v7 =	vsel vm6, v9, v7;
	v5 =	vsel vm6, v5, v10  }
0x323: {  	v9 =	vadd.s32 v7, v5  }
0x324: {  	v9 =	vshrl.u32 v9, $0x1;
	_ =	sdelay $0x2  }
0x325: {  	v10 =	vld.idx.msk [tilespmem:v8+s31+$0x0], $0xffff;
	_ =	sdelay $0x1  }
0x326: {  	v18 =	vld.idx.msk [tilespmem:v9+s31+$0x0], $0xffff;
	_ =	sdelay $0x2  }
0x327: {  	vm6 =	vgt.f32 v10, v15;
	v10 =	vadd.s32 $0x1, v8  }
0x328: {  	v6 =	vsel vm6, v8, v6;
	v4 =	vsel vm6, v4, v10  }
0x329: {  	v10 =	vadd.s32 $0x1, v9;
	v8 =	vadd.s32 v6, v4;
	vm6 =	vgt.f32 v18, v17  }
0x32a: {  	v8 =	vshrl.u32 v8, $0x1;
	v7 =	vsel vm6, v9, v7;
	v5 =	vsel vm6, v5, v10  }
0x32b: {  	v9 =	vadd.s32 v7, v5  }
0x32c: {  	v9 =	vshrl.u32 v9, $0x1;
	_ =	sdelay $0x2  }
0x32d: {  	v10 =	vld.idx.msk [tilespmem:v8+s31+$0x0], $0xffff;
	_ =	sdelay $0x1  }
0x32e: {  	v18 =	vld.idx.msk [tilespmem:v9+s31+$0x0], $0xffff;
	_ =	sdelay $0x2  }
0x32f: {  	vm6 =	vgt.f32 v10, v15  }
0x330: {  	v10 =	vadd.s32 $0x1, v8;
	v6 =	vsel vm6, v8, v6  }
0x331: {  	v4 =	vsel vm6, v4, v10;
	v8 =	vadd.s32 $0x1, v9;
	vm6 =	vgt.f32 v18, v17  }
0x332: {  	v6 =	vadd.s32 v6, v4;
	v7 =	vsel vm6, v9, v7;
	v5 =	vsel vm6, v5, v8  }
0x333: {  	v6 =	vshrl.u32 v6, $0x1;
	v7 =	vadd.s32 v7, v5  }
0x334: {  	v7 =	vshrl.u32 v7, $0x1;
	_ =	sdelay $0x3  }
0x335: {  	v8 =	vld.idx.msk [tilespmem:v6+s31+$0x0], $0xffff  }
0x336: {  	v9 =	vld.idx.msk [tilespmem:v7+s31+$0x0], $0xffff;
	_ =	sdelay $0x3  }
0x337: {  	v6 =	vadd.s32 $0x1, v6;
	vm6 =	vgt.f32 v8, v15  }
0x338: {  	v7 =	vadd.s32 $0x1, v7;
	v4 =	vsel vm6, v4, v6;
	vm6 =	vgt.f32 v9, v17  }
0x339: {  	v6 =	vmax.u32 v4, $0x1;
	v5 =	vsel vm6, v5, v7  }
0x33a: {  	v6 =	vsub.s32 v6, v20;
	v7 =	vmax.u32 v5, $0x1  }
0x33b: {  	v7 =	vsub.s32 v7, v20;
	_ =	sdelay $0x2  }
0x33c: {  	v8 =	vld.idx.msk [tilespmem:v4+s31+$0x0], $0xffff  }
0x33d: {  	v6 =	vld.idx.msk [tilespmem:v6+s31+$0x0], $0xffff  }
0x33e: {  	v7 =	vld.idx.msk [tilespmem:v7+s31+$0x0], $0xffff  }
0x33f: {  	v9 =	vld.idx.msk [tilespmem:v5+s31+$0x0], $0xffff;
	_ =	sdelay $0x1  }
0x340: {  	vm6 =	veq.s32 v4, $0x0  }
0x341: {  	vm7 =	veq.s32 v5, $0x0;
	v6 =	vsel vm6, $0x0, v6  }
0x342: {  	v8 =	vsub.f32 v8, v6;
	v7 =	vsel vm7, $0x0, v7  }
0x343: {  	v9 =	vsub.f32 v9, v7  }
0x344: {  	v8 =	vmax.f32 v8, $1.000000000e+00  }
0x345: {  	(erf) = vrcp.f32 v8;
	v8 =	vmax.f32 v9, $1.000000000e+00  }
0x346: {  	(erf) = vrcp.f32 v8;
	_ =	sdelay $0x4  }
0x347: {  	v4 =	vcvt.s32.f32 v4;
	v6 =	vsub.f32 v15, v6  }
0x348: {  	v5 =	vcvt.s32.f32 v5;
	v7 =	vsub.f32 v17, v7  }
0x349: {  	v4 =	vadd.f32 $-1.000000000e+00, v4;
	v6 =	vmul.f32 $1.953125000e-03, v6  }
0x34a: {  	v5 =	vadd.f32 $-1.000000000e+00, v5;
	v7 =	vmul.f32 $1.953125000e-03, v7;
	v8 =	vpop (erf)  }
0x34b: {  	v4 =	vmul.f32 $1.953125000e-03, v4;
	v6 =	vmul.f32 v8, v6;
	v8 =	vpop (erf)  }
0x34c: {  	v5 =	vmul.f32 $1.953125000e-03, v5;
	v7 =	vmul.f32 v8, v7;
	_ =	sdelay $0x1  }
0x34d: {  	v4 =	vadd.f32 v6, v4;
	v5 =	vadd.f32 v7, v5;
	_ =	sdelay $0x1  }
0x34e: {  	v4 =	vsel vm6, $0x0, v4;
	v5 =	vsel vm7, $0x0, v5  }
0x34f: {  	v5 =	vsub.f32 v5, v4;
	_ =	sdelay $0x1  }
0x350: {  	[tilespmem:$0x7910] =	vst v4;
	v5 =	vsel vm1, $0x0, v5  }
0x351: {  	[tilespmem:$0x7950] =	vst v5  }
0x352: {  	v4 =	vadd.f32 v16, v14;
	v5 =	vld.idx.msk [tilespmem:v21+s31+$0x0], $0xffff;
	_ =	sdelay $0x1  }
0x353: {  	v40 =	vsub.f32 v4, v13;
	_ =	sdelay $0x1  }
0x354: {  	v13 =	vmin.f32 v40, $2.621435000e+05  }
0x355: {  	vm6 =	vgt.f32 v5, v13  }
0x356: {  	v14 =	vmin.f32 v4, $2.621435000e+05;
	v41 =	vsel vm6, $0x80, v24  }
0x357: {  	vm7 =	vgt.f32 v5, v14  }
0x358: {  	v4 =	vsel vm7, $0x80, v24;
	_ =	sdelay $0x2  }
0x359: {  	v5 =	vld.idx.msk [tilespmem:v41+s31+$0x0], $0xffff;
	_ =	sdelay $0x1  }
0x35a: {  	v42 =	vld.idx.msk [tilespmem:v4+s31+$0x0], $0xffff;
	_ =	sdelay $0x2  }
0x35b: {  	v8 =	vsel vm6, $0x100, v22;
	v10 =	vsel vm7, $0x100, v22;
	vm8 =	vgt.f32 v5, v13  }
0x35c: {  	v6 =	vor.u32 $0x1, v41;
	v5 =	vsel vm6, $0x0, v23;
	v8 =	vsel vm8, v41, v8  }
0x35d: {  	vm6 =	vgt.f32 v42, v14;
	v5 =	vsel vm8, v5, v6;
	v43 =	vadd.s32 $0xFFFFFFFF, v8  }
0x35e: {  	v44 =	vsel vm7, $0x0, v23;
	v10 =	vsel vm6, v4, v10;
	v6 =	vxor.u32 v43, v5  }
0x35f: {  	v4 =	vor.u32 $0x1, v4;
	v9 =	vor.u32 v43, v5;
	v6 =	vshrl.u32 v6, $0x1  }
0x360: {  	v4 =	vsel vm6, v44, v4;
	v45 =	vadd.s32 $0xFFFFFFFF, v10;
	v6 =	vsub.s32 v9, v6  }
0x361: {  	v9 =	vxor.u32 v45, v4  }
0x362: {  	v7 =	vor.u32 v45, v4;
	v9 =	vshrl.u32 v9, $0x1  }
0x363: {  	v7 =	vsub.s32 v7, v9;
	_ =	sdelay $0x1  }
0x364: {  	v9 =	vld.idx.msk [tilespmem:v6+s31+$0x0], $0xffff;
	_ =	sdelay $0x2  }
0x365: {  	v15 =	vld.idx.msk [tilespmem:v7+s31+$0x0], $0xffff;
	_ =	sdelay $0x1  }
0x366: {  	vm6 =	vgt.f32 v9, v13;
	v9 =	vor.u32 $0x1, v6  }
0x367: {  	v6 =	vsel vm6, v6, v8;
	v5 =	vsel vm6, v5, v9  }
0x368: {  	v8 =	vand.u32 v6, v5  }
0x369: {  	v9 =	vxor.u32 v6, v5;
	vm6 =	vgt.f32 v15, v14;
	v15 =	vor.u32 $0x1, v7  }
0x36a: {  	v9 =	vshrl.u32 v9, $0x1;
	v7 =	vsel vm6, v7, v10;
	v4 =	vsel vm6, v4, v15  }
0x36b: {  	v8 =	vadd.s32 v9, v8;
	v9 =	vxor.u32 v7, v4  }
0x36c: {  	v10 =	vand.u32 v7, v4;
	v9 =	vshrl.u32 v9, $0x1  }
0x36d: {  	v9 =	vadd.s32 v9, v10;
	_ =	sdelay $0x2  }
0x36e: {  	v10 =	vld.idx.msk [tilespmem:v8+s31+$0x0], $0xffff;
	_ =	sdelay $0x1  }
0x36f: {  	v15 =	vld.idx.msk [tilespmem:v9+s31+$0x0], $0xffff;
	_ =	sdelay $0x2  }
0x370: {  	vm6 =	vgt.f32 v10, v13;
	v10 =	vadd.s32 $0x1, v8  }
0x371: {  	v6 =	vsel vm6, v8, v6;
	v5 =	vsel vm6, v5, v10  }
0x372: {  	v10 =	vadd.s32 $0x1, v9;
	v8 =	vadd.s32 v6, v5;
	vm6 =	vgt.f32 v15, v14  }
0x373: {  	v8 =	vshrl.u32 v8, $0x1;
	v7 =	vsel vm6, v9, v7;
	v4 =	vsel vm6, v4, v10  }
0x374: {  	v9 =	vadd.s32 v7, v4  }
0x375: {  	v9 =	vshrl.u32 v9, $0x1;
	_ =	sdelay $0x2  }
0x376: {  	v10 =	vld.idx.msk [tilespmem:v8+s31+$0x0], $0xffff;
	_ =	sdelay $0x1  }
0x377: {  	v15 =	vld.idx.msk [tilespmem:v9+s31+$0x0], $0xffff;
	_ =	sdelay $0x2  }
0x378: {  	vm6 =	vgt.f32 v10, v13;
	v10 =	vadd.s32 $0x1, v8  }
0x379: {  	v6 =	vsel vm6, v8, v6;
	v5 =	vsel vm6, v5, v10  }
0x37a: {  	v10 =	vadd.s32 $0x1, v9;
	v8 =	vadd.s32 v6, v5;
	vm6 =	vgt.f32 v15, v14  }
0x37b: {  	v8 =	vshrl.u32 v8, $0x1;
	v7 =	vsel vm6, v9, v7;
	v4 =	vsel vm6, v4, v10  }
0x37c: {  	v9 =	vadd.s32 v7, v4  }
0x37d: {  	v9 =	vshrl.u32 v9, $0x1;
	_ =	sdelay $0x2  }
0x37e: {  	v10 =	vld.idx.msk [tilespmem:v8+s31+$0x0], $0xffff;
	_ =	sdelay $0x1  }
0x37f: {  	v15 =	vld.idx.msk [tilespmem:v9+s31+$0x0], $0xffff;
	_ =	sdelay $0x2  }
0x380: {  	vm6 =	vgt.f32 v10, v13;
	v10 =	vadd.s32 $0x1, v8  }
0x381: {  	v6 =	vsel vm6, v8, v6;
	v5 =	vsel vm6, v5, v10  }
0x382: {  	v10 =	vadd.s32 $0x1, v9;
	v8 =	vadd.s32 v6, v5;
	vm6 =	vgt.f32 v15, v14  }
0x383: {  	v8 =	vshrl.u32 v8, $0x1;
	v7 =	vsel vm6, v9, v7;
	v4 =	vsel vm6, v4, v10  }
0x384: {  	v9 =	vadd.s32 v7, v4  }
0x385: {  	v9 =	vshrl.u32 v9, $0x1;
	_ =	sdelay $0x2  }
0x386: {  	v10 =	vld.idx.msk [tilespmem:v8+s31+$0x0], $0xffff;
	_ =	sdelay $0x1  }
0x387: {  	v15 =	vld.idx.msk [tilespmem:v9+s31+$0x0], $0xffff;
	_ =	sdelay $0x2  }
0x388: {  	vm6 =	vgt.f32 v10, v13;
	v10 =	vadd.s32 $0x1, v8  }
0x389: {  	v6 =	vsel vm6, v8, v6;
	v5 =	vsel vm6, v5, v10  }
0x38a: {  	v10 =	vadd.s32 $0x1, v9;
	v8 =	vadd.s32 v6, v5;
	vm6 =	vgt.f32 v15, v14  }
0x38b: {  	v8 =	vshrl.u32 v8, $0x1;
	v7 =	vsel vm6, v9, v7;
	v4 =	vsel vm6, v4, v10  }
0x38c: {  	v9 =	vadd.s32 v7, v4  }
0x38d: {  	v9 =	vshrl.u32 v9, $0x1;
	_ =	sdelay $0x2  }
0x38e: {  	v10 =	vld.idx.msk [tilespmem:v8+s31+$0x0], $0xffff;
	_ =	sdelay $0x1  }
0x38f: {  	v15 =	vld.idx.msk [tilespmem:v9+s31+$0x0], $0xffff;
	_ =	sdelay $0x2  }
0x390: {  	vm6 =	vgt.f32 v10, v13;
	v10 =	vadd.s32 $0x1, v8  }
0x391: {  	v6 =	vsel vm6, v8, v6;
	v5 =	vsel vm6, v5, v10  }
0x392: {  	v10 =	vadd.s32 $0x1, v9;
	v8 =	vadd.s32 v6, v5;
	vm6 =	vgt.f32 v15, v14  }
0x393: {  	v8 =	vshrl.u32 v8, $0x1;
	v7 =	vsel vm6, v9, v7;
	v4 =	vsel vm6, v4, v10  }
0x394: {  	v9 =	vadd.s32 v7, v4  }
0x395: {  	v9 =	vshrl.u32 v9, $0x1;
	_ =	sdelay $0x2  }
0x396: {  	v10 =	vld.idx.msk [tilespmem:v8+s31+$0x0], $0xffff;
	_ =	sdelay $0x1  }
0x397: {  	v15 =	vld.idx.msk [tilespmem:v9+s31+$0x0], $0xffff;
	_ =	sdelay $0x2  }
0x398: {  	vm6 =	vgt.f32 v10, v13  }
0x399: {  	v10 =	vadd.s32 $0x1, v8;
	v6 =	vsel vm6, v8, v6  }
0x39a: {  	v5 =	vsel vm6, v5, v10;
	v8 =	vadd.s32 $0x1, v9;
	vm6 =	vgt.f32 v15, v14  }
0x39b: {  	v6 =	vadd.s32 v6, v5;
	v7 =	vsel vm6, v9, v7;
	v4 =	vsel vm6, v4, v8  }
0x39c: {  	v6 =	vshrl.u32 v6, $0x1;
	v7 =	vadd.s32 v7, v4  }
0x39d: {  	v7 =	vshrl.u32 v7, $0x1;
	_ =	sdelay $0x3  }
0x39e: {  	v8 =	vld.idx.msk [tilespmem:v6+s31+$0x0], $0xffff  }
0x39f: {  	v9 =	vld.idx.msk [tilespmem:v7+s31+$0x0], $0xffff;
	_ =	sdelay $0x3  }
0x3a0: {  	v6 =	vadd.s32 $0x1, v6;
	vm6 =	vgt.f32 v8, v13  }
0x3a1: {  	v7 =	vadd.s32 $0x1, v7;
	v5 =	vsel vm6, v5, v6;
	vm6 =	vgt.f32 v9, v14  }
0x3a2: {  	v6 =	vmax.u32 v5, $0x1;
	v4 =	vsel vm6, v4, v7  }
0x3a3: {  	v6 =	vsub.s32 v6, v20;
	v7 =	vmax.u32 v4, $0x1  }
0x3a4: {  	v7 =	vsub.s32 v7, v20;
	_ =	sdelay $0x2  }
0x3a5: {  	v8 =	vld.idx.msk [tilespmem:v5+s31+$0x0], $0xffff  }
0x3a6: {  	v6 =	vld.idx.msk [tilespmem:v6+s31+$0x0], $0xffff  }
0x3a7: {  	v7 =	vld.idx.msk [tilespmem:v7+s31+$0x0], $0xffff  }
0x3a8: {  	v9 =	vld.idx.msk [tilespmem:v4+s31+$0x0], $0xffff;
	_ =	sdelay $0x1  }
0x3a9: {  	vm6 =	veq.s32 v5, $0x0  }
0x3aa: {  	vm7 =	veq.s32 v4, $0x0;
	v6 =	vsel vm6, $0x0, v6  }
0x3ab: {  	v8 =	vsub.f32 v8, v6;
	v7 =	vsel vm7, $0x0, v7  }
0x3ac: {  	v9 =	vsub.f32 v9, v7  }
0x3ad: {  	v8 =	vmax.f32 v8, $1.000000000e+00  }
0x3ae: {  	(erf) = vrcp.f32 v8;
	v8 =	vmax.f32 v9, $1.000000000e+00  }
0x3af: {  	(erf) = vrcp.f32 v8;
	_ =	sdelay $0x4  }
0x3b0: {  	v5 =	vcvt.s32.f32 v5;
	v6 =	vsub.f32 v13, v6  }
0x3b1: {  	v4 =	vcvt.s32.f32 v4;
	v7 =	vsub.f32 v14, v7  }
0x3b2: {  	v5 =	vadd.f32 $-1.000000000e+00, v5;
	v6 =	vmul.f32 $1.953125000e-03, v6  }
0x3b3: {  	v4 =	vadd.f32 $-1.000000000e+00, v4;
	v7 =	vmul.f32 $1.953125000e-03, v7;
	v8 =	vpop (erf)  }
0x3b4: {  	v5 =	vmul.f32 $1.953125000e-03, v5;
	v6 =	vmul.f32 v8, v6;
	v8 =	vpop (erf)  }
0x3b5: {  	v4 =	vmul.f32 $1.953125000e-03, v4;
	v7 =	vmul.f32 v8, v7;
	_ =	sdelay $0x1  }
0x3b6: {  	v5 =	vadd.f32 v6, v5;
	v4 =	vadd.f32 v7, v4;
	_ =	sdelay $0x1  }
0x3b7: {  	v5 =	vsel vm6, $0x0, v5;
	v4 =	vsel vm7, $0x0, v4  }
0x3b8: {  	v4 =	vsub.f32 v4, v5;
	_ =	sdelay $0x1  }
0x3b9: {  	[tilespmem:$0x7920] =	vst v5;
	v4 =	vsel vm0, $0x0, v4  }
0x3ba: {  	[tilespmem:$0x7960] =	vst v4  }
0x3bb: {  	[spmem:s16] =	stream.linear.scatter [tilespmem:s30], [sflag:$0x3], $0x80, $0x38;
	[tilespmem:$0x18300] =	vst v63  }
0x3bc: {  	_ =	swait.ge [sflag:s25], $0x80  }
0x3bd: {  	[sflag:s25] =	ssyncset.done $0x0  }
0x3be: {  	[sflag:s25] =	ssyncadd.s32 $0xFFFFFF80  }
0x3bf: {  	[bflag:$0x0] =	sbarrier.arrive $0xFFFF  }
0x3c0: {  	s17 =	rddreg [dreg:$0x4]  }
0x3c1: {  	[tilespmem:s29], [sflag:$0x3] =	stream.linear.gather [spmem:s17], $0x800, $0x38;
	[tilespmem:$0x18300] =	vst v63  }
0x3c2: {  	_ =	swait.ge [sflag:s25], $0x800  }
0x3c3: {  	[sflag:s25] =	ssyncset.done $0x0  }
0x3c4: {  	[sflag:s25] =	ssyncadd.s32 $0xFFFFF800  }
0x3c5: {  	v4 =	vld [tilespmem:$0x7100]  }
0x3c6: {  	v5 =	vld [tilespmem:$0x7140]  }
0x3c7: {  	v46 =	vld [tilespmem:$0x7110]  }
0x3c8: {  	v47 =	vld [tilespmem:$0x7150]  }
0x3c9: {  	v8 =	vld [tilespmem:$0x7120]  }
0x3ca: {  	[tilespmem:$0x6000] =	vst v4;
	v4 =	vld [tilespmem:$0x7160]  }
0x3cb: {  	v48 =	vld [tilespmem:$0x71C0];
	[tilespmem:$0x6080] =	vst v5  }
0x3cc: {  	v49 =	vld [tilespmem:$0x7190];
	[tilespmem:$0x6010] =	vst v46  }
0x3cd: {  	v5 =	vld [tilespmem:$0x7180];
	[tilespmem:$0x6090] =	vst v47  }
0x3ce: {  	[tilespmem:$0x6020] =	vst v8;
	v8 =	vld [tilespmem:$0x71D0]  }
0x3cf: {  	[tilespmem:$0x60A0] =	vst v4;
	v4 =	vld [tilespmem:$0x71A0]  }
0x3d0: {  	v50 =	vld [tilespmem:$0x7200];
	[tilespmem:$0x60B0] =	vst v48  }
0x3d1: {  	v51 =	vld [tilespmem:$0x7240];
	[tilespmem:$0x6040] =	vst v49  }
0x3d2: {  	[tilespmem:$0x6030] =	vst v5;
	v5 =	vld [tilespmem:$0x71E0]  }
0x3d3: {  	[tilespmem:$0x60C0] =	vst v8;
	v8 =	vld [tilespmem:$0x7210]  }
0x3d4: {  	[tilespmem:$0x6050] =	vst v4;
	v4 =	vld [tilespmem:$0x7250]  }
0x3d5: {  	v52 =	vld [tilespmem:$0x7260];
	[tilespmem:$0x6060] =	vst v50  }
0x3d6: {  	v53 =	vld [tilespmem:$0x7280];
	[tilespmem:$0x60E0] =	vst v51  }
0x3d7: {  	[tilespmem:$0x60D0] =	vst v5;
	v5 =	vld [tilespmem:$0x7220]  }
0x3d8: {  	[tilespmem:$0x6070] =	vst v8;
	v8 =	vld [tilespmem:$0x72C0]  }
0x3d9: {  	[tilespmem:$0x60F0] =	vst v4;
	v4 =	vld [tilespmem:$0x7290]  }
0x3da: {  	v54 =	vld [tilespmem:$0x72A0];
	[tilespmem:$0x6180] =	vst v52  }
0x3db: {  	v55 =	vld [tilespmem:$0x72E0];
	[tilespmem:$0x6110] =	vst v53  }
0x3dc: {  	[tilespmem:$0x6100] =	vst v5;
	v5 =	vld [tilespmem:$0x72D0]  }
0x3dd: {  	[tilespmem:$0x6190] =	vst v8;
	v8 =	vld [tilespmem:$0x7300]  }
0x3de: {  	[tilespmem:$0x6120] =	vst v4;
	v4 =	vld [tilespmem:$0x7340]  }
0x3df: {  	v56 =	vld [tilespmem:$0x7350];
	[tilespmem:$0x6130] =	vst v54  }
0x3e0: {  	v57 =	vld [tilespmem:$0x7320];
	[tilespmem:$0x61B0] =	vst v55  }
0x3e1: {  	[tilespmem:$0x61A0] =	vst v5;
	v5 =	vld [tilespmem:$0x7310]  }
0x3e2: {  	[tilespmem:$0x6140] =	vst v8;
	v8 =	vld [tilespmem:$0x7360]  }
0x3e3: {  	[tilespmem:$0x61C0] =	vst v4;
	v4 =	vld [tilespmem:$0x7380]  }
0x3e4: {  	v58 =	vld [tilespmem:$0x7390];
	[tilespmem:$0x61D0] =	vst v56  }
0x3e5: {  	v59 =	vld [tilespmem:$0x73D0];
	[tilespmem:$0x6160] =	vst v57  }
0x3e6: {  	[tilespmem:$0x6150] =	vst v5;
	v5 =	vld [tilespmem:$0x73C0]  }
0x3e7: {  	[tilespmem:$0x61E0] =	vst v8;
	v8 =	vld [tilespmem:$0x73A0]  }
0x3e8: {  	[tilespmem:$0x6170] =	vst v4;
	v4 =	vld [tilespmem:$0x73E0]  }
0x3e9: {  	v60 =	vld [tilespmem:$0x7440];
	[tilespmem:$0x6200] =	vst v58  }
0x3ea: {  	v61 =	vld [tilespmem:$0x7410];
	[tilespmem:$0x6280] =	vst v59  }
0x3eb: {  	[tilespmem:$0x61F0] =	vst v5;
	v5 =	vld [tilespmem:$0x7400]  }
0x3ec: {  	[tilespmem:$0x6210] =	vst v8;
	v8 =	vld [tilespmem:$0x7450]  }
0x3ed: {  	[tilespmem:$0x6290] =	vst v4;
	v4 =	vld [tilespmem:$0x7420]  }
0x3ee: {  	v62 =	vld [tilespmem:$0x7480];
	[tilespmem:$0x62A0] =	vst v60  }
0x3ef: {  	v63 =	vld [tilespmem:$0x74C0];
	[tilespmem:$0x6230] =	vst v61  }
0x3f0: {  	[tilespmem:$0x6220] =	vst v5;
	v5 =	vld [tilespmem:$0x7460]  }
0x3f1: {  	[tilespmem:$0x62B0] =	vst v8;
	v8 =	vld [tilespmem:$0x7490]  }
0x3f2: {  	[tilespmem:$0x6240] =	vst v4;
	v4 =	vld [tilespmem:$0x74D0]  }
0x3f3: {  	v32 =	vld [tilespmem:$0x74E0];
	[tilespmem:$0x6250] =	vst v62  }
0x3f4: {  	v33 =	vld [tilespmem:$0x7500];
	[tilespmem:$0x62D0] =	vst v63  }
0x3f5: {  	[tilespmem:$0x62C0] =	vst v5;
	v5 =	vld [tilespmem:$0x74A0]  }
0x3f6: {  	[tilespmem:$0x6260] =	vst v8;
	v8 =	vld [tilespmem:$0x7540]  }
0x3f7: {  	[tilespmem:$0x62E0] =	vst v4;
	v4 =	vld [tilespmem:$0x7510]  }
0x3f8: {  	v34 =	vld [tilespmem:$0x7520];
	[tilespmem:$0x62F0] =	vst v32  }
0x3f9: {  	v35 =	vld [tilespmem:$0x7560];
	[tilespmem:$0x6300] =	vst v33  }
0x3fa: {  	[tilespmem:$0x6270] =	vst v5;
	v5 =	vld [tilespmem:$0x7550]  }
0x3fb: {  	[tilespmem:$0x6380] =	vst v8;
	v8 =	vld [tilespmem:$0x7580]  }
0x3fc: {  	[tilespmem:$0x6310] =	vst v4;
	v4 =	vld [tilespmem:$0x75C0]  }
0x3fd: {  	v36 =	vld [tilespmem:$0x75D0];
	[tilespmem:$0x6320] =	vst v34  }
0x3fe: {  	v37 =	vld [tilespmem:$0x75A0];
	[tilespmem:$0x63A0] =	vst v35  }
0x3ff: {  	[tilespmem:$0x6390] =	vst v5;
	v5 =	vld [tilespmem:$0x7590]  }
0x400: {  	[tilespmem:$0x6330] =	vst v8;
	v8 =	vld [tilespmem:$0x75E0]  }
0x401: {  	[tilespmem:$0x63B0] =	vst v4;
	v4 =	vld [tilespmem:$0x7600]  }
0x402: {  	v38 =	vld [tilespmem:$0x7610];
	[tilespmem:$0x63C0] =	vst v36  }
0x403: {  	v39 =	vld [tilespmem:$0x7650];
	[tilespmem:$0x6350] =	vst v37  }
0x404: {  	[tilespmem:$0x6340] =	vst v5;
	v5 =	vld [tilespmem:$0x7640]  }
0x405: {  	[tilespmem:$0x63D0] =	vst v8;
	v8 =	vld [tilespmem:$0x7620]  }
0x406: {  	[tilespmem:$0x6360] =	vst v4;
	v4 =	vld [tilespmem:$0x7660]  }
0x407: {  	v40 =	vld [tilespmem:$0x76C0];
	[tilespmem:$0x6370] =	vst v38  }
0x408: {  	v41 =	vld [tilespmem:$0x7690];
	[tilespmem:$0x63F0] =	vst v39  }
0x409: {  	[tilespmem:$0x63E0] =	vst v5;
	v5 =	vld [tilespmem:$0x7680]  }
0x40a: {  	[tilespmem:$0x6400] =	vst v8;
	v8 =	vld [tilespmem:$0x76D0]  }
0x40b: {  	[tilespmem:$0x6480] =	vst v4;
	v4 =	vld [tilespmem:$0x76A0]  }
0x40c: {  	v42 =	vld [tilespmem:$0x7700];
	[tilespmem:$0x6490] =	vst v40  }
0x40d: {  	v43 =	vld [tilespmem:$0x7740];
	[tilespmem:$0x6420] =	vst v41  }
0x40e: {  	[tilespmem:$0x6410] =	vst v5;
	v5 =	vld [tilespmem:$0x76E0]  }
0x40f: {  	[tilespmem:$0x64A0] =	vst v8;
	v8 =	vld [tilespmem:$0x7710]  }
0x410: {  	[tilespmem:$0x6430] =	vst v4;
	v4 =	vld [tilespmem:$0x7750]  }
0x411: {  	v44 =	vld [tilespmem:$0x7760];
	[tilespmem:$0x6440] =	vst v42  }
0x412: {  	v45 =	vld [tilespmem:$0x7780];
	[tilespmem:$0x64C0] =	vst v43  }
0x413: {  	[tilespmem:$0x64B0] =	vst v5;
	v5 =	vld [tilespmem:$0x7720]  }
0x414: {  	[tilespmem:$0x6450] =	vst v8;
	v8 =	vld [tilespmem:$0x77C0]  }
0x415: {  	[tilespmem:$0x64D0] =	vst v4;
	v4 =	vld [tilespmem:$0x7790]  }
0x416: {  	[tilespmem:$0x64E0] =	vst v44;
	v46 =	vld [tilespmem:$0x77A0]  }
0x417: {  	[tilespmem:$0x6470] =	vst v45;
	v47 =	vld [tilespmem:$0x77E0]  }
0x418: {  	[tilespmem:$0x6460] =	vst v5;
	v5 =	vld [tilespmem:$0x77D0]  }
0x419: {  	[tilespmem:$0x64F0] =	vst v8;
	v8 =	vld [tilespmem:$0x7800]  }
0x41a: {  	[tilespmem:$0x6500] =	vst v4;
	v4 =	vld [tilespmem:$0x7840]  }
0x41b: {  	v48 =	vld [tilespmem:$0x7850];
	[tilespmem:$0x6510] =	vst v46  }
0x41c: {  	v49 =	vld [tilespmem:$0x7820];
	[tilespmem:$0x6590] =	vst v47  }
0x41d: {  	[tilespmem:$0x6580] =	vst v5;
	v5 =	vld [tilespmem:$0x7810]  }
0x41e: {  	[tilespmem:$0x6520] =	vst v8;
	v8 =	vld [tilespmem:$0x7860]  }
0x41f: {  	[tilespmem:$0x65A0] =	vst v4;
	v4 =	vld [tilespmem:$0x7880]  }
0x420: {  	v50 =	vld [tilespmem:$0x7890];
	[tilespmem:$0x65B0] =	vst v48  }
0x421: {  	v51 =	vld [tilespmem:$0x78D0];
	[tilespmem:$0x6540] =	vst v49  }
0x422: {  	[tilespmem:$0x6530] =	vst v5;
	v5 =	vld [tilespmem:$0x78C0]  }
0x423: {  	[tilespmem:$0x65C0] =	vst v8;
	v8 =	vld [tilespmem:$0x78A0]  }
0x424: {  	[tilespmem:$0x6550] =	vst v4;
	v4 =	vld [tilespmem:$0x78E0]  }
0x425: {  	[tilespmem:$0x6560] =	vst v50  }
0x426: {  	[tilespmem:$0x65E0] =	vst v51  }
0x427: {  	[tilespmem:$0x65D0] =	vst v5  }
0x428: {  	[tilespmem:$0x6570] =	vst v8  }
0x429: {  	s1 =	simm.s32 $0x0;
	s18 =	sadd.s32 s7, s26;
	s28 =	simm.s32 $0xB980;
	[tilespmem:$0x65F0] =	vst v4  }
0x42a: {  	[tilespmem:s28], [sflag:$0x1] =	stream.linear.gather [hbm4b:s18+s1], $0x2000, $0x38;
	[tilespmem:$0x18300] =	vst v63  }
0x42b: {  	s5 =	sadd.s32 s8, s26;
	s10 =	simm.s32 $0xF980  }
0x42c: {  	[tilespmem:s10], [sflag:$0x1] =	stream.linear.gather [hbm4b:s5+s1], $0x2000, $0x38;
	[tilespmem:$0x18300] =	vst v63  }
0x42d: {  	s11 =	sadd.s32 s9, s26;
	s12 =	simm.s32 $0x13980  }
0x42e: {  	[tilespmem:s12], [sflag:$0x1] =	stream.linear.gather [hbm4b:s11+s1], $0x2000, $0x38;
	[tilespmem:$0x18300] =	vst v63  }
0x42f: {  	s17 =	sadd.s32 s7, s24;
	s18 =	simm.s32 $0xD980  }
0x430: {  	[tilespmem:s18], [sflag:$0x2] =	stream.linear.gather [hbm4b:s17+s1], $0x2000, $0x38;
	[tilespmem:$0x18300] =	vst v63  }
0x431: {  	s26 =	sadd.s32 s8, s24;
	s28 =	simm.s32 $0x11980  }
0x432: {  	[tilespmem:s28], [sflag:$0x2] =	stream.linear.gather [hbm4b:s26+s1], $0x2000, $0x38;
	[tilespmem:$0x18300] =	vst v63  }
0x433: {  	s5 =	sadd.s32 s9, s24;
	s10 =	simm.s32 $0x15980  }
0x434: {  	[tilespmem:s10], [sflag:$0x2] =	stream.linear.gather [hbm4b:s5+s1], $0x2000, $0x38;
	[tilespmem:$0x18300] =	vst v63  }
0x435: {  	_ =	swait.ge [sflag:s21], $0x2000  }
0x436: {  	[sflag:s21] =	ssyncset.done $0x0  }
0x437: {  	[sflag:s21] =	ssyncadd.s32 $0xFFFFE000  }
0x438: {  	_ =	swait.ge [sflag:s21], $0x2000  }
0x439: {  	[sflag:s21] =	ssyncset.done $0x0  }
0x43a: {  	s11 =	simm.s32 $0x0;
	s12 =	simm.s32 $0x0;
	[sflag:s21] =	ssyncadd.s32 $0xFFFFE000  }
0x43b: {  	s0 =	sand.u32 $0x1000, s11;
	s1 =	sand.u32 $0xC00, s1;
	_ =	swait.ge [sflag:s21], $0x2000  }
0x43c: {  	s17 =	sand.u32 $0x380, s12;
	s0 =	sor.u32 s1, s0;
	[sflag:s21] =	ssyncset.done $0x0  }
0x43d: {  	s0 =	sor.u32 s17, s0;
	[sflag:s21] =	ssyncadd.s32 $0xFFFFE000  }
0x43e: {  	v4 =	vld [tilespmem:s0+$0xB980]  }
0x43f: {  	v17 =	vld [tilespmem:s0+$0xB9F0]  }
0x440: {  	v13 =	vld [tilespmem:s0+$0xB9E0]  }
0x441: {  	v5 =	vld [tilespmem:s0+$0xB9D0]  }
0x442: {  	v52 =	vld [tilespmem:s0+$0xB9C0]  }
0x443: {  	v53 =	vld [tilespmem:s0+$0xB9B0]  }
0x444: {  	v16 =	vld [tilespmem:s0+$0xB990];
	_ =	sdelay $0x1  }
0x445: {  	v8 =	vtrunc.f32 v4;
	v15 =	vtrunc.f32 v17  }
0x446: {  	v9 =	vtrunc.f32 v13;
	v14 =	vtrunc.f32 v5  }
0x447: {  	v19 =	vtrunc.f32 v52;
	v20 =	vtrunc.f32 v53  }
0x448: {  	v24 =	vtrunc.f32 v16;
	v8 =	vcvt.f32.s32 v8  }
0x449: {  	v9 =	vcvt.f32.s32 v9;
	v14 =	vcvt.f32.s32 v14  }
0x44a: {  	v20 =	vcvt.f32.s32 v20;
	v18 =	vcvt.s32.f32 v8  }
0x44b: {  	v10 =	vld [tilespmem:s0+$0xB9A0];
	v19 =	vcvt.f32.s32 v19;
	v24 =	vcvt.f32.s32 v24  }
0x44c: {  	v21 =	vcvt.s32.f32 v14;
	v23 =	vcvt.s32.f32 v9;
	vm6 =	vgt.f32 v4, v18  }
0x44d: {  	v26 =	vcvt.s32.f32 v24;
	v28 =	vcvt.s32.f32 v19;
	v22 =	vsel vm6, $0x1, v11  }
0x44e: {  	vm7 =	vgt.f32 v5, v21;
	v4 =	vsub.f32 v4, v18;
	v8 =	vadd.s32 v8, v22  }
0x44f: {  	vm9 =	vgt.f32 v16, v26;
	v5 =	vsub.f32 v5, v21;
	v25 =	vshll.u32 v8, $0x1  }
0x450: {  	v22 =	vtrunc.f32 v10;
	v8 =	vand.u32 $0x7F, v8;
	v25 =	vand.u32 $0xFFFFFF00, v25  }
0x451: {  	vm8 =	vgt.f32 v13, v23;
	v22 =	vcvt.f32.s32 v22;
	v8 =	vor.u32 v8, v25  }
0x452: {  	v29 =	vsel vm7, $0x0, v1;
	v31 =	vsel vm7, $0x1, v11;
	v27 =	vor.u32 $0x80, v8  }
0x453: {  	v18 =	vsel vm6, $0x0, v1;
	v54 =	vsel vm9, $0x1, v11;
	v30 =	vcvt.s32.f32 v22  }
0x454: {  	vm6 =	vgt.f32 v52, v28;
	v4 =	vadd.f32 v18, v4;
	v24 =	vadd.s32 v24, v54  }
0x455: {  	v14 =	vadd.s32 v14, v31;
	v5 =	vadd.f32 v29, v5;
	vm10 =	vgt.f32 v10, v30  }
0x456: {  	v21 =	vshll.u32 v24, $0x1;
	v24 =	vand.u32 $0x7F, v24;
	v18 =	vsel vm10, $0x1, v11  }
0x457: {  	v31 =	vshll.u32 v14, $0x1;
	v21 =	vand.u32 $0xFFFFFF00, v21;
	v18 =	vadd.s32 v22, v18;
	v22 =	vld.idx.msk [tilespmem:v27+s3+$0x0], $0xffff  }
0x458: {  	v14 =	vand.u32 $0x7F, v14;
	v21 =	vor.u32 v24, v21;
	v27 =	vshll.u32 v18, $0x1  }
0x459: {  	v24 =	vor.u32 $0x80, v21;
	v8 =	vld.idx.msk [tilespmem:v8+s3+$0x0], $0xffff;
	v18 =	vand.u32 $0x7F, v18;
	v27 =	vand.u32 $0xFFFFFF00, v27  }
0x45a: {  	v31 =	vand.u32 $0xFFFFFF00, v31;
	v25 =	vcvt.s32.f32 v20;
	v18 =	vor.u32 v18, v27  }
0x45b: {  	v14 =	vor.u32 v14, v31;
	v31 =	vsub.f32 v52, v28;
	v27 =	vld [tilespmem:s0+$0x13980];
	v55 =	vor.u32 $0x80, v18  }
0x45c: {  	v28 =	vsel vm8, $0x1, v11;
	vm7 =	vgt.f32 v53, v25;
	v4 =	vmul.f32 v4, v22  }
0x45d: {  	v56 =	vor.u32 $0x80, v14;
	v10 =	vsub.f32 v10, v30;
	v30 =	vsel vm7, $0x1, v11;
	v22 =	vld [tilespmem:s0+$0xF980]  }
0x45e: {  	v57 =	vadd.s32 v20, v30;
	v4 =	vadd.f32 v4, v8;
	v8 =	vsub.f32 v16, v26;
	v16 =	vld.idx.msk [tilespmem:v24+s3+$0x0], $0xffff  }
0x45f: {  	s18 =	simm.s32 $0x80;
	s26 =	simm.s32 $0x400;
	v9 =	vadd.s32 v9, v28;
	v7 =	vsub.f32 v53, v25;
	v20 =	vld.idx.msk [tilespmem:v21+s3+$0x0], $0xffff;
	v21 =	vshll.u32 v57, $0x1  }
0x460: {  	s24 =	simm.s32 $0x20;
	s28 =	sand.u32 $0xC00, s26;
	s1 =	sand.u32 $0x1000, s18;
	v6 =	vand.u32 $0x7F, v57;
	v24 =	vsel vm9, $0x0, v1;
	v4 =	vmul.f32 v4, v27;
	v27 =	vld.idx.msk [tilespmem:v55+s3+$0x0], $0xffff  }
0x461: {  	s2 =	sand.u32 $0x380, s24;
	s1 =	sor.u32 s28, s1;
	v26 =	vsel vm10, $0x0, v1;
	v28 =	vld.idx.msk [tilespmem:v18+s3+$0x0], $0xffff;
	v18 =	vshll.u32 v9, $0x1;
	v8 =	vadd.f32 v24, v8  }
0x462: {  	s24 =	sor.u32 s2, s1;
	v9 =	vand.u32 $0x7F, v9;
	v10 =	vadd.f32 v26, v10;
	v4 =	vsub.f32 v22, v4;
	v22 =	vld.idx.msk [tilespmem:v56+s3+$0x0], $0xffff  }
0x463: {  	v25 =	vld [tilespmem:s24+$0xB9D0];
	v24 =	vsel vm6, $0x1, v11;
	v8 =	vmul.f32 v8, v16;
	v16 =	vand.u32 $0xFFFFFF00, v18  }
0x464: {  	v14 =	vld.idx.msk [tilespmem:v14+s3+$0x0], $0xffff;
	v19 =	vadd.s32 v19, v24;
	v4 =	vmul.f32 v4, v4;
	v18 =	vor.u32 v9, v16  }
0x465: {  	v24 =	vld [tilespmem:s0+$0x13990];
	v16 =	vand.u32 $0xFFFFFF00, v21;
	v8 =	vadd.f32 v8, v20;
	v10 =	vmul.f32 v10, v27  }
0x466: {  	v26 =	vld [tilespmem:s0+$0x139A0];
	v20 =	vshll.u32 v19, $0x1;
	v6 =	vor.u32 v6, v16;
	v19 =	vand.u32 $0x7F, v19  }
0x467: {  	v21 =	vld [tilespmem:s0+$0xF990];
	v20 =	vand.u32 $0xFFFFFF00, v20;
	v4 =	vadd.f32 v4, v12;
	v5 =	vmul.f32 v5, v22  }
0x468: {  	v9 =	vld [tilespmem:s0+$0xF9A0];
	v10 =	vadd.f32 v10, v28;
	v22 =	vsel vm7, $0x0, v1;
	v19 =	vor.u32 v19, v20  }
0x469: {  	v29 =	vld [tilespmem:s0+$0x139D0];
	v20 =	vsub.f32 v13, v23;
	v23 =	vcvt.f32.s32 v15;
	v15 =	vsel vm8, $0x0, v1  }
0x46a: {  	v8 =	vmul.f32 v8, v24;
	v24 =	vsel vm6, $0x0, v1;
	v7 =	vadd.f32 v22, v7  }
0x46b: {  	v16 =	vld [tilespmem:s0+$0xF9D0];
	v24 =	vadd.f32 v24, v31;
	v5 =	vadd.f32 v5, v14;
	v10 =	vmul.f32 v10, v26  }
0x46c: {  	v13 =	vld [tilespmem:s24+$0xB9F0];
	v27 =	vadd.f32 v15, v20;
	v20 =	vcvt.s32.f32 v23;
	v8 =	vsub.f32 v21, v8  }
0x46d: {  	v14 =	vld [tilespmem:s24+$0xB9E0];
	v21 =	vtrunc.f32 v25;
	v9 =	vsub.f32 v9, v10;
	v10 =	vor.u32 $0x80, v19  }
0x46e: {  	v26 =	vor.u32 $0x80, v6;
	v15 =	vld [tilespmem:s24+$0xB9B0];
	v58 =	vcvt.f32.s32 v21;
	v5 =	vmul.f32 v5, v29  }
0x46f: {  	v61 =	vld [tilespmem:s0+$0x139C0];
	vm6 =	vgt.f32 v17, v20;
	v20 =	vsub.f32 v17, v20;
	v8 =	vmul.f32 v8, v8  }
0x470: {  	v28 =	vld [tilespmem:s24+$0xB9C0];
	v30 =	vsel vm6, $0x0, v1;
	v21 =	vsel vm6, $0x1, v11;
	v62 =	vcvt.s32.f32 v58  }
0x471: {  	v29 =	vld [tilespmem:s24+$0xB980];
	v5 =	vsub.f32 v16, v5;
	v9 =	vmul.f32 v9, v9;
	v16 =	vtrunc.f32 v13  }
0x472: {  	v23 =	vadd.s32 v23, v21;
	v4 =	vadd.f32 v8, v4;
	v30 =	vadd.f32 v30, v20;
	v10 =	vld.idx.msk [tilespmem:v10+s3+$0x0], $0xffff  }
0x473: {  	v19 =	vld.idx.msk [tilespmem:v19+s3+$0x0], $0xffff;
	v17 =	vtrunc.f32 v14;
	v59 =	vtrunc.f32 v15;
	v21 =	vshll.u32 v23, $0x1  }
0x474: {  	vm6 =	vgt.f32 v25, v62;
	v5 =	vmul.f32 v5, v5;
	v22 =	vcvt.f32.s32 v17;
	v17 =	vld.idx.msk [tilespmem:v26+s3+$0x0], $0xffff  }
0x475: {  	v63 =	vld [tilespmem:s24+$0xB9A0];
	v25 =	vsub.f32 v25, v62;
	v26 =	vtrunc.f32 v28;
	v33 =	vcvt.f32.s32 v59  }
0x476: {  	v6 =	vld.idx.msk [tilespmem:v6+s3+$0x0], $0xffff;
	v45 =	vsel vm6, $0x0, v1;
	v4 =	vadd.f32 v9, v4;
	v12 =	vcvt.s32.f32 v22  }
0x477: {  	v44 =	vld [tilespmem:s24+$0xB990];
	v49 =	vsel vm6, $0x1, v11;
	v60 =	vtrunc.f32 v29;
	v10 =	vmul.f32 v24, v10  }
0x478: {  	v31 =	vld [tilespmem:s0+$0xF9C0];
	v25 =	vadd.f32 v45, v25;
	v9 =	vcvt.f32.s32 v60;
	vm8 =	vgt.f32 v14, v12  }
0x479: {  	v46 =	vld [tilespmem:s0+$0x139B0];
	v7 =	vmul.f32 v7, v17;
	v17 =	vcvt.s32.f32 v33;
	v8 =	vadd.f32 v10, v19  }
0x47a: {  	v24 =	vand.u32 $0xFFFFFF00, v21;
	v21 =	vcvt.f32.s32 v26;
	v26 =	vor.u32 $0x80, v18  }
0x47b: {  	v47 =	vld [tilespmem:s0+$0xF9B0];
	v6 =	vadd.f32 v7, v6;
	vm7 =	vgt.f32 v15, v17;
	v8 =	vmul.f32 v8, v61  }
0x47c: {  	v10 =	vcvt.s32.f32 v21;
	v19 =	vand.u32 $0x7F, v23;
	v23 =	vtrunc.f32 v63  }
0x47d: {  	v23 =	vcvt.f32.s32 v23;
	v8 =	vsub.f32 v31, v8;
	v31 =	vcvt.s32.f32 v9  }
0x47e: {  	v19 =	vor.u32 v19, v24;
	v24 =	vtrunc.f32 v44;
	v6 =	vmul.f32 v6, v46  }
0x47f: {  	v24 =	vcvt.f32.s32 v24;
	v48 =	vcvt.s32.f32 v23;
	vm6 =	vgt.f32 v29, v31  }
0x480: {  	v6 =	vsub.f32 v47, v6;
	v20 =	vsub.f32 v29, v31;
	v29 =	vsel vm6, $0x1, v11  }
0x481: {  	v50 =	vcvt.s32.f32 v24;
	v31 =	vsel vm6, $0x0, v1;
	v9 =	vadd.s32 v9, v29  }
0x482: {  	vm9 =	vgt.f32 v63, v48;
	v29 =	vadd.f32 v31, v20;
	v31 =	vshll.u32 v9, $0x1  }
0x483: {  	v6 =	vmul.f32 v6, v6;
	v9 =	vand.u32 $0x7F, v9;
	v31 =	vand.u32 $0xFFFFFF00, v31  }
0x484: {  	v7 =	vsub.f32 v63, v48;
	v8 =	vmul.f32 v8, v8;
	v9 =	vor.u32 v9, v31  }
0x485: {  	v54 =	vld [tilespmem:s0+$0x139E0];
	vm10 =	vgt.f32 v44, v50;
	v51 =	vsel vm9, $0x1, v11;
	v31 =	vor.u32 $0x80, v9  }
0x486: {  	v56 =	vld [tilespmem:s0+$0xF9E0];
	v52 =	vsel vm10, $0x1, v11;
	v4 =	vadd.f32 v6, v4;
	v20 =	vor.u32 $0x80, v19  }
0x487: {  	v26 =	vld.idx.msk [tilespmem:v26+s3+$0x0], $0xffff;
	v61 =	vsel vm9, $0x0, v1;
	v23 =	vadd.s32 v23, v51;
	v24 =	vadd.s32 v24, v52  }
0x488: {  	v19 =	vld.idx.msk [tilespmem:v19+s3+$0x0], $0xffff;
	v55 =	vand.u32 $0x7F, v24;
	v24 =	vshll.u32 v24, $0x1;
	v4 =	vadd.f32 v8, v4  }
0x489: {  	vm6 =	vgt.f32 v28, v10;
	v60 =	vsel vm10, $0x0, v1;
	v8 =	vld.idx.msk [tilespmem:v18+s3+$0x0], $0xffff;
	v18 =	vand.u32 $0xFFFFFF00, v24  }
0x48a: {  	v35 =	vshll.u32 v23, $0x1;
	v18 =	vor.u32 v55, v18;
	v4 =	vadd.f32 v5, v4;
	v5 =	vld.idx.msk [tilespmem:v31+s3+$0x0], $0xffff  }
0x48b: {  	v23 =	vand.u32 $0x7F, v23;
	v24 =	vand.u32 $0xFFFFFF00, v35;
	v53 =	vld.idx.msk [tilespmem:v20+s3+$0x0], $0xffff;
	v31 =	vor.u32 $0x80, v18  }
0x48c: {  	v7 =	vadd.f32 v61, v7;
	v26 =	vmul.f32 v27, v26;
	v23 =	vor.u32 v23, v24;
	v9 =	vld.idx.msk [tilespmem:v9+s3+$0x0], $0xffff  }
0x48d: {  	v27 =	vld [tilespmem:s0+$0x139F0];
	v24 =	vsub.f32 v44, v50;
	v20 =	vsub.f32 v28, v10;
	v10 =	vadd.s32 v58, v49  }
0x48e: {  	v57 =	vor.u32 $0x80, v23;
	v58 =	vld [tilespmem:s24+$0xF980];
	v28 =	vand.u32 $0x7F, v10;
	v10 =	vshll.u32 v10, $0x1  }
0x48f: {  	v8 =	vadd.f32 v26, v8;
	v26 =	vld [tilespmem:s24+$0x13980];
	v10 =	vand.u32 $0xFFFFFF00, v10;
	v5 =	vmul.f32 v29, v5  }
0x490: {  	v24 =	vadd.f32 v60, v24;
	v10 =	vor.u32 v28, v10;
	v6 =	vmul.f32 v30, v53;
	v31 =	vld.idx.msk [tilespmem:v31+s3+$0x0], $0xffff  }
0x491: {  	v8 =	vmul.f32 v8, v54;
	v59 =	vor.u32 $0x80, v10;
	v5 =	vadd.f32 v5, v9;
	v9 =	vld [tilespmem:s0+$0xF9F0]  }
0x492: {  	v62 =	vld.idx.msk [tilespmem:v18+s3+$0x0], $0xffff;
	v18 =	vsel vm8, $0x1, v11;
	v30 =	vsel vm7, $0x1, v11;
	v6 =	vadd.f32 v6, v19  }
0x493: {  	v34 =	vld.idx.msk [tilespmem:v57+s3+$0x0], $0xffff;
	v8 =	vsub.f32 v56, v8;
	v22 =	vadd.s32 v22, v18;
	v30 =	vadd.s32 v33, v30  }
0x494: {  	v18 =	vld [tilespmem:s24+$0x139D0];
	v63 =	vshll.u32 v22, $0x1;
	v6 =	vmul.f32 v6, v27;
	v5 =	vmul.f32 v5, v26  }
0x495: {  	v22 =	vand.u32 $0x7F, v22;
	v28 =	vshll.u32 v30, $0x1;
	v8 =	vmul.f32 v8, v8;
	v27 =	vld.idx.msk [tilespmem:v23+s3+$0x0], $0xffff  }
0x496: {  	v24 =	vmul.f32 v24, v31;
	v31 =	vld.idx.msk [tilespmem:v59+s3+$0x0], $0xffff;
	v5 =	vsub.f32 v58, v5;
	v6 =	vsub.f32 v9, v6  }
0x497: {  	v35 =	vand.u32 $0x7F, v30;
	v30 =	vld [tilespmem:s24+$0x139A0];
	v29 =	vsel vm6, $0x1, v11;
	v32 =	vadd.f32 v8, v4  }
0x498: {  	v26 =	vld.idx.msk [tilespmem:v10+s3+$0x0], $0xffff;
	v23 =	vmul.f32 v5, v5;
	v5 =	vand.u32 $0xFFFFFF00, v63;
	v33 =	vmul.f32 v6, v6  }
0x499: {  	v19 =	vld [tilespmem:s24+$0xF9A0];
	v34 =	vmul.f32 v7, v34;
	s0 =	simm.s32 $0x8;
	v24 =	vadd.f32 v24, v62;
	v22 =	vor.u32 v22, v5  }
.LBB2_11:
0x49a: {  	s0 =	sadd.s32 $0x8, s0;
	v4 =	vand.u32 $0xFFFFFF00, v28;
	v5 =	vld [tilespmem:s24+$0xF9C0];
	v6 =	vadd.s32 v21, v29;
	v7 =	vadd.f32 v33, v32  }
0x49b: {  	s26 =	sadd.s32 $0x400, s26;
	s1 =	sshll.u32 s0, $0x4;
	s2 =	sshll.u32 s0, $0x2;
	v8 =	vadd.f32 v34, v27;
	v9 =	vld [tilespmem:s24+$0x139C0];
	v10 =	vshll.u32 v6, $0x1;
	v21 =	vmul.f32 v25, v31  }
0x49c: {  	s5 =	sand.u32 $0xC00, s26;
	p0 =	slt.u32 s0, $0x1F8;
	v4 =	vor.u32 v35, v4;
	v6 =	vand.u32 $0x7F, v6;
	s1 =	sand.u32 $0x1000, s1;
	v10 =	vand.u32 $0xFFFFFF00, v10;
	v25 =	vld [tilespmem:s24+$0xF9D0]  }
0x49d: {  	v29 =	vsel vm7, $0x0, v1;
	s2 =	sand.u32 $0x380, s2;
	s1 =	sor.u32 s5, s1;
	v28 =	vld [tilespmem:s24+$0xF990];
	v8 =	vmul.f32 v8, v30;
	v21 =	vadd.f32 v21, v26  }
0x49e: {  	v17 =	vsub.f32 v15, v17;
	v6 =	vor.u32 v6, v10;
	v10 =	vsub.f32 v14, v12;
	s1 =	sor.u32 s2, s1;
	v30 =	vld [tilespmem:s24+$0x13990]  }
0x49f: {  	v12 =	vld [tilespmem:s1+$0xB9F0];
	v8 =	vsub.f32 v19, v8;
	v19 =	vor.u32 $0x80, v6;
	v15 =	vmul.f32 v21, v18  }
0x4a0: {  	v18 =	vsel vm8, $0x0, v1;
	v21 =	vcvt.f32.s32 v16;
	v14 =	vld [tilespmem:s1+$0xB9E0]  }
0x4a1: {  	v32 =	vor.u32 $0x80, v4;
	v27 =	vadd.f32 v18, v10;
	v31 =	vld [tilespmem:s1+$0xB9D0];
	v25 =	vsub.f32 v25, v15  }
0x4a2: {  	v8 =	vmul.f32 v8, v8;
	v10 =	vcvt.s32.f32 v21;
	v26 =	vld [tilespmem:s1+$0xB9C0]  }
0x4a3: {  	v17 =	vadd.f32 v29, v17;
	v29 =	vsel vm6, $0x0, v1;
	v15 =	vld [tilespmem:s1+$0xB9B0];
	v18 =	vmul.f32 v24, v30  }
0x4a4: {  	vm6 =	vgt.f32 v13, v10;
	v10 =	vsub.f32 v13, v10;
	v30 =	vld [tilespmem:s1+$0xB980];
	v16 =	vtrunc.f32 v12;
	v13 =	vmovc v12  }
0x4a5: {  	v34 =	vmul.f32 v25, v25;
	v12 =	vtrunc.f32 v14;
	v28 =	vsub.f32 v28, v18;
	v33 =	vld.idx.msk [tilespmem:v19+s3+$0x0], $0xffff  }
0x4a6: {  	v18 =	vtrunc.f32 v31;
	v24 =	vcvt.f32.s32 v12;
	v25 =	vld.idx.msk [tilespmem:v32+s3+$0x0], $0xffff;
	v32 =	vsel vm6, $0x0, v1  }
0x4a7: {  	v12 =	vsel vm6, $0x1, v11;
	v35 =	vtrunc.f32 v26;
	v36 =	vcvt.f32.s32 v18;
	v6 =	vld.idx.msk [tilespmem:v6+s3+$0x0], $0xffff  }
0x4a8: {  	v20 =	vadd.f32 v29, v20;
	v29 =	vadd.s32 v21, v12;
	v19 =	vld [tilespmem:s1+$0xF9A0];
	v18 =	vtrunc.f32 v15  }
0x4a9: {  	v21 =	vshll.u32 v29, $0x1;
	v37 =	vtrunc.f32 v30;
	v38 =	vcvt.f32.s32 v18;
	v18 =	vld [tilespmem:s1+$0x139D0]  }
0x4aa: {  	v7 =	vadd.f32 v23, v7;
	v23 =	vmul.f32 v28, v28;
	v39 =	vcvt.s32.f32 v36;
	v4 =	vld.idx.msk [tilespmem:v4+s3+$0x0], $0xffff  }
0x4ab: {  	v12 =	vcvt.s32.f32 v24;
	v20 =	vmul.f32 v20, v33;
	v33 =	vand.u32 $0xFFFFFF00, v21;
	v28 =	vld [tilespmem:s1+$0xB9A0]  }
0x4ac: {  	v41 =	vor.u32 $0x80, v22;
	v21 =	vcvt.f32.s32 v35;
	v35 =	vmul.f32 v17, v25;
	v40 =	vld [tilespmem:s1+$0xB990]  }
0x4ad: {  	v7 =	vadd.f32 v23, v7;
	vm6 =	vgt.f32 v31, v39;
	v6 =	vadd.f32 v20, v6  }
0x4ae: {  	v17 =	vcvt.s32.f32 v38;
	v23 =	vcvt.s32.f32 v21;
	v20 =	vand.u32 $0x7F, v29  }
0x4af: {  	v7 =	vadd.f32 v8, v7;
	v25 =	vsel vm6, $0x0, v1;
	v6 =	vmul.f32 v6, v9  }
0x4b0: {  	v8 =	vcvt.f32.s32 v37;
	v33 =	vor.u32 v20, v33;
	v9 =	vtrunc.f32 v28;
	v29 =	vld [tilespmem:s24+$0x139B0]  }
0x4b1: {  	v5 =	vsub.f32 v5, v6;
	v20 =	vtrunc.f32 v40;
	v9 =	vcvt.f32.s32 v9  }
0x4b2: {  	v4 =	vadd.f32 v35, v4;
	v6 =	vcvt.s32.f32 v8;
	v20 =	vcvt.f32.s32 v20;
	v37 =	vld [tilespmem:s24+$0xF9B0]  }
0x4b3: {  	v10 =	vadd.f32 v32, v10;
	v42 =	vsel vm6, $0x1, v11;
	v35 =	vcvt.s32.f32 v9  }
0x4b4: {  	vm6 =	vgt.f32 v30, v6;
	v6 =	vsub.f32 v30, v6;
	v5 =	vmul.f32 v5, v5  }
0x4b5: {  	v30 =	vsel vm6, $0x1, v11;
	v32 =	vsel vm6, $0x0, v1;
	v4 =	vmul.f32 v4, v29  }
0x4b6: {  	v8 =	vadd.s32 v8, v30;
	v6 =	vadd.f32 v32, v6;
	v29 =	vor.u32 $0x80, v33  }
0x4b7: {  	v30 =	vshll.u32 v8, $0x1;
	vm9 =	vgt.f32 v28, v35;
	v4 =	vsub.f32 v37, v4  }
0x4b8: {  	v32 =	vcvt.s32.f32 v20;
	v8 =	vand.u32 $0x7F, v8;
	v30 =	vand.u32 $0xFFFFFF00, v30  }
0x4b9: {  	v8 =	vor.u32 v8, v30;
	v37 =	vsub.f32 v31, v39;
	v4 =	vmul.f32 v4, v4  }
0x4ba: {  	vm10 =	vgt.f32 v40, v32;
	v31 =	vsel vm9, $0x1, v11;
	v30 =	vor.u32 $0x80, v8;
	v39 =	vld.idx.msk [tilespmem:v41+s3+$0x0], $0xffff  }
0x4bb: {  	v9 =	vadd.s32 v9, v31;
	v41 =	vsel vm10, $0x1, v11;
	v4 =	vadd.f32 v4, v7;
	v7 =	vld.idx.msk [tilespmem:v29+s3+$0x0], $0xffff  }
0x4bc: {  	v31 =	vshll.u32 v9, $0x1;
	v29 =	vadd.s32 v20, v41;
	v20 =	vsub.f32 v26, v23;
	v41 =	vld [tilespmem:s24+$0x139E0]  }
0x4bd: {  	v43 =	vand.u32 $0x7F, v29;
	v29 =	vshll.u32 v29, $0x1;
	v4 =	vadd.f32 v5, v4;
	v5 =	vld.idx.msk [tilespmem:v22+s3+$0x0], $0xffff  }
0x4be: {  	v35 =	vsub.f32 v28, v35;
	v28 =	vand.u32 $0xFFFFFF00, v31;
	v22 =	vand.u32 $0xFFFFFF00, v29;
	v31 =	vld.idx.msk [tilespmem:v33+s3+$0x0], $0xffff  }
0x4bf: {  	v9 =	vand.u32 $0x7F, v9;
	v22 =	vor.u32 v43, v22;
	v29 =	vld.idx.msk [tilespmem:v30+s3+$0x0], $0xffff;
	v4 =	vadd.f32 v34, v4  }
0x4c0: {  	vm7 =	vgt.f32 v15, v17;
	v9 =	vor.u32 v9, v28;
	v30 =	vor.u32 $0x80, v22;
	v8 =	vld.idx.msk [tilespmem:v8+s3+$0x0], $0xffff  }
0x4c1: {  	v32 =	vsub.f32 v40, v32;
	v27 =	vmul.f32 v27, v39;
	v7 =	vmul.f32 v10, v7;
	v33 =	vld [tilespmem:s24+$0x139F0]  }
0x4c2: {  	vm6 =	vgt.f32 v26, v23;
	v23 =	vadd.s32 v36, v42;
	v10 =	vsel vm7, $0x1, v11;
	v26 =	vld [tilespmem:s24+$0xF9E0]  }
0x4c3: {  	v28 =	vand.u32 $0x7F, v23;
	v23 =	vshll.u32 v23, $0x1;
	v5 =	vadd.f32 v27, v5;
	v34 =	vld [tilespmem:s1+$0x13980]  }
0x4c4: {  	v36 =	vor.u32 $0x80, v9;
	v23 =	vand.u32 $0xFFFFFF00, v23;
	v10 =	vadd.s32 v38, v10;
	v22 =	vld.idx.msk [tilespmem:v22+s3+$0x0], $0xffff  }
0x4c5: {  	v23 =	vor.u32 v28, v23;
	v6 =	vmul.f32 v6, v29;
	v5 =	vmul.f32 v5, v41;
	v38 =	vld [tilespmem:s1+$0xF980]  }
0x4c6: {  	v39 =	vor.u32 $0x80, v23;
	v28 =	vshll.u32 v10, $0x1;
	v29 =	vsel vm6, $0x1, v11;
	v30 =	vld.idx.msk [tilespmem:v30+s3+$0x0], $0xffff  }
0x4c7: {  	vm8 =	vgt.f32 v14, v12;
	v7 =	vadd.f32 v7, v31;
	v6 =	vadd.f32 v6, v8;
	v8 =	vld [tilespmem:s24+$0xF9F0];
	s24 =	smov.u32 s1  }
0x4c8: {  	v40 =	vsel vm9, $0x0, v1;
	v31 =	vsel vm10, $0x0, v1;
	v5 =	vsub.f32 v26, v5;
	v27 =	vld.idx.msk [tilespmem:v9+s3+$0x0], $0xffff  }
0x4c9: {  	v6 =	vmul.f32 v6, v34;
	v9 =	vadd.f32 v31, v32;
	v31 =	vsel vm8, $0x1, v11;
	v34 =	vld.idx.msk [tilespmem:v36+s3+$0x0], $0xffff  }
0x4ca: {  	v7 =	vmul.f32 v7, v33;
	v5 =	vmul.f32 v5, v5;
	v26 =	vld.idx.msk [tilespmem:v23+s3+$0x0], $0xffff;
	v23 =	vadd.s32 v24, v31  }
.Ltmp4:
0x4cb: {  	v36 =	vadd.f32 v40, v35;
	v6 =	vsub.f32 v38, v6;
	v31 =	vld.idx.msk [tilespmem:v39+s3+$0x0], $0xffff;
	v24 =	vshll.u32 v23, $0x1;
	(pc) =	sbr.rel @p0 .LBB2_11-.Ltmp4, $4  }
0x4cc: {  	v9 =	vmul.f32 v9, v30;
	v38 =	vand.u32 $0x7F, v23;
	v7 =	vsub.f32 v8, v7  }
0x4cd: {  	v35 =	vand.u32 $0x7F, v10;
	v23 =	vmul.f32 v6, v6;
	v6 =	vand.u32 $0xFFFFFF00, v24  }
0x4ce: {  	v32 =	vadd.f32 v5, v4;
	v24 =	vadd.f32 v9, v22;
	v30 =	vld [tilespmem:s24+$0x139A0];
	v33 =	vmul.f32 v7, v7  }
0x4cf: {  	v25 =	vadd.f32 v25, v37;
	v22 =	vor.u32 v38, v6;
	v34 =	vmul.f32 v36, v34  }
0x4d0: {  	v8 =	vld [tilespmem:s24+$0xF9C0]  }
0x4d1: {  	v10 =	vld [tilespmem:s24+$0x139C0]  }
0x4d2: {  	v4 =	vadd.s32 v21, v29;
	v21 =	vld [tilespmem:s24+$0xF9D0]  }
0x4d3: {  	v6 =	vcvt.f32.s32 v16;
	v29 =	vld [tilespmem:s24+$0xF990];
	v5 =	vshll.u32 v4, $0x1  }
0x4d4: {  	v37 =	vld [tilespmem:s24+$0x139B0];
	v4 =	vand.u32 $0x7F, v4;
	v5 =	vand.u32 $0xFFFFFF00, v5  }
0x4d5: {  	v38 =	vld [tilespmem:s24+$0xF9B0];
	v4 =	vor.u32 v4, v5;
	v5 =	vcvt.s32.f32 v6  }
0x4d6: {  	v7 =	vand.u32 $0xFFFFFF00, v28;
	v36 =	vor.u32 $0x80, v22;
	v39 =	vld [tilespmem:s24+$0x139E0]  }
0x4d7: {  	v22 =	vld.idx.msk [tilespmem:v22+s3+$0x0], $0xffff;
	v7 =	vor.u32 v35, v7;
	vm9 =	vgt.f32 v13, v5  }
0x4d8: {  	v15 =	vsub.f32 v15, v17;
	v55 =	vld [tilespmem:s24+$0x139F0];
	v17 =	vmul.f32 v25, v31;
	v28 =	vsel vm9, $0x1, v11  }
0x4d9: {  	v25 =	vsel vm7, $0x0, v1;
	v31 =	vld [tilespmem:s24+$0xF9E0];
	v16 =	vor.u32 $0x80, v7;
	v6 =	vadd.s32 v6, v28  }
0x4da: {  	v15 =	vadd.f32 v25, v15;
	v25 =	vld [tilespmem:s24+$0xF9F0];
	v9 =	vor.u32 $0x80, v4;
	v54 =	vshll.u32 v6, $0x1  }
0x4db: {  	v36 =	vld.idx.msk [tilespmem:v36+s3+$0x0], $0xffff;
	v6 =	vand.u32 $0x7F, v6;
	v35 =	vand.u32 $0xFFFFFF00, v54  }
0x4dc: {  	v7 =	vld.idx.msk [tilespmem:v7+s3+$0x0], $0xffff;
	v6 =	vor.u32 v6, v35  }
0x4dd: {  	v28 =	vld [tilespmem:s24+$0x13990];
	v35 =	vor.u32 $0x80, v6  }
0x4de: {  	v16 =	vld.idx.msk [tilespmem:v16+s3+$0x0], $0xffff  }
0x4df: {  	v9 =	vld.idx.msk [tilespmem:v9+s3+$0x0], $0xffff  }
0x4e0: {  	v27 =	vadd.f32 v34, v27;
	v4 =	vld.idx.msk [tilespmem:v4+s3+$0x0], $0xffff  }
0x4e1: {  	v32 =	vadd.f32 v33, v32;
	v17 =	vadd.f32 v17, v26;
	v26 =	vsel vm6, $0x0, v1;
	v6 =	vld.idx.msk [tilespmem:v6+s3+$0x0], $0xffff  }
0x4e2: {  	v12 =	vsub.f32 v14, v12;
	v27 =	vmul.f32 v27, v30;
	v14 =	vadd.f32 v26, v20;
	v35 =	vld.idx.msk [tilespmem:v35+s3+$0x0], $0xffff;
	_ =	swait.ge [sflag:s23], $0x2000  }
0x4e3: {  	v5 =	vsub.f32 v13, v5;
	v24 =	vmul.f32 v24, v28;
	v15 =	vmul.f32 v15, v16;
	[sflag:s23] =	ssyncset.done $0x0  }
0x4e4: {  	v13 =	vadd.f32 v23, v32;
	v16 =	vsub.f32 v19, v27;
	v9 =	vmul.f32 v14, v9;
	[sflag:s23] =	ssyncadd.s32 $0xFFFFE000  }
0x4e5: {  	v19 =	vsel vm8, $0x0, v1;
	v20 =	vsub.f32 v29, v24;
	v7 =	vadd.f32 v15, v7;
	_ =	swait.ge [sflag:s23], $0x2000  }
0x4e6: {  	s0 =	simm.s32 $0x0;
	v12 =	vadd.f32 v19, v12;
	v4 =	vadd.f32 v9, v4;
	[sflag:s23] =	ssyncset.done $0x0  }
0x4e7: {  	s1 =	simm.s32 $0x0;
	s2 =	simm.s32 $0x0;
	v15 =	vsel vm9, $0x0, v1;
	v14 =	vmul.f32 v20, v20;
	v7 =	vmul.f32 v7, v37;
	[sflag:s23] =	ssyncadd.s32 $0xFFFFE000  }
0x4e8: {  	s1 =	sand.u32 $0x1000, s1;
	s0 =	sand.u32 $0xC00, s0;
	v5 =	vadd.f32 v15, v5;
	v4 =	vmul.f32 v4, v10;
	v10 =	vmul.f32 v12, v36;
	_ =	swait.ge [sflag:s23], $0x2000  }
0x4e9: {  	s18 =	sand.u32 $0x380, s2;
	s0 =	sor.u32 s0, s1;
	v9 =	vmul.f32 v16, v16;
	v13 =	vadd.f32 v14, v13;
	v7 =	vsub.f32 v38, v7;
	[sflag:s23] =	ssyncset.done $0x0  }
0x4ea: {  	s0 =	sor.u32 s18, s0;
	v4 =	vsub.f32 v8, v4;
	v8 =	vadd.f32 v10, v22;
	v5 =	vmul.f32 v5, v35;
	[sflag:s23] =	ssyncadd.s32 $0xFFFFE000  }
0x4eb: {  	v12 =	vmul.f32 v17, v18;
	v9 =	vadd.f32 v9, v13;
	v56 =	vld [tilespmem:s0+$0xD980]  }
0x4ec: {  	v7 =	vmul.f32 v7, v7;
	v8 =	vmul.f32 v8, v39;
	v5 =	vadd.f32 v5, v6;
	v17 =	vld [tilespmem:s0+$0xD9F0]  }
0x4ed: {  	v10 =	vsub.f32 v21, v12;
	v4 =	vmul.f32 v4, v4;
	v12 =	vld [tilespmem:s0+$0xD9E0]  }
0x4ee: {  	v7 =	vadd.f32 v7, v9;
	v57 =	vsub.f32 v31, v8;
	v5 =	vmul.f32 v5, v55;
	v8 =	vld [tilespmem:s0+$0xD9D0]  }
0x4ef: {  	v9 =	vmul.f32 v10, v10;
	v10 =	vld [tilespmem:s0+$0xD9C0]  }
0x4f0: {  	v4 =	vadd.f32 v4, v7;
	v19 =	vld [tilespmem:s0+$0xD990];
	v5 =	vsub.f32 v25, v5;
	_ =	sdelay $0x1  }
0x4f1: {  	v13 =	vld [tilespmem:s0+$0xD9B0];
	v4 =	vadd.f32 v9, v4;
	v7 =	vmul.f32 v57, v57;
	v5 =	vmul.f32 v5, v5  }
0x4f2: {  	v9 =	vtrunc.f32 v56;
	v14 =	vtrunc.f32 v17  }
0x4f3: {  	v4 =	vadd.f32 v7, v4;
	v58 =	vtrunc.f32 v12;
	v18 =	vtrunc.f32 v8  }
0x4f4: {  	v59 =	vtrunc.f32 v10;
	v24 =	vtrunc.f32 v19  }
0x4f5: {  	v9 =	vcvt.f32.s32 v9;
	v16 =	vadd.f32 v5, v4;
	v4 =	vcvt.f32.s32 v58  }
0x4f6: {  	v5 =	vcvt.f32.s32 v18;
	v18 =	vtrunc.f32 v13  }
0x4f7: {  	v7 =	vcvt.f32.s32 v59;
	v20 =	vcvt.s32.f32 v9  }
0x4f8: {  	v15 =	vld [tilespmem:s0+$0xD9A0];
	v24 =	vcvt.f32.s32 v24;
	v18 =	vcvt.f32.s32 v18  }
0x4f9: {  	v21 =	vcvt.s32.f32 v5;
	v23 =	vcvt.s32.f32 v4;
	vm6 =	vgt.f32 v56, v20  }
0x4fa: {  	v26 =	vcvt.s32.f32 v24;
	v28 =	vcvt.s32.f32 v7;
	v22 =	vsel vm6, $0x1, v11  }
0x4fb: {  	vm7 =	vgt.f32 v8, v21;
	v6 =	vsub.f32 v56, v20;
	v9 =	vadd.s32 v9, v22  }
0x4fc: {  	vm9 =	vgt.f32 v19, v26;
	v8 =	vsub.f32 v8, v21;
	v25 =	vshll.u32 v9, $0x1  }
0x4fd: {  	v22 =	vtrunc.f32 v15;
	v9 =	vand.u32 $0x7F, v9;
	v25 =	vand.u32 $0xFFFFFF00, v25  }
0x4fe: {  	vm8 =	vgt.f32 v12, v23;
	v22 =	vcvt.f32.s32 v22;
	v9 =	vor.u32 v9, v25  }
0x4ff: {  	v29 =	vsel vm7, $0x0, v1;
	v31 =	vsel vm7, $0x1, v11;
	v27 =	vor.u32 $0x80, v9  }
0x500: {  	v20 =	vsel vm6, $0x0, v1;
	v60 =	vsel vm9, $0x1, v11;
	v30 =	vcvt.s32.f32 v22  }
0x501: {  	s26 =	simm.s32 $0x400;
	s24 =	simm.s32 $0x80;
	vm6 =	vgt.f32 v10, v28;
	v6 =	vadd.f32 v20, v6;
	v24 =	vadd.s32 v24, v60  }
0x502: {  	s28 =	simm.s32 $0x20;
	s5 =	sand.u32 $0xC00, s26;
	s1 =	sand.u32 $0x1000, s24;
	v5 =	vadd.s32 v5, v31;
	v8 =	vadd.f32 v29, v8;
	vm10 =	vgt.f32 v15, v30  }
0x503: {  	s2 =	sand.u32 $0x380, s28;
	s1 =	sor.u32 s5, s1;
	v21 =	vshll.u32 v24, $0x1;
	v24 =	vand.u32 $0x7F, v24;
	v20 =	vsel vm10, $0x1, v11  }
0x504: {  	s24 =	sor.u32 s2, s1;
	v31 =	vshll.u32 v5, $0x1;
	v21 =	vand.u32 $0xFFFFFF00, v21;
	v20 =	vadd.s32 v22, v20;
	v22 =	vld.idx.msk [tilespmem:v27+s3+$0x0], $0xffff  }
0x505: {  	v29 =	vld [tilespmem:s24+$0xD980];
	v5 =	vand.u32 $0x7F, v5;
	v21 =	vor.u32 v24, v21;
	v27 =	vshll.u32 v20, $0x1  }
0x506: {  	v24 =	vor.u32 $0x80, v21;
	v9 =	vld.idx.msk [tilespmem:v9+s3+$0x0], $0xffff;
	v20 =	vand.u32 $0x7F, v20;
	v27 =	vand.u32 $0xFFFFFF00, v27  }
0x507: {  	v31 =	vand.u32 $0xFFFFFF00, v31;
	v25 =	vcvt.s32.f32 v18;
	v20 =	vor.u32 v20, v27  }
0x508: {  	v5 =	vor.u32 v5, v31;
	v31 =	vsub.f32 v10, v28;
	v27 =	vld [tilespmem:s0+$0x15980];
	v61 =	vor.u32 $0x80, v20  }
0x509: {  	v28 =	vsel vm8, $0x1, v11;
	vm7 =	vgt.f32 v13, v25;
	v6 =	vmul.f32 v6, v22  }
0x50a: {  	v62 =	vor.u32 $0x80, v5;
	v15 =	vsub.f32 v15, v30;
	v30 =	vsel vm7, $0x1, v11;
	v22 =	vld [tilespmem:s0+$0x11980]  }
0x50b: {  	v42 =	vtrunc.f32 v29;
	v10 =	vadd.s32 v18, v30;
	v18 =	vld.idx.msk [tilespmem:v24+s3+$0x0], $0xffff;
	v6 =	vadd.f32 v6, v9  }
0x50c: {  	v4 =	vadd.s32 v4, v28;
	v49 =	vcvt.f32.s32 v42;
	v9 =	vsub.f32 v19, v26;
	v19 =	vld.idx.msk [tilespmem:v21+s3+$0x0], $0xffff  }
0x50d: {  	v24 =	vsel vm9, $0x0, v1;
	v21 =	vshll.u32 v10, $0x1;
	v6 =	vmul.f32 v6, v27;
	v27 =	vld.idx.msk [tilespmem:v61+s3+$0x0], $0xffff  }
0x50e: {  	v26 =	vsel vm10, $0x0, v1;
	v20 =	vld.idx.msk [tilespmem:v20+s3+$0x0], $0xffff;
	v10 =	vand.u32 $0x7F, v10;
	v9 =	vadd.f32 v24, v9  }
0x50f: {  	v15 =	vadd.f32 v26, v15;
	v26 =	vshll.u32 v4, $0x1;
	v6 =	vsub.f32 v22, v6;
	v22 =	vld.idx.msk [tilespmem:v62+s3+$0x0], $0xffff  }
0x510: {  	v5 =	vld.idx.msk [tilespmem:v5+s3+$0x0], $0xffff;
	v4 =	vand.u32 $0x7F, v4;
	v24 =	vsel vm6, $0x1, v11;
	v9 =	vmul.f32 v9, v18  }
0x511: {  	v7 =	vadd.s32 v7, v24;
	v24 =	vsub.f32 v13, v25;
	v18 =	vand.u32 $0xFFFFFF00, v26;
	v26 =	vld [tilespmem:s0+$0x159A0]  }
0x512: {  	v28 =	vld [tilespmem:s0+$0x159D0];
	v9 =	vadd.f32 v9, v19;
	v19 =	vand.u32 $0xFFFFFF00, v21;
	v15 =	vmul.f32 v15, v27  }
0x513: {  	v13 =	vld [tilespmem:s24+$0xD9E0];
	v18 =	vor.u32 v4, v18;
	v6 =	vmul.f32 v6, v6;
	v10 =	vor.u32 v10, v19  }
0x514: {  	v4 =	vld [tilespmem:s0+$0x119A0];
	v8 =	vmul.f32 v8, v22;
	v15 =	vadd.f32 v15, v20;
	v20 =	vshll.u32 v7, $0x1  }
0x515: {  	v19 =	vld [tilespmem:s0+$0x119D0];
	v6 =	vadd.f32 v6, v16;
	v7 =	vand.u32 $0x7F, v7;
	v20 =	vand.u32 $0xFFFFFF00, v20  }
0x516: {  	v22 =	vld [tilespmem:s0+$0x15990];
	v5 =	vadd.f32 v8, v5;
	v8 =	vmul.f32 v15, v26;
	v15 =	vsel vm7, $0x0, v1  }
0x517: {  	v7 =	vor.u32 v7, v20;
	v20 =	vsub.f32 v12, v23;
	v12 =	vld [tilespmem:s24+$0xD9F0];
	v23 =	vcvt.f32.s32 v14  }
0x518: {  	v25 =	vld [tilespmem:s24+$0xD9D0];
	v14 =	vsel vm8, $0x0, v1;
	v26 =	vor.u32 $0x80, v10;
	v5 =	vmul.f32 v5, v28  }
0x519: {  	v21 =	vld [tilespmem:s0+$0x11990];
	v24 =	vadd.f32 v15, v24;
	v4 =	vsub.f32 v4, v8;
	v8 =	vor.u32 $0x80, v7  }
0x51a: {  	v27 =	vld [tilespmem:s24+$0xD9C0];
	v28 =	vsel vm6, $0x0, v1;
	v5 =	vsub.f32 v19, v5;
	v19 =	vcvt.s32.f32 v23  }
0x51b: {  	v20 =	vadd.f32 v14, v20;
	v14 =	vld [tilespmem:s24+$0xD9B0];
	v9 =	vmul.f32 v9, v22;
	v28 =	vadd.f32 v28, v31  }
0x51c: {  	v4 =	vmul.f32 v4, v4;
	v15 =	vtrunc.f32 v12;
	vm6 =	vgt.f32 v17, v19  }
0x51d: {  	v30 =	vsub.f32 v17, v19;
	v17 =	vtrunc.f32 v13;
	v5 =	vmul.f32 v5, v5  }
0x51e: {  	v45 =	vld [tilespmem:s24+$0xD9A0];
	v9 =	vsub.f32 v21, v9;
	v19 =	vtrunc.f32 v25;
	v22 =	vcvt.f32.s32 v17  }
0x51f: {  	v21 =	vsel vm6, $0x0, v1;
	v17 =	vld.idx.msk [tilespmem:v26+s3+$0x0], $0xffff;
	v26 =	vtrunc.f32 v27;
	v63 =	vcvt.f32.s32 v19  }
0x520: {  	v8 =	vld.idx.msk [tilespmem:v8+s3+$0x0], $0xffff;
	v19 =	vsel vm6, $0x1, v11;
	v41 =	vtrunc.f32 v14;
	v9 =	vmul.f32 v9, v9  }
0x521: {  	v23 =	vadd.s32 v23, v19;
	v33 =	vcvt.f32.s32 v41;
	v30 =	vadd.f32 v21, v30  }
0x522: {  	v7 =	vld.idx.msk [tilespmem:v7+s3+$0x0], $0xffff;
	v19 =	vshll.u32 v23, $0x1;
	v44 =	vcvt.s32.f32 v63;
	v6 =	vadd.f32 v9, v6  }
0x523: {  	v43 =	vld [tilespmem:s0+$0x159C0];
	v16 =	vcvt.s32.f32 v22;
	v9 =	vand.u32 $0x7F, v23;
	v23 =	vtrunc.f32 v45  }
0x524: {  	v46 =	vld [tilespmem:s24+$0xD990];
	v23 =	vcvt.f32.s32 v23;
	vm6 =	vgt.f32 v25, v44;
	v4 =	vadd.f32 v4, v6  }
0x525: {  	v10 =	vld.idx.msk [tilespmem:v10+s3+$0x0], $0xffff;
	v25 =	vsub.f32 v25, v44;
	vm8 =	vgt.f32 v13, v16;
	v8 =	vmul.f32 v28, v8  }
0x526: {  	v31 =	vld [tilespmem:s0+$0x119C0];
	v28 =	vand.u32 $0xFFFFFF00, v19;
	v19 =	vcvt.f32.s32 v26;
	v24 =	vmul.f32 v24, v17  }
0x527: {  	v50 =	vld [tilespmem:s0+$0x159B0];
	v26 =	vor.u32 $0x80, v18;
	v17 =	vcvt.s32.f32 v33;
	v7 =	vadd.f32 v8, v7  }
0x528: {  	v47 =	vsel vm6, $0x0, v1;
	v40 =	vsel vm6, $0x1, v11;
	v9 =	vor.u32 v9, v28  }
0x529: {  	v28 =	vtrunc.f32 v46;
	v25 =	vadd.f32 v47, v25;
	v48 =	vmul.f32 v7, v43  }
0x52a: {  	v51 =	vld [tilespmem:s0+$0x119B0];
	v8 =	vcvt.s32.f32 v19;
	v10 =	vadd.f32 v24, v10;
	v24 =	vcvt.s32.f32 v23  }
0x52b: {  	v28 =	vcvt.f32.s32 v28;
	v6 =	vsub.f32 v31, v48;
	v31 =	vcvt.s32.f32 v49  }
0x52c: {  	vm7 =	vgt.f32 v14, v17;
	v10 =	vmul.f32 v10, v50;
	vm9 =	vgt.f32 v45, v24  }
0x52d: {  	v52 =	vcvt.s32.f32 v28;
	v24 =	vsub.f32 v45, v24;
	vm6 =	vgt.f32 v29, v31  }
0x52e: {  	v53 =	vsel vm9, $0x1, v11;
	v21 =	vsub.f32 v29, v31;
	v29 =	vsel vm6, $0x1, v11  }
0x52f: {  	v10 =	vsub.f32 v51, v10;
	v31 =	vsel vm6, $0x0, v1;
	v7 =	vadd.s32 v49, v29  }
0x530: {  	vm10 =	vgt.f32 v46, v52;
	v29 =	vadd.f32 v31, v21;
	v31 =	vshll.u32 v7, $0x1  }
0x531: {  	v23 =	vadd.s32 v23, v53;
	v7 =	vand.u32 $0x7F, v7;
	v31 =	vand.u32 $0xFFFFFF00, v31  }
0x532: {  	v26 =	vld.idx.msk [tilespmem:v26+s3+$0x0], $0xffff;
	v10 =	vmul.f32 v10, v10;
	v21 =	vor.u32 $0x80, v9;
	v7 =	vor.u32 v7, v31  }
0x533: {  	v55 =	vld [tilespmem:s0+$0x159E0];
	v34 =	vsub.f32 v46, v52;
	v54 =	vsel vm10, $0x1, v11;
	v31 =	vor.u32 $0x80, v7  }
0x534: {  	v56 =	vld.idx.msk [tilespmem:v18+s3+$0x0], $0xffff;
	v6 =	vmul.f32 v6, v6;
	v28 =	vadd.s32 v28, v54;
	v4 =	vadd.f32 v10, v4  }
0x535: {  	v57 =	vld [tilespmem:s24+$0x15980];
	v35 =	vshll.u32 v23, $0x1;
	v23 =	vand.u32 $0x7F, v23;
	v41 =	vand.u32 $0x7F, v28  }
0x536: {  	v59 =	vld [tilespmem:s24+$0x11980];
	v28 =	vshll.u32 v28, $0x1;
	vm6 =	vgt.f32 v27, v8;
	v4 =	vadd.f32 v6, v4  }
0x537: {  	v18 =	vand.u32 $0xFFFFFF00, v28;
	v28 =	vand.u32 $0xFFFFFF00, v35;
	v20 =	vmul.f32 v20, v26;
	v10 =	vld.idx.msk [tilespmem:v21+s3+$0x0], $0xffff  }
0x538: {  	v18 =	vor.u32 v41, v18;
	v23 =	vor.u32 v23, v28;
	v4 =	vadd.f32 v5, v4;
	v5 =	vld.idx.msk [tilespmem:v31+s3+$0x0], $0xffff  }
0x539: {  	v9 =	vld.idx.msk [tilespmem:v9+s3+$0x0], $0xffff;
	v28 =	vsel vm7, $0x1, v11;
	v6 =	vadd.f32 v20, v56;
	v58 =	vor.u32 $0x80, v23  }
0x53a: {  	v21 =	vsub.f32 v27, v8;
	v8 =	vadd.s32 v63, v40;
	v7 =	vld.idx.msk [tilespmem:v7+s3+$0x0], $0xffff;
	v31 =	vor.u32 $0x80, v18  }
0x53b: {  	v26 =	vld [tilespmem:s0+$0x159F0];
	v33 =	vadd.s32 v33, v28;
	v27 =	vand.u32 $0x7F, v8;
	v8 =	vshll.u32 v8, $0x1  }
0x53c: {  	v28 =	vshll.u32 v33, $0x1;
	v8 =	vand.u32 $0xFFFFFF00, v8;
	v10 =	vmul.f32 v30, v10;
	v30 =	vld [tilespmem:s0+$0x119E0]  }
0x53d: {  	v61 =	vld [tilespmem:s0+$0x119F0];
	v6 =	vmul.f32 v6, v55;
	v8 =	vor.u32 v27, v8;
	v5 =	vmul.f32 v29, v5  }
0x53e: {  	v62 =	vld.idx.msk [tilespmem:v18+s3+$0x0], $0xffff;
	v27 =	vsel vm6, $0x1, v11;
	v60 =	vor.u32 $0x80, v8;
	v9 =	vadd.f32 v10, v9  }
0x53f: {  	v18 =	vsel vm8, $0x1, v11;
	v10 =	vsel vm10, $0x0, v1;
	v31 =	vld.idx.msk [tilespmem:v31+s3+$0x0], $0xffff;
	v5 =	vadd.f32 v5, v7  }
0x540: {  	v20 =	vld [tilespmem:s24+$0x119A0];
	v22 =	vadd.s32 v22, v18;
	v10 =	vadd.f32 v10, v34;
	v9 =	vmul.f32 v9, v26  }
0x541: {  	v35 =	vld.idx.msk [tilespmem:v58+s3+$0x0], $0xffff;
	v29 =	vsel vm9, $0x0, v1;
	v6 =	vsub.f32 v30, v6;
	v5 =	vmul.f32 v5, v57  }
0x542: {  	v34 =	vand.u32 $0x7F, v33;
	v63 =	vadd.f32 v29, v24;
	v29 =	vld.idx.msk [tilespmem:v23+s3+$0x0], $0xffff;
	v7 =	vsub.f32 v61, v9  }
0x543: {  	v24 =	vshll.u32 v22, $0x1;
	v30 =	vld.idx.msk [tilespmem:v60+s3+$0x0], $0xffff;
	v6 =	vmul.f32 v6, v6;
	v5 =	vsub.f32 v59, v5  }
0x544: {  	v26 =	vld.idx.msk [tilespmem:v8+s3+$0x0], $0xffff;
	v22 =	vand.u32 $0x7F, v22;
	v33 =	vmul.f32 v7, v7;
	v10 =	vmul.f32 v10, v31  }
0x545: {  	v32 =	vadd.f32 v6, v4;
	v31 =	vld [tilespmem:s24+$0x159A0];
	v23 =	vmul.f32 v5, v5;
	v5 =	vand.u32 $0xFFFFFF00, v24  }
0x546: {  	v18 =	vld [tilespmem:s24+$0x159D0];
	s0 =	simm.s32 $0x8;
	v35 =	vmul.f32 v63, v35;
	v24 =	vadd.f32 v10, v62;
	v22 =	vor.u32 v22, v5  }
.LBB2_13:
0x547: {  	s0 =	sadd.s32 $0x8, s0;
	v4 =	vand.u32 $0xFFFFFF00, v28;
	v5 =	vld [tilespmem:s24+$0x119C0];
	v6 =	vadd.s32 v19, v27;
	v7 =	vadd.f32 v33, v32  }
0x548: {  	s26 =	sadd.s32 $0x400, s26;
	s1 =	sshll.u32 s0, $0x4;
	s2 =	sshll.u32 s0, $0x2;
	v8 =	vadd.f32 v35, v29;
	v9 =	vld [tilespmem:s24+$0x159C0];
	v10 =	vshll.u32 v6, $0x1;
	v19 =	vmul.f32 v25, v30  }
0x549: {  	s5 =	sand.u32 $0xC00, s26;
	p0 =	slt.u32 s0, $0x1F8;
	v4 =	vor.u32 v34, v4;
	v6 =	vand.u32 $0x7F, v6;
	s1 =	sand.u32 $0x1000, s1;
	v10 =	vand.u32 $0xFFFFFF00, v10;
	v25 =	vld [tilespmem:s24+$0x119D0]  }
0x54a: {  	v29 =	vsel vm7, $0x0, v1;
	s2 =	sand.u32 $0x380, s2;
	s1 =	sor.u32 s5, s1;
	v28 =	vld [tilespmem:s24+$0x11990];
	v8 =	vmul.f32 v8, v31;
	v19 =	vadd.f32 v19, v26  }
0x54b: {  	v17 =	vsub.f32 v14, v17;
	v6 =	vor.u32 v6, v10;
	v10 =	vsub.f32 v13, v16;
	s1 =	sor.u32 s2, s1;
	v30 =	vld [tilespmem:s24+$0x15990]  }
0x54c: {  	v16 =	vld [tilespmem:s1+$0xD9F0];
	v8 =	vsub.f32 v20, v8;
	v20 =	vor.u32 $0x80, v6;
	v14 =	vmul.f32 v19, v18  }
0x54d: {  	v18 =	vsel vm8, $0x0, v1;
	v19 =	vcvt.f32.s32 v15;
	v13 =	vld [tilespmem:s1+$0xD9E0]  }
0x54e: {  	v32 =	vor.u32 $0x80, v4;
	v27 =	vadd.f32 v18, v10;
	v31 =	vld [tilespmem:s1+$0xD9D0];
	v25 =	vsub.f32 v25, v14  }
0x54f: {  	v8 =	vmul.f32 v8, v8;
	v10 =	vcvt.s32.f32 v19;
	v26 =	vld [tilespmem:s1+$0xD9C0]  }
0x550: {  	v17 =	vadd.f32 v29, v17;
	v29 =	vsel vm6, $0x0, v1;
	v14 =	vld [tilespmem:s1+$0xD9B0];
	v18 =	vmul.f32 v24, v30  }
0x551: {  	vm6 =	vgt.f32 v12, v10;
	v10 =	vsub.f32 v12, v10;
	v30 =	vld [tilespmem:s1+$0xD980];
	v15 =	vtrunc.f32 v16;
	v12 =	vmovc v16  }
0x552: {  	v34 =	vmul.f32 v25, v25;
	v16 =	vtrunc.f32 v13;
	v28 =	vsub.f32 v28, v18;
	v33 =	vld.idx.msk [tilespmem:v20+s3+$0x0], $0xffff  }
0x553: {  	v18 =	vtrunc.f32 v31;
	v24 =	vcvt.f32.s32 v16;
	v25 =	vld.idx.msk [tilespmem:v32+s3+$0x0], $0xffff;
	v32 =	vsel vm6, $0x0, v1  }
0x554: {  	v16 =	vsel vm6, $0x1, v11;
	v35 =	vtrunc.f32 v26;
	v36 =	vcvt.f32.s32 v18;
	v6 =	vld.idx.msk [tilespmem:v6+s3+$0x0], $0xffff  }
0x555: {  	v21 =	vadd.f32 v29, v21;
	v29 =	vadd.s32 v19, v16;
	v20 =	vld [tilespmem:s1+$0x119A0];
	v18 =	vtrunc.f32 v14  }
0x556: {  	v19 =	vshll.u32 v29, $0x1;
	v37 =	vtrunc.f32 v30;
	v38 =	vcvt.f32.s32 v18;
	v18 =	vld [tilespmem:s1+$0x159D0]  }
0x557: {  	v7 =	vadd.f32 v23, v7;
	v23 =	vmul.f32 v28, v28;
	v39 =	vcvt.s32.f32 v36;
	v4 =	vld.idx.msk [tilespmem:v4+s3+$0x0], $0xffff  }
0x558: {  	v16 =	vcvt.s32.f32 v24;
	v21 =	vmul.f32 v21, v33;
	v33 =	vand.u32 $0xFFFFFF00, v19;
	v28 =	vld [tilespmem:s1+$0xD9A0]  }
0x559: {  	v41 =	vor.u32 $0x80, v22;
	v19 =	vcvt.f32.s32 v35;
	v35 =	vmul.f32 v17, v25;
	v40 =	vld [tilespmem:s1+$0xD990]  }
0x55a: {  	v7 =	vadd.f32 v23, v7;
	vm6 =	vgt.f32 v31, v39;
	v6 =	vadd.f32 v21, v6  }
0x55b: {  	v17 =	vcvt.s32.f32 v38;
	v23 =	vcvt.s32.f32 v19;
	v21 =	vand.u32 $0x7F, v29  }
0x55c: {  	v7 =	vadd.f32 v8, v7;
	v25 =	vsel vm6, $0x0, v1;
	v6 =	vmul.f32 v6, v9  }
0x55d: {  	v8 =	vcvt.f32.s32 v37;
	v33 =	vor.u32 v21, v33;
	v9 =	vtrunc.f32 v28;
	v29 =	vld [tilespmem:s24+$0x159B0]  }
0x55e: {  	v5 =	vsub.f32 v5, v6;
	v21 =	vtrunc.f32 v40;
	v9 =	vcvt.f32.s32 v9  }
0x55f: {  	v4 =	vadd.f32 v35, v4;
	v6 =	vcvt.s32.f32 v8;
	v21 =	vcvt.f32.s32 v21;
	v37 =	vld [tilespmem:s24+$0x119B0]  }
0x560: {  	v10 =	vadd.f32 v32, v10;
	v42 =	vsel vm6, $0x1, v11;
	v35 =	vcvt.s32.f32 v9  }
0x561: {  	vm6 =	vgt.f32 v30, v6;
	v6 =	vsub.f32 v30, v6;
	v5 =	vmul.f32 v5, v5  }
0x562: {  	v30 =	vsel vm6, $0x1, v11;
	v32 =	vsel vm6, $0x0, v1;
	v4 =	vmul.f32 v4, v29  }
0x563: {  	v8 =	vadd.s32 v8, v30;
	v6 =	vadd.f32 v32, v6;
	v29 =	vor.u32 $0x80, v33  }
0x564: {  	v30 =	vshll.u32 v8, $0x1;
	vm9 =	vgt.f32 v28, v35;
	v4 =	vsub.f32 v37, v4  }
0x565: {  	v32 =	vcvt.s32.f32 v21;
	v8 =	vand.u32 $0x7F, v8;
	v30 =	vand.u32 $0xFFFFFF00, v30  }
0x566: {  	v8 =	vor.u32 v8, v30;
	v37 =	vsub.f32 v31, v39;
	v4 =	vmul.f32 v4, v4  }
0x567: {  	vm10 =	vgt.f32 v40, v32;
	v31 =	vsel vm9, $0x1, v11;
	v30 =	vor.u32 $0x80, v8;
	v39 =	vld.idx.msk [tilespmem:v41+s3+$0x0], $0xffff  }
0x568: {  	v9 =	vadd.s32 v9, v31;
	v41 =	vsel vm10, $0x1, v11;
	v4 =	vadd.f32 v4, v7;
	v7 =	vld.idx.msk [tilespmem:v29+s3+$0x0], $0xffff  }
0x569: {  	v31 =	vshll.u32 v9, $0x1;
	v29 =	vadd.s32 v21, v41;
	v21 =	vsub.f32 v26, v23;
	v41 =	vld [tilespmem:s24+$0x159E0]  }
0x56a: {  	v43 =	vand.u32 $0x7F, v29;
	v29 =	vshll.u32 v29, $0x1;
	v4 =	vadd.f32 v5, v4;
	v5 =	vld.idx.msk [tilespmem:v22+s3+$0x0], $0xffff  }
0x56b: {  	v35 =	vsub.f32 v28, v35;
	v28 =	vand.u32 $0xFFFFFF00, v31;
	v22 =	vand.u32 $0xFFFFFF00, v29;
	v29 =	vld.idx.msk [tilespmem:v33+s3+$0x0], $0xffff  }
0x56c: {  	v9 =	vand.u32 $0x7F, v9;
	v22 =	vor.u32 v43, v22;
	v30 =	vld.idx.msk [tilespmem:v30+s3+$0x0], $0xffff;
	v4 =	vadd.f32 v34, v4  }
0x56d: {  	vm7 =	vgt.f32 v14, v17;
	v9 =	vor.u32 v9, v28;
	v31 =	vor.u32 $0x80, v22;
	v8 =	vld.idx.msk [tilespmem:v8+s3+$0x0], $0xffff  }
0x56e: {  	v32 =	vsub.f32 v40, v32;
	v27 =	vmul.f32 v27, v39;
	v7 =	vmul.f32 v10, v7;
	v33 =	vld [tilespmem:s24+$0x159F0]  }
0x56f: {  	vm6 =	vgt.f32 v26, v23;
	v23 =	vadd.s32 v36, v42;
	v10 =	vsel vm7, $0x1, v11;
	v26 =	vld [tilespmem:s24+$0x119E0]  }
0x570: {  	v28 =	vand.u32 $0x7F, v23;
	v23 =	vshll.u32 v23, $0x1;
	v5 =	vadd.f32 v27, v5;
	v34 =	vld [tilespmem:s1+$0x15980]  }
0x571: {  	v36 =	vor.u32 $0x80, v9;
	v23 =	vand.u32 $0xFFFFFF00, v23;
	v10 =	vadd.s32 v38, v10;
	v22 =	vld.idx.msk [tilespmem:v22+s3+$0x0], $0xffff  }
0x572: {  	v23 =	vor.u32 v28, v23;
	v6 =	vmul.f32 v6, v30;
	v5 =	vmul.f32 v5, v41;
	v38 =	vld [tilespmem:s1+$0x11980]  }
0x573: {  	v28 =	vshll.u32 v10, $0x1;
	v27 =	vsel vm6, $0x1, v11;
	v30 =	vor.u32 $0x80, v23;
	v31 =	vld.idx.msk [tilespmem:v31+s3+$0x0], $0xffff  }
0x574: {  	vm8 =	vgt.f32 v13, v16;
	v7 =	vadd.f32 v7, v29;
	v6 =	vadd.f32 v6, v8;
	v8 =	vld [tilespmem:s24+$0x119F0];
	s24 =	smov.u32 s1  }
0x575: {  	v40 =	vsel vm9, $0x0, v1;
	v39 =	vsel vm10, $0x0, v1;
	v5 =	vsub.f32 v26, v5;
	v29 =	vld.idx.msk [tilespmem:v9+s3+$0x0], $0xffff  }
0x576: {  	v6 =	vmul.f32 v6, v34;
	v9 =	vadd.f32 v39, v32;
	v32 =	vsel vm8, $0x1, v11;
	v36 =	vld.idx.msk [tilespmem:v36+s3+$0x0], $0xffff  }
0x577: {  	v7 =	vmul.f32 v7, v33;
	v5 =	vmul.f32 v5, v5;
	v26 =	vld.idx.msk [tilespmem:v23+s3+$0x0], $0xffff;
	v23 =	vadd.s32 v24, v32  }
.Ltmp5:
0x578: {  	v35 =	vadd.f32 v40, v35;
	v6 =	vsub.f32 v38, v6;
	v30 =	vld.idx.msk [tilespmem:v30+s3+$0x0], $0xffff;
	v24 =	vshll.u32 v23, $0x1;
	(pc) =	sbr.rel @p0 .LBB2_13-.Ltmp5, $4  }
0x579: {  	v9 =	vmul.f32 v9, v31;
	v38 =	vand.u32 $0x7F, v23;
	v7 =	vsub.f32 v8, v7  }
0x57a: {  	v34 =	vand.u32 $0x7F, v10;
	v23 =	vmul.f32 v6, v6;
	v6 =	vand.u32 $0xFFFFFF00, v24  }
0x57b: {  	v32 =	vadd.f32 v5, v4;
	v24 =	vadd.f32 v9, v22;
	v31 =	vld [tilespmem:s24+$0x159A0];
	v33 =	vmul.f32 v7, v7  }
0x57c: {  	v25 =	vadd.f32 v25, v37;
	v22 =	vor.u32 v38, v6;
	v35 =	vmul.f32 v35, v36  }
0x57d: {  	v4 =	vand.u32 $0xFFFFFF00, v28;
	v5 =	vadd.s32 v19, v27;
	v6 =	vcvt.f32.s32 v15  }
0x57e: {  	v7 =	vshll.u32 v5, $0x1;
	v4 =	vor.u32 v34, v4  }
0x57f: {  	v5 =	vand.u32 $0x7F, v5;
	v7 =	vand.u32 $0xFFFFFF00, v7;
	v8 =	vcvt.s32.f32 v6  }
0x580: {  	v9 =	vld [tilespmem:s24+$0x119C0];
	v46 =	vor.u32 $0x80, v4;
	v5 =	vor.u32 v5, v7  }
0x581: {  	v10 =	vld [tilespmem:s24+$0x159C0];
	v15 =	vor.u32 $0x80, v5;
	vm9 =	vgt.f32 v12, v8  }
0x582: {  	v47 =	vld [tilespmem:s24+$0x119D0];
	v48 =	vsel vm9, $0x1, v11  }
0x583: {  	v49 =	vld [tilespmem:s24+$0x11990];
	v6 =	vadd.s32 v6, v48  }
0x584: {  	v50 =	vsel vm7, $0x0, v1;
	v51 =	vld [tilespmem:s24+$0x15990];
	v36 =	vshll.u32 v6, $0x1  }
0x585: {  	v53 =	vor.u32 $0x80, v22;
	v7 =	vld.idx.msk [tilespmem:v46+s3+$0x0], $0xffff;
	v6 =	vand.u32 $0x7F, v6;
	v52 =	vand.u32 $0xFFFFFF00, v36  }
0x586: {  	v14 =	vsub.f32 v14, v17;
	v32 =	vadd.f32 v33, v32;
	v15 =	vld.idx.msk [tilespmem:v15+s3+$0x0], $0xffff;
	v6 =	vor.u32 v6, v52  }
0x587: {  	v55 =	vsel vm6, $0x0, v1;
	v13 =	vsub.f32 v13, v16;
	v4 =	vld.idx.msk [tilespmem:v4+s3+$0x0], $0xffff;
	v54 =	vor.u32 $0x80, v6  }
0x588: {  	v58 =	vsel vm8, $0x0, v1;
	v29 =	vadd.f32 v35, v29;
	v14 =	vadd.f32 v50, v14;
	v5 =	vld.idx.msk [tilespmem:v5+s3+$0x0], $0xffff  }
0x589: {  	v56 =	vld [tilespmem:s24+$0x159B0];
	v25 =	vmul.f32 v25, v30;
	v21 =	vadd.f32 v55, v21;
	v24 =	vmul.f32 v24, v51  }
0x58a: {  	v13 =	vadd.f32 v58, v13;
	v60 =	vadd.f32 v23, v32;
	v17 =	vld.idx.msk [tilespmem:v53+s3+$0x0], $0xffff;
	v7 =	vmul.f32 v14, v7  }
0x58b: {  	v29 =	vmul.f32 v29, v31;
	v24 =	vsub.f32 v49, v24;
	v14 =	vld [tilespmem:s24+$0x119B0];
	v15 =	vmul.f32 v21, v15  }
0x58c: {  	v25 =	vadd.f32 v25, v26;
	v4 =	vadd.f32 v7, v4;
	v59 =	vld.idx.msk [tilespmem:v54+s3+$0x0], $0xffff  }
0x58d: {  	v57 =	vsub.f32 v20, v29;
	v61 =	vmul.f32 v24, v24;
	v5 =	vadd.f32 v15, v5;
	v15 =	vld.idx.msk [tilespmem:v22+s3+$0x0], $0xffff  }
0x58e: {  	v8 =	vsub.f32 v12, v8;
	v12 =	vld [tilespmem:s24+$0x159E0];
	v62 =	vsel vm9, $0x0, v1;
	v4 =	vmul.f32 v4, v56  }
0x58f: {  	v16 =	vmul.f32 v57, v57;
	v20 =	vadd.f32 v61, v60;
	v6 =	vld.idx.msk [tilespmem:v6+s3+$0x0], $0xffff;
	v5 =	vmul.f32 v5, v10  }
0x590: {  	v8 =	vadd.f32 v62, v8;
	v4 =	vsub.f32 v14, v4;
	v10 =	vmul.f32 v13, v17;
	v13 =	vld [tilespmem:s24+$0x159F0]  }
0x591: {  	v16 =	vadd.f32 v16, v20;
	v14 =	vmul.f32 v25, v18;
	v5 =	vsub.f32 v9, v5;
	v9 =	vld [tilespmem:s24+$0x119E0]  }
0x592: {  	v4 =	vmul.f32 v4, v4;
	v7 =	vmul.f32 v8, v59;
	v8 =	vadd.f32 v10, v15  }
0x593: {  	v10 =	vsub.f32 v47, v14;
	v14 =	vld [tilespmem:s24+$0x119F0];
	v5 =	vmul.f32 v5, v5  }
0x594: {  	v4 =	vadd.f32 v4, v16;
	v6 =	vadd.f32 v7, v6;
	v8 =	vmul.f32 v8, v12  }
0x595: {  	v63 =	vmul.f32 v10, v10  }
0x596: {  	s20 =	sadd.s32 $0x1, s20;
	v4 =	vadd.f32 v5, v4;
	v6 =	vmul.f32 v6, v13;
	v5 =	vsub.f32 v9, v8  }
0x597: {  	p0 =	sne.s32 s20, $0x6  }
.Ltmp6:
0x598: {  	v4 =	vadd.f32 v63, v4;
	v6 =	vsub.f32 v14, v6;
	v5 =	vmul.f32 v5, v5;
	(pc) =	sbr.rel @p0 .LBB2_4-.Ltmp6, $3  }
0x599: {  	_ = 	snop  }
0x59a: {  	v4 =	vadd.f32 v5, v4;
	v5 =	vmul.f32 v6, v6;
	_ =	sdelay $0x1  }
0x59b: {  	v12 =	vadd.f32 v5, v4  }
0x59c: {  	_ = 	snop  }
0x59d: {  	s0 =	rddreg [dreg:$0x9];
	s1 =	simm.s32 $0x13980;
	[tilespmem:$0x13980] =	vst v12  }
0x59e: {  	[hbm4b:s0+s4] =	stream.linear.scatter [tilespmem:s1], [sflag:$0x3], $0x10, $0x38;
	[tilespmem:$0x18300] =	vst v63  }
0x59f: {  	_ =	swait.ge [sflag:s25], $0x10  }
0x5a0: {  	s26 =	rddreg [dreg:$0xb]  }
0x5a1: {  	s28 =	rddreg [dreg:$0xa];
	s1 =	sadd.s32 $0x1, s26  }
0x5a2: {  	p0 =	sne.s32 s1, s28  }
.Ltmp7:
0x5a3: {  	_ = 	snop;
	(pc) =	sbr.rel @p0 .LBB2_1-.Ltmp7, $3  }
0x5a4: {  	_ =	sdelay $0x1  }
0x5a5: {  	[sflag:s25] =	ssyncset.done $0x0  }
0x5a6: {  	[sflag:s25] =	ssyncadd.s32 $0xFFFFFFF0  }
0x5a7: {  	_ =	sfence.sel $0x180000  }
0x5a8: {  	[bflag:$0x0] =	sbarrier.arrive $0xFFFF  }
0x5a9: {  	_ =	strace $0x90000047  }
0x5aa: {  	s0 =	stileid.u32;
	[bflag:$0x2] =	sbarrier.arrive $0xFFFF  }
0x5ab: {  	p0 =	sne.s32 s0, $0x0;
	s0 =	rddreg [dreg:$0x5]  }
0x5ac: {  	s0 =	sadd.s32 @!p0 $0x100000, s0  }
0x5ad: {  	[sflag:s0] =	ssyncadd.tile.s32 @!p0 $0x1;
	_ =	shalt  }
.Lfunc_end2:
_tile_overlayer_lowered:
.L_overlay_start_2:
0x5ae: {  	(tag) =	ssettag $0x2  }
0x5af: {  	s0 =	rddreg [dreg:$0x0];
	s2 =	stileid.u32  }
0x5b0: {  	s1 =	rddreg [dreg:$0x1];
	p0 =	sne.s32 s2, $0x0  }
0x5b1: {  	s3 =	rddreg [dreg:$0x2];
	[bflag:$0x3] =	sbarrier.arrive $0xFFFF;
	s2 =	simm.s32 @!p0 $0x1C03  }
0x5b2: {  	[timem:s3], [sflag:s2] =	dma.local @!p0 [hbm:s0], s1  }
0x5b3: {  	s0 =	simm.s32 @!p0 $0x3  }
0x5b4: {  	_ =	swait.ge @!p0 [sflag:s0], s1  }
0x5b5: {  	s1 =	ssub.s32 @!p0 $0x0, s1;
	[sflag:s0] =	ssyncset.done @!p0 $0x0  }
0x5b6: {  	[sflag:s0] =	ssyncadd.s32 @!p0 s1  }
0x5b7: {  	[bflag:$0x3] =	sbarrier.arrive $0xFFFF  }
0x5b8: {  	_ =	shalt  }

</sc_bundles>
